<compile_context>
chip_gen: v7x
topology: tpu7x:2x2x1
jax: 0.10.2.dev20260603
libtpu: 0.0.44.dev20260713+nightly
codegen_flags: <defaults>
</compile_context>

<pallas_src>
import functools

import jax
import jax.numpy as jnp
from jax import lax
from jax.experimental import pallas as pl
from jax.experimental.pallas import tpu as pltpu
from jax.experimental.pallas import tpu_sc as plsc

N_PATCHES = 32
PATCH = 64
ATT_W = 64
IMG_H = 1024
IMG_W3 = 3 * 1024
ROW_W3 = 3 * PATCH


def _topk_coords_body(scores_ref, flat_ref, att_ref, r_ref, c3_ref):
    scores = scores_ref[...]
    flat = flat_ref[...]
    col = lax.broadcasted_iota(jnp.int32, scores.shape, 1)
    idx_list = []
    val_list = []
    for _ in range(N_PATCHES):
        m = jnp.max(scores, axis=1, keepdims=True)
        is_max = scores == m
        idx = jnp.min(jnp.where(is_max, col, scores.shape[1]), axis=1)
        sel = col == idx[:, None]
        val = jnp.sum(jnp.where(sel, flat, 0.0), axis=1)
        scores = jnp.where(sel, -jnp.inf, scores)
        idx_list.append(idx)
        val_list.append(val)
    idxs = jnp.stack(idx_list, axis=1)
    att_ref[...] = jnp.stack(val_list, axis=1)

    rows = idxs // ATT_W
    cols = idxs % ATT_W
    def to_tl(s):
        c_high = s.astype(jnp.float32) / 63.0 * 255.0 * 4.0
        tl = jnp.round(c_high - float(PATCH) / 2.0).astype(jnp.int32)
        return jnp.clip(tl, 0, IMG_H - PATCH)

    r_ref[...] = to_tl(rows)
    c3_ref[...] = to_tl(cols) * 3


def _topk_coords(scores, flat):
    B = scores.shape[0]
    return pl.pallas_call(
        _topk_coords_body,
        out_shape=[
            jax.ShapeDtypeStruct((B, N_PATCHES), jnp.float32),
            jax.ShapeDtypeStruct((B, N_PATCHES), jnp.int32),
            jax.ShapeDtypeStruct((B, N_PATCHES), jnp.int32),
        ],
    )(scores, flat)


def _make_gather(B):
    n_workers = 32
    pairs = B * N_PATCHES
    per_w = pairs // n_workers
    mesh = plsc.VectorSubcoreMesh(core_axis_name="c", subcore_axis_name="s")

    W_AL = ROW_W3 + 8
    CS_MAX = IMG_W3 - W_AL

    @functools.partial(
        pl.kernel,
        out_type=jax.ShapeDtypeStruct((B, N_PATCHES, PATCH, ROW_W3), jnp.float32),
        mesh=mesh,
        compiler_params=pltpu.CompilerParams(use_tc_tiling_on_sc=False),
        scratch_types=[
            pltpu.VMEM((16,), jnp.int32),
            pltpu.VMEM((16,), jnp.int32),
            pltpu.VMEM((2, PATCH, W_AL), jnp.float32),
            pltpu.VMEM((2, PATCH, ROW_W3), jnp.float32),
            pltpu.SemaphoreType.DMA((2,)),
            pltpu.SemaphoreType.DMA((2,)),
        ],
    )
    def gather(xh_hbm, r_hbm, c3_hbm, out_hbm, r_v, c3_v, buf, outb, in_sem, out_sem):
        wid = lax.axis_index("s") * 2 + lax.axis_index("c")
        b = wid // (N_PATCHES // per_w)
        n0 = (wid % (N_PATCHES // per_w)) * per_w
        pltpu.sync_copy(r_hbm.at[b, pl.ds(n0, per_w)], r_v.at[pl.ds(0, per_w)])
        pltpu.sync_copy(c3_hbm.at[b, pl.ds(n0, per_w)], c3_v.at[pl.ds(0, per_w)])
        r_vec = r_v[...]
        c3_vec = c3_v[...]

        def dma_in(j, slot):
            r = r_vec[j]
            c3 = c3_vec[j]
            cs = jnp.minimum((c3 // 8) * 8, CS_MAX)
            return pltpu.make_async_copy(
                xh_hbm.at[b, pl.ds(r, PATCH), pl.ds(cs, W_AL)],
                buf.at[slot],
                in_sem.at[slot],
            )

        def dma_out(j, slot):
            return pltpu.make_async_copy(
                outb.at[slot],
                out_hbm.at[b, n0 + j],
                out_sem.at[slot],
            )

        dma_in(0, 0).start()
        for j in range(per_w):
            slot = j % 2
            c3 = c3_vec[j]
            off = c3 - jnp.minimum((c3 // 8) * 8, CS_MAX)
            dma_in(j, slot).wait()
            if j + 1 < per_w:
                dma_in(j + 1, 1 - slot).start()
            if j >= 2:
                dma_out(j - 2, slot).wait()

            def shift_row(i, off):
                for m in range(ROW_W3 // 16):
                    outb[slot, i, pl.ds(16 * m, 16)] = buf[slot, i, pl.ds(off + 16 * m, 16)]
                return off

            lax.fori_loop(0, PATCH, shift_row, off)
            dma_out(j, slot).start()
        dma_out(per_w - 2, 0 if per_w % 2 == 0 else 1).wait()
        dma_out(per_w - 1, 1 if per_w % 2 == 0 else 0).wait()

    return gather


def kernel(x_low, x_high, attention):
    B = attention.shape[0]
    flat = attention.reshape(B, -1)
    logits = jnp.log(flat)
    key = jax.random.key(42)
    u = jax.random.uniform(key, logits.shape, minval=1e-8, maxval=1.0)
    z = -jnp.log(-jnp.log(u))
    scores = logits + z

    att_vals, tl_r, tl_c3 = _topk_coords(scores, flat)

    xh = x_high.reshape(B, IMG_H, IMG_W3)
    patches_flat = _make_gather(B)(xh, tl_r, tl_c3)
    patches = patches_flat.reshape(B, N_PATCHES, PATCH, PATCH, 3)
    return patches, att_vals

# --- scband reference (transcript-rebuilt; emitter-appended) ---
"""Pipeline reference for scband-sample-patches-18013092839745 (READ-ONLY COPY).

The authoritative reference and input builder live on the scoring server;
editing this copy changes nothing except your own understanding.
"""

import jax, jax.numpy as jnp
import numpy as np

N_PATCHES = 32
PATCH_SIZE = (64, 64)
RECEPTIVE_FIELD = 0


def setup_inputs(seed: int = 0):
    key = jax.random.key(seed)
    k1, k2, k3 = jax.random.split(key, 3)
    x_low = jax.random.uniform(k1, (8, 256, 256, 3), dtype=jnp.float32)
    x_high = jax.random.uniform(k2, (8, 1024, 1024, 3), dtype=jnp.float32)
    att = jax.random.uniform(k3, (8, 64, 64), dtype=jnp.float32) + 1e-3
    attention = att / jnp.sum(att, axis=(1, 2), keepdims=True)
    return {"x_low": x_low, "x_high": x_high, "attention": attention}


def _sample_without_replacement(logits, n_samples, key):
    # Gumbel top-k trick == sampling without replacement from softmax(logits)
    z = -jnp.log(-jnp.log(jax.random.uniform(key, logits.shape, minval=1e-8, maxval=1.0)))
    _, indices = jax.lax.top_k(logits + z, n_samples)
    return indices


def reference(x_low, x_high, attention):
    B = attention.shape[0]
    h_att, w_att = attention.shape[1], attention.shape[2]
    sample_space = jnp.array([h_att, w_att], dtype=jnp.float32)

    # --- sample(n_patches, attention, sample_space, replace=False, use_logits=False) ---
    flat = attention.reshape(B, -1)
    logits = jnp.log(flat)
    key = jax.random.key(42)
    indices = _sample_without_replacement(logits, N_PATCHES, key)  # [B, n]
    sampled_attention = jnp.take_along_axis(flat, indices, axis=1)  # [B, n]
    rows = indices // w_att
    cols = indices % w_att
    samples = jnp.stack([rows, cols], axis=-1).astype(jnp.float32)  # [B, n, 2]

    # --- offsets (receptive_field / 2) ---
    offsets = jnp.zeros_like(samples) + RECEPTIVE_FIELD / 2.0

    # --- FromTensors([x_low, x_high]).patches(...) : map sample-space coords to
    #     high-res pixel coords and extract patch_size patches from x_high ---
    low_dims = jnp.array([x_low.shape[1], x_low.shape[2]], dtype=jnp.float32)
    high_dims = jnp.array([x_high.shape[1], x_high.shape[2]], dtype=jnp.float32)
    prev_patch = low_dims - float(RECEPTIVE_FIELD)  # K.shape(x_low)[1:-1] - receptive_field
    scale = high_dims / low_dims
    patch_f = jnp.array(PATCH_SIZE, dtype=jnp.float32)

    centers_low = samples / (sample_space - 1.0) * (prev_patch - 1.0) + offsets
    centers_high = centers_low * scale
    top_left = jnp.round(centers_high - patch_f / 2.0).astype(jnp.int32)
    max_tl = jnp.array([x_high.shape[1] - PATCH_SIZE[0], x_high.shape[2] - PATCH_SIZE[1]], dtype=jnp.int32)
    top_left = jnp.clip(top_left, 0, max_tl)

    C = x_high.shape[-1]

    def extract_one(img, tl):
        return jax.lax.dynamic_slice(img, (tl[0], tl[1], jnp.zeros((), tl.dtype)), (PATCH_SIZE[0], PATCH_SIZE[1], C))

    def per_image(img, tls):
        return jax.vmap(lambda tl: extract_one(img, tl))(tls)

    patches = jax.vmap(per_image)(x_high, top_left)  # [B, n, ph, pw, C]
    return patches, sampled_attention

if __name__ == "__main__":
    import jax
    _d = setup_inputs()
    print(jax.jit(kernel)(*tuple(_d.values())))

</pallas_src>

<mosaic_0001>
#map = affine_map<(d0, d1) -> (0, 0, 0)>
#map1 = affine_map<(d0, d1) -> (0, 0)>
#map2 = affine_map<(d0, d1) -> (0, 0, 0, 0)>
module attributes {stable_mosaic.version = 14 : i64} {
  func.func @gather(%arg0: i32, %arg1: i32, %arg2: memref<8x1024x3072xf32, #tpu.memory_space<hbm>>, %arg3: memref<8x32xi32, #tpu.memory_space<hbm>>, %arg4: memref<8x32xi32, #tpu.memory_space<hbm>>, %arg5: memref<8x32x64x192xf32, #tpu.memory_space<hbm>>, %arg6: memref<16xi32, #tpu.memory_space<vmem>>, %arg7: memref<16xi32, #tpu.memory_space<vmem>>, %arg8: memref<2x64x200xf32, #tpu.memory_space<vmem>>, %arg9: memref<2x64x192xf32, #tpu.memory_space<vmem>>, %arg10: memref<2x!tpu.dma_semaphore, #tpu.memory_space<semaphore_mem>>, %arg11: memref<2x!tpu.dma_semaphore, #tpu.memory_space<semaphore_mem>>) attributes {dimension_semantics = [#tpu.dimension_semantics<core_parallel>, #tpu.dimension_semantics<subcore_parallel>], iteration_bounds = array<i64: 2, 16>, scalar_prefetch = 0 : i64, scratch_operands = 6 : i64, tpu.core_type = #tpu.core_type<sc_vector_subcore>, window_params = [{transform_indices = #map}, {transform_indices = #map1}, {transform_indices = #map1}, {transform_indices = #map2}]} {
    %mul3A = arith.constant 2 : i32
    %mul3A_0 = arith.muli %arg1, %mul3A : i32
    %add3A = arith.addi %mul3A_0, %arg0 : i32
    %jit3A = arith.constant 4 : i32
    %div3A = arith.divsi %add3A, %jit3A : i32
    %sign3A = arith.constant 0 : i32
    %sign3A_1 = arith.cmpi sgt, %add3A, %sign3A : i32
    %sign3A_2 = arith.extui %sign3A_1 : i1 to i32
    %sign3A_3 = arith.constant 0 : i32
    %sign3A_4 = arith.cmpi slt, %add3A, %sign3A_3 : i32
    %sign3A_5 = arith.extui %sign3A_4 : i1 to i32
    %sign3A_6 = arith.subi %sign3A_2, %sign3A_5 : i32
    %sign3A_7 = arith.constant 0 : i32
    %sign3A_8 = arith.cmpi sgt, %jit3A, %sign3A_7 : i32
    %sign3A_9 = arith.extui %sign3A_8 : i1 to i32
    %sign3A_10 = arith.constant 0 : i32
    %sign3A_11 = arith.cmpi slt, %jit3A, %sign3A_10 : i32
    %sign3A_12 = arith.extui %sign3A_11 : i1 to i32
    %sign3A_13 = arith.subi %sign3A_9, %sign3A_12 : i32
    %ne3A = arith.cmpi ne, %sign3A_6, %sign3A_13 : i32
    %rem3A = arith.remsi %add3A, %jit3A : i32
    %ne3A_14 = arith.constant 0 : i32
    %ne3A_15 = arith.cmpi ne, %rem3A, %ne3A_14 : i32
    %and3A = arith.andi %ne3A, %ne3A_15 : i1
    %sub3A = arith.constant 1 : i32
    %sub3A_16 = arith.subi %div3A, %sub3A : i32
    %select_n3A = arith.select %and3A, %sub3A_16, %div3A : i32
    %jit3A_17 = arith.constant 4 : i32
    %eq3A = arith.constant 0 : i32
    %eq3A_18 = arith.cmpi eq, %jit3A_17, %eq3A : i32
    %jit3A_19 = arith.constant 1 : i32
    %select_n3A_20 = arith.select %eq3A_18, %jit3A_19, %jit3A_17 : i32
    %rem3A_21 = arith.remsi %add3A, %select_n3A_20 : i32
    %ne3A_22 = arith.constant 0 : i32
    %ne3A_23 = arith.cmpi ne, %rem3A_21, %ne3A_22 : i32
    %lt3A = arith.constant 0 : i32
    %lt3A_24 = arith.cmpi slt, %rem3A_21, %lt3A : i32
    %lt3A_25 = arith.constant 0 : i32
    %lt3A_26 = arith.cmpi slt, %select_n3A_20, %lt3A_25 : i32
    %ne3A_27 = arith.xori %lt3A_24, %lt3A_26 : i1
    %and3A_28 = arith.andi %ne3A_27, %ne3A_23 : i1
    %add3A_29 = arith.addi %rem3A_21, %select_n3A_20 : i32
    %select_n3A_30 = arith.select %and3A_28, %add3A_29, %rem3A_21 : i32
    %mul3A_31 = arith.constant 8 : i32
    %mul3A_32 = arith.muli %select_n3A_30, %mul3A_31 : i32
    "tpu.region"() ({
      %run_scoped3A = tpu.sem_alloc : memref<!tpu.dma_semaphore, #tpu.memory_space<semaphore_mem>>
      %dma_start3A_1440 = arith.constant 0 : i32
      %dma_start3A_1441 = tpu.memref_slice %arg6[%dma_start3A_1440] : memref<16xi32, #tpu.memory_space<vmem>> -> memref<8xi32, #tpu.memory_space<vmem>>
      %dma_start3A_1442 = tpu.memref_slice %arg3[%select_n3A, %mul3A_32] : memref<8x32xi32, #tpu.memory_space<hbm>> -> memref<1x8xi32, #tpu.memory_space<hbm>>
      %dma_start3A_1443 = tpu.memref_squeeze %dma_start3A_1442 : memref<1x8xi32, #tpu.memory_space<hbm>> -> memref<8xi32, #tpu.memory_space<hbm>>
      %dma_start3A_1444 = arith.constant 0 : i32
      %dma_start3A_1445 = tpu.memref_slice %arg6[%dma_start3A_1444] : memref<16xi32, #tpu.memory_space<vmem>> -> memref<8xi32, #tpu.memory_space<vmem>>
      %dma_start3A_1446 = tpu.memref_slice %arg3[%select_n3A, %mul3A_32] : memref<8x32xi32, #tpu.memory_space<hbm>> -> memref<1x8xi32, #tpu.memory_space<hbm>>
      %dma_start3A_1447 = tpu.memref_squeeze %dma_start3A_1446 : memref<1x8xi32, #tpu.memory_space<hbm>> -> memref<8xi32, #tpu.memory_space<hbm>>
      tpu.enqueue_dma source(%dma_start3A_1447 : memref<8xi32, #tpu.memory_space<hbm>>) target(%dma_start3A_1445 : memref<8xi32, #tpu.memory_space<vmem>>) target_semaphore(%run_scoped3A : memref<!tpu.dma_semaphore, #tpu.memory_space<semaphore_mem>>)
      %dma_wait3A_1448 = arith.constant 0 : i32
      %dma_wait3A_1449 = tpu.memref_slice %arg6[%dma_wait3A_1448] : memref<16xi32, #tpu.memory_space<vmem>> -> memref<8xi32, #tpu.memory_space<vmem>>
      %dma_wait3A_1450 = tpu.memref_slice %arg3[%select_n3A, %mul3A_32] : memref<8x32xi32, #tpu.memory_space<hbm>> -> memref<1x8xi32, #tpu.memory_space<hbm>>
      %dma_wait3A_1451 = tpu.memref_squeeze %dma_wait3A_1450 : memref<1x8xi32, #tpu.memory_space<hbm>> -> memref<8xi32, #tpu.memory_space<hbm>>
      %dma_wait3A_1452 = arith.constant 0 : i32
      %dma_wait3A_1453 = tpu.memref_slice %arg6[%dma_wait3A_1452] : memref<16xi32, #tpu.memory_space<vmem>> -> memref<8xi32, #tpu.memory_space<vmem>>
      %dma_wait3A_1454 = tpu.memref_slice %arg3[%select_n3A, %mul3A_32] : memref<8x32xi32, #tpu.memory_space<hbm>> -> memref<1x8xi32, #tpu.memory_space<hbm>>
      %dma_wait3A_1455 = tpu.memref_squeeze %dma_wait3A_1454 : memref<1x8xi32, #tpu.memory_space<hbm>> -> memref<8xi32, #tpu.memory_space<hbm>>
      tpu.wait_dma2 semaphore(%run_scoped3A : memref<!tpu.dma_semaphore, #tpu.memory_space<semaphore_mem>>) src(%dma_wait3A_1455 : memref<8xi32, #tpu.memory_space<hbm>>) dst(%dma_wait3A_1453 : memref<8xi32, #tpu.memory_space<vmem>>)
      tpu.yield
    }) : () -> ()
    "tpu.region"() ({
      %run_scoped3A = tpu.sem_alloc : memref<!tpu.dma_semaphore, #tpu.memory_space<semaphore_mem>>
      %dma_start3A_1440 = arith.constant 0 : i32
      %dma_start3A_1441 = tpu.memref_slice %arg7[%dma_start3A_1440] : memref<16xi32, #tpu.memory_space<vmem>> -> memref<8xi32, #tpu.memory_space<vmem>>
      %dma_start3A_1442 = tpu.memref_slice %arg4[%select_n3A, %mul3A_32] : memref<8x32xi32, #tpu.memory_space<hbm>> -> memref<1x8xi32, #tpu.memory_space<hbm>>
      %dma_start3A_1443 = tpu.memref_squeeze %dma_start3A_1442 : memref<1x8xi32, #tpu.memory_space<hbm>> -> memref<8xi32, #tpu.memory_space<hbm>>
      %dma_start3A_1444 = arith.constant 0 : i32
      %dma_start3A_1445 = tpu.memref_slice %arg7[%dma_start3A_1444] : memref<16xi32, #tpu.memory_space<vmem>> -> memref<8xi32, #tpu.memory_space<vmem>>
      %dma_start3A_1446 = tpu.memref_slice %arg4[%select_n3A, %mul3A_32] : memref<8x32xi32, #tpu.memory_space<hbm>> -> memref<1x8xi32, #tpu.memory_space<hbm>>
      %dma_start3A_1447 = tpu.memref_squeeze %dma_start3A_1446 : memref<1x8xi32, #tpu.memory_space<hbm>> -> memref<8xi32, #tpu.memory_space<hbm>>
      tpu.enqueue_dma source(%dma_start3A_1447 : memref<8xi32, #tpu.memory_space<hbm>>) target(%dma_start3A_1445 : memref<8xi32, #tpu.memory_space<vmem>>) target_semaphore(%run_scoped3A : memref<!tpu.dma_semaphore, #tpu.memory_space<semaphore_mem>>)
      %dma_wait3A_1448 = arith.constant 0 : i32
      %dma_wait3A_1449 = tpu.memref_slice %arg7[%dma_wait3A_1448] : memref<16xi32, #tpu.memory_space<vmem>> -> memref<8xi32, #tpu.memory_space<vmem>>
      %dma_wait3A_1450 = tpu.memref_slice %arg4[%select_n3A, %mul3A_32] : memref<8x32xi32, #tpu.memory_space<hbm>> -> memref<1x8xi32, #tpu.memory_space<hbm>>
      %dma_wait3A_1451 = tpu.memref_squeeze %dma_wait3A_1450 : memref<1x8xi32, #tpu.memory_space<hbm>> -> memref<8xi32, #tpu.memory_space<hbm>>
      %dma_wait3A_1452 = arith.constant 0 : i32
      %dma_wait3A_1453 = tpu.memref_slice %arg7[%dma_wait3A_1452] : memref<16xi32, #tpu.memory_space<vmem>> -> memref<8xi32, #tpu.memory_space<vmem>>
      %dma_wait3A_1454 = tpu.memref_slice %arg4[%select_n3A, %mul3A_32] : memref<8x32xi32, #tpu.memory_space<hbm>> -> memref<1x8xi32, #tpu.memory_space<hbm>>
      %dma_wait3A_1455 = tpu.memref_squeeze %dma_wait3A_1454 : memref<1x8xi32, #tpu.memory_space<hbm>> -> memref<8xi32, #tpu.memory_space<hbm>>
      tpu.wait_dma2 semaphore(%run_scoped3A : memref<!tpu.dma_semaphore, #tpu.memory_space<semaphore_mem>>) src(%dma_wait3A_1455 : memref<8xi32, #tpu.memory_space<hbm>>) dst(%dma_wait3A_1453 : memref<8xi32, #tpu.memory_space<vmem>>)
      tpu.yield
    }) : () -> ()
    %get3A = arith.constant 0 : index
    %get3A_33 = tpu.vector_load %arg6[%get3A] {strides = array<i32>} : memref<16xi32, #tpu.memory_space<vmem>>, vector<16xi32>,
    %get3A_34 = vector.shape_cast %get3A_33 : vector<16xi32> to vector<16xi32>
    %get3A_35 = arith.constant 0 : index
    %get3A_36 = tpu.vector_load %arg7[%get3A_35] {strides = array<i32>} : memref<16xi32, #tpu.memory_space<vmem>>, vector<16xi32>,
    %get3A_37 = vector.shape_cast %get3A_36 : vector<16xi32> to vector<16xi32>
    %slice3A = vector.extract_strided_slice %get3A_34 {offsets = [0], sizes = [1], strides = [1]} : vector<16xi32> to vector<1xi32>
    %squeeze3A = vector.extract %slice3A[0] : i32 from vector<1xi32>
    %slice3A_38 = vector.extract_strided_slice %get3A_37 {offsets = [0], sizes = [1], strides = [1]} : vector<16xi32> to vector<1xi32>
    %squeeze3A_39 = vector.extract %slice3A_38[0] : i32 from vector<1xi32>
    %jit3A_40 = arith.constant 8 : i32
    %div3A_41 = arith.divsi %squeeze3A_39, %jit3A_40 : i32
    %sign3A_42 = arith.constant 0 : i32
    %sign3A_43 = arith.cmpi sgt, %squeeze3A_39, %sign3A_42 : i32
    %sign3A_44 = arith.extui %sign3A_43 : i1 to i32
    %sign3A_45 = arith.constant 0 : i32
    %sign3A_46 = arith.cmpi slt, %squeeze3A_39, %sign3A_45 : i32
    %sign3A_47 = arith.extui %sign3A_46 : i1 to i32
    %sign3A_48 = arith.subi %sign3A_44, %sign3A_47 : i32
    %sign3A_49 = arith.constant 0 : i32
    %sign3A_50 = arith.cmpi sgt, %jit3A_40, %sign3A_49 : i32
    %sign3A_51 = arith.extui %sign3A_50 : i1 to i32
    %sign3A_52 = arith.constant 0 : i32
    %sign3A_53 = arith.cmpi slt, %jit3A_40, %sign3A_52 : i32
    %sign3A_54 = arith.extui %sign3A_53 : i1 to i32
    %sign3A_55 = arith.subi %sign3A_51, %sign3A_54 : i32
    %ne3A_56 = arith.cmpi ne, %sign3A_48, %sign3A_55 : i32
    %rem3A_57 = arith.remsi %squeeze3A_39, %jit3A_40 : i32
    %ne3A_58 = arith.constant 0 : i32
    %ne3A_59 = arith.cmpi ne, %rem3A_57, %ne3A_58 : i32
    %and3A_60 = arith.andi %ne3A_56, %ne3A_59 : i1
    %sub3A_61 = arith.constant 1 : i32
    %sub3A_62 = arith.subi %div3A_41, %sub3A_61 : i32
    %select_n3A_63 = arith.select %and3A_60, %sub3A_62, %div3A_41 : i32
    %mul3A_64 = arith.constant 8 : i32
    %mul3A_65 = arith.muli %select_n3A_63, %mul3A_64 : i32
    %min3A = arith.constant 2872 : i32
    %min3A_66 = arith.minsi %mul3A_65, %min3A : i32
    %dma_start3A = arith.constant 0 : i32
    %dma_start3A_67 = arith.constant 0 : i32
    %dma_start3A_68 = arith.constant 0 : i32
    %dma_start3A_69 = arith.constant 0 : i32
    %dma_start3A_70 = tpu.memref_slice %arg8[%dma_start3A, %dma_start3A_68, %dma_start3A_69] : memref<2x64x200xf32, #tpu.memory_space<vmem>> -> memref<1x64x200xf32, #tpu.memory_space<vmem>>
    %dma_start3A_71 = tpu.memref_squeeze %dma_start3A_70 : memref<1x64x200xf32, #tpu.memory_space<vmem>> -> memref<64x200xf32, #tpu.memory_space<vmem>>
    %dma_start3A_72 = tpu.memref_slice %arg2[%select_n3A, %squeeze3A, %min3A_66] : memref<8x1024x3072xf32, #tpu.memory_space<hbm>> -> memref<1x64x200xf32, #tpu.memory_space<hbm>>
    %dma_start3A_73 = tpu.memref_squeeze %dma_start3A_72 : memref<1x64x200xf32, #tpu.memory_space<hbm>> -> memref<64x200xf32, #tpu.memory_space<hbm>>
    %dma_start3A_74 = tpu.memref_slice %arg10[%dma_start3A_67] : memref<2x!tpu.dma_semaphore, #tpu.memory_space<semaphore_mem>> -> memref<1x!tpu.dma_semaphore, #tpu.memory_space<semaphore_mem>>
    %dma_start3A_75 = tpu.memref_squeeze %dma_start3A_74 : memref<1x!tpu.dma_semaphore, #tpu.memory_space<semaphore_mem>> -> memref<!tpu.dma_semaphore, #tpu.memory_space<semaphore_mem>>
    %dma_start3A_76 = arith.constant 0 : i32
    %dma_start3A_77 = arith.constant 0 : i32
    %dma_start3A_78 = tpu.memref_slice %arg8[%dma_start3A, %dma_start3A_76, %dma_start3A_77] : memref<2x64x200xf32, #tpu.memory_space<vmem>> -> memref<1x64x200xf32, #tpu.memory_space<vmem>>
    %dma_start3A_79 = tpu.memref_squeeze %dma_start3A_78 : memref<1x64x200xf32, #tpu.memory_space<vmem>> -> memref<64x200xf32, #tpu.memory_space<vmem>>
    %dma_start3A_80 = tpu.memref_slice %arg2[%select_n3A, %squeeze3A, %min3A_66] : memref<8x1024x3072xf32, #tpu.memory_space<hbm>> -> memref<1x64x200xf32, #tpu.memory_space<hbm>>
    %dma_start3A_81 = tpu.memref_squeeze %dma_start3A_80 : memref<1x64x200xf32, #tpu.memory_space<hbm>> -> memref<64x200xf32, #tpu.memory_space<hbm>>
    tpu.enqueue_dma source(%dma_start3A_81 : memref<64x200xf32, #tpu.memory_space<hbm>>) target(%dma_start3A_79 : memref<64x200xf32, #tpu.memory_space<vmem>>) target_semaphore(%dma_start3A_75 : memref<!tpu.dma_semaphore, #tpu.memory_space<semaphore_mem>>)
    %slice3A_82 = vector.extract_strided_slice %get3A_37 {offsets = [0], sizes = [1], strides = [1]} : vector<16xi32> to vector<1xi32>
    %squeeze3A_83 = vector.extract %slice3A_82[0] : i32 from vector<1xi32>
    %jit3A_84 = arith.constant 8 : i32
    %div3A_85 = arith.divsi %squeeze3A_83, %jit3A_84 : i32
    %sign3A_86 = arith.constant 0 : i32
    %sign3A_87 = arith.cmpi sgt, %squeeze3A_83, %sign3A_86 : i32
    %sign3A_88 = arith.extui %sign3A_87 : i1 to i32
    %sign3A_89 = arith.constant 0 : i32
    %sign3A_90 = arith.cmpi slt, %squeeze3A_83, %sign3A_89 : i32
    %sign3A_91 = arith.extui %sign3A_90 : i1 to i32
    %sign3A_92 = arith.subi %sign3A_88, %sign3A_91 : i32
    %sign3A_93 = arith.constant 0 : i32
    %sign3A_94 = arith.cmpi sgt, %jit3A_84, %sign3A_93 : i32
    %sign3A_95 = arith.extui %sign3A_94 : i1 to i32
    %sign3A_96 = arith.constant 0 : i32
    %sign3A_97 = arith.cmpi slt, %jit3A_84, %sign3A_96 : i32
    %sign3A_98 = arith.extui %sign3A_97 : i1 to i32
    %sign3A_99 = arith.subi %sign3A_95, %sign3A_98 : i32
    %ne3A_100 = arith.cmpi ne, %sign3A_92, %sign3A_99 : i32
    %rem3A_101 = arith.remsi %squeeze3A_83, %jit3A_84 : i32
    %ne3A_102 = arith.constant 0 : i32
    %ne3A_103 = arith.cmpi ne, %rem3A_101, %ne3A_102 : i32
    %and3A_104 = arith.andi %ne3A_100, %ne3A_103 : i1
    %sub3A_105 = arith.constant 1 : i32
    %sub3A_106 = arith.subi %div3A_85, %sub3A_105 : i32
    %select_n3A_107 = arith.select %and3A_104, %sub3A_106, %div3A_85 : i32
    %mul3A_108 = arith.constant 8 : i32
    %mul3A_109 = arith.muli %select_n3A_107, %mul3A_108 : i32
    %min3A_110 = arith.constant 2872 : i32
    %min3A_111 = arith.minsi %mul3A_109, %min3A_110 : i32
    %sub3A_112 = arith.subi %squeeze3A_83, %min3A_111 : i32
    %slice3A_113 = vector.extract_strided_slice %get3A_34 {offsets = [0], sizes = [1], strides = [1]} : vector<16xi32> to vector<1xi32>
    %squeeze3A_114 = vector.extract %slice3A_113[0] : i32 from vector<1xi32>
    %slice3A_115 = vector.extract_strided_slice %get3A_37 {offsets = [0], sizes = [1], strides = [1]} : vector<16xi32> to vector<1xi32>
    %squeeze3A_116 = vector.extract %slice3A_115[0] : i32 from vector<1xi32>
    %jit3A_117 = arith.constant 8 : i32
    %div3A_118 = arith.divsi %squeeze3A_116, %jit3A_117 : i32
    %sign3A_119 = arith.constant 0 : i32
    %sign3A_120 = arith.cmpi sgt, %squeeze3A_116, %sign3A_119 : i32
    %sign3A_121 = arith.extui %sign3A_120 : i1 to i32
    %sign3A_122 = arith.constant 0 : i32
    %sign3A_123 = arith.cmpi slt, %squeeze3A_116, %sign3A_122 : i32
    %sign3A_124 = arith.extui %sign3A_123 : i1 to i32
    %sign3A_125 = arith.subi %sign3A_121, %sign3A_124 : i32
    %sign3A_126 = arith.constant 0 : i32
    %sign3A_127 = arith.cmpi sgt, %jit3A_117, %sign3A_126 : i32
    %sign3A_128 = arith.extui %sign3A_127 : i1 to i32
    %sign3A_129 = arith.constant 0 : i32
    %sign3A_130 = arith.cmpi slt, %jit3A_117, %sign3A_129 : i32
    %sign3A_131 = arith.extui %sign3A_130 : i1 to i32
    %sign3A_132 = arith.subi %sign3A_128, %sign3A_131 : i32
    %ne3A_133 = arith.cmpi ne, %sign3A_125, %sign3A_132 : i32
    %rem3A_134 = arith.remsi %squeeze3A_116, %jit3A_117 : i32
    %ne3A_135 = arith.constant 0 : i32
    %ne3A_136 = arith.cmpi ne, %rem3A_134, %ne3A_135 : i32
    %and3A_137 = arith.andi %ne3A_133, %ne3A_136 : i1
    %sub3A_138 = arith.constant 1 : i32
    %sub3A_139 = arith.subi %div3A_118, %sub3A_138 : i32
    %select_n3A_140 = arith.select %and3A_137, %sub3A_139, %div3A_118 : i32
    %mul3A_141 = arith.constant 8 : i32
    %mul3A_142 = arith.muli %select_n3A_140, %mul3A_141 : i32
    %min3A_143 = arith.constant 2872 : i32
    %min3A_144 = arith.minsi %mul3A_142, %min3A_143 : i32
    %dma_wait3A = arith.constant 0 : i32
    %dma_wait3A_145 = arith.constant 0 : i32
    %dma_wait3A_146 = arith.constant 0 : i32
    %dma_wait3A_147 = arith.constant 0 : i32
    %dma_wait3A_148 = tpu.memref_slice %arg8[%dma_wait3A, %dma_wait3A_146, %dma_wait3A_147] : memref<2x64x200xf32, #tpu.memory_space<vmem>> -> memref<1x64x200xf32, #tpu.memory_space<vmem>>
    %dma_wait3A_149 = tpu.memref_squeeze %dma_wait3A_148 : memref<1x64x200xf32, #tpu.memory_space<vmem>> -> memref<64x200xf32, #tpu.memory_space<vmem>>
    %dma_wait3A_150 = tpu.memref_slice %arg2[%select_n3A, %squeeze3A_114, %min3A_144] : memref<8x1024x3072xf32, #tpu.memory_space<hbm>> -> memref<1x64x200xf32, #tpu.memory_space<hbm>>
    %dma_wait3A_151 = tpu.memref_squeeze %dma_wait3A_150 : memref<1x64x200xf32, #tpu.memory_space<hbm>> -> memref<64x200xf32, #tpu.memory_space<hbm>>
    %dma_wait3A_152 = tpu.memref_slice %arg10[%dma_wait3A_145] : memref<2x!tpu.dma_semaphore, #tpu.memory_space<semaphore_mem>> -> memref<1x!tpu.dma_semaphore, #tpu.memory_space<semaphore_mem>>
    %dma_wait3A_153 = tpu.memref_squeeze %dma_wait3A_152 : memref<1x!tpu.dma_semaphore, #tpu.memory_space<semaphore_mem>> -> memref<!tpu.dma_semaphore, #tpu.memory_space<semaphore_mem>>
    %dma_wait3A_154 = arith.constant 0 : i32
    %dma_wait3A_155 = arith.constant 0 : i32
    %dma_wait3A_156 = tpu.memref_slice %arg8[%dma_wait3A, %dma_wait3A_154, %dma_wait3A_155] : memref<2x64x200xf32, #tpu.memory_space<vmem>> -> memref<1x64x200xf32, #tpu.memory_space<vmem>>
    %dma_wait3A_157 = tpu.memref_squeeze %dma_wait3A_156 : memref<1x64x200xf32, #tpu.memory_space<vmem>> -> memref<64x200xf32, #tpu.memory_space<vmem>>
    %dma_wait3A_158 = tpu.memref_slice %arg2[%select_n3A, %squeeze3A_114, %min3A_144] : memref<8x1024x3072xf32, #tpu.memory_space<hbm>> -> memref<1x64x200xf32, #tpu.memory_space<hbm>>
    %dma_wait3A_159 = tpu.memref_squeeze %dma_wait3A_158 : memref<1x64x200xf32, #tpu.memory_space<hbm>> -> memref<64x200xf32, #tpu.memory_space<hbm>>
    tpu.wait_dma2 semaphore(%dma_wait3A_153 : memref<!tpu.dma_semaphore, #tpu.memory_space<semaphore_mem>>) src(%dma_wait3A_159 : memref<64x200xf32, #tpu.memory_space<hbm>>) dst(%dma_wait3A_157 : memref<64x200xf32, #tpu.memory_space<vmem>>)
    %slice3A_160 = vector.extract_strided_slice %get3A_34 {offsets = [1], sizes = [1], strides = [1]} : vector<16xi32> to vector<1xi32>
    %squeeze3A_161 = vector.extract %slice3A_160[0] : i32 from vector<1xi32>
    %slice3A_162 = vector.extract_strided_slice %get3A_37 {offsets = [1], sizes = [1], strides = [1]} : vector<16xi32> to vector<1xi32>
    %squeeze3A_163 = vector.extract %slice3A_162[0] : i32 from vector<1xi32>
    %jit3A_164 = arith.constant 8 : i32
    %div3A_165 = arith.divsi %squeeze3A_163, %jit3A_164 : i32
    %sign3A_166 = arith.constant 0 : i32
    %sign3A_167 = arith.cmpi sgt, %squeeze3A_163, %sign3A_166 : i32
    %sign3A_168 = arith.extui %sign3A_167 : i1 to i32
    %sign3A_169 = arith.constant 0 : i32
    %sign3A_170 = arith.cmpi slt, %squeeze3A_163, %sign3A_169 : i32
    %sign3A_171 = arith.extui %sign3A_170 : i1 to i32
    %sign3A_172 = arith.subi %sign3A_168, %sign3A_171 : i32
    %sign3A_173 = arith.constant 0 : i32
    %sign3A_174 = arith.cmpi sgt, %jit3A_164, %sign3A_173 : i32
    %sign3A_175 = arith.extui %sign3A_174 : i1 to i32
    %sign3A_176 = arith.constant 0 : i32
    %sign3A_177 = arith.cmpi slt, %jit3A_164, %sign3A_176 : i32
    %sign3A_178 = arith.extui %sign3A_177 : i1 to i32
    %sign3A_179 = arith.subi %sign3A_175, %sign3A_178 : i32
    %ne3A_180 = arith.cmpi ne, %sign3A_172, %sign3A_179 : i32
    %rem3A_181 = arith.remsi %squeeze3A_163, %jit3A_164 : i32
    %ne3A_182 = arith.constant 0 : i32
    %ne3A_183 = arith.cmpi ne, %rem3A_181, %ne3A_182 : i32
    %and3A_184 = arith.andi %ne3A_180, %ne3A_183 : i1
    %sub3A_185 = arith.constant 1 : i32
    %sub3A_186 = arith.subi %div3A_165, %sub3A_185 : i32
    %select_n3A_187 = arith.select %and3A_184, %sub3A_186, %div3A_165 : i32
    %mul3A_188 = arith.constant 8 : i32
    %mul3A_189 = arith.muli %select_n3A_187, %mul3A_188 : i32
    %min3A_190 = arith.constant 2872 : i32
    %min3A_191 = arith.minsi %mul3A_189, %min3A_190 : i32
    %dma_start3A_192 = arith.constant 1 : i32
    %dma_start3A_193 = arith.constant 1 : i32
    %dma_start3A_194 = arith.constant 0 : i32
    %dma_start3A_195 = arith.constant 0 : i32
    %dma_start3A_196 = tpu.memref_slice %arg8[%dma_start3A_192, %dma_start3A_194, %dma_start3A_195] : memref<2x64x200xf32, #tpu.memory_space<vmem>> -> memref<1x64x200xf32, #tpu.memory_space<vmem>>
    %dma_start3A_197 = tpu.memref_squeeze %dma_start3A_196 : memref<1x64x200xf32, #tpu.memory_space<vmem>> -> memref<64x200xf32, #tpu.memory_space<vmem>>
    %dma_start3A_198 = tpu.memref_slice %arg2[%select_n3A, %squeeze3A_161, %min3A_191] : memref<8x1024x3072xf32, #tpu.memory_space<hbm>> -> memref<1x64x200xf32, #tpu.memory_space<hbm>>
    %dma_start3A_199 = tpu.memref_squeeze %dma_start3A_198 : memref<1x64x200xf32, #tpu.memory_space<hbm>> -> memref<64x200xf32, #tpu.memory_space<hbm>>
    %dma_start3A_200 = tpu.memref_slice %arg10[%dma_start3A_193] : memref<2x!tpu.dma_semaphore, #tpu.memory_space<semaphore_mem>> -> memref<1x!tpu.dma_semaphore, #tpu.memory_space<semaphore_mem>>
    %dma_start3A_201 = tpu.memref_squeeze %dma_start3A_200 : memref<1x!tpu.dma_semaphore, #tpu.memory_space<semaphore_mem>> -> memref<!tpu.dma_semaphore, #tpu.memory_space<semaphore_mem>>
    %dma_start3A_202 = arith.constant 0 : i32
    %dma_start3A_203 = arith.constant 0 : i32
    %dma_start3A_204 = tpu.memref_slice %arg8[%dma_start3A_192, %dma_start3A_202, %dma_start3A_203] : memref<2x64x200xf32, #tpu.memory_space<vmem>> -> memref<1x64x200xf32, #tpu.memory_space<vmem>>
    %dma_start3A_205 = tpu.memref_squeeze %dma_start3A_204 : memref<1x64x200xf32, #tpu.memory_space<vmem>> -> memref<64x200xf32, #tpu.memory_space<vmem>>
    %dma_start3A_206 = tpu.memref_slice %arg2[%select_n3A, %squeeze3A_161, %min3A_191] : memref<8x1024x3072xf32, #tpu.memory_space<hbm>> -> memref<1x64x200xf32, #tpu.memory_space<hbm>>
    %dma_start3A_207 = tpu.memref_squeeze %dma_start3A_206 : memref<1x64x200xf32, #tpu.memory_space<hbm>> -> memref<64x200xf32, #tpu.memory_space<hbm>>
    tpu.enqueue_dma source(%dma_start3A_207 : memref<64x200xf32, #tpu.memory_space<hbm>>) target(%dma_start3A_205 : memref<64x200xf32, #tpu.memory_space<vmem>>) target_semaphore(%dma_start3A_201 : memref<!tpu.dma_semaphore, #tpu.memory_space<semaphore_mem>>)
    %scan3A = arith.constant 0 : i32
    %scan3A_208 = arith.constant 64 : i32
    %scan3A_209 = arith.addi %scan3A, %scan3A_208 : i32
    %scan3A_210 = arith.constant 1 : i32
    scf.for %scan3A_1440 = %scan3A to %scan3A_209 step %scan3A_210  : i32 {
      %add3A_1441 = arith.constant 0 : i32
      %add3A_1442 = arith.addi %sub3A_112, %add3A_1441 : i32
      %get3A_1443 = arith.constant 0 : i32
      %get3A_1444 = arith.index_cast %get3A_1443 : i32 to index
      %get3A_1445 = arith.index_cast %scan3A_1440 : i32 to index
      %get3A_1446 = arith.index_cast %add3A_1442 : i32 to index
      %get3A_1447 = tpu.vector_load %arg8[%get3A_1444, %get3A_1445, %get3A_1446] {strides = array<i32>} : memref<2x64x200xf32, #tpu.memory_space<vmem>>, vector<1x1x16xf32>,
      %get3A_1448 = vector.shape_cast %get3A_1447 : vector<1x1x16xf32> to vector<16xf32>
      %swap3A = arith.constant 0 : i32
      %swap3A_1449 = arith.index_cast %swap3A : i32 to index
      %swap3A_1450 = arith.index_cast %scan3A_1440 : i32 to index
      %swap3A_1451 = arith.constant 0 : index
      %swap3A_1452 = tpu.vector_load %arg9[%swap3A_1449, %swap3A_1450, %swap3A_1451] {strides = array<i32>} : memref<2x64x192xf32, #tpu.memory_space<vmem>>, vector<1x1x16xf32>,
      %swap3A_1453 = vector.shape_cast %swap3A_1452 : vector<1x1x16xf32> to vector<16xf32>
      %swap3A_1454 = vector.shape_cast %get3A_1448 : vector<16xf32> to vector<1x1x16xf32>
      tpu.vector_store %arg9[%swap3A_1449, %swap3A_1450, %swap3A_1451], %swap3A_1454 {strides = array<i32>} : memref<2x64x192xf32, #tpu.memory_space<vmem>>, vector<1x1x16xf32>,
      %add3A_1455 = arith.constant 16 : i32
      %add3A_1456 = arith.addi %sub3A_112, %add3A_1455 : i32
      %get3A_1457 = arith.constant 0 : i32
      %get3A_1458 = arith.index_cast %get3A_1457 : i32 to index
      %get3A_1459 = arith.index_cast %scan3A_1440 : i32 to index
      %get3A_1460 = arith.index_cast %add3A_1456 : i32 to index
      %get3A_1461 = tpu.vector_load %arg8[%get3A_1458, %get3A_1459, %get3A_1460] {strides = array<i32>} : memref<2x64x200xf32, #tpu.memory_space<vmem>>, vector<1x1x16xf32>,
      %get3A_1462 = vector.shape_cast %get3A_1461 : vector<1x1x16xf32> to vector<16xf32>
      %swap3A_1463 = arith.constant 0 : i32
      %swap3A_1464 = arith.index_cast %swap3A_1463 : i32 to index
      %swap3A_1465 = arith.index_cast %scan3A_1440 : i32 to index
      %swap3A_1466 = arith.constant 16 : index
      %swap3A_1467 = tpu.vector_load %arg9[%swap3A_1464, %swap3A_1465, %swap3A_1466] {strides = array<i32>} : memref<2x64x192xf32, #tpu.memory_space<vmem>>, vector<1x1x16xf32>,
      %swap3A_1468 = vector.shape_cast %swap3A_1467 : vector<1x1x16xf32> to vector<16xf32>
      %swap3A_1469 = vector.shape_cast %get3A_1462 : vector<16xf32> to vector<1x1x16xf32>
      tpu.vector_store %arg9[%swap3A_1464, %swap3A_1465, %swap3A_1466], %swap3A_1469 {strides = array<i32>} : memref<2x64x192xf32, #tpu.memory_space<vmem>>, vector<1x1x16xf32>,
      %add3A_1470 = arith.constant 32 : i32
      %add3A_1471 = arith.addi %sub3A_112, %add3A_1470 : i32
      %get3A_1472 = arith.constant 0 : i32
      %get3A_1473 = arith.index_cast %get3A_1472 : i32 to index
      %get3A_1474 = arith.index_cast %scan3A_1440 : i32 to index
      %get3A_1475 = arith.index_cast %add3A_1471 : i32 to index
      %get3A_1476 = tpu.vector_load %arg8[%get3A_1473, %get3A_1474, %get3A_1475] {strides = array<i32>} : memref<2x64x200xf32, #tpu.memory_space<vmem>>, vector<1x1x16xf32>,
      %get3A_1477 = vector.shape_cast %get3A_1476 : vector<1x1x16xf32> to vector<16xf32>
      %swap3A_1478 = arith.constant 0 : i32
      %swap3A_1479 = arith.index_cast %swap3A_1478 : i32 to index
      %swap3A_1480 = arith.index_cast %scan3A_1440 : i32 to index
      %swap3A_1481 = arith.constant 32 : index
      %swap3A_1482 = tpu.vector_load %arg9[%swap3A_1479, %swap3A_1480, %swap3A_1481] {strides = array<i32>} : memref<2x64x192xf32, #tpu.memory_space<vmem>>, vector<1x1x16xf32>,
      %swap3A_1483 = vector.shape_cast %swap3A_1482 : vector<1x1x16xf32> to vector<16xf32>
      %swap3A_1484 = vector.shape_cast %get3A_1477 : vector<16xf32> to vector<1x1x16xf32>
      tpu.vector_store %arg9[%swap3A_1479, %swap3A_1480, %swap3A_1481], %swap3A_1484 {strides = array<i32>} : memref<2x64x192xf32, #tpu.memory_space<vmem>>, vector<1x1x16xf32>,
      %add3A_1485 = arith.constant 48 : i32
      %add3A_1486 = arith.addi %sub3A_112, %add3A_1485 : i32
      %get3A_1487 = arith.constant 0 : i32
      %get3A_1488 = arith.index_cast %get3A_1487 : i32 to index
      %get3A_1489 = arith.index_cast %scan3A_1440 : i32 to index
      %get3A_1490 = arith.index_cast %add3A_1486 : i32 to index
      %get3A_1491 = tpu.vector_load %arg8[%get3A_1488, %get3A_1489, %get3A_1490] {strides = array<i32>} : memref<2x64x200xf32, #tpu.memory_space<vmem>>, vector<1x1x16xf32>,
      %get3A_1492 = vector.shape_cast %get3A_1491 : vector<1x1x16xf32> to vector<16xf32>
      %swap3A_1493 = arith.constant 0 : i32
      %swap3A_1494 = arith.index_cast %swap3A_1493 : i32 to index
      %swap3A_1495 = arith.index_cast %scan3A_1440 : i32 to index
      %swap3A_1496 = arith.constant 48 : index
      %swap3A_1497 = tpu.vector_load %arg9[%swap3A_1494, %swap3A_1495, %swap3A_1496] {strides = array<i32>} : memref<2x64x192xf32, #tpu.memory_space<vmem>>, vector<1x1x16xf32>,
      %swap3A_1498 = vector.shape_cast %swap3A_1497 : vector<1x1x16xf32> to vector<16xf32>
      %swap3A_1499 = vector.shape_cast %get3A_1492 : vector<16xf32> to vector<1x1x16xf32>
      tpu.vector_store %arg9[%swap3A_1494, %swap3A_1495, %swap3A_1496], %swap3A_1499 {strides = array<i32>} : memref<2x64x192xf32, #tpu.memory_space<vmem>>, vector<1x1x16xf32>,
      %add3A_1500 = arith.constant 64 : i32
      %add3A_1501 = arith.addi %sub3A_112, %add3A_1500 : i32
      %get3A_1502 = arith.constant 0 : i32
      %get3A_1503 = arith.index_cast %get3A_1502 : i32 to index
      %get3A_1504 = arith.index_cast %scan3A_1440 : i32 to index
      %get3A_1505 = arith.index_cast %add3A_1501 : i32 to index
      %get3A_1506 = tpu.vector_load %arg8[%get3A_1503, %get3A_1504, %get3A_1505] {strides = array<i32>} : memref<2x64x200xf32, #tpu.memory_space<vmem>>, vector<1x1x16xf32>,
      %get3A_1507 = vector.shape_cast %get3A_1506 : vector<1x1x16xf32> to vector<16xf32>
      %swap3A_1508 = arith.constant 0 : i32
      %swap3A_1509 = arith.index_cast %swap3A_1508 : i32 to index
      %swap3A_1510 = arith.index_cast %scan3A_1440 : i32 to index
      %swap3A_1511 = arith.constant 64 : index
      %swap3A_1512 = tpu.vector_load %arg9[%swap3A_1509, %swap3A_1510, %swap3A_1511] {strides = array<i32>} : memref<2x64x192xf32, #tpu.memory_space<vmem>>, vector<1x1x16xf32>,
      %swap3A_1513 = vector.shape_cast %swap3A_1512 : vector<1x1x16xf32> to vector<16xf32>
      %swap3A_1514 = vector.shape_cast %get3A_1507 : vector<16xf32> to vector<1x1x16xf32>
      tpu.vector_store %arg9[%swap3A_1509, %swap3A_1510, %swap3A_1511], %swap3A_1514 {strides = array<i32>} : memref<2x64x192xf32, #tpu.memory_space<vmem>>, vector<1x1x16xf32>,
      %add3A_1515 = arith.constant 80 : i32
      %add3A_1516 = arith.addi %sub3A_112, %add3A_1515 : i32
      %get3A_1517 = arith.constant 0 : i32
      %get3A_1518 = arith.index_cast %get3A_1517 : i32 to index
      %get3A_1519 = arith.index_cast %scan3A_1440 : i32 to index
      %get3A_1520 = arith.index_cast %add3A_1516 : i32 to index
      %get3A_1521 = tpu.vector_load %arg8[%get3A_1518, %get3A_1519, %get3A_1520] {strides = array<i32>} : memref<2x64x200xf32, #tpu.memory_space<vmem>>, vector<1x1x16xf32>,
      %get3A_1522 = vector.shape_cast %get3A_1521 : vector<1x1x16xf32> to vector<16xf32>
      %swap3A_1523 = arith.constant 0 : i32
      %swap3A_1524 = arith.index_cast %swap3A_1523 : i32 to index
      %swap3A_1525 = arith.index_cast %scan3A_1440 : i32 to index
      %swap3A_1526 = arith.constant 80 : index
      %swap3A_1527 = tpu.vector_load %arg9[%swap3A_1524, %swap3A_1525, %swap3A_1526] {strides = array<i32>} : memref<2x64x192xf32, #tpu.memory_space<vmem>>, vector<1x1x16xf32>,
      %swap3A_1528 = vector.shape_cast %swap3A_1527 : vector<1x1x16xf32> to vector<16xf32>
      %swap3A_1529 = vector.shape_cast %get3A_1522 : vector<16xf32> to vector<1x1x16xf32>
      tpu.vector_store %arg9[%swap3A_1524, %swap3A_1525, %swap3A_1526], %swap3A_1529 {strides = array<i32>} : memref<2x64x192xf32, #tpu.memory_space<vmem>>, vector<1x1x16xf32>,
      %add3A_1530 = arith.constant 96 : i32
      %add3A_1531 = arith.addi %sub3A_112, %add3A_1530 : i32
      %get3A_1532 = arith.constant 0 : i32
      %get3A_1533 = arith.index_cast %get3A_1532 : i32 to index
      %get3A_1534 = arith.index_cast %scan3A_1440 : i32 to index
      %get3A_1535 = arith.index_cast %add3A_1531 : i32 to index
      %get3A_1536 = tpu.vector_load %arg8[%get3A_1533, %get3A_1534, %get3A_1535] {strides = array<i32>} : memref<2x64x200xf32, #tpu.memory_space<vmem>>, vector<1x1x16xf32>,
      %get3A_1537 = vector.shape_cast %get3A_1536 : vector<1x1x16xf32> to vector<16xf32>
      %swap3A_1538 = arith.constant 0 : i32
      %swap3A_1539 = arith.index_cast %swap3A_1538 : i32 to index
      %swap3A_1540 = arith.index_cast %scan3A_1440 : i32 to index
      %swap3A_1541 = arith.constant 96 : index
      %swap3A_1542 = tpu.vector_load %arg9[%swap3A_1539, %swap3A_1540, %swap3A_1541] {strides = array<i32>} : memref<2x64x192xf32, #tpu.memory_space<vmem>>, vector<1x1x16xf32>,
      %swap3A_1543 = vector.shape_cast %swap3A_1542 : vector<1x1x16xf32> to vector<16xf32>
      %swap3A_1544 = vector.shape_cast %get3A_1537 : vector<16xf32> to vector<1x1x16xf32>
      tpu.vector_store %arg9[%swap3A_1539, %swap3A_1540, %swap3A_1541], %swap3A_1544 {strides = array<i32>} : memref<2x64x192xf32, #tpu.memory_space<vmem>>, vector<1x1x16xf32>,
      %add3A_1545 = arith.constant 112 : i32
      %add3A_1546 = arith.addi %sub3A_112, %add3A_1545 : i32
      %get3A_1547 = arith.constant 0 : i32
      %get3A_1548 = arith.index_cast %get3A_1547 : i32 to index
      %get3A_1549 = arith.index_cast %scan3A_1440 : i32 to index
      %get3A_1550 = arith.index_cast %add3A_1546 : i32 to index
      %get3A_1551 = tpu.vector_load %arg8[%get3A_1548, %get3A_1549, %get3A_1550] {strides = array<i32>} : memref<2x64x200xf32, #tpu.memory_space<vmem>>, vector<1x1x16xf32>,
      %get3A_1552 = vector.shape_cast %get3A_1551 : vector<1x1x16xf32> to vector<16xf32>
      %swap3A_1553 = arith.constant 0 : i32
      %swap3A_1554 = arith.index_cast %swap3A_1553 : i32 to index
      %swap3A_1555 = arith.index_cast %scan3A_1440 : i32 to index
      %swap3A_1556 = arith.constant 112 : index
      %swap3A_1557 = tpu.vector_load %arg9[%swap3A_1554, %swap3A_1555, %swap3A_1556] {strides = array<i32>} : memref<2x64x192xf32, #tpu.memory_space<vmem>>, vector<1x1x16xf32>,
      %swap3A_1558 = vector.shape_cast %swap3A_1557 : vector<1x1x16xf32> to vector<16xf32>
      %swap3A_1559 = vector.shape_cast %get3A_1552 : vector<16xf32> to vector<1x1x16xf32>
      tpu.vector_store %arg9[%swap3A_1554, %swap3A_1555, %swap3A_1556], %swap3A_1559 {strides = array<i32>} : memref<2x64x192xf32, #tpu.memory_space<vmem>>, vector<1x1x16xf32>,
      %add3A_1560 = arith.constant 128 : i32
      %add3A_1561 = arith.addi %sub3A_112, %add3A_1560 : i32
      %get3A_1562 = arith.constant 0 : i32
      %get3A_1563 = arith.index_cast %get3A_1562 : i32 to index
      %get3A_1564 = arith.index_cast %scan3A_1440 : i32 to index
      %get3A_1565 = arith.index_cast %add3A_1561 : i32 to index
      %get3A_1566 = tpu.vector_load %arg8[%get3A_1563, %get3A_1564, %get3A_1565] {strides = array<i32>} : memref<2x64x200xf32, #tpu.memory_space<vmem>>, vector<1x1x16xf32>,
      %get3A_1567 = vector.shape_cast %get3A_1566 : vector<1x1x16xf32> to vector<16xf32>
      %swap3A_1568 = arith.constant 0 : i32
      %swap3A_1569 = arith.index_cast %swap3A_1568 : i32 to index
      %swap3A_1570 = arith.index_cast %scan3A_1440 : i32 to index
      %swap3A_1571 = arith.constant 128 : index
      %swap3A_1572 = tpu.vector_load %arg9[%swap3A_1569, %swap3A_1570, %swap3A_1571] {strides = array<i32>} : memref<2x64x192xf32, #tpu.memory_space<vmem>>, vector<1x1x16xf32>,
      %swap3A_1573 = vector.shape_cast %swap3A_1572 : vector<1x1x16xf32> to vector<16xf32>
      %swap3A_1574 = vector.shape_cast %get3A_1567 : vector<16xf32> to vector<1x1x16xf32>
      tpu.vector_store %arg9[%swap3A_1569, %swap3A_1570, %swap3A_1571], %swap3A_1574 {strides = array<i32>} : memref<2x64x192xf32, #tpu.memory_space<vmem>>, vector<1x1x16xf32>,
      %add3A_1575 = arith.constant 144 : i32
      %add3A_1576 = arith.addi %sub3A_112, %add3A_1575 : i32
      %get3A_1577 = arith.constant 0 : i32
      %get3A_1578 = arith.index_cast %get3A_1577 : i32 to index
      %get3A_1579 = arith.index_cast %scan3A_1440 : i32 to index
      %get3A_1580 = arith.index_cast %add3A_1576 : i32 to index
      %get3A_1581 = tpu.vector_load %arg8[%get3A_1578, %get3A_1579, %get3A_1580] {strides = array<i32>} : memref<2x64x200xf32, #tpu.memory_space<vmem>>, vector<1x1x16xf32>,
      %get3A_1582 = vector.shape_cast %get3A_1581 : vector<1x1x16xf32> to vector<16xf32>
      %swap3A_1583 = arith.constant 0 : i32
      %swap3A_1584 = arith.index_cast %swap3A_1583 : i32 to index
      %swap3A_1585 = arith.index_cast %scan3A_1440 : i32 to index
      %swap3A_1586 = arith.constant 144 : index
      %swap3A_1587 = tpu.vector_load %arg9[%swap3A_1584, %swap3A_1585, %swap3A_1586] {strides = array<i32>} : memref<2x64x192xf32, #tpu.memory_space<vmem>>, vector<1x1x16xf32>,
      %swap3A_1588 = vector.shape_cast %swap3A_1587 : vector<1x1x16xf32> to vector<16xf32>
      %swap3A_1589 = vector.shape_cast %get3A_1582 : vector<16xf32> to vector<1x1x16xf32>
      tpu.vector_store %arg9[%swap3A_1584, %swap3A_1585, %swap3A_1586], %swap3A_1589 {strides = array<i32>} : memref<2x64x192xf32, #tpu.memory_space<vmem>>, vector<1x1x16xf32>,
      %add3A_1590 = arith.constant 160 : i32
      %add3A_1591 = arith.addi %sub3A_112, %add3A_1590 : i32
      %get3A_1592 = arith.constant 0 : i32
      %get3A_1593 = arith.index_cast %get3A_1592 : i32 to index
      %get3A_1594 = arith.index_cast %scan3A_1440 : i32 to index
      %get3A_1595 = arith.index_cast %add3A_1591 : i32 to index
      %get3A_1596 = tpu.vector_load %arg8[%get3A_1593, %get3A_1594, %get3A_1595] {strides = array<i32>} : memref<2x64x200xf32, #tpu.memory_space<vmem>>, vector<1x1x16xf32>,
      %get3A_1597 = vector.shape_cast %get3A_1596 : vector<1x1x16xf32> to vector<16xf32>
      %swap3A_1598 = arith.constant 0 : i32
      %swap3A_1599 = arith.index_cast %swap3A_1598 : i32 to index
      %swap3A_1600 = arith.index_cast %scan3A_1440 : i32 to index
      %swap3A_1601 = arith.constant 160 : index
      %swap3A_1602 = tpu.vector_load %arg9[%swap3A_1599, %swap3A_1600, %swap3A_1601] {strides = array<i32>} : memref<2x64x192xf32, #tpu.memory_space<vmem>>, vector<1x1x16xf32>,
      %swap3A_1603 = vector.shape_cast %swap3A_1602 : vector<1x1x16xf32> to vector<16xf32>
      %swap3A_1604 = vector.shape_cast %get3A_1597 : vector<16xf32> to vector<1x1x16xf32>
      tpu.vector_store %arg9[%swap3A_1599, %swap3A_1600, %swap3A_1601], %swap3A_1604 {strides = array<i32>} : memref<2x64x192xf32, #tpu.memory_space<vmem>>, vector<1x1x16xf32>,
      %add3A_1605 = arith.constant 176 : i32
      %add3A_1606 = arith.addi %sub3A_112, %add3A_1605 : i32
      %get3A_1607 = arith.constant 0 : i32
      %get3A_1608 = arith.index_cast %get3A_1607 : i32 to index
      %get3A_1609 = arith.index_cast %scan3A_1440 : i32 to index
      %get3A_1610 = arith.index_cast %add3A_1606 : i32 to index
      %get3A_1611 = tpu.vector_load %arg8[%get3A_1608, %get3A_1609, %get3A_1610] {strides = array<i32>} : memref<2x64x200xf32, #tpu.memory_space<vmem>>, vector<1x1x16xf32>,
      %get3A_1612 = vector.shape_cast %get3A_1611 : vector<1x1x16xf32> to vector<16xf32>
      %swap3A_1613 = arith.constant 0 : i32
      %swap3A_1614 = arith.index_cast %swap3A_1613 : i32 to index
      %swap3A_1615 = arith.index_cast %scan3A_1440 : i32 to index
      %swap3A_1616 = arith.constant 176 : index
      %swap3A_1617 = tpu.vector_load %arg9[%swap3A_1614, %swap3A_1615, %swap3A_1616] {strides = array<i32>} : memref<2x64x192xf32, #tpu.memory_space<vmem>>, vector<1x1x16xf32>,
      %swap3A_1618 = vector.shape_cast %swap3A_1617 : vector<1x1x16xf32> to vector<16xf32>
      %swap3A_1619 = vector.shape_cast %get3A_1612 : vector<16xf32> to vector<1x1x16xf32>
      tpu.vector_store %arg9[%swap3A_1614, %swap3A_1615, %swap3A_1616], %swap3A_1619 {strides = array<i32>} : memref<2x64x192xf32, #tpu.memory_space<vmem>>, vector<1x1x16xf32>,
    }
    %scan3A_211 = arith.constant 64 : i32
    %add3A_212 = arith.constant 0 : i32
    %add3A_213 = arith.addi %mul3A_32, %add3A_212 : i32
    %dma_start3A_214 = arith.constant 0 : i32
    %dma_start3A_215 = arith.constant 0 : i32
    %dma_start3A_216 = arith.constant 0 : i32
    %dma_start3A_217 = arith.constant 0 : i32
    %dma_start3A_218 = tpu.memref_slice %arg9[%dma_start3A_214, %dma_start3A_216, %dma_start3A_217] : memref<2x64x192xf32, #tpu.memory_space<vmem>> -> memref<1x64x192xf32, #tpu.memory_space<vmem>>
    %dma_start3A_219 = tpu.memref_squeeze %dma_start3A_218 : memref<1x64x192xf32, #tpu.memory_space<vmem>> -> memref<64x192xf32, #tpu.memory_space<vmem>>
    %dma_start3A_220 = arith.constant 0 : i32
    %dma_start3A_221 = arith.constant 0 : i32
    %dma_start3A_222 = tpu.memref_slice %arg5[%select_n3A, %add3A_213, %dma_start3A_220, %dma_start3A_221] : memref<8x32x64x192xf32, #tpu.memory_space<hbm>> -> memref<1x1x64x192xf32, #tpu.memory_space<hbm>>
    %dma_start3A_223 = tpu.memref_squeeze %dma_start3A_222 : memref<1x1x64x192xf32, #tpu.memory_space<hbm>> -> memref<64x192xf32, #tpu.memory_space<hbm>>
    %dma_start3A_224 = tpu.memref_slice %arg11[%dma_start3A_215] : memref<2x!tpu.dma_semaphore, #tpu.memory_space<semaphore_mem>> -> memref<1x!tpu.dma_semaphore, #tpu.memory_space<semaphore_mem>>
    %dma_start3A_225 = tpu.memref_squeeze %dma_start3A_224 : memref<1x!tpu.dma_semaphore, #tpu.memory_space<semaphore_mem>> -> memref<!tpu.dma_semaphore, #tpu.memory_space<semaphore_mem>>
    %dma_start3A_226 = arith.constant 0 : i32
    %dma_start3A_227 = arith.constant 0 : i32
    %dma_start3A_228 = tpu.memref_slice %arg5[%select_n3A, %add3A_213, %dma_start3A_226, %dma_start3A_227] : memref<8x32x64x192xf32, #tpu.memory_space<hbm>> -> memref<1x1x64x192xf32, #tpu.memory_space<hbm>>
    %dma_start3A_229 = tpu.memref_squeeze %dma_start3A_228 : memref<1x1x64x192xf32, #tpu.memory_space<hbm>> -> memref<64x192xf32, #tpu.memory_space<hbm>>
    %dma_start3A_230 = arith.constant 0 : i32
    %dma_start3A_231 = arith.constant 0 : i32
    %dma_start3A_232 = tpu.memref_slice %arg9[%dma_start3A_214, %dma_start3A_230, %dma_start3A_231] : memref<2x64x192xf32, #tpu.memory_space<vmem>> -> memref<1x64x192xf32, #tpu.memory_space<vmem>>
    %dma_start3A_233 = tpu.memref_squeeze %dma_start3A_232 : memref<1x64x192xf32, #tpu.memory_space<vmem>> -> memref<64x192xf32, #tpu.memory_space<vmem>>
    tpu.enqueue_dma source(%dma_start3A_233 : memref<64x192xf32, #tpu.memory_space<vmem>>) target(%dma_start3A_229 : memref<64x192xf32, #tpu.memory_space<hbm>>) target_semaphore(%dma_start3A_225 : memref<!tpu.dma_semaphore, #tpu.memory_space<semaphore_mem>>)
    %slice3A_234 = vector.extract_strided_slice %get3A_37 {offsets = [1], sizes = [1], strides = [1]} : vector<16xi32> to vector<1xi32>
    %squeeze3A_235 = vector.extract %slice3A_234[0] : i32 from vector<1xi32>
    %jit3A_236 = arith.constant 8 : i32
    %div3A_237 = arith.divsi %squeeze3A_235, %jit3A_236 : i32
    %sign3A_238 = arith.constant 0 : i32
    %sign3A_239 = arith.cmpi sgt, %squeeze3A_235, %sign3A_238 : i32
    %sign3A_240 = arith.extui %sign3A_239 : i1 to i32
    %sign3A_241 = arith.constant 0 : i32
    %sign3A_242 = arith.cmpi slt, %squeeze3A_235, %sign3A_241 : i32
    %sign3A_243 = arith.extui %sign3A_242 : i1 to i32
    %sign3A_244 = arith.subi %sign3A_240, %sign3A_243 : i32
    %sign3A_245 = arith.constant 0 : i32
    %sign3A_246 = arith.cmpi sgt, %jit3A_236, %sign3A_245 : i32
    %sign3A_247 = arith.extui %sign3A_246 : i1 to i32
    %sign3A_248 = arith.constant 0 : i32
    %sign3A_249 = arith.cmpi slt, %jit3A_236, %sign3A_248 : i32
    %sign3A_250 = arith.extui %sign3A_249 : i1 to i32
    %sign3A_251 = arith.subi %sign3A_247, %sign3A_250 : i32
    %ne3A_252 = arith.cmpi ne, %sign3A_244, %sign3A_251 : i32
    %rem3A_253 = arith.remsi %squeeze3A_235, %jit3A_236 : i32
    %ne3A_254 = arith.constant 0 : i32
    %ne3A_255 = arith.cmpi ne, %rem3A_253, %ne3A_254 : i32
    %and3A_256 = arith.andi %ne3A_252, %ne3A_255 : i1
    %sub3A_257 = arith.constant 1 : i32
    %sub3A_258 = arith.subi %div3A_237, %sub3A_257 : i32
    %select_n3A_259 = arith.select %and3A_256, %sub3A_258, %div3A_237 : i32
    %mul3A_260 = arith.constant 8 : i32
    %mul3A_261 = arith.muli %select_n3A_259, %mul3A_260 : i32
    %min3A_262 = arith.constant 2872 : i32
    %min3A_263 = arith.minsi %mul3A_261, %min3A_262 : i32
    %sub3A_264 = arith.subi %squeeze3A_235, %min3A_263 : i32
    %slice3A_265 = vector.extract_strided_slice %get3A_34 {offsets = [1], sizes = [1], strides = [1]} : vector<16xi32> to vector<1xi32>
    %squeeze3A_266 = vector.extract %slice3A_265[0] : i32 from vector<1xi32>
    %slice3A_267 = vector.extract_strided_slice %get3A_37 {offsets = [1], sizes = [1], strides = [1]} : vector<16xi32> to vector<1xi32>
    %squeeze3A_268 = vector.extract %slice3A_267[0] : i32 from vector<1xi32>
    %jit3A_269 = arith.constant 8 : i32
    %div3A_270 = arith.divsi %squeeze3A_268, %jit3A_269 : i32
    %sign3A_271 = arith.constant 0 : i32
    %sign3A_272 = arith.cmpi sgt, %squeeze3A_268, %sign3A_271 : i32
    %sign3A_273 = arith.extui %sign3A_272 : i1 to i32
    %sign3A_274 = arith.constant 0 : i32
    %sign3A_275 = arith.cmpi slt, %squeeze3A_268, %sign3A_274 : i32
    %sign3A_276 = arith.extui %sign3A_275 : i1 to i32
    %sign3A_277 = arith.subi %sign3A_273, %sign3A_276 : i32
    %sign3A_278 = arith.constant 0 : i32
    %sign3A_279 = arith.cmpi sgt, %jit3A_269, %sign3A_278 : i32
    %sign3A_280 = arith.extui %sign3A_279 : i1 to i32
    %sign3A_281 = arith.constant 0 : i32
    %sign3A_282 = arith.cmpi slt, %jit3A_269, %sign3A_281 : i32
    %sign3A_283 = arith.extui %sign3A_282 : i1 to i32
    %sign3A_284 = arith.subi %sign3A_280, %sign3A_283 : i32
    %ne3A_285 = arith.cmpi ne, %sign3A_277, %sign3A_284 : i32
    %rem3A_286 = arith.remsi %squeeze3A_268, %jit3A_269 : i32
    %ne3A_287 = arith.constant 0 : i32
    %ne3A_288 = arith.cmpi ne, %rem3A_286, %ne3A_287 : i32
    %and3A_289 = arith.andi %ne3A_285, %ne3A_288 : i1
    %sub3A_290 = arith.constant 1 : i32
    %sub3A_291 = arith.subi %div3A_270, %sub3A_290 : i32
    %select_n3A_292 = arith.select %and3A_289, %sub3A_291, %div3A_270 : i32
    %mul3A_293 = arith.constant 8 : i32
    %mul3A_294 = arith.muli %select_n3A_292, %mul3A_293 : i32
    %min3A_295 = arith.constant 2872 : i32
    %min3A_296 = arith.minsi %mul3A_294, %min3A_295 : i32
    %dma_wait3A_297 = arith.constant 1 : i32
    %dma_wait3A_298 = arith.constant 1 : i32
    %dma_wait3A_299 = arith.constant 0 : i32
    %dma_wait3A_300 = arith.constant 0 : i32
    %dma_wait3A_301 = tpu.memref_slice %arg8[%dma_wait3A_297, %dma_wait3A_299, %dma_wait3A_300] : memref<2x64x200xf32, #tpu.memory_space<vmem>> -> memref<1x64x200xf32, #tpu.memory_space<vmem>>
    %dma_wait3A_302 = tpu.memref_squeeze %dma_wait3A_301 : memref<1x64x200xf32, #tpu.memory_space<vmem>> -> memref<64x200xf32, #tpu.memory_space<vmem>>
    %dma_wait3A_303 = tpu.memref_slice %arg2[%select_n3A, %squeeze3A_266, %min3A_296] : memref<8x1024x3072xf32, #tpu.memory_space<hbm>> -> memref<1x64x200xf32, #tpu.memory_space<hbm>>
    %dma_wait3A_304 = tpu.memref_squeeze %dma_wait3A_303 : memref<1x64x200xf32, #tpu.memory_space<hbm>> -> memref<64x200xf32, #tpu.memory_space<hbm>>
    %dma_wait3A_305 = tpu.memref_slice %arg10[%dma_wait3A_298] : memref<2x!tpu.dma_semaphore, #tpu.memory_space<semaphore_mem>> -> memref<1x!tpu.dma_semaphore, #tpu.memory_space<semaphore_mem>>
    %dma_wait3A_306 = tpu.memref_squeeze %dma_wait3A_305 : memref<1x!tpu.dma_semaphore, #tpu.memory_space<semaphore_mem>> -> memref<!tpu.dma_semaphore, #tpu.memory_space<semaphore_mem>>
    %dma_wait3A_307 = arith.constant 0 : i32
    %dma_wait3A_308 = arith.constant 0 : i32
    %dma_wait3A_309 = tpu.memref_slice %arg8[%dma_wait3A_297, %dma_wait3A_307, %dma_wait3A_308] : memref<2x64x200xf32, #tpu.memory_space<vmem>> -> memref<1x64x200xf32, #tpu.memory_space<vmem>>
    %dma_wait3A_310 = tpu.memref_squeeze %dma_wait3A_309 : memref<1x64x200xf32, #tpu.memory_space<vmem>> -> memref<64x200xf32, #tpu.memory_space<vmem>>
    %dma_wait3A_311 = tpu.memref_slice %arg2[%select_n3A, %squeeze3A_266, %min3A_296] : memref<8x1024x3072xf32, #tpu.memory_space<hbm>> -> memref<1x64x200xf32, #tpu.memory_space<hbm>>
    %dma_wait3A_312 = tpu.memref_squeeze %dma_wait3A_311 : memref<1x64x200xf32, #tpu.memory_space<hbm>> -> memref<64x200xf32, #tpu.memory_space<hbm>>
    tpu.wait_dma2 semaphore(%dma_wait3A_306 : memref<!tpu.dma_semaphore, #tpu.memory_space<semaphore_mem>>) src(%dma_wait3A_312 : memref<64x200xf32, #tpu.memory_space<hbm>>) dst(%dma_wait3A_310 : memref<64x200xf32, #tpu.memory_space<vmem>>)
    %slice3A_313 = vector.extract_strided_slice %get3A_34 {offsets = [2], sizes = [1], strides = [1]} : vector<16xi32> to vector<1xi32>
    %squeeze3A_314 = vector.extract %slice3A_313[0] : i32 from vector<1xi32>
    %slice3A_315 = vector.extract_strided_slice %get3A_37 {offsets = [2], sizes = [1], strides = [1]} : vector<16xi32> to vector<1xi32>
    %squeeze3A_316 = vector.extract %slice3A_315[0] : i32 from vector<1xi32>
    %jit3A_317 = arith.constant 8 : i32
    %div3A_318 = arith.divsi %squeeze3A_316, %jit3A_317 : i32
    %sign3A_319 = arith.constant 0 : i32
    %sign3A_320 = arith.cmpi sgt, %squeeze3A_316, %sign3A_319 : i32
    %sign3A_321 = arith.extui %sign3A_320 : i1 to i32
    %sign3A_322 = arith.constant 0 : i32
    %sign3A_323 = arith.cmpi slt, %squeeze3A_316, %sign3A_322 : i32
    %sign3A_324 = arith.extui %sign3A_323 : i1 to i32
    %sign3A_325 = arith.subi %sign3A_321, %sign3A_324 : i32
    %sign3A_326 = arith.constant 0 : i32
    %sign3A_327 = arith.cmpi sgt, %jit3A_317, %sign3A_326 : i32
    %sign3A_328 = arith.extui %sign3A_327 : i1 to i32
    %sign3A_329 = arith.constant 0 : i32
    %sign3A_330 = arith.cmpi slt, %jit3A_317, %sign3A_329 : i32
    %sign3A_331 = arith.extui %sign3A_330 : i1 to i32
    %sign3A_332 = arith.subi %sign3A_328, %sign3A_331 : i32
    %ne3A_333 = arith.cmpi ne, %sign3A_325, %sign3A_332 : i32
    %rem3A_334 = arith.remsi %squeeze3A_316, %jit3A_317 : i32
    %ne3A_335 = arith.constant 0 : i32
    %ne3A_336 = arith.cmpi ne, %rem3A_334, %ne3A_335 : i32
    %and3A_337 = arith.andi %ne3A_333, %ne3A_336 : i1
    %sub3A_338 = arith.constant 1 : i32
    %sub3A_339 = arith.subi %div3A_318, %sub3A_338 : i32
    %select_n3A_340 = arith.select %and3A_337, %sub3A_339, %div3A_318 : i32
    %mul3A_341 = arith.constant 8 : i32
    %mul3A_342 = arith.muli %select_n3A_340, %mul3A_341 : i32
    %min3A_343 = arith.constant 2872 : i32
    %min3A_344 = arith.minsi %mul3A_342, %min3A_343 : i32
    %dma_start3A_345 = arith.constant 0 : i32
    %dma_start3A_346 = arith.constant 0 : i32
    %dma_start3A_347 = arith.constant 0 : i32
    %dma_start3A_348 = arith.constant 0 : i32
    %dma_start3A_349 = tpu.memref_slice %arg8[%dma_start3A_345, %dma_start3A_347, %dma_start3A_348] : memref<2x64x200xf32, #tpu.memory_space<vmem>> -> memref<1x64x200xf32, #tpu.memory_space<vmem>>
    %dma_start3A_350 = tpu.memref_squeeze %dma_start3A_349 : memref<1x64x200xf32, #tpu.memory_space<vmem>> -> memref<64x200xf32, #tpu.memory_space<vmem>>
    %dma_start3A_351 = tpu.memref_slice %arg2[%select_n3A, %squeeze3A_314, %min3A_344] : memref<8x1024x3072xf32, #tpu.memory_space<hbm>> -> memref<1x64x200xf32, #tpu.memory_space<hbm>>
    %dma_start3A_352 = tpu.memref_squeeze %dma_start3A_351 : memref<1x64x200xf32, #tpu.memory_space<hbm>> -> memref<64x200xf32, #tpu.memory_space<hbm>>
    %dma_start3A_353 = tpu.memref_slice %arg10[%dma_start3A_346] : memref<2x!tpu.dma_semaphore, #tpu.memory_space<semaphore_mem>> -> memref<1x!tpu.dma_semaphore, #tpu.memory_space<semaphore_mem>>
    %dma_start3A_354 = tpu.memref_squeeze %dma_start3A_353 : memref<1x!tpu.dma_semaphore, #tpu.memory_space<semaphore_mem>> -> memref<!tpu.dma_semaphore, #tpu.memory_space<semaphore_mem>>
    %dma_start3A_355 = arith.constant 0 : i32
    %dma_start3A_356 = arith.constant 0 : i32
    %dma_start3A_357 = tpu.memref_slice %arg8[%dma_start3A_345, %dma_start3A_355, %dma_start3A_356] : memref<2x64x200xf32, #tpu.memory_space<vmem>> -> memref<1x64x200xf32, #tpu.memory_space<vmem>>
    %dma_start3A_358 = tpu.memref_squeeze %dma_start3A_357 : memref<1x64x200xf32, #tpu.memory_space<vmem>> -> memref<64x200xf32, #tpu.memory_space<vmem>>
    %dma_start3A_359 = tpu.memref_slice %arg2[%select_n3A, %squeeze3A_314, %min3A_344] : memref<8x1024x3072xf32, #tpu.memory_space<hbm>> -> memref<1x64x200xf32, #tpu.memory_space<hbm>>
    %dma_start3A_360 = tpu.memref_squeeze %dma_start3A_359 : memref<1x64x200xf32, #tpu.memory_space<hbm>> -> memref<64x200xf32, #tpu.memory_space<hbm>>
    tpu.enqueue_dma source(%dma_start3A_360 : memref<64x200xf32, #tpu.memory_space<hbm>>) target(%dma_start3A_358 : memref<64x200xf32, #tpu.memory_space<vmem>>) target_semaphore(%dma_start3A_354 : memref<!tpu.dma_semaphore, #tpu.memory_space<semaphore_mem>>)
    %scan3A_361 = arith.constant 0 : i32
    %scan3A_362 = arith.constant 64 : i32
    %scan3A_363 = arith.addi %scan3A_361, %scan3A_362 : i32
    %scan3A_364 = arith.constant 1 : i32
    scf.for %scan3A_1440 = %scan3A_361 to %scan3A_363 step %scan3A_364  : i32 {
      %add3A_1441 = arith.constant 0 : i32
      %add3A_1442 = arith.addi %sub3A_264, %add3A_1441 : i32
      %get3A_1443 = arith.constant 1 : i32
      %get3A_1444 = arith.index_cast %get3A_1443 : i32 to index
      %get3A_1445 = arith.index_cast %scan3A_1440 : i32 to index
      %get3A_1446 = arith.index_cast %add3A_1442 : i32 to index
      %get3A_1447 = tpu.vector_load %arg8[%get3A_1444, %get3A_1445, %get3A_1446] {strides = array<i32>} : memref<2x64x200xf32, #tpu.memory_space<vmem>>, vector<1x1x16xf32>,
      %get3A_1448 = vector.shape_cast %get3A_1447 : vector<1x1x16xf32> to vector<16xf32>
      %swap3A = arith.constant 1 : i32
      %swap3A_1449 = arith.index_cast %swap3A : i32 to index
      %swap3A_1450 = arith.index_cast %scan3A_1440 : i32 to index
      %swap3A_1451 = arith.constant 0 : index
      %swap3A_1452 = tpu.vector_load %arg9[%swap3A_1449, %swap3A_1450, %swap3A_1451] {strides = array<i32>} : memref<2x64x192xf32, #tpu.memory_space<vmem>>, vector<1x1x16xf32>,
      %swap3A_1453 = vector.shape_cast %swap3A_1452 : vector<1x1x16xf32> to vector<16xf32>
      %swap3A_1454 = vector.shape_cast %get3A_1448 : vector<16xf32> to vector<1x1x16xf32>
      tpu.vector_store %arg9[%swap3A_1449, %swap3A_1450, %swap3A_1451], %swap3A_1454 {strides = array<i32>} : memref<2x64x192xf32, #tpu.memory_space<vmem>>, vector<1x1x16xf32>,
      %add3A_1455 = arith.constant 16 : i32
      %add3A_1456 = arith.addi %sub3A_264, %add3A_1455 : i32
      %get3A_1457 = arith.constant 1 : i32
      %get3A_1458 = arith.index_cast %get3A_1457 : i32 to index
      %get3A_1459 = arith.index_cast %scan3A_1440 : i32 to index
      %get3A_1460 = arith.index_cast %add3A_1456 : i32 to index
      %get3A_1461 = tpu.vector_load %arg8[%get3A_1458, %get3A_1459, %get3A_1460] {strides = array<i32>} : memref<2x64x200xf32, #tpu.memory_space<vmem>>, vector<1x1x16xf32>,
      %get3A_1462 = vector.shape_cast %get3A_1461 : vector<1x1x16xf32> to vector<16xf32>
      %swap3A_1463 = arith.constant 1 : i32
      %swap3A_1464 = arith.index_cast %swap3A_1463 : i32 to index
      %swap3A_1465 = arith.index_cast %scan3A_1440 : i32 to index
      %swap3A_1466 = arith.constant 16 : index
      %swap3A_1467 = tpu.vector_load %arg9[%swap3A_1464, %swap3A_1465, %swap3A_1466] {strides = array<i32>} : memref<2x64x192xf32, #tpu.memory_space<vmem>>, vector<1x1x16xf32>,
      %swap3A_1468 = vector.shape_cast %swap3A_1467 : vector<1x1x16xf32> to vector<16xf32>
      %swap3A_1469 = vector.shape_cast %get3A_1462 : vector<16xf32> to vector<1x1x16xf32>
      tpu.vector_store %arg9[%swap3A_1464, %swap3A_1465, %swap3A_1466], %swap3A_1469 {strides = array<i32>} : memref<2x64x192xf32, #tpu.memory_space<vmem>>, vector<1x1x16xf32>,
      %add3A_1470 = arith.constant 32 : i32
      %add3A_1471 = arith.addi %sub3A_264, %add3A_1470 : i32
      %get3A_1472 = arith.constant 1 : i32
      %get3A_1473 = arith.index_cast %get3A_1472 : i32 to index
      %get3A_1474 = arith.index_cast %scan3A_1440 : i32 to index
      %get3A_1475 = arith.index_cast %add3A_1471 : i32 to index
      %get3A_1476 = tpu.vector_load %arg8[%get3A_1473, %get3A_1474, %get3A_1475] {strides = array<i32>} : memref<2x64x200xf32, #tpu.memory_space<vmem>>, vector<1x1x16xf32>,
      %get3A_1477 = vector.shape_cast %get3A_1476 : vector<1x1x16xf32> to vector<16xf32>
      %swap3A_1478 = arith.constant 1 : i32
      %swap3A_1479 = arith.index_cast %swap3A_1478 : i32 to index
      %swap3A_1480 = arith.index_cast %scan3A_1440 : i32 to index
      %swap3A_1481 = arith.constant 32 : index
      %swap3A_1482 = tpu.vector_load %arg9[%swap3A_1479, %swap3A_1480, %swap3A_1481] {strides = array<i32>} : memref<2x64x192xf32, #tpu.memory_space<vmem>>, vector<1x1x16xf32>,
      %swap3A_1483 = vector.shape_cast %swap3A_1482 : vector<1x1x16xf32> to vector<16xf32>
      %swap3A_1484 = vector.shape_cast %get3A_1477 : vector<16xf32> to vector<1x1x16xf32>
      tpu.vector_store %arg9[%swap3A_1479, %swap3A_1480, %swap3A_1481], %swap3A_1484 {strides = array<i32>} : memref<2x64x192xf32, #tpu.memory_space<vmem>>, vector<1x1x16xf32>,
      %add3A_1485 = arith.constant 48 : i32
      %add3A_1486 = arith.addi %sub3A_264, %add3A_1485 : i32
      %get3A_1487 = arith.constant 1 : i32
      %get3A_1488 = arith.index_cast %get3A_1487 : i32 to index
      %get3A_1489 = arith.index_cast %scan3A_1440 : i32 to index
      %get3A_1490 = arith.index_cast %add3A_1486 : i32 to index
      %get3A_1491 = tpu.vector_load %arg8[%get3A_1488, %get3A_1489, %get3A_1490] {strides = array<i32>} : memref<2x64x200xf32, #tpu.memory_space<vmem>>, vector<1x1x16xf32>,
      %get3A_1492 = vector.shape_cast %get3A_1491 : vector<1x1x16xf32> to vector<16xf32>
      %swap3A_1493 = arith.constant 1 : i32
      %swap3A_1494 = arith.index_cast %swap3A_1493 : i32 to index
      %swap3A_1495 = arith.index_cast %scan3A_1440 : i32 to index
      %swap3A_1496 = arith.constant 48 : index
      %swap3A_1497 = tpu.vector_load %arg9[%swap3A_1494, %swap3A_1495, %swap3A_1496] {strides = array<i32>} : memref<2x64x192xf32, #tpu.memory_space<vmem>>, vector<1x1x16xf32>,
      %swap3A_1498 = vector.shape_cast %swap3A_1497 : vector<1x1x16xf32> to vector<16xf32>
      %swap3A_1499 = vector.shape_cast %get3A_1492 : vector<16xf32> to vector<1x1x16xf32>
      tpu.vector_store %arg9[%swap3A_1494, %swap3A_1495, %swap3A_1496], %swap3A_1499 {strides = array<i32>} : memref<2x64x192xf32, #tpu.memory_space<vmem>>, vector<1x1x16xf32>,
      %add3A_1500 = arith.constant 64 : i32
      %add3A_1501 = arith.addi %sub3A_264, %add3A_1500 : i32
      %get3A_1502 = arith.constant 1 : i32
      %get3A_1503 = arith.index_cast %get3A_1502 : i32 to index
      %get3A_1504 = arith.index_cast %scan3A_1440 : i32 to index
      %get3A_1505 = arith.index_cast %add3A_1501 : i32 to index
      %get3A_1506 = tpu.vector_load %arg8[%get3A_1503, %get3A_1504, %get3A_1505] {strides = array<i32>} : memref<2x64x200xf32, #tpu.memory_space<vmem>>, vector<1x1x16xf32>,
      %get3A_1507 = vector.shape_cast %get3A_1506 : vector<1x1x16xf32> to vector<16xf32>
      %swap3A_1508 = arith.constant 1 : i32
      %swap3A_1509 = arith.index_cast %swap3A_1508 : i32 to index
      %swap3A_1510 = arith.index_cast %scan3A_1440 : i32 to index
      %swap3A_1511 = arith.constant 64 : index
      %swap3A_1512 = tpu.vector_load %arg9[%swap3A_1509, %swap3A_1510, %swap3A_1511] {strides = array<i32>} : memref<2x64x192xf32, #tpu.memory_space<vmem>>, vector<1x1x16xf32>,
      %swap3A_1513 = vector.shape_cast %swap3A_1512 : vector<1x1x16xf32> to vector<16xf32>
      %swap3A_1514 = vector.shape_cast %get3A_1507 : vector<16xf32> to vector<1x1x16xf32>
      tpu.vector_store %arg9[%swap3A_1509, %swap3A_1510, %swap3A_1511], %swap3A_1514 {strides = array<i32>} : memref<2x64x192xf32, #tpu.memory_space<vmem>>, vector<1x1x16xf32>,
      %add3A_1515 = arith.constant 80 : i32
      %add3A_1516 = arith.addi %sub3A_264, %add3A_1515 : i32
      %get3A_1517 = arith.constant 1 : i32
      %get3A_1518 = arith.index_cast %get3A_1517 : i32 to index
      %get3A_1519 = arith.index_cast %scan3A_1440 : i32 to index
      %get3A_1520 = arith.index_cast %add3A_1516 : i32 to index
      %get3A_1521 = tpu.vector_load %arg8[%get3A_1518, %get3A_1519, %get3A_1520] {strides = array<i32>} : memref<2x64x200xf32, #tpu.memory_space<vmem>>, vector<1x1x16xf32>,
      %get3A_1522 = vector.shape_cast %get3A_1521 : vector<1x1x16xf32> to vector<16xf32>
      %swap3A_1523 = arith.constant 1 : i32
      %swap3A_1524 = arith.index_cast %swap3A_1523 : i32 to index
      %swap3A_1525 = arith.index_cast %scan3A_1440 : i32 to index
      %swap3A_1526 = arith.constant 80 : index
      %swap3A_1527 = tpu.vector_load %arg9[%swap3A_1524, %swap3A_1525, %swap3A_1526] {strides = array<i32>} : memref<2x64x192xf32, #tpu.memory_space<vmem>>, vector<1x1x16xf32>,
      %swap3A_1528 = vector.shape_cast %swap3A_1527 : vector<1x1x16xf32> to vector<16xf32>
      %swap3A_1529 = vector.shape_cast %get3A_1522 : vector<16xf32> to vector<1x1x16xf32>
      tpu.vector_store %arg9[%swap3A_1524, %swap3A_1525, %swap3A_1526], %swap3A_1529 {strides = array<i32>} : memref<2x64x192xf32, #tpu.memory_space<vmem>>, vector<1x1x16xf32>,
      %add3A_1530 = arith.constant 96 : i32
      %add3A_1531 = arith.addi %sub3A_264, %add3A_1530 : i32
      %get3A_1532 = arith.constant 1 : i32
      %get3A_1533 = arith.index_cast %get3A_1532 : i32 to index
      %get3A_1534 = arith.index_cast %scan3A_1440 : i32 to index
      %get3A_1535 = arith.index_cast %add3A_1531 : i32 to index
      %get3A_1536 = tpu.vector_load %arg8[%get3A_1533, %get3A_1534, %get3A_1535] {strides = array<i32>} : memref<2x64x200xf32, #tpu.memory_space<vmem>>, vector<1x1x16xf32>,
      %get3A_1537 = vector.shape_cast %get3A_1536 : vector<1x1x16xf32> to vector<16xf32>
      %swap3A_1538 = arith.constant 1 : i32
      %swap3A_1539 = arith.index_cast %swap3A_1538 : i32 to index
      %swap3A_1540 = arith.index_cast %scan3A_1440 : i32 to index
      %swap3A_1541 = arith.constant 96 : index
      %swap3A_1542 = tpu.vector_load %arg9[%swap3A_1539, %swap3A_1540, %swap3A_1541] {strides = array<i32>} : memref<2x64x192xf32, #tpu.memory_space<vmem>>, vector<1x1x16xf32>,
      %swap3A_1543 = vector.shape_cast %swap3A_1542 : vector<1x1x16xf32> to vector<16xf32>
      %swap3A_1544 = vector.shape_cast %get3A_1537 : vector<16xf32> to vector<1x1x16xf32>
      tpu.vector_store %arg9[%swap3A_1539, %swap3A_1540, %swap3A_1541], %swap3A_1544 {strides = array<i32>} : memref<2x64x192xf32, #tpu.memory_space<vmem>>, vector<1x1x16xf32>,
      %add3A_1545 = arith.constant 112 : i32
      %add3A_1546 = arith.addi %sub3A_264, %add3A_1545 : i32
      %get3A_1547 = arith.constant 1 : i32
      %get3A_1548 = arith.index_cast %get3A_1547 : i32 to index
      %get3A_1549 = arith.index_cast %scan3A_1440 : i32 to index
      %get3A_1550 = arith.index_cast %add3A_1546 : i32 to index
      %get3A_1551 = tpu.vector_load %arg8[%get3A_1548, %get3A_1549, %get3A_1550] {strides = array<i32>} : memref<2x64x200xf32, #tpu.memory_space<vmem>>, vector<1x1x16xf32>,
      %get3A_1552 = vector.shape_cast %get3A_1551 : vector<1x1x16xf32> to vector<16xf32>
      %swap3A_1553 = arith.constant 1 : i32
      %swap3A_1554 = arith.index_cast %swap3A_1553 : i32 to index
      %swap3A_1555 = arith.index_cast %scan3A_1440 : i32 to index
      %swap3A_1556 = arith.constant 112 : index
      %swap3A_1557 = tpu.vector_load %arg9[%swap3A_1554, %swap3A_1555, %swap3A_1556] {strides = array<i32>} : memref<2x64x192xf32, #tpu.memory_space<vmem>>, vector<1x1x16xf32>,
      %swap3A_1558 = vector.shape_cast %swap3A_1557 : vector<1x1x16xf32> to vector<16xf32>
      %swap3A_1559 = vector.shape_cast %get3A_1552 : vector<16xf32> to vector<1x1x16xf32>
      tpu.vector_store %arg9[%swap3A_1554, %swap3A_1555, %swap3A_1556], %swap3A_1559 {strides = array<i32>} : memref<2x64x192xf32, #tpu.memory_space<vmem>>, vector<1x1x16xf32>,
      %add3A_1560 = arith.constant 128 : i32
      %add3A_1561 = arith.addi %sub3A_264, %add3A_1560 : i32
      %get3A_1562 = arith.constant 1 : i32
      %get3A_1563 = arith.index_cast %get3A_1562 : i32 to index
      %get3A_1564 = arith.index_cast %scan3A_1440 : i32 to index
      %get3A_1565 = arith.index_cast %add3A_1561 : i32 to index
      %get3A_1566 = tpu.vector_load %arg8[%get3A_1563, %get3A_1564, %get3A_1565] {strides = array<i32>} : memref<2x64x200xf32, #tpu.memory_space<vmem>>, vector<1x1x16xf32>,
      %get3A_1567 = vector.shape_cast %get3A_1566 : vector<1x1x16xf32> to vector<16xf32>
      %swap3A_1568 = arith.constant 1 : i32
      %swap3A_1569 = arith.index_cast %swap3A_1568 : i32 to index
      %swap3A_1570 = arith.index_cast %scan3A_1440 : i32 to index
      %swap3A_1571 = arith.constant 128 : index
      %swap3A_1572 = tpu.vector_load %arg9[%swap3A_1569, %swap3A_1570, %swap3A_1571] {strides = array<i32>} : memref<2x64x192xf32, #tpu.memory_space<vmem>>, vector<1x1x16xf32>,
      %swap3A_1573 = vector.shape_cast %swap3A_1572 : vector<1x1x16xf32> to vector<16xf32>
      %swap3A_1574 = vector.shape_cast %get3A_1567 : vector<16xf32> to vector<1x1x16xf32>
      tpu.vector_store %arg9[%swap3A_1569, %swap3A_1570, %swap3A_1571], %swap3A_1574 {strides = array<i32>} : memref<2x64x192xf32, #tpu.memory_space<vmem>>, vector<1x1x16xf32>,
      %add3A_1575 = arith.constant 144 : i32
      %add3A_1576 = arith.addi %sub3A_264, %add3A_1575 : i32
      %get3A_1577 = arith.constant 1 : i32
      %get3A_1578 = arith.index_cast %get3A_1577 : i32 to index
      %get3A_1579 = arith.index_cast %scan3A_1440 : i32 to index
      %get3A_1580 = arith.index_cast %add3A_1576 : i32 to index
      %get3A_1581 = tpu.vector_load %arg8[%get3A_1578, %get3A_1579, %get3A_1580] {strides = array<i32>} : memref<2x64x200xf32, #tpu.memory_space<vmem>>, vector<1x1x16xf32>,
      %get3A_1582 = vector.shape_cast %get3A_1581 : vector<1x1x16xf32> to vector<16xf32>
      %swap3A_1583 = arith.constant 1 : i32
      %swap3A_1584 = arith.index_cast %swap3A_1583 : i32 to index
      %swap3A_1585 = arith.index_cast %scan3A_1440 : i32 to index
      %swap3A_1586 = arith.constant 144 : index
      %swap3A_1587 = tpu.vector_load %arg9[%swap3A_1584, %swap3A_1585, %swap3A_1586] {strides = array<i32>} : memref<2x64x192xf32, #tpu.memory_space<vmem>>, vector<1x1x16xf32>,
      %swap3A_1588 = vector.shape_cast %swap3A_1587 : vector<1x1x16xf32> to vector<16xf32>
      %swap3A_1589 = vector.shape_cast %get3A_1582 : vector<16xf32> to vector<1x1x16xf32>
      tpu.vector_store %arg9[%swap3A_1584, %swap3A_1585, %swap3A_1586], %swap3A_1589 {strides = array<i32>} : memref<2x64x192xf32, #tpu.memory_space<vmem>>, vector<1x1x16xf32>,
      %add3A_1590 = arith.constant 160 : i32
      %add3A_1591 = arith.addi %sub3A_264, %add3A_1590 : i32
      %get3A_1592 = arith.constant 1 : i32
      %get3A_1593 = arith.index_cast %get3A_1592 : i32 to index
      %get3A_1594 = arith.index_cast %scan3A_1440 : i32 to index
      %get3A_1595 = arith.index_cast %add3A_1591 : i32 to index
      %get3A_1596 = tpu.vector_load %arg8[%get3A_1593, %get3A_1594, %get3A_1595] {strides = array<i32>} : memref<2x64x200xf32, #tpu.memory_space<vmem>>, vector<1x1x16xf32>,
      %get3A_1597 = vector.shape_cast %get3A_1596 : vector<1x1x16xf32> to vector<16xf32>
      %swap3A_1598 = arith.constant 1 : i32
      %swap3A_1599 = arith.index_cast %swap3A_1598 : i32 to index
      %swap3A_1600 = arith.index_cast %scan3A_1440 : i32 to index
      %swap3A_1601 = arith.constant 160 : index
      %swap3A_1602 = tpu.vector_load %arg9[%swap3A_1599, %swap3A_1600, %swap3A_1601] {strides = array<i32>} : memref<2x64x192xf32, #tpu.memory_space<vmem>>, vector<1x1x16xf32>,
      %swap3A_1603 = vector.shape_cast %swap3A_1602 : vector<1x1x16xf32> to vector<16xf32>
      %swap3A_1604 = vector.shape_cast %get3A_1597 : vector<16xf32> to vector<1x1x16xf32>
      tpu.vector_store %arg9[%swap3A_1599, %swap3A_1600, %swap3A_1601], %swap3A_1604 {strides = array<i32>} : memref<2x64x192xf32, #tpu.memory_space<vmem>>, vector<1x1x16xf32>,
      %add3A_1605 = arith.constant 176 : i32
      %add3A_1606 = arith.addi %sub3A_264, %add3A_1605 : i32
      %get3A_1607 = arith.constant 1 : i32
      %get3A_1608 = arith.index_cast %get3A_1607 : i32 to index
      %get3A_1609 = arith.index_cast %scan3A_1440 : i32 to index
      %get3A_1610 = arith.index_cast %add3A_1606 : i32 to index
      %get3A_1611 = tpu.vector_load %arg8[%get3A_1608, %get3A_1609, %get3A_1610] {strides = array<i32>} : memref<2x64x200xf32, #tpu.memory_space<vmem>>, vector<1x1x16xf32>,
      %get3A_1612 = vector.shape_cast %get3A_1611 : vector<1x1x16xf32> to vector<16xf32>
      %swap3A_1613 = arith.constant 1 : i32
      %swap3A_1614 = arith.index_cast %swap3A_1613 : i32 to index
      %swap3A_1615 = arith.index_cast %scan3A_1440 : i32 to index
      %swap3A_1616 = arith.constant 176 : index
      %swap3A_1617 = tpu.vector_load %arg9[%swap3A_1614, %swap3A_1615, %swap3A_1616] {strides = array<i32>} : memref<2x64x192xf32, #tpu.memory_space<vmem>>, vector<1x1x16xf32>,
      %swap3A_1618 = vector.shape_cast %swap3A_1617 : vector<1x1x16xf32> to vector<16xf32>
      %swap3A_1619 = vector.shape_cast %get3A_1612 : vector<16xf32> to vector<1x1x16xf32>
      tpu.vector_store %arg9[%swap3A_1614, %swap3A_1615, %swap3A_1616], %swap3A_1619 {strides = array<i32>} : memref<2x64x192xf32, #tpu.memory_space<vmem>>, vector<1x1x16xf32>,
    }
    %scan3A_365 = arith.constant 64 : i32
    %add3A_366 = arith.constant 1 : i32
    %add3A_367 = arith.addi %mul3A_32, %add3A_366 : i32
    %dma_start3A_368 = arith.constant 1 : i32
    %dma_start3A_369 = arith.constant 1 : i32
    %dma_start3A_370 = arith.constant 0 : i32
    %dma_start3A_371 = arith.constant 0 : i32
    %dma_start3A_372 = tpu.memref_slice %arg9[%dma_start3A_368, %dma_start3A_370, %dma_start3A_371] : memref<2x64x192xf32, #tpu.memory_space<vmem>> -> memref<1x64x192xf32, #tpu.memory_space<vmem>>
    %dma_start3A_373 = tpu.memref_squeeze %dma_start3A_372 : memref<1x64x192xf32, #tpu.memory_space<vmem>> -> memref<64x192xf32, #tpu.memory_space<vmem>>
    %dma_start3A_374 = arith.constant 0 : i32
    %dma_start3A_375 = arith.constant 0 : i32
    %dma_start3A_376 = tpu.memref_slice %arg5[%select_n3A, %add3A_367, %dma_start3A_374, %dma_start3A_375] : memref<8x32x64x192xf32, #tpu.memory_space<hbm>> -> memref<1x1x64x192xf32, #tpu.memory_space<hbm>>
    %dma_start3A_377 = tpu.memref_squeeze %dma_start3A_376 : memref<1x1x64x192xf32, #tpu.memory_space<hbm>> -> memref<64x192xf32, #tpu.memory_space<hbm>>
    %dma_start3A_378 = tpu.memref_slice %arg11[%dma_start3A_369] : memref<2x!tpu.dma_semaphore, #tpu.memory_space<semaphore_mem>> -> memref<1x!tpu.dma_semaphore, #tpu.memory_space<semaphore_mem>>
    %dma_start3A_379 = tpu.memref_squeeze %dma_start3A_378 : memref<1x!tpu.dma_semaphore, #tpu.memory_space<semaphore_mem>> -> memref<!tpu.dma_semaphore, #tpu.memory_space<semaphore_mem>>
    %dma_start3A_380 = arith.constant 0 : i32
    %dma_start3A_381 = arith.constant 0 : i32
    %dma_start3A_382 = tpu.memref_slice %arg5[%select_n3A, %add3A_367, %dma_start3A_380, %dma_start3A_381] : memref<8x32x64x192xf32, #tpu.memory_space<hbm>> -> memref<1x1x64x192xf32, #tpu.memory_space<hbm>>
    %dma_start3A_383 = tpu.memref_squeeze %dma_start3A_382 : memref<1x1x64x192xf32, #tpu.memory_space<hbm>> -> memref<64x192xf32, #tpu.memory_space<hbm>>
    %dma_start3A_384 = arith.constant 0 : i32
    %dma_start3A_385 = arith.constant 0 : i32
    %dma_start3A_386 = tpu.memref_slice %arg9[%dma_start3A_368, %dma_start3A_384, %dma_start3A_385] : memref<2x64x192xf32, #tpu.memory_space<vmem>> -> memref<1x64x192xf32, #tpu.memory_space<vmem>>
    %dma_start3A_387 = tpu.memref_squeeze %dma_start3A_386 : memref<1x64x192xf32, #tpu.memory_space<vmem>> -> memref<64x192xf32, #tpu.memory_space<vmem>>
    tpu.enqueue_dma source(%dma_start3A_387 : memref<64x192xf32, #tpu.memory_space<vmem>>) target(%dma_start3A_383 : memref<64x192xf32, #tpu.memory_space<hbm>>) target_semaphore(%dma_start3A_379 : memref<!tpu.dma_semaphore, #tpu.memory_space<semaphore_mem>>)
    %slice3A_388 = vector.extract_strided_slice %get3A_37 {offsets = [2], sizes = [1], strides = [1]} : vector<16xi32> to vector<1xi32>
    %squeeze3A_389 = vector.extract %slice3A_388[0] : i32 from vector<1xi32>
    %jit3A_390 = arith.constant 8 : i32
    %div3A_391 = arith.divsi %squeeze3A_389, %jit3A_390 : i32
    %sign3A_392 = arith.constant 0 : i32
    %sign3A_393 = arith.cmpi sgt, %squeeze3A_389, %sign3A_392 : i32
    %sign3A_394 = arith.extui %sign3A_393 : i1 to i32
    %sign3A_395 = arith.constant 0 : i32
    %sign3A_396 = arith.cmpi slt, %squeeze3A_389, %sign3A_395 : i32
    %sign3A_397 = arith.extui %sign3A_396 : i1 to i32
    %sign3A_398 = arith.subi %sign3A_394, %sign3A_397 : i32
    %sign3A_399 = arith.constant 0 : i32
    %sign3A_400 = arith.cmpi sgt, %jit3A_390, %sign3A_399 : i32
    %sign3A_401 = arith.extui %sign3A_400 : i1 to i32
    %sign3A_402 = arith.constant 0 : i32
    %sign3A_403 = arith.cmpi slt, %jit3A_390, %sign3A_402 : i32
    %sign3A_404 = arith.extui %sign3A_403 : i1 to i32
    %sign3A_405 = arith.subi %sign3A_401, %sign3A_404 : i32
    %ne3A_406 = arith.cmpi ne, %sign3A_398, %sign3A_405 : i32
    %rem3A_407 = arith.remsi %squeeze3A_389, %jit3A_390 : i32
    %ne3A_408 = arith.constant 0 : i32
    %ne3A_409 = arith.cmpi ne, %rem3A_407, %ne3A_408 : i32
    %and3A_410 = arith.andi %ne3A_406, %ne3A_409 : i1
    %sub3A_411 = arith.constant 1 : i32
    %sub3A_412 = arith.subi %div3A_391, %sub3A_411 : i32
    %select_n3A_413 = arith.select %and3A_410, %sub3A_412, %div3A_391 : i32
    %mul3A_414 = arith.constant 8 : i32
    %mul3A_415 = arith.muli %select_n3A_413, %mul3A_414 : i32
    %min3A_416 = arith.constant 2872 : i32
    %min3A_417 = arith.minsi %mul3A_415, %min3A_416 : i32
    %sub3A_418 = arith.subi %squeeze3A_389, %min3A_417 : i32
    %slice3A_419 = vector.extract_strided_slice %get3A_34 {offsets = [2], sizes = [1], strides = [1]} : vector<16xi32> to vector<1xi32>
    %squeeze3A_420 = vector.extract %slice3A_419[0] : i32 from vector<1xi32>
    %slice3A_421 = vector.extract_strided_slice %get3A_37 {offsets = [2], sizes = [1], strides = [1]} : vector<16xi32> to vector<1xi32>
    %squeeze3A_422 = vector.extract %slice3A_421[0] : i32 from vector<1xi32>
    %jit3A_423 = arith.constant 8 : i32
    %div3A_424 = arith.divsi %squeeze3A_422, %jit3A_423 : i32
    %sign3A_425 = arith.constant 0 : i32
    %sign3A_426 = arith.cmpi sgt, %squeeze3A_422, %sign3A_425 : i32
    %sign3A_427 = arith.extui %sign3A_426 : i1 to i32
    %sign3A_428 = arith.constant 0 : i32
    %sign3A_429 = arith.cmpi slt, %squeeze3A_422, %sign3A_428 : i32
    %sign3A_430 = arith.extui %sign3A_429 : i1 to i32
    %sign3A_431 = arith.subi %sign3A_427, %sign3A_430 : i32
    %sign3A_432 = arith.constant 0 : i32
    %sign3A_433 = arith.cmpi sgt, %jit3A_423, %sign3A_432 : i32
    %sign3A_434 = arith.extui %sign3A_433 : i1 to i32
    %sign3A_435 = arith.constant 0 : i32
    %sign3A_436 = arith.cmpi slt, %jit3A_423, %sign3A_435 : i32
    %sign3A_437 = arith.extui %sign3A_436 : i1 to i32
    %sign3A_438 = arith.subi %sign3A_434, %sign3A_437 : i32
    %ne3A_439 = arith.cmpi ne, %sign3A_431, %sign3A_438 : i32
    %rem3A_440 = arith.remsi %squeeze3A_422, %jit3A_423 : i32
    %ne3A_441 = arith.constant 0 : i32
    %ne3A_442 = arith.cmpi ne, %rem3A_440, %ne3A_441 : i32
    %and3A_443 = arith.andi %ne3A_439, %ne3A_442 : i1
    %sub3A_444 = arith.constant 1 : i32
    %sub3A_445 = arith.subi %div3A_424, %sub3A_444 : i32
    %select_n3A_446 = arith.select %and3A_443, %sub3A_445, %div3A_424 : i32
    %mul3A_447 = arith.constant 8 : i32
    %mul3A_448 = arith.muli %select_n3A_446, %mul3A_447 : i32
    %min3A_449 = arith.constant 2872 : i32
    %min3A_450 = arith.minsi %mul3A_448, %min3A_449 : i32
    %dma_wait3A_451 = arith.constant 0 : i32
    %dma_wait3A_452 = arith.constant 0 : i32
    %dma_wait3A_453 = arith.constant 0 : i32
    %dma_wait3A_454 = arith.constant 0 : i32
    %dma_wait3A_455 = tpu.memref_slice %arg8[%dma_wait3A_451, %dma_wait3A_453, %dma_wait3A_454] : memref<2x64x200xf32, #tpu.memory_space<vmem>> -> memref<1x64x200xf32, #tpu.memory_space<vmem>>
    %dma_wait3A_456 = tpu.memref_squeeze %dma_wait3A_455 : memref<1x64x200xf32, #tpu.memory_space<vmem>> -> memref<64x200xf32, #tpu.memory_space<vmem>>
    %dma_wait3A_457 = tpu.memref_slice %arg2[%select_n3A, %squeeze3A_420, %min3A_450] : memref<8x1024x3072xf32, #tpu.memory_space<hbm>> -> memref<1x64x200xf32, #tpu.memory_space<hbm>>
    %dma_wait3A_458 = tpu.memref_squeeze %dma_wait3A_457 : memref<1x64x200xf32, #tpu.memory_space<hbm>> -> memref<64x200xf32, #tpu.memory_space<hbm>>
    %dma_wait3A_459 = tpu.memref_slice %arg10[%dma_wait3A_452] : memref<2x!tpu.dma_semaphore, #tpu.memory_space<semaphore_mem>> -> memref<1x!tpu.dma_semaphore, #tpu.memory_space<semaphore_mem>>
    %dma_wait3A_460 = tpu.memref_squeeze %dma_wait3A_459 : memref<1x!tpu.dma_semaphore, #tpu.memory_space<semaphore_mem>> -> memref<!tpu.dma_semaphore, #tpu.memory_space<semaphore_mem>>
    %dma_wait3A_461 = arith.constant 0 : i32
    %dma_wait3A_462 = arith.constant 0 : i32
    %dma_wait3A_463 = tpu.memref_slice %arg8[%dma_wait3A_451, %dma_wait3A_461, %dma_wait3A_462] : memref<2x64x200xf32, #tpu.memory_space<vmem>> -> memref<1x64x200xf32, #tpu.memory_space<vmem>>
    %dma_wait3A_464 = tpu.memref_squeeze %dma_wait3A_463 : memref<1x64x200xf32, #tpu.memory_space<vmem>> -> memref<64x200xf32, #tpu.memory_space<vmem>>
    %dma_wait3A_465 = tpu.memref_slice %arg2[%select_n3A, %squeeze3A_420, %min3A_450] : memref<8x1024x3072xf32, #tpu.memory_space<hbm>> -> memref<1x64x200xf32, #tpu.memory_space<hbm>>
    %dma_wait3A_466 = tpu.memref_squeeze %dma_wait3A_465 : memref<1x64x200xf32, #tpu.memory_space<hbm>> -> memref<64x200xf32, #tpu.memory_space<hbm>>
    tpu.wait_dma2 semaphore(%dma_wait3A_460 : memref<!tpu.dma_semaphore, #tpu.memory_space<semaphore_mem>>) src(%dma_wait3A_466 : memref<64x200xf32, #tpu.memory_space<hbm>>) dst(%dma_wait3A_464 : memref<64x200xf32, #tpu.memory_space<vmem>>)
    %slice3A_467 = vector.extract_strided_slice %get3A_34 {offsets = [3], sizes = [1], strides = [1]} : vector<16xi32> to vector<1xi32>
    %squeeze3A_468 = vector.extract %slice3A_467[0] : i32 from vector<1xi32>
    %slice3A_469 = vector.extract_strided_slice %get3A_37 {offsets = [3], sizes = [1], strides = [1]} : vector<16xi32> to vector<1xi32>
    %squeeze3A_470 = vector.extract %slice3A_469[0] : i32 from vector<1xi32>
    %jit3A_471 = arith.constant 8 : i32
    %div3A_472 = arith.divsi %squeeze3A_470, %jit3A_471 : i32
    %sign3A_473 = arith.constant 0 : i32
    %sign3A_474 = arith.cmpi sgt, %squeeze3A_470, %sign3A_473 : i32
    %sign3A_475 = arith.extui %sign3A_474 : i1 to i32
    %sign3A_476 = arith.constant 0 : i32
    %sign3A_477 = arith.cmpi slt, %squeeze3A_470, %sign3A_476 : i32
    %sign3A_478 = arith.extui %sign3A_477 : i1 to i32
    %sign3A_479 = arith.subi %sign3A_475, %sign3A_478 : i32
    %sign3A_480 = arith.constant 0 : i32
    %sign3A_481 = arith.cmpi sgt, %jit3A_471, %sign3A_480 : i32
    %sign3A_482 = arith.extui %sign3A_481 : i1 to i32
    %sign3A_483 = arith.constant 0 : i32
    %sign3A_484 = arith.cmpi slt, %jit3A_471, %sign3A_483 : i32
    %sign3A_485 = arith.extui %sign3A_484 : i1 to i32
    %sign3A_486 = arith.subi %sign3A_482, %sign3A_485 : i32
    %ne3A_487 = arith.cmpi ne, %sign3A_479, %sign3A_486 : i32
    %rem3A_488 = arith.remsi %squeeze3A_470, %jit3A_471 : i32
    %ne3A_489 = arith.constant 0 : i32
    %ne3A_490 = arith.cmpi ne, %rem3A_488, %ne3A_489 : i32
    %and3A_491 = arith.andi %ne3A_487, %ne3A_490 : i1
    %sub3A_492 = arith.constant 1 : i32
    %sub3A_493 = arith.subi %div3A_472, %sub3A_492 : i32
    %select_n3A_494 = arith.select %and3A_491, %sub3A_493, %div3A_472 : i32
    %mul3A_495 = arith.constant 8 : i32
    %mul3A_496 = arith.muli %select_n3A_494, %mul3A_495 : i32
    %min3A_497 = arith.constant 2872 : i32
    %min3A_498 = arith.minsi %mul3A_496, %min3A_497 : i32
    %dma_start3A_499 = arith.constant 1 : i32
    %dma_start3A_500 = arith.constant 1 : i32
    %dma_start3A_501 = arith.constant 0 : i32
    %dma_start3A_502 = arith.constant 0 : i32
    %dma_start3A_503 = tpu.memref_slice %arg8[%dma_start3A_499, %dma_start3A_501, %dma_start3A_502] : memref<2x64x200xf32, #tpu.memory_space<vmem>> -> memref<1x64x200xf32, #tpu.memory_space<vmem>>
    %dma_start3A_504 = tpu.memref_squeeze %dma_start3A_503 : memref<1x64x200xf32, #tpu.memory_space<vmem>> -> memref<64x200xf32, #tpu.memory_space<vmem>>
    %dma_start3A_505 = tpu.memref_slice %arg2[%select_n3A, %squeeze3A_468, %min3A_498] : memref<8x1024x3072xf32, #tpu.memory_space<hbm>> -> memref<1x64x200xf32, #tpu.memory_space<hbm>>
    %dma_start3A_506 = tpu.memref_squeeze %dma_start3A_505 : memref<1x64x200xf32, #tpu.memory_space<hbm>> -> memref<64x200xf32, #tpu.memory_space<hbm>>
    %dma_start3A_507 = tpu.memref_slice %arg10[%dma_start3A_500] : memref<2x!tpu.dma_semaphore, #tpu.memory_space<semaphore_mem>> -> memref<1x!tpu.dma_semaphore, #tpu.memory_space<semaphore_mem>>
    %dma_start3A_508 = tpu.memref_squeeze %dma_start3A_507 : memref<1x!tpu.dma_semaphore, #tpu.memory_space<semaphore_mem>> -> memref<!tpu.dma_semaphore, #tpu.memory_space<semaphore_mem>>
    %dma_start3A_509 = arith.constant 0 : i32
    %dma_start3A_510 = arith.constant 0 : i32
    %dma_start3A_511 = tpu.memref_slice %arg8[%dma_start3A_499, %dma_start3A_509, %dma_start3A_510] : memref<2x64x200xf32, #tpu.memory_space<vmem>> -> memref<1x64x200xf32, #tpu.memory_space<vmem>>
    %dma_start3A_512 = tpu.memref_squeeze %dma_start3A_511 : memref<1x64x200xf32, #tpu.memory_space<vmem>> -> memref<64x200xf32, #tpu.memory_space<vmem>>
    %dma_start3A_513 = tpu.memref_slice %arg2[%select_n3A, %squeeze3A_468, %min3A_498] : memref<8x1024x3072xf32, #tpu.memory_space<hbm>> -> memref<1x64x200xf32, #tpu.memory_space<hbm>>
    %dma_start3A_514 = tpu.memref_squeeze %dma_start3A_513 : memref<1x64x200xf32, #tpu.memory_space<hbm>> -> memref<64x200xf32, #tpu.memory_space<hbm>>
    tpu.enqueue_dma source(%dma_start3A_514 : memref<64x200xf32, #tpu.memory_space<hbm>>) target(%dma_start3A_512 : memref<64x200xf32, #tpu.memory_space<vmem>>) target_semaphore(%dma_start3A_508 : memref<!tpu.dma_semaphore, #tpu.memory_space<semaphore_mem>>)
    %add3A_515 = arith.constant 0 : i32
    %add3A_516 = arith.addi %mul3A_32, %add3A_515 : i32
    %dma_wait3A_517 = arith.constant 0 : i32
    %dma_wait3A_518 = arith.constant 0 : i32
    %dma_wait3A_519 = arith.constant 0 : i32
    %dma_wait3A_520 = arith.constant 0 : i32
    %dma_wait3A_521 = tpu.memref_slice %arg9[%dma_wait3A_517, %dma_wait3A_519, %dma_wait3A_520] : memref<2x64x192xf32, #tpu.memory_space<vmem>> -> memref<1x64x192xf32, #tpu.memory_space<vmem>>
    %dma_wait3A_522 = tpu.memref_squeeze %dma_wait3A_521 : memref<1x64x192xf32, #tpu.memory_space<vmem>> -> memref<64x192xf32, #tpu.memory_space<vmem>>
    %dma_wait3A_523 = arith.constant 0 : i32
    %dma_wait3A_524 = arith.constant 0 : i32
    %dma_wait3A_525 = tpu.memref_slice %arg5[%select_n3A, %add3A_516, %dma_wait3A_523, %dma_wait3A_524] : memref<8x32x64x192xf32, #tpu.memory_space<hbm>> -> memref<1x1x64x192xf32, #tpu.memory_space<hbm>>
    %dma_wait3A_526 = tpu.memref_squeeze %dma_wait3A_525 : memref<1x1x64x192xf32, #tpu.memory_space<hbm>> -> memref<64x192xf32, #tpu.memory_space<hbm>>
    %dma_wait3A_527 = tpu.memref_slice %arg11[%dma_wait3A_518] : memref<2x!tpu.dma_semaphore, #tpu.memory_space<semaphore_mem>> -> memref<1x!tpu.dma_semaphore, #tpu.memory_space<semaphore_mem>>
    %dma_wait3A_528 = tpu.memref_squeeze %dma_wait3A_527 : memref<1x!tpu.dma_semaphore, #tpu.memory_space<semaphore_mem>> -> memref<!tpu.dma_semaphore, #tpu.memory_space<semaphore_mem>>
    %dma_wait3A_529 = arith.constant 0 : i32
    %dma_wait3A_530 = arith.constant 0 : i32
    %dma_wait3A_531 = tpu.memref_slice %arg5[%select_n3A, %add3A_516, %dma_wait3A_529, %dma_wait3A_530] : memref<8x32x64x192xf32, #tpu.memory_space<hbm>> -> memref<1x1x64x192xf32, #tpu.memory_space<hbm>>
    %dma_wait3A_532 = tpu.memref_squeeze %dma_wait3A_531 : memref<1x1x64x192xf32, #tpu.memory_space<hbm>> -> memref<64x192xf32, #tpu.memory_space<hbm>>
    %dma_wait3A_533 = arith.constant 0 : i32
    %dma_wait3A_534 = arith.constant 0 : i32
    %dma_wait3A_535 = tpu.memref_slice %arg9[%dma_wait3A_517, %dma_wait3A_533, %dma_wait3A_534] : memref<2x64x192xf32, #tpu.memory_space<vmem>> -> memref<1x64x192xf32, #tpu.memory_space<vmem>>
    %dma_wait3A_536 = tpu.memref_squeeze %dma_wait3A_535 : memref<1x64x192xf32, #tpu.memory_space<vmem>> -> memref<64x192xf32, #tpu.memory_space<vmem>>
    tpu.wait_dma2 semaphore(%dma_wait3A_528 : memref<!tpu.dma_semaphore, #tpu.memory_space<semaphore_mem>>) src(%dma_wait3A_536 : memref<64x192xf32, #tpu.memory_space<vmem>>) dst(%dma_wait3A_532 : memref<64x192xf32, #tpu.memory_space<hbm>>)
    %scan3A_537 = arith.constant 0 : i32
    %scan3A_538 = arith.constant 64 : i32
    %scan3A_539 = arith.addi %scan3A_537, %scan3A_538 : i32
    %scan3A_540 = arith.constant 1 : i32
    scf.for %scan3A_1440 = %scan3A_537 to %scan3A_539 step %scan3A_540  : i32 {
      %add3A_1441 = arith.constant 0 : i32
      %add3A_1442 = arith.addi %sub3A_418, %add3A_1441 : i32
      %get3A_1443 = arith.constant 0 : i32
      %get3A_1444 = arith.index_cast %get3A_1443 : i32 to index
      %get3A_1445 = arith.index_cast %scan3A_1440 : i32 to index
      %get3A_1446 = arith.index_cast %add3A_1442 : i32 to index
      %get3A_1447 = tpu.vector_load %arg8[%get3A_1444, %get3A_1445, %get3A_1446] {strides = array<i32>} : memref<2x64x200xf32, #tpu.memory_space<vmem>>, vector<1x1x16xf32>,
      %get3A_1448 = vector.shape_cast %get3A_1447 : vector<1x1x16xf32> to vector<16xf32>
      %swap3A = arith.constant 0 : i32
      %swap3A_1449 = arith.index_cast %swap3A : i32 to index
      %swap3A_1450 = arith.index_cast %scan3A_1440 : i32 to index
      %swap3A_1451 = arith.constant 0 : index
      %swap3A_1452 = tpu.vector_load %arg9[%swap3A_1449, %swap3A_1450, %swap3A_1451] {strides = array<i32>} : memref<2x64x192xf32, #tpu.memory_space<vmem>>, vector<1x1x16xf32>,
      %swap3A_1453 = vector.shape_cast %swap3A_1452 : vector<1x1x16xf32> to vector<16xf32>
      %swap3A_1454 = vector.shape_cast %get3A_1448 : vector<16xf32> to vector<1x1x16xf32>
      tpu.vector_store %arg9[%swap3A_1449, %swap3A_1450, %swap3A_1451], %swap3A_1454 {strides = array<i32>} : memref<2x64x192xf32, #tpu.memory_space<vmem>>, vector<1x1x16xf32>,
      %add3A_1455 = arith.constant 16 : i32
      %add3A_1456 = arith.addi %sub3A_418, %add3A_1455 : i32
      %get3A_1457 = arith.constant 0 : i32
      %get3A_1458 = arith.index_cast %get3A_1457 : i32 to index
      %get3A_1459 = arith.index_cast %scan3A_1440 : i32 to index
      %get3A_1460 = arith.index_cast %add3A_1456 : i32 to index
      %get3A_1461 = tpu.vector_load %arg8[%get3A_1458, %get3A_1459, %get3A_1460] {strides = array<i32>} : memref<2x64x200xf32, #tpu.memory_space<vmem>>, vector<1x1x16xf32>,
      %get3A_1462 = vector.shape_cast %get3A_1461 : vector<1x1x16xf32> to vector<16xf32>
      %swap3A_1463 = arith.constant 0 : i32
      %swap3A_1464 = arith.index_cast %swap3A_1463 : i32 to index
      %swap3A_1465 = arith.index_cast %scan3A_1440 : i32 to index
      %swap3A_1466 = arith.constant 16 : index
      %swap3A_1467 = tpu.vector_load %arg9[%swap3A_1464, %swap3A_1465, %swap3A_1466] {strides = array<i32>} : memref<2x64x192xf32, #tpu.memory_space<vmem>>, vector<1x1x16xf32>,
      %swap3A_1468 = vector.shape_cast %swap3A_1467 : vector<1x1x16xf32> to vector<16xf32>
      %swap3A_1469 = vector.shape_cast %get3A_1462 : vector<16xf32> to vector<1x1x16xf32>
      tpu.vector_store %arg9[%swap3A_1464, %swap3A_1465, %swap3A_1466], %swap3A_1469 {strides = array<i32>} : memref<2x64x192xf32, #tpu.memory_space<vmem>>, vector<1x1x16xf32>,
      %add3A_1470 = arith.constant 32 : i32
      %add3A_1471 = arith.addi %sub3A_418, %add3A_1470 : i32
      %get3A_1472 = arith.constant 0 : i32
      %get3A_1473 = arith.index_cast %get3A_1472 : i32 to index
      %get3A_1474 = arith.index_cast %scan3A_1440 : i32 to index
      %get3A_1475 = arith.index_cast %add3A_1471 : i32 to index
      %get3A_1476 = tpu.vector_load %arg8[%get3A_1473, %get3A_1474, %get3A_1475] {strides = array<i32>} : memref<2x64x200xf32, #tpu.memory_space<vmem>>, vector<1x1x16xf32>,
      %get3A_1477 = vector.shape_cast %get3A_1476 : vector<1x1x16xf32> to vector<16xf32>
      %swap3A_1478 = arith.constant 0 : i32
      %swap3A_1479 = arith.index_cast %swap3A_1478 : i32 to index
      %swap3A_1480 = arith.index_cast %scan3A_1440 : i32 to index
      %swap3A_1481 = arith.constant 32 : index
      %swap3A_1482 = tpu.vector_load %arg9[%swap3A_1479, %swap3A_1480, %swap3A_1481] {strides = array<i32>} : memref<2x64x192xf32, #tpu.memory_space<vmem>>, vector<1x1x16xf32>,
      %swap3A_1483 = vector.shape_cast %swap3A_1482 : vector<1x1x16xf32> to vector<16xf32>
      %swap3A_1484 = vector.shape_cast %get3A_1477 : vector<16xf32> to vector<1x1x16xf32>
      tpu.vector_store %arg9[%swap3A_1479, %swap3A_1480, %swap3A_1481], %swap3A_1484 {strides = array<i32>} : memref<2x64x192xf32, #tpu.memory_space<vmem>>, vector<1x1x16xf32>,
      %add3A_1485 = arith.constant 48 : i32
      %add3A_1486 = arith.addi %sub3A_418, %add3A_1485 : i32
      %get3A_1487 = arith.constant 0 : i32
      %get3A_1488 = arith.index_cast %get3A_1487 : i32 to index
      %get3A_1489 = arith.index_cast %scan3A_1440 : i32 to index
      %get3A_1490 = arith.index_cast %add3A_1486 : i32 to index
      %get3A_1491 = tpu.vector_load %arg8[%get3A_1488, %get3A_1489, %get3A_1490] {strides = array<i32>} : memref<2x64x200xf32, #tpu.memory_space<vmem>>, vector<1x1x16xf32>,
      %get3A_1492 = vector.shape_cast %get3A_1491 : vector<1x1x16xf32> to vector<16xf32>
      %swap3A_1493 = arith.constant 0 : i32
      %swap3A_1494 = arith.index_cast %swap3A_1493 : i32 to index
      %swap3A_1495 = arith.index_cast %scan3A_1440 : i32 to index
      %swap3A_1496 = arith.constant 48 : index
      %swap3A_1497 = tpu.vector_load %arg9[%swap3A_1494, %swap3A_1495, %swap3A_1496] {strides = array<i32>} : memref<2x64x192xf32, #tpu.memory_space<vmem>>, vector<1x1x16xf32>,
      %swap3A_1498 = vector.shape_cast %swap3A_1497 : vector<1x1x16xf32> to vector<16xf32>
      %swap3A_1499 = vector.shape_cast %get3A_1492 : vector<16xf32> to vector<1x1x16xf32>
      tpu.vector_store %arg9[%swap3A_1494, %swap3A_1495, %swap3A_1496], %swap3A_1499 {strides = array<i32>} : memref<2x64x192xf32, #tpu.memory_space<vmem>>, vector<1x1x16xf32>,
      %add3A_1500 = arith.constant 64 : i32
      %add3A_1501 = arith.addi %sub3A_418, %add3A_1500 : i32
      %get3A_1502 = arith.constant 0 : i32
      %get3A_1503 = arith.index_cast %get3A_1502 : i32 to index
      %get3A_1504 = arith.index_cast %scan3A_1440 : i32 to index
      %get3A_1505 = arith.index_cast %add3A_1501 : i32 to index
      %get3A_1506 = tpu.vector_load %arg8[%get3A_1503, %get3A_1504, %get3A_1505] {strides = array<i32>} : memref<2x64x200xf32, #tpu.memory_space<vmem>>, vector<1x1x16xf32>,
      %get3A_1507 = vector.shape_cast %get3A_1506 : vector<1x1x16xf32> to vector<16xf32>
      %swap3A_1508 = arith.constant 0 : i32
      %swap3A_1509 = arith.index_cast %swap3A_1508 : i32 to index
      %swap3A_1510 = arith.index_cast %scan3A_1440 : i32 to index
      %swap3A_1511 = arith.constant 64 : index
      %swap3A_1512 = tpu.vector_load %arg9[%swap3A_1509, %swap3A_1510, %swap3A_1511] {strides = array<i32>} : memref<2x64x192xf32, #tpu.memory_space<vmem>>, vector<1x1x16xf32>,
      %swap3A_1513 = vector.shape_cast %swap3A_1512 : vector<1x1x16xf32> to vector<16xf32>
      %swap3A_1514 = vector.shape_cast %get3A_1507 : vector<16xf32> to vector<1x1x16xf32>
      tpu.vector_store %arg9[%swap3A_1509, %swap3A_1510, %swap3A_1511], %swap3A_1514 {strides = array<i32>} : memref<2x64x192xf32, #tpu.memory_space<vmem>>, vector<1x1x16xf32>,
      %add3A_1515 = arith.constant 80 : i32
      %add3A_1516 = arith.addi %sub3A_418, %add3A_1515 : i32
      %get3A_1517 = arith.constant 0 : i32
      %get3A_1518 = arith.index_cast %get3A_1517 : i32 to index
      %get3A_1519 = arith.index_cast %scan3A_1440 : i32 to index
      %get3A_1520 = arith.index_cast %add3A_1516 : i32 to index
      %get3A_1521 = tpu.vector_load %arg8[%get3A_1518, %get3A_1519, %get3A_1520] {strides = array<i32>} : memref<2x64x200xf32, #tpu.memory_space<vmem>>, vector<1x1x16xf32>,
      %get3A_1522 = vector.shape_cast %get3A_1521 : vector<1x1x16xf32> to vector<16xf32>
      %swap3A_1523 = arith.constant 0 : i32
      %swap3A_1524 = arith.index_cast %swap3A_1523 : i32 to index
      %swap3A_1525 = arith.index_cast %scan3A_1440 : i32 to index
      %swap3A_1526 = arith.constant 80 : index
      %swap3A_1527 = tpu.vector_load %arg9[%swap3A_1524, %swap3A_1525, %swap3A_1526] {strides = array<i32>} : memref<2x64x192xf32, #tpu.memory_space<vmem>>, vector<1x1x16xf32>,
      %swap3A_1528 = vector.shape_cast %swap3A_1527 : vector<1x1x16xf32> to vector<16xf32>
      %swap3A_1529 = vector.shape_cast %get3A_1522 : vector<16xf32> to vector<1x1x16xf32>
      tpu.vector_store %arg9[%swap3A_1524, %swap3A_1525, %swap3A_1526], %swap3A_1529 {strides = array<i32>} : memref<2x64x192xf32, #tpu.memory_space<vmem>>, vector<1x1x16xf32>,
      %add3A_1530 = arith.constant 96 : i32
      %add3A_1531 = arith.addi %sub3A_418, %add3A_1530 : i32
      %get3A_1532 = arith.constant 0 : i32
      %get3A_1533 = arith.index_cast %get3A_1532 : i32 to index
      %get3A_1534 = arith.index_cast %scan3A_1440 : i32 to index
      %get3A_1535 = arith.index_cast %add3A_1531 : i32 to index
      %get3A_1536 = tpu.vector_load %arg8[%get3A_1533, %get3A_1534, %get3A_1535] {strides = array<i32>} : memref<2x64x200xf32, #tpu.memory_space<vmem>>, vector<1x1x16xf32>,
      %get3A_1537 = vector.shape_cast %get3A_1536 : vector<1x1x16xf32> to vector<16xf32>
      %swap3A_1538 = arith.constant 0 : i32
      %swap3A_1539 = arith.index_cast %swap3A_1538 : i32 to index
      %swap3A_1540 = arith.index_cast %scan3A_1440 : i32 to index
      %swap3A_1541 = arith.constant 96 : index
      %swap3A_1542 = tpu.vector_load %arg9[%swap3A_1539, %swap3A_1540, %swap3A_1541] {strides = array<i32>} : memref<2x64x192xf32, #tpu.memory_space<vmem>>, vector<1x1x16xf32>,
      %swap3A_1543 = vector.shape_cast %swap3A_1542 : vector<1x1x16xf32> to vector<16xf32>
      %swap3A_1544 = vector.shape_cast %get3A_1537 : vector<16xf32> to vector<1x1x16xf32>
      tpu.vector_store %arg9[%swap3A_1539, %swap3A_1540, %swap3A_1541], %swap3A_1544 {strides = array<i32>} : memref<2x64x192xf32, #tpu.memory_space<vmem>>, vector<1x1x16xf32>,
      %add3A_1545 = arith.constant 112 : i32
      %add3A_1546 = arith.addi %sub3A_418, %add3A_1545 : i32
      %get3A_1547 = arith.constant 0 : i32
      %get3A_1548 = arith.index_cast %get3A_1547 : i32 to index
      %get3A_1549 = arith.index_cast %scan3A_1440 : i32 to index
      %get3A_1550 = arith.index_cast %add3A_1546 : i32 to index
      %get3A_1551 = tpu.vector_load %arg8[%get3A_1548, %get3A_1549, %get3A_1550] {strides = array<i32>} : memref<2x64x200xf32, #tpu.memory_space<vmem>>, vector<1x1x16xf32>,
      %get3A_1552 = vector.shape_cast %get3A_1551 : vector<1x1x16xf32> to vector<16xf32>
      %swap3A_1553 = arith.constant 0 : i32
      %swap3A_1554 = arith.index_cast %swap3A_1553 : i32 to index
      %swap3A_1555 = arith.index_cast %scan3A_1440 : i32 to index
      %swap3A_1556 = arith.constant 112 : index
      %swap3A_1557 = tpu.vector_load %arg9[%swap3A_1554, %swap3A_1555, %swap3A_1556] {strides = array<i32>} : memref<2x64x192xf32, #tpu.memory_space<vmem>>, vector<1x1x16xf32>,
      %swap3A_1558 = vector.shape_cast %swap3A_1557 : vector<1x1x16xf32> to vector<16xf32>
      %swap3A_1559 = vector.shape_cast %get3A_1552 : vector<16xf32> to vector<1x1x16xf32>
      tpu.vector_store %arg9[%swap3A_1554, %swap3A_1555, %swap3A_1556], %swap3A_1559 {strides = array<i32>} : memref<2x64x192xf32, #tpu.memory_space<vmem>>, vector<1x1x16xf32>,
      %add3A_1560 = arith.constant 128 : i32
      %add3A_1561 = arith.addi %sub3A_418, %add3A_1560 : i32
      %get3A_1562 = arith.constant 0 : i32
      %get3A_1563 = arith.index_cast %get3A_1562 : i32 to index
      %get3A_1564 = arith.index_cast %scan3A_1440 : i32 to index
      %get3A_1565 = arith.index_cast %add3A_1561 : i32 to index
      %get3A_1566 = tpu.vector_load %arg8[%get3A_1563, %get3A_1564, %get3A_1565] {strides = array<i32>} : memref<2x64x200xf32, #tpu.memory_space<vmem>>, vector<1x1x16xf32>,
      %get3A_1567 = vector.shape_cast %get3A_1566 : vector<1x1x16xf32> to vector<16xf32>
      %swap3A_1568 = arith.constant 0 : i32
      %swap3A_1569 = arith.index_cast %swap3A_1568 : i32 to index
      %swap3A_1570 = arith.index_cast %scan3A_1440 : i32 to index
      %swap3A_1571 = arith.constant 128 : index
      %swap3A_1572 = tpu.vector_load %arg9[%swap3A_1569, %swap3A_1570, %swap3A_1571] {strides = array<i32>} : memref<2x64x192xf32, #tpu.memory_space<vmem>>, vector<1x1x16xf32>,
      %swap3A_1573 = vector.shape_cast %swap3A_1572 : vector<1x1x16xf32> to vector<16xf32>
      %swap3A_1574 = vector.shape_cast %get3A_1567 : vector<16xf32> to vector<1x1x16xf32>
      tpu.vector_store %arg9[%swap3A_1569, %swap3A_1570, %swap3A_1571], %swap3A_1574 {strides = array<i32>} : memref<2x64x192xf32, #tpu.memory_space<vmem>>, vector<1x1x16xf32>,
      %add3A_1575 = arith.constant 144 : i32
      %add3A_1576 = arith.addi %sub3A_418, %add3A_1575 : i32
      %get3A_1577 = arith.constant 0 : i32
      %get3A_1578 = arith.index_cast %get3A_1577 : i32 to index
      %get3A_1579 = arith.index_cast %scan3A_1440 : i32 to index
      %get3A_1580 = arith.index_cast %add3A_1576 : i32 to index
      %get3A_1581 = tpu.vector_load %arg8[%get3A_1578, %get3A_1579, %get3A_1580] {strides = array<i32>} : memref<2x64x200xf32, #tpu.memory_space<vmem>>, vector<1x1x16xf32>,
      %get3A_1582 = vector.shape_cast %get3A_1581 : vector<1x1x16xf32> to vector<16xf32>
      %swap3A_1583 = arith.constant 0 : i32
      %swap3A_1584 = arith.index_cast %swap3A_1583 : i32 to index
      %swap3A_1585 = arith.index_cast %scan3A_1440 : i32 to index
      %swap3A_1586 = arith.constant 144 : index
      %swap3A_1587 = tpu.vector_load %arg9[%swap3A_1584, %swap3A_1585, %swap3A_1586] {strides = array<i32>} : memref<2x64x192xf32, #tpu.memory_space<vmem>>, vector<1x1x16xf32>,
      %swap3A_1588 = vector.shape_cast %swap3A_1587 : vector<1x1x16xf32> to vector<16xf32>
      %swap3A_1589 = vector.shape_cast %get3A_1582 : vector<16xf32> to vector<1x1x16xf32>
      tpu.vector_store %arg9[%swap3A_1584, %swap3A_1585, %swap3A_1586], %swap3A_1589 {strides = array<i32>} : memref<2x64x192xf32, #tpu.memory_space<vmem>>, vector<1x1x16xf32>,
      %add3A_1590 = arith.constant 160 : i32
      %add3A_1591 = arith.addi %sub3A_418, %add3A_1590 : i32
      %get3A_1592 = arith.constant 0 : i32
      %get3A_1593 = arith.index_cast %get3A_1592 : i32 to index
      %get3A_1594 = arith.index_cast %scan3A_1440 : i32 to index
      %get3A_1595 = arith.index_cast %add3A_1591 : i32 to index
      %get3A_1596 = tpu.vector_load %arg8[%get3A_1593, %get3A_1594, %get3A_1595] {strides = array<i32>} : memref<2x64x200xf32, #tpu.memory_space<vmem>>, vector<1x1x16xf32>,
      %get3A_1597 = vector.shape_cast %get3A_1596 : vector<1x1x16xf32> to vector<16xf32>
      %swap3A_1598 = arith.constant 0 : i32
      %swap3A_1599 = arith.index_cast %swap3A_1598 : i32 to index
      %swap3A_1600 = arith.index_cast %scan3A_1440 : i32 to index
      %swap3A_1601 = arith.constant 160 : index
      %swap3A_1602 = tpu.vector_load %arg9[%swap3A_1599, %swap3A_1600, %swap3A_1601] {strides = array<i32>} : memref<2x64x192xf32, #tpu.memory_space<vmem>>, vector<1x1x16xf32>,
      %swap3A_1603 = vector.shape_cast %swap3A_1602 : vector<1x1x16xf32> to vector<16xf32>
      %swap3A_1604 = vector.shape_cast %get3A_1597 : vector<16xf32> to vector<1x1x16xf32>
      tpu.vector_store %arg9[%swap3A_1599, %swap3A_1600, %swap3A_1601], %swap3A_1604 {strides = array<i32>} : memref<2x64x192xf32, #tpu.memory_space<vmem>>, vector<1x1x16xf32>,
      %add3A_1605 = arith.constant 176 : i32
      %add3A_1606 = arith.addi %sub3A_418, %add3A_1605 : i32
      %get3A_1607 = arith.constant 0 : i32
      %get3A_1608 = arith.index_cast %get3A_1607 : i32 to index
      %get3A_1609 = arith.index_cast %scan3A_1440 : i32 to index
      %get3A_1610 = arith.index_cast %add3A_1606 : i32 to index
      %get3A_1611 = tpu.vector_load %arg8[%get3A_1608, %get3A_1609, %get3A_1610] {strides = array<i32>} : memref<2x64x200xf32, #tpu.memory_space<vmem>>, vector<1x1x16xf32>,
      %get3A_1612 = vector.shape_cast %get3A_1611 : vector<1x1x16xf32> to vector<16xf32>
      %swap3A_1613 = arith.constant 0 : i32
      %swap3A_1614 = arith.index_cast %swap3A_1613 : i32 to index
      %swap3A_1615 = arith.index_cast %scan3A_1440 : i32 to index
      %swap3A_1616 = arith.constant 176 : index
      %swap3A_1617 = tpu.vector_load %arg9[%swap3A_1614, %swap3A_1615, %swap3A_1616] {strides = array<i32>} : memref<2x64x192xf32, #tpu.memory_space<vmem>>, vector<1x1x16xf32>,
      %swap3A_1618 = vector.shape_cast %swap3A_1617 : vector<1x1x16xf32> to vector<16xf32>
      %swap3A_1619 = vector.shape_cast %get3A_1612 : vector<16xf32> to vector<1x1x16xf32>
      tpu.vector_store %arg9[%swap3A_1614, %swap3A_1615, %swap3A_1616], %swap3A_1619 {strides = array<i32>} : memref<2x64x192xf32, #tpu.memory_space<vmem>>, vector<1x1x16xf32>,
    }
    %scan3A_541 = arith.constant 64 : i32
    %add3A_542 = arith.constant 2 : i32
    %add3A_543 = arith.addi %mul3A_32, %add3A_542 : i32
    %dma_start3A_544 = arith.constant 0 : i32
    %dma_start3A_545 = arith.constant 0 : i32
    %dma_start3A_546 = arith.constant 0 : i32
    %dma_start3A_547 = arith.constant 0 : i32
    %dma_start3A_548 = tpu.memref_slice %arg9[%dma_start3A_544, %dma_start3A_546, %dma_start3A_547] : memref<2x64x192xf32, #tpu.memory_space<vmem>> -> memref<1x64x192xf32, #tpu.memory_space<vmem>>
    %dma_start3A_549 = tpu.memref_squeeze %dma_start3A_548 : memref<1x64x192xf32, #tpu.memory_space<vmem>> -> memref<64x192xf32, #tpu.memory_space<vmem>>
    %dma_start3A_550 = arith.constant 0 : i32
    %dma_start3A_551 = arith.constant 0 : i32
    %dma_start3A_552 = tpu.memref_slice %arg5[%select_n3A, %add3A_543, %dma_start3A_550, %dma_start3A_551] : memref<8x32x64x192xf32, #tpu.memory_space<hbm>> -> memref<1x1x64x192xf32, #tpu.memory_space<hbm>>
    %dma_start3A_553 = tpu.memref_squeeze %dma_start3A_552 : memref<1x1x64x192xf32, #tpu.memory_space<hbm>> -> memref<64x192xf32, #tpu.memory_space<hbm>>
    %dma_start3A_554 = tpu.memref_slice %arg11[%dma_start3A_545] : memref<2x!tpu.dma_semaphore, #tpu.memory_space<semaphore_mem>> -> memref<1x!tpu.dma_semaphore, #tpu.memory_space<semaphore_mem>>
    %dma_start3A_555 = tpu.memref_squeeze %dma_start3A_554 : memref<1x!tpu.dma_semaphore, #tpu.memory_space<semaphore_mem>> -> memref<!tpu.dma_semaphore, #tpu.memory_space<semaphore_mem>>
    %dma_start3A_556 = arith.constant 0 : i32
    %dma_start3A_557 = arith.constant 0 : i32
    %dma_start3A_558 = tpu.memref_slice %arg5[%select_n3A, %add3A_543, %dma_start3A_556, %dma_start3A_557] : memref<8x32x64x192xf32, #tpu.memory_space<hbm>> -> memref<1x1x64x192xf32, #tpu.memory_space<hbm>>
    %dma_start3A_559 = tpu.memref_squeeze %dma_start3A_558 : memref<1x1x64x192xf32, #tpu.memory_space<hbm>> -> memref<64x192xf32, #tpu.memory_space<hbm>>
    %dma_start3A_560 = arith.constant 0 : i32
    %dma_start3A_561 = arith.constant 0 : i32
    %dma_start3A_562 = tpu.memref_slice %arg9[%dma_start3A_544, %dma_start3A_560, %dma_start3A_561] : memref<2x64x192xf32, #tpu.memory_space<vmem>> -> memref<1x64x192xf32, #tpu.memory_space<vmem>>
    %dma_start3A_563 = tpu.memref_squeeze %dma_start3A_562 : memref<1x64x192xf32, #tpu.memory_space<vmem>> -> memref<64x192xf32, #tpu.memory_space<vmem>>
    tpu.enqueue_dma source(%dma_start3A_563 : memref<64x192xf32, #tpu.memory_space<vmem>>) target(%dma_start3A_559 : memref<64x192xf32, #tpu.memory_space<hbm>>) target_semaphore(%dma_start3A_555 : memref<!tpu.dma_semaphore, #tpu.memory_space<semaphore_mem>>)
    %slice3A_564 = vector.extract_strided_slice %get3A_37 {offsets = [3], sizes = [1], strides = [1]} : vector<16xi32> to vector<1xi32>
    %squeeze3A_565 = vector.extract %slice3A_564[0] : i32 from vector<1xi32>
    %jit3A_566 = arith.constant 8 : i32
    %div3A_567 = arith.divsi %squeeze3A_565, %jit3A_566 : i32
    %sign3A_568 = arith.constant 0 : i32
    %sign3A_569 = arith.cmpi sgt, %squeeze3A_565, %sign3A_568 : i32
    %sign3A_570 = arith.extui %sign3A_569 : i1 to i32
    %sign3A_571 = arith.constant 0 : i32
    %sign3A_572 = arith.cmpi slt, %squeeze3A_565, %sign3A_571 : i32
    %sign3A_573 = arith.extui %sign3A_572 : i1 to i32
    %sign3A_574 = arith.subi %sign3A_570, %sign3A_573 : i32
    %sign3A_575 = arith.constant 0 : i32
    %sign3A_576 = arith.cmpi sgt, %jit3A_566, %sign3A_575 : i32
    %sign3A_577 = arith.extui %sign3A_576 : i1 to i32
    %sign3A_578 = arith.constant 0 : i32
    %sign3A_579 = arith.cmpi slt, %jit3A_566, %sign3A_578 : i32
    %sign3A_580 = arith.extui %sign3A_579 : i1 to i32
    %sign3A_581 = arith.subi %sign3A_577, %sign3A_580 : i32
    %ne3A_582 = arith.cmpi ne, %sign3A_574, %sign3A_581 : i32
    %rem3A_583 = arith.remsi %squeeze3A_565, %jit3A_566 : i32
    %ne3A_584 = arith.constant 0 : i32
    %ne3A_585 = arith.cmpi ne, %rem3A_583, %ne3A_584 : i32
    %and3A_586 = arith.andi %ne3A_582, %ne3A_585 : i1
    %sub3A_587 = arith.constant 1 : i32
    %sub3A_588 = arith.subi %div3A_567, %sub3A_587 : i32
    %select_n3A_589 = arith.select %and3A_586, %sub3A_588, %div3A_567 : i32
    %mul3A_590 = arith.constant 8 : i32
    %mul3A_591 = arith.muli %select_n3A_589, %mul3A_590 : i32
    %min3A_592 = arith.constant 2872 : i32
    %min3A_593 = arith.minsi %mul3A_591, %min3A_592 : i32
    %sub3A_594 = arith.subi %squeeze3A_565, %min3A_593 : i32
    %slice3A_595 = vector.extract_strided_slice %get3A_34 {offsets = [3], sizes = [1], strides = [1]} : vector<16xi32> to vector<1xi32>
    %squeeze3A_596 = vector.extract %slice3A_595[0] : i32 from vector<1xi32>
    %slice3A_597 = vector.extract_strided_slice %get3A_37 {offsets = [3], sizes = [1], strides = [1]} : vector<16xi32> to vector<1xi32>
    %squeeze3A_598 = vector.extract %slice3A_597[0] : i32 from vector<1xi32>
    %jit3A_599 = arith.constant 8 : i32
    %div3A_600 = arith.divsi %squeeze3A_598, %jit3A_599 : i32
    %sign3A_601 = arith.constant 0 : i32
    %sign3A_602 = arith.cmpi sgt, %squeeze3A_598, %sign3A_601 : i32
    %sign3A_603 = arith.extui %sign3A_602 : i1 to i32
    %sign3A_604 = arith.constant 0 : i32
    %sign3A_605 = arith.cmpi slt, %squeeze3A_598, %sign3A_604 : i32
    %sign3A_606 = arith.extui %sign3A_605 : i1 to i32
    %sign3A_607 = arith.subi %sign3A_603, %sign3A_606 : i32
    %sign3A_608 = arith.constant 0 : i32
    %sign3A_609 = arith.cmpi sgt, %jit3A_599, %sign3A_608 : i32
    %sign3A_610 = arith.extui %sign3A_609 : i1 to i32
    %sign3A_611 = arith.constant 0 : i32
    %sign3A_612 = arith.cmpi slt, %jit3A_599, %sign3A_611 : i32
    %sign3A_613 = arith.extui %sign3A_612 : i1 to i32
    %sign3A_614 = arith.subi %sign3A_610, %sign3A_613 : i32
    %ne3A_615 = arith.cmpi ne, %sign3A_607, %sign3A_614 : i32
    %rem3A_616 = arith.remsi %squeeze3A_598, %jit3A_599 : i32
    %ne3A_617 = arith.constant 0 : i32
    %ne3A_618 = arith.cmpi ne, %rem3A_616, %ne3A_617 : i32
    %and3A_619 = arith.andi %ne3A_615, %ne3A_618 : i1
    %sub3A_620 = arith.constant 1 : i32
    %sub3A_621 = arith.subi %div3A_600, %sub3A_620 : i32
    %select_n3A_622 = arith.select %and3A_619, %sub3A_621, %div3A_600 : i32
    %mul3A_623 = arith.constant 8 : i32
    %mul3A_624 = arith.muli %select_n3A_622, %mul3A_623 : i32
    %min3A_625 = arith.constant 2872 : i32
    %min3A_626 = arith.minsi %mul3A_624, %min3A_625 : i32
    %dma_wait3A_627 = arith.constant 1 : i32
    %dma_wait3A_628 = arith.constant 1 : i32
    %dma_wait3A_629 = arith.constant 0 : i32
    %dma_wait3A_630 = arith.constant 0 : i32
    %dma_wait3A_631 = tpu.memref_slice %arg8[%dma_wait3A_627, %dma_wait3A_629, %dma_wait3A_630] : memref<2x64x200xf32, #tpu.memory_space<vmem>> -> memref<1x64x200xf32, #tpu.memory_space<vmem>>
    %dma_wait3A_632 = tpu.memref_squeeze %dma_wait3A_631 : memref<1x64x200xf32, #tpu.memory_space<vmem>> -> memref<64x200xf32, #tpu.memory_space<vmem>>
    %dma_wait3A_633 = tpu.memref_slice %arg2[%select_n3A, %squeeze3A_596, %min3A_626] : memref<8x1024x3072xf32, #tpu.memory_space<hbm>> -> memref<1x64x200xf32, #tpu.memory_space<hbm>>
    %dma_wait3A_634 = tpu.memref_squeeze %dma_wait3A_633 : memref<1x64x200xf32, #tpu.memory_space<hbm>> -> memref<64x200xf32, #tpu.memory_space<hbm>>
    %dma_wait3A_635 = tpu.memref_slice %arg10[%dma_wait3A_628] : memref<2x!tpu.dma_semaphore, #tpu.memory_space<semaphore_mem>> -> memref<1x!tpu.dma_semaphore, #tpu.memory_space<semaphore_mem>>
    %dma_wait3A_636 = tpu.memref_squeeze %dma_wait3A_635 : memref<1x!tpu.dma_semaphore, #tpu.memory_space<semaphore_mem>> -> memref<!tpu.dma_semaphore, #tpu.memory_space<semaphore_mem>>
    %dma_wait3A_637 = arith.constant 0 : i32
    %dma_wait3A_638 = arith.constant 0 : i32
    %dma_wait3A_639 = tpu.memref_slice %arg8[%dma_wait3A_627, %dma_wait3A_637, %dma_wait3A_638] : memref<2x64x200xf32, #tpu.memory_space<vmem>> -> memref<1x64x200xf32, #tpu.memory_space<vmem>>
    %dma_wait3A_640 = tpu.memref_squeeze %dma_wait3A_639 : memref<1x64x200xf32, #tpu.memory_space<vmem>> -> memref<64x200xf32, #tpu.memory_space<vmem>>
    %dma_wait3A_641 = tpu.memref_slice %arg2[%select_n3A, %squeeze3A_596, %min3A_626] : memref<8x1024x3072xf32, #tpu.memory_space<hbm>> -> memref<1x64x200xf32, #tpu.memory_space<hbm>>
    %dma_wait3A_642 = tpu.memref_squeeze %dma_wait3A_641 : memref<1x64x200xf32, #tpu.memory_space<hbm>> -> memref<64x200xf32, #tpu.memory_space<hbm>>
    tpu.wait_dma2 semaphore(%dma_wait3A_636 : memref<!tpu.dma_semaphore, #tpu.memory_space<semaphore_mem>>) src(%dma_wait3A_642 : memref<64x200xf32, #tpu.memory_space<hbm>>) dst(%dma_wait3A_640 : memref<64x200xf32, #tpu.memory_space<vmem>>)
    %slice3A_643 = vector.extract_strided_slice %get3A_34 {offsets = [4], sizes = [1], strides = [1]} : vector<16xi32> to vector<1xi32>
    %squeeze3A_644 = vector.extract %slice3A_643[0] : i32 from vector<1xi32>
    %slice3A_645 = vector.extract_strided_slice %get3A_37 {offsets = [4], sizes = [1], strides = [1]} : vector<16xi32> to vector<1xi32>
    %squeeze3A_646 = vector.extract %slice3A_645[0] : i32 from vector<1xi32>
    %jit3A_647 = arith.constant 8 : i32
    %div3A_648 = arith.divsi %squeeze3A_646, %jit3A_647 : i32
    %sign3A_649 = arith.constant 0 : i32
    %sign3A_650 = arith.cmpi sgt, %squeeze3A_646, %sign3A_649 : i32
    %sign3A_651 = arith.extui %sign3A_650 : i1 to i32
    %sign3A_652 = arith.constant 0 : i32
    %sign3A_653 = arith.cmpi slt, %squeeze3A_646, %sign3A_652 : i32
    %sign3A_654 = arith.extui %sign3A_653 : i1 to i32
    %sign3A_655 = arith.subi %sign3A_651, %sign3A_654 : i32
    %sign3A_656 = arith.constant 0 : i32
    %sign3A_657 = arith.cmpi sgt, %jit3A_647, %sign3A_656 : i32
    %sign3A_658 = arith.extui %sign3A_657 : i1 to i32
    %sign3A_659 = arith.constant 0 : i32
    %sign3A_660 = arith.cmpi slt, %jit3A_647, %sign3A_659 : i32
    %sign3A_661 = arith.extui %sign3A_660 : i1 to i32
    %sign3A_662 = arith.subi %sign3A_658, %sign3A_661 : i32
    %ne3A_663 = arith.cmpi ne, %sign3A_655, %sign3A_662 : i32
    %rem3A_664 = arith.remsi %squeeze3A_646, %jit3A_647 : i32
    %ne3A_665 = arith.constant 0 : i32
    %ne3A_666 = arith.cmpi ne, %rem3A_664, %ne3A_665 : i32
    %and3A_667 = arith.andi %ne3A_663, %ne3A_666 : i1
    %sub3A_668 = arith.constant 1 : i32
    %sub3A_669 = arith.subi %div3A_648, %sub3A_668 : i32
    %select_n3A_670 = arith.select %and3A_667, %sub3A_669, %div3A_648 : i32
    %mul3A_671 = arith.constant 8 : i32
    %mul3A_672 = arith.muli %select_n3A_670, %mul3A_671 : i32
    %min3A_673 = arith.constant 2872 : i32
    %min3A_674 = arith.minsi %mul3A_672, %min3A_673 : i32
    %dma_start3A_675 = arith.constant 0 : i32
    %dma_start3A_676 = arith.constant 0 : i32
    %dma_start3A_677 = arith.constant 0 : i32
    %dma_start3A_678 = arith.constant 0 : i32
    %dma_start3A_679 = tpu.memref_slice %arg8[%dma_start3A_675, %dma_start3A_677, %dma_start3A_678] : memref<2x64x200xf32, #tpu.memory_space<vmem>> -> memref<1x64x200xf32, #tpu.memory_space<vmem>>
    %dma_start3A_680 = tpu.memref_squeeze %dma_start3A_679 : memref<1x64x200xf32, #tpu.memory_space<vmem>> -> memref<64x200xf32, #tpu.memory_space<vmem>>
    %dma_start3A_681 = tpu.memref_slice %arg2[%select_n3A, %squeeze3A_644, %min3A_674] : memref<8x1024x3072xf32, #tpu.memory_space<hbm>> -> memref<1x64x200xf32, #tpu.memory_space<hbm>>
    %dma_start3A_682 = tpu.memref_squeeze %dma_start3A_681 : memref<1x64x200xf32, #tpu.memory_space<hbm>> -> memref<64x200xf32, #tpu.memory_space<hbm>>
    %dma_start3A_683 = tpu.memref_slice %arg10[%dma_start3A_676] : memref<2x!tpu.dma_semaphore, #tpu.memory_space<semaphore_mem>> -> memref<1x!tpu.dma_semaphore, #tpu.memory_space<semaphore_mem>>
    %dma_start3A_684 = tpu.memref_squeeze %dma_start3A_683 : memref<1x!tpu.dma_semaphore, #tpu.memory_space<semaphore_mem>> -> memref<!tpu.dma_semaphore, #tpu.memory_space<semaphore_mem>>
    %dma_start3A_685 = arith.constant 0 : i32
    %dma_start3A_686 = arith.constant 0 : i32
    %dma_start3A_687 = tpu.memref_slice %arg8[%dma_start3A_675, %dma_start3A_685, %dma_start3A_686] : memref<2x64x200xf32, #tpu.memory_space<vmem>> -> memref<1x64x200xf32, #tpu.memory_space<vmem>>
    %dma_start3A_688 = tpu.memref_squeeze %dma_start3A_687 : memref<1x64x200xf32, #tpu.memory_space<vmem>> -> memref<64x200xf32, #tpu.memory_space<vmem>>
    %dma_start3A_689 = tpu.memref_slice %arg2[%select_n3A, %squeeze3A_644, %min3A_674] : memref<8x1024x3072xf32, #tpu.memory_space<hbm>> -> memref<1x64x200xf32, #tpu.memory_space<hbm>>
    %dma_start3A_690 = tpu.memref_squeeze %dma_start3A_689 : memref<1x64x200xf32, #tpu.memory_space<hbm>> -> memref<64x200xf32, #tpu.memory_space<hbm>>
    tpu.enqueue_dma source(%dma_start3A_690 : memref<64x200xf32, #tpu.memory_space<hbm>>) target(%dma_start3A_688 : memref<64x200xf32, #tpu.memory_space<vmem>>) target_semaphore(%dma_start3A_684 : memref<!tpu.dma_semaphore, #tpu.memory_space<semaphore_mem>>)
    %add3A_691 = arith.constant 1 : i32
    %add3A_692 = arith.addi %mul3A_32, %add3A_691 : i32
    %dma_wait3A_693 = arith.constant 1 : i32
    %dma_wait3A_694 = arith.constant 1 : i32
    %dma_wait3A_695 = arith.constant 0 : i32
    %dma_wait3A_696 = arith.constant 0 : i32
    %dma_wait3A_697 = tpu.memref_slice %arg9[%dma_wait3A_693, %dma_wait3A_695, %dma_wait3A_696] : memref<2x64x192xf32, #tpu.memory_space<vmem>> -> memref<1x64x192xf32, #tpu.memory_space<vmem>>
    %dma_wait3A_698 = tpu.memref_squeeze %dma_wait3A_697 : memref<1x64x192xf32, #tpu.memory_space<vmem>> -> memref<64x192xf32, #tpu.memory_space<vmem>>
    %dma_wait3A_699 = arith.constant 0 : i32
    %dma_wait3A_700 = arith.constant 0 : i32
    %dma_wait3A_701 = tpu.memref_slice %arg5[%select_n3A, %add3A_692, %dma_wait3A_699, %dma_wait3A_700] : memref<8x32x64x192xf32, #tpu.memory_space<hbm>> -> memref<1x1x64x192xf32, #tpu.memory_space<hbm>>
    %dma_wait3A_702 = tpu.memref_squeeze %dma_wait3A_701 : memref<1x1x64x192xf32, #tpu.memory_space<hbm>> -> memref<64x192xf32, #tpu.memory_space<hbm>>
    %dma_wait3A_703 = tpu.memref_slice %arg11[%dma_wait3A_694] : memref<2x!tpu.dma_semaphore, #tpu.memory_space<semaphore_mem>> -> memref<1x!tpu.dma_semaphore, #tpu.memory_space<semaphore_mem>>
    %dma_wait3A_704 = tpu.memref_squeeze %dma_wait3A_703 : memref<1x!tpu.dma_semaphore, #tpu.memory_space<semaphore_mem>> -> memref<!tpu.dma_semaphore, #tpu.memory_space<semaphore_mem>>
    %dma_wait3A_705 = arith.constant 0 : i32
    %dma_wait3A_706 = arith.constant 0 : i32
    %dma_wait3A_707 = tpu.memref_slice %arg5[%select_n3A, %add3A_692, %dma_wait3A_705, %dma_wait3A_706] : memref<8x32x64x192xf32, #tpu.memory_space<hbm>> -> memref<1x1x64x192xf32, #tpu.memory_space<hbm>>
    %dma_wait3A_708 = tpu.memref_squeeze %dma_wait3A_707 : memref<1x1x64x192xf32, #tpu.memory_space<hbm>> -> memref<64x192xf32, #tpu.memory_space<hbm>>
    %dma_wait3A_709 = arith.constant 0 : i32
    %dma_wait3A_710 = arith.constant 0 : i32
    %dma_wait3A_711 = tpu.memref_slice %arg9[%dma_wait3A_693, %dma_wait3A_709, %dma_wait3A_710] : memref<2x64x192xf32, #tpu.memory_space<vmem>> -> memref<1x64x192xf32, #tpu.memory_space<vmem>>
    %dma_wait3A_712 = tpu.memref_squeeze %dma_wait3A_711 : memref<1x64x192xf32, #tpu.memory_space<vmem>> -> memref<64x192xf32, #tpu.memory_space<vmem>>
    tpu.wait_dma2 semaphore(%dma_wait3A_704 : memref<!tpu.dma_semaphore, #tpu.memory_space<semaphore_mem>>) src(%dma_wait3A_712 : memref<64x192xf32, #tpu.memory_space<vmem>>) dst(%dma_wait3A_708 : memref<64x192xf32, #tpu.memory_space<hbm>>)
    %scan3A_713 = arith.constant 0 : i32
    %scan3A_714 = arith.constant 64 : i32
    %scan3A_715 = arith.addi %scan3A_713, %scan3A_714 : i32
    %scan3A_716 = arith.constant 1 : i32
    scf.for %scan3A_1440 = %scan3A_713 to %scan3A_715 step %scan3A_716  : i32 {
      %add3A_1441 = arith.constant 0 : i32
      %add3A_1442 = arith.addi %sub3A_594, %add3A_1441 : i32
      %get3A_1443 = arith.constant 1 : i32
      %get3A_1444 = arith.index_cast %get3A_1443 : i32 to index
      %get3A_1445 = arith.index_cast %scan3A_1440 : i32 to index
      %get3A_1446 = arith.index_cast %add3A_1442 : i32 to index
      %get3A_1447 = tpu.vector_load %arg8[%get3A_1444, %get3A_1445, %get3A_1446] {strides = array<i32>} : memref<2x64x200xf32, #tpu.memory_space<vmem>>, vector<1x1x16xf32>,
      %get3A_1448 = vector.shape_cast %get3A_1447 : vector<1x1x16xf32> to vector<16xf32>
      %swap3A = arith.constant 1 : i32
      %swap3A_1449 = arith.index_cast %swap3A : i32 to index
      %swap3A_1450 = arith.index_cast %scan3A_1440 : i32 to index
      %swap3A_1451 = arith.constant 0 : index
      %swap3A_1452 = tpu.vector_load %arg9[%swap3A_1449, %swap3A_1450, %swap3A_1451] {strides = array<i32>} : memref<2x64x192xf32, #tpu.memory_space<vmem>>, vector<1x1x16xf32>,
      %swap3A_1453 = vector.shape_cast %swap3A_1452 : vector<1x1x16xf32> to vector<16xf32>
      %swap3A_1454 = vector.shape_cast %get3A_1448 : vector<16xf32> to vector<1x1x16xf32>
      tpu.vector_store %arg9[%swap3A_1449, %swap3A_1450, %swap3A_1451], %swap3A_1454 {strides = array<i32>} : memref<2x64x192xf32, #tpu.memory_space<vmem>>, vector<1x1x16xf32>,
      %add3A_1455 = arith.constant 16 : i32
      %add3A_1456 = arith.addi %sub3A_594, %add3A_1455 : i32
      %get3A_1457 = arith.constant 1 : i32
      %get3A_1458 = arith.index_cast %get3A_1457 : i32 to index
      %get3A_1459 = arith.index_cast %scan3A_1440 : i32 to index
      %get3A_1460 = arith.index_cast %add3A_1456 : i32 to index
      %get3A_1461 = tpu.vector_load %arg8[%get3A_1458, %get3A_1459, %get3A_1460] {strides = array<i32>} : memref<2x64x200xf32, #tpu.memory_space<vmem>>, vector<1x1x16xf32>,
      %get3A_1462 = vector.shape_cast %get3A_1461 : vector<1x1x16xf32> to vector<16xf32>
      %swap3A_1463 = arith.constant 1 : i32
      %swap3A_1464 = arith.index_cast %swap3A_1463 : i32 to index
      %swap3A_1465 = arith.index_cast %scan3A_1440 : i32 to index
      %swap3A_1466 = arith.constant 16 : index
      %swap3A_1467 = tpu.vector_load %arg9[%swap3A_1464, %swap3A_1465, %swap3A_1466] {strides = array<i32>} : memref<2x64x192xf32, #tpu.memory_space<vmem>>, vector<1x1x16xf32>,
      %swap3A_1468 = vector.shape_cast %swap3A_1467 : vector<1x1x16xf32> to vector<16xf32>
      %swap3A_1469 = vector.shape_cast %get3A_1462 : vector<16xf32> to vector<1x1x16xf32>
      tpu.vector_store %arg9[%swap3A_1464, %swap3A_1465, %swap3A_1466], %swap3A_1469 {strides = array<i32>} : memref<2x64x192xf32, #tpu.memory_space<vmem>>, vector<1x1x16xf32>,
      %add3A_1470 = arith.constant 32 : i32
      %add3A_1471 = arith.addi %sub3A_594, %add3A_1470 : i32
      %get3A_1472 = arith.constant 1 : i32
      %get3A_1473 = arith.index_cast %get3A_1472 : i32 to index
      %get3A_1474 = arith.index_cast %scan3A_1440 : i32 to index
      %get3A_1475 = arith.index_cast %add3A_1471 : i32 to index
      %get3A_1476 = tpu.vector_load %arg8[%get3A_1473, %get3A_1474, %get3A_1475] {strides = array<i32>} : memref<2x64x200xf32, #tpu.memory_space<vmem>>, vector<1x1x16xf32>,
      %get3A_1477 = vector.shape_cast %get3A_1476 : vector<1x1x16xf32> to vector<16xf32>
      %swap3A_1478 = arith.constant 1 : i32
      %swap3A_1479 = arith.index_cast %swap3A_1478 : i32 to index
      %swap3A_1480 = arith.index_cast %scan3A_1440 : i32 to index
      %swap3A_1481 = arith.constant 32 : index
      %swap3A_1482 = tpu.vector_load %arg9[%swap3A_1479, %swap3A_1480, %swap3A_1481] {strides = array<i32>} : memref<2x64x192xf32, #tpu.memory_space<vmem>>, vector<1x1x16xf32>,
      %swap3A_1483 = vector.shape_cast %swap3A_1482 : vector<1x1x16xf32> to vector<16xf32>
      %swap3A_1484 = vector.shape_cast %get3A_1477 : vector<16xf32> to vector<1x1x16xf32>
      tpu.vector_store %arg9[%swap3A_1479, %swap3A_1480, %swap3A_1481], %swap3A_1484 {strides = array<i32>} : memref<2x64x192xf32, #tpu.memory_space<vmem>>, vector<1x1x16xf32>,
      %add3A_1485 = arith.constant 48 : i32
      %add3A_1486 = arith.addi %sub3A_594, %add3A_1485 : i32
      %get3A_1487 = arith.constant 1 : i32
      %get3A_1488 = arith.index_cast %get3A_1487 : i32 to index
      %get3A_1489 = arith.index_cast %scan3A_1440 : i32 to index
      %get3A_1490 = arith.index_cast %add3A_1486 : i32 to index
      %get3A_1491 = tpu.vector_load %arg8[%get3A_1488, %get3A_1489, %get3A_1490] {strides = array<i32>} : memref<2x64x200xf32, #tpu.memory_space<vmem>>, vector<1x1x16xf32>,
      %get3A_1492 = vector.shape_cast %get3A_1491 : vector<1x1x16xf32> to vector<16xf32>
      %swap3A_1493 = arith.constant 1 : i32
      %swap3A_1494 = arith.index_cast %swap3A_1493 : i32 to index
      %swap3A_1495 = arith.index_cast %scan3A_1440 : i32 to index
      %swap3A_1496 = arith.constant 48 : index
      %swap3A_1497 = tpu.vector_load %arg9[%swap3A_1494, %swap3A_1495, %swap3A_1496] {strides = array<i32>} : memref<2x64x192xf32, #tpu.memory_space<vmem>>, vector<1x1x16xf32>,
      %swap3A_1498 = vector.shape_cast %swap3A_1497 : vector<1x1x16xf32> to vector<16xf32>
      %swap3A_1499 = vector.shape_cast %get3A_1492 : vector<16xf32> to vector<1x1x16xf32>
      tpu.vector_store %arg9[%swap3A_1494, %swap3A_1495, %swap3A_1496], %swap3A_1499 {strides = array<i32>} : memref<2x64x192xf32, #tpu.memory_space<vmem>>, vector<1x1x16xf32>,
      %add3A_1500 = arith.constant 64 : i32
      %add3A_1501 = arith.addi %sub3A_594, %add3A_1500 : i32
      %get3A_1502 = arith.constant 1 : i32
      %get3A_1503 = arith.index_cast %get3A_1502 : i32 to index
      %get3A_1504 = arith.index_cast %scan3A_1440 : i32 to index
      %get3A_1505 = arith.index_cast %add3A_1501 : i32 to index
      %get3A_1506 = tpu.vector_load %arg8[%get3A_1503, %get3A_1504, %get3A_1505] {strides = array<i32>} : memref<2x64x200xf32, #tpu.memory_space<vmem>>, vector<1x1x16xf32>,
      %get3A_1507 = vector.shape_cast %get3A_1506 : vector<1x1x16xf32> to vector<16xf32>
      %swap3A_1508 = arith.constant 1 : i32
      %swap3A_1509 = arith.index_cast %swap3A_1508 : i32 to index
      %swap3A_1510 = arith.index_cast %scan3A_1440 : i32 to index
      %swap3A_1511 = arith.constant 64 : index
      %swap3A_1512 = tpu.vector_load %arg9[%swap3A_1509, %swap3A_1510, %swap3A_1511] {strides = array<i32>} : memref<2x64x192xf32, #tpu.memory_space<vmem>>, vector<1x1x16xf32>,
      %swap3A_1513 = vector.shape_cast %swap3A_1512 : vector<1x1x16xf32> to vector<16xf32>
      %swap3A_1514 = vector.shape_cast %get3A_1507 : vector<16xf32> to vector<1x1x16xf32>
      tpu.vector_store %arg9[%swap3A_1509, %swap3A_1510, %swap3A_1511], %swap3A_1514 {strides = array<i32>} : memref<2x64x192xf32, #tpu.memory_space<vmem>>, vector<1x1x16xf32>,
      %add3A_1515 = arith.constant 80 : i32
      %add3A_1516 = arith.addi %sub3A_594, %add3A_1515 : i32
      %get3A_1517 = arith.constant 1 : i32
      %get3A_1518 = arith.index_cast %get3A_1517 : i32 to index
      %get3A_1519 = arith.index_cast %scan3A_1440 : i32 to index
      %get3A_1520 = arith.index_cast %add3A_1516 : i32 to index
      %get3A_1521 = tpu.vector_load %arg8[%get3A_1518, %get3A_1519, %get3A_1520] {strides = array<i32>} : memref<2x64x200xf32, #tpu.memory_space<vmem>>, vector<1x1x16xf32>,
      %get3A_1522 = vector.shape_cast %get3A_1521 : vector<1x1x16xf32> to vector<16xf32>
      %swap3A_1523 = arith.constant 1 : i32
      %swap3A_1524 = arith.index_cast %swap3A_1523 : i32 to index
      %swap3A_1525 = arith.index_cast %scan3A_1440 : i32 to index
      %swap3A_1526 = arith.constant 80 : index
      %swap3A_1527 = tpu.vector_load %arg9[%swap3A_1524, %swap3A_1525, %swap3A_1526] {strides = array<i32>} : memref<2x64x192xf32, #tpu.memory_space<vmem>>, vector<1x1x16xf32>,
      %swap3A_1528 = vector.shape_cast %swap3A_1527 : vector<1x1x16xf32> to vector<16xf32>
      %swap3A_1529 = vector.shape_cast %get3A_1522 : vector<16xf32> to vector<1x1x16xf32>
      tpu.vector_store %arg9[%swap3A_1524, %swap3A_1525, %swap3A_1526], %swap3A_1529 {strides = array<i32>} : memref<2x64x192xf32, #tpu.memory_space<vmem>>, vector<1x1x16xf32>,
      %add3A_1530 = arith.constant 96 : i32
      %add3A_1531 = arith.addi %sub3A_594, %add3A_1530 : i32
      %get3A_1532 = arith.constant 1 : i32
      %get3A_1533 = arith.index_cast %get3A_1532 : i32 to index
      %get3A_1534 = arith.index_cast %scan3A_1440 : i32 to index
      %get3A_1535 = arith.index_cast %add3A_1531 : i32 to index
      %get3A_1536 = tpu.vector_load %arg8[%get3A_1533, %get3A_1534, %get3A_1535] {strides = array<i32>} : memref<2x64x200xf32, #tpu.memory_space<vmem>>, vector<1x1x16xf32>,
      %get3A_1537 = vector.shape_cast %get3A_1536 : vector<1x1x16xf32> to vector<16xf32>
      %swap3A_1538 = arith.constant 1 : i32
      %swap3A_1539 = arith.index_cast %swap3A_1538 : i32 to index
      %swap3A_1540 = arith.index_cast %scan3A_1440 : i32 to index
      %swap3A_1541 = arith.constant 96 : index
      %swap3A_1542 = tpu.vector_load %arg9[%swap3A_1539, %swap3A_1540, %swap3A_1541] {strides = array<i32>} : memref<2x64x192xf32, #tpu.memory_space<vmem>>, vector<1x1x16xf32>,
      %swap3A_1543 = vector.shape_cast %swap3A_1542 : vector<1x1x16xf32> to vector<16xf32>
      %swap3A_1544 = vector.shape_cast %get3A_1537 : vector<16xf32> to vector<1x1x16xf32>
      tpu.vector_store %arg9[%swap3A_1539, %swap3A_1540, %swap3A_1541], %swap3A_1544 {strides = array<i32>} : memref<2x64x192xf32, #tpu.memory_space<vmem>>, vector<1x1x16xf32>,
      %add3A_1545 = arith.constant 112 : i32
      %add3A_1546 = arith.addi %sub3A_594, %add3A_1545 : i32
      %get3A_1547 = arith.constant 1 : i32
      %get3A_1548 = arith.index_cast %get3A_1547 : i32 to index
      %get3A_1549 = arith.index_cast %scan3A_1440 : i32 to index
      %get3A_1550 = arith.index_cast %add3A_1546 : i32 to index
      %get3A_1551 = tpu.vector_load %arg8[%get3A_1548, %get3A_1549, %get3A_1550] {strides = array<i32>} : memref<2x64x200xf32, #tpu.memory_space<vmem>>, vector<1x1x16xf32>,
      %get3A_1552 = vector.shape_cast %get3A_1551 : vector<1x1x16xf32> to vector<16xf32>
      %swap3A_1553 = arith.constant 1 : i32
      %swap3A_1554 = arith.index_cast %swap3A_1553 : i32 to index
      %swap3A_1555 = arith.index_cast %scan3A_1440 : i32 to index
      %swap3A_1556 = arith.constant 112 : index
      %swap3A_1557 = tpu.vector_load %arg9[%swap3A_1554, %swap3A_1555, %swap3A_1556] {strides = array<i32>} : memref<2x64x192xf32, #tpu.memory_space<vmem>>, vector<1x1x16xf32>,
      %swap3A_1558 = vector.shape_cast %swap3A_1557 : vector<1x1x16xf32> to vector<16xf32>
      %swap3A_1559 = vector.shape_cast %get3A_1552 : vector<16xf32> to vector<1x1x16xf32>
      tpu.vector_store %arg9[%swap3A_1554, %swap3A_1555, %swap3A_1556], %swap3A_1559 {strides = array<i32>} : memref<2x64x192xf32, #tpu.memory_space<vmem>>, vector<1x1x16xf32>,
      %add3A_1560 = arith.constant 128 : i32
      %add3A_1561 = arith.addi %sub3A_594, %add3A_1560 : i32
      %get3A_1562 = arith.constant 1 : i32
      %get3A_1563 = arith.index_cast %get3A_1562 : i32 to index
      %get3A_1564 = arith.index_cast %scan3A_1440 : i32 to index
      %get3A_1565 = arith.index_cast %add3A_1561 : i32 to index
      %get3A_1566 = tpu.vector_load %arg8[%get3A_1563, %get3A_1564, %get3A_1565] {strides = array<i32>} : memref<2x64x200xf32, #tpu.memory_space<vmem>>, vector<1x1x16xf32>,
      %get3A_1567 = vector.shape_cast %get3A_1566 : vector<1x1x16xf32> to vector<16xf32>
      %swap3A_1568 = arith.constant 1 : i32
      %swap3A_1569 = arith.index_cast %swap3A_1568 : i32 to index
      %swap3A_1570 = arith.index_cast %scan3A_1440 : i32 to index
      %swap3A_1571 = arith.constant 128 : index
      %swap3A_1572 = tpu.vector_load %arg9[%swap3A_1569, %swap3A_1570, %swap3A_1571] {strides = array<i32>} : memref<2x64x192xf32, #tpu.memory_space<vmem>>, vector<1x1x16xf32>,
      %swap3A_1573 = vector.shape_cast %swap3A_1572 : vector<1x1x16xf32> to vector<16xf32>
      %swap3A_1574 = vector.shape_cast %get3A_1567 : vector<16xf32> to vector<1x1x16xf32>
      tpu.vector_store %arg9[%swap3A_1569, %swap3A_1570, %swap3A_1571], %swap3A_1574 {strides = array<i32>} : memref<2x64x192xf32, #tpu.memory_space<vmem>>, vector<1x1x16xf32>,
      %add3A_1575 = arith.constant 144 : i32
      %add3A_1576 = arith.addi %sub3A_594, %add3A_1575 : i32
      %get3A_1577 = arith.constant 1 : i32
      %get3A_1578 = arith.index_cast %get3A_1577 : i32 to index
      %get3A_1579 = arith.index_cast %scan3A_1440 : i32 to index
      %get3A_1580 = arith.index_cast %add3A_1576 : i32 to index
      %get3A_1581 = tpu.vector_load %arg8[%get3A_1578, %get3A_1579, %get3A_1580] {strides = array<i32>} : memref<2x64x200xf32, #tpu.memory_space<vmem>>, vector<1x1x16xf32>,
      %get3A_1582 = vector.shape_cast %get3A_1581 : vector<1x1x16xf32> to vector<16xf32>
      %swap3A_1583 = arith.constant 1 : i32
      %swap3A_1584 = arith.index_cast %swap3A_1583 : i32 to index
      %swap3A_1585 = arith.index_cast %scan3A_1440 : i32 to index
      %swap3A_1586 = arith.constant 144 : index
      %swap3A_1587 = tpu.vector_load %arg9[%swap3A_1584, %swap3A_1585, %swap3A_1586] {strides = array<i32>} : memref<2x64x192xf32, #tpu.memory_space<vmem>>, vector<1x1x16xf32>,
      %swap3A_1588 = vector.shape_cast %swap3A_1587 : vector<1x1x16xf32> to vector<16xf32>
      %swap3A_1589 = vector.shape_cast %get3A_1582 : vector<16xf32> to vector<1x1x16xf32>
      tpu.vector_store %arg9[%swap3A_1584, %swap3A_1585, %swap3A_1586], %swap3A_1589 {strides = array<i32>} : memref<2x64x192xf32, #tpu.memory_space<vmem>>, vector<1x1x16xf32>,
      %add3A_1590 = arith.constant 160 : i32
      %add3A_1591 = arith.addi %sub3A_594, %add3A_1590 : i32
      %get3A_1592 = arith.constant 1 : i32
      %get3A_1593 = arith.index_cast %get3A_1592 : i32 to index
      %get3A_1594 = arith.index_cast %scan3A_1440 : i32 to index
      %get3A_1595 = arith.index_cast %add3A_1591 : i32 to index
      %get3A_1596 = tpu.vector_load %arg8[%get3A_1593, %get3A_1594, %get3A_1595] {strides = array<i32>} : memref<2x64x200xf32, #tpu.memory_space<vmem>>, vector<1x1x16xf32>,
      %get3A_1597 = vector.shape_cast %get3A_1596 : vector<1x1x16xf32> to vector<16xf32>
      %swap3A_1598 = arith.constant 1 : i32
      %swap3A_1599 = arith.index_cast %swap3A_1598 : i32 to index
      %swap3A_1600 = arith.index_cast %scan3A_1440 : i32 to index
      %swap3A_1601 = arith.constant 160 : index
      %swap3A_1602 = tpu.vector_load %arg9[%swap3A_1599, %swap3A_1600, %swap3A_1601] {strides = array<i32>} : memref<2x64x192xf32, #tpu.memory_space<vmem>>, vector<1x1x16xf32>,
      %swap3A_1603 = vector.shape_cast %swap3A_1602 : vector<1x1x16xf32> to vector<16xf32>
      %swap3A_1604 = vector.shape_cast %get3A_1597 : vector<16xf32> to vector<1x1x16xf32>
      tpu.vector_store %arg9[%swap3A_1599, %swap3A_1600, %swap3A_1601], %swap3A_1604 {strides = array<i32>} : memref<2x64x192xf32, #tpu.memory_space<vmem>>, vector<1x1x16xf32>,
      %add3A_1605 = arith.constant 176 : i32
      %add3A_1606 = arith.addi %sub3A_594, %add3A_1605 : i32
      %get3A_1607 = arith.constant 1 : i32
      %get3A_1608 = arith.index_cast %get3A_1607 : i32 to index
      %get3A_1609 = arith.index_cast %scan3A_1440 : i32 to index
      %get3A_1610 = arith.index_cast %add3A_1606 : i32 to index
      %get3A_1611 = tpu.vector_load %arg8[%get3A_1608, %get3A_1609, %get3A_1610] {strides = array<i32>} : memref<2x64x200xf32, #tpu.memory_space<vmem>>, vector<1x1x16xf32>,
      %get3A_1612 = vector.shape_cast %get3A_1611 : vector<1x1x16xf32> to vector<16xf32>
      %swap3A_1613 = arith.constant 1 : i32
      %swap3A_1614 = arith.index_cast %swap3A_1613 : i32 to index
      %swap3A_1615 = arith.index_cast %scan3A_1440 : i32 to index
      %swap3A_1616 = arith.constant 176 : index
      %swap3A_1617 = tpu.vector_load %arg9[%swap3A_1614, %swap3A_1615, %swap3A_1616] {strides = array<i32>} : memref<2x64x192xf32, #tpu.memory_space<vmem>>, vector<1x1x16xf32>,
      %swap3A_1618 = vector.shape_cast %swap3A_1617 : vector<1x1x16xf32> to vector<16xf32>
      %swap3A_1619 = vector.shape_cast %get3A_1612 : vector<16xf32> to vector<1x1x16xf32>
      tpu.vector_store %arg9[%swap3A_1614, %swap3A_1615, %swap3A_1616], %swap3A_1619 {strides = array<i32>} : memref<2x64x192xf32, #tpu.memory_space<vmem>>, vector<1x1x16xf32>,
    }
    %scan3A_717 = arith.constant 64 : i32
    %add3A_718 = arith.constant 3 : i32
    %add3A_719 = arith.addi %mul3A_32, %add3A_718 : i32
    %dma_start3A_720 = arith.constant 1 : i32
    %dma_start3A_721 = arith.constant 1 : i32
    %dma_start3A_722 = arith.constant 0 : i32
    %dma_start3A_723 = arith.constant 0 : i32
    %dma_start3A_724 = tpu.memref_slice %arg9[%dma_start3A_720, %dma_start3A_722, %dma_start3A_723] : memref<2x64x192xf32, #tpu.memory_space<vmem>> -> memref<1x64x192xf32, #tpu.memory_space<vmem>>
    %dma_start3A_725 = tpu.memref_squeeze %dma_start3A_724 : memref<1x64x192xf32, #tpu.memory_space<vmem>> -> memref<64x192xf32, #tpu.memory_space<vmem>>
    %dma_start3A_726 = arith.constant 0 : i32
    %dma_start3A_727 = arith.constant 0 : i32
    %dma_start3A_728 = tpu.memref_slice %arg5[%select_n3A, %add3A_719, %dma_start3A_726, %dma_start3A_727] : memref<8x32x64x192xf32, #tpu.memory_space<hbm>> -> memref<1x1x64x192xf32, #tpu.memory_space<hbm>>
    %dma_start3A_729 = tpu.memref_squeeze %dma_start3A_728 : memref<1x1x64x192xf32, #tpu.memory_space<hbm>> -> memref<64x192xf32, #tpu.memory_space<hbm>>
    %dma_start3A_730 = tpu.memref_slice %arg11[%dma_start3A_721] : memref<2x!tpu.dma_semaphore, #tpu.memory_space<semaphore_mem>> -> memref<1x!tpu.dma_semaphore, #tpu.memory_space<semaphore_mem>>
    %dma_start3A_731 = tpu.memref_squeeze %dma_start3A_730 : memref<1x!tpu.dma_semaphore, #tpu.memory_space<semaphore_mem>> -> memref<!tpu.dma_semaphore, #tpu.memory_space<semaphore_mem>>
    %dma_start3A_732 = arith.constant 0 : i32
    %dma_start3A_733 = arith.constant 0 : i32
    %dma_start3A_734 = tpu.memref_slice %arg5[%select_n3A, %add3A_719, %dma_start3A_732, %dma_start3A_733] : memref<8x32x64x192xf32, #tpu.memory_space<hbm>> -> memref<1x1x64x192xf32, #tpu.memory_space<hbm>>
    %dma_start3A_735 = tpu.memref_squeeze %dma_start3A_734 : memref<1x1x64x192xf32, #tpu.memory_space<hbm>> -> memref<64x192xf32, #tpu.memory_space<hbm>>
    %dma_start3A_736 = arith.constant 0 : i32
    %dma_start3A_737 = arith.constant 0 : i32
    %dma_start3A_738 = tpu.memref_slice %arg9[%dma_start3A_720, %dma_start3A_736, %dma_start3A_737] : memref<2x64x192xf32, #tpu.memory_space<vmem>> -> memref<1x64x192xf32, #tpu.memory_space<vmem>>
    %dma_start3A_739 = tpu.memref_squeeze %dma_start3A_738 : memref<1x64x192xf32, #tpu.memory_space<vmem>> -> memref<64x192xf32, #tpu.memory_space<vmem>>
    tpu.enqueue_dma source(%dma_start3A_739 : memref<64x192xf32, #tpu.memory_space<vmem>>) target(%dma_start3A_735 : memref<64x192xf32, #tpu.memory_space<hbm>>) target_semaphore(%dma_start3A_731 : memref<!tpu.dma_semaphore, #tpu.memory_space<semaphore_mem>>)
    %slice3A_740 = vector.extract_strided_slice %get3A_37 {offsets = [4], sizes = [1], strides = [1]} : vector<16xi32> to vector<1xi32>
    %squeeze3A_741 = vector.extract %slice3A_740[0] : i32 from vector<1xi32>
    %jit3A_742 = arith.constant 8 : i32
    %div3A_743 = arith.divsi %squeeze3A_741, %jit3A_742 : i32
    %sign3A_744 = arith.constant 0 : i32
    %sign3A_745 = arith.cmpi sgt, %squeeze3A_741, %sign3A_744 : i32
    %sign3A_746 = arith.extui %sign3A_745 : i1 to i32
    %sign3A_747 = arith.constant 0 : i32
    %sign3A_748 = arith.cmpi slt, %squeeze3A_741, %sign3A_747 : i32
    %sign3A_749 = arith.extui %sign3A_748 : i1 to i32
    %sign3A_750 = arith.subi %sign3A_746, %sign3A_749 : i32
    %sign3A_751 = arith.constant 0 : i32
    %sign3A_752 = arith.cmpi sgt, %jit3A_742, %sign3A_751 : i32
    %sign3A_753 = arith.extui %sign3A_752 : i1 to i32
    %sign3A_754 = arith.constant 0 : i32
    %sign3A_755 = arith.cmpi slt, %jit3A_742, %sign3A_754 : i32
    %sign3A_756 = arith.extui %sign3A_755 : i1 to i32
    %sign3A_757 = arith.subi %sign3A_753, %sign3A_756 : i32
    %ne3A_758 = arith.cmpi ne, %sign3A_750, %sign3A_757 : i32
    %rem3A_759 = arith.remsi %squeeze3A_741, %jit3A_742 : i32
    %ne3A_760 = arith.constant 0 : i32
    %ne3A_761 = arith.cmpi ne, %rem3A_759, %ne3A_760 : i32
    %and3A_762 = arith.andi %ne3A_758, %ne3A_761 : i1
    %sub3A_763 = arith.constant 1 : i32
    %sub3A_764 = arith.subi %div3A_743, %sub3A_763 : i32
    %select_n3A_765 = arith.select %and3A_762, %sub3A_764, %div3A_743 : i32
    %mul3A_766 = arith.constant 8 : i32
    %mul3A_767 = arith.muli %select_n3A_765, %mul3A_766 : i32
    %min3A_768 = arith.constant 2872 : i32
    %min3A_769 = arith.minsi %mul3A_767, %min3A_768 : i32
    %sub3A_770 = arith.subi %squeeze3A_741, %min3A_769 : i32
    %slice3A_771 = vector.extract_strided_slice %get3A_34 {offsets = [4], sizes = [1], strides = [1]} : vector<16xi32> to vector<1xi32>
    %squeeze3A_772 = vector.extract %slice3A_771[0] : i32 from vector<1xi32>
    %slice3A_773 = vector.extract_strided_slice %get3A_37 {offsets = [4], sizes = [1], strides = [1]} : vector<16xi32> to vector<1xi32>
    %squeeze3A_774 = vector.extract %slice3A_773[0] : i32 from vector<1xi32>
    %jit3A_775 = arith.constant 8 : i32
    %div3A_776 = arith.divsi %squeeze3A_774, %jit3A_775 : i32
    %sign3A_777 = arith.constant 0 : i32
    %sign3A_778 = arith.cmpi sgt, %squeeze3A_774, %sign3A_777 : i32
    %sign3A_779 = arith.extui %sign3A_778 : i1 to i32
    %sign3A_780 = arith.constant 0 : i32
    %sign3A_781 = arith.cmpi slt, %squeeze3A_774, %sign3A_780 : i32
    %sign3A_782 = arith.extui %sign3A_781 : i1 to i32
    %sign3A_783 = arith.subi %sign3A_779, %sign3A_782 : i32
    %sign3A_784 = arith.constant 0 : i32
    %sign3A_785 = arith.cmpi sgt, %jit3A_775, %sign3A_784 : i32
    %sign3A_786 = arith.extui %sign3A_785 : i1 to i32
    %sign3A_787 = arith.constant 0 : i32
    %sign3A_788 = arith.cmpi slt, %jit3A_775, %sign3A_787 : i32
    %sign3A_789 = arith.extui %sign3A_788 : i1 to i32
    %sign3A_790 = arith.subi %sign3A_786, %sign3A_789 : i32
    %ne3A_791 = arith.cmpi ne, %sign3A_783, %sign3A_790 : i32
    %rem3A_792 = arith.remsi %squeeze3A_774, %jit3A_775 : i32
    %ne3A_793 = arith.constant 0 : i32
    %ne3A_794 = arith.cmpi ne, %rem3A_792, %ne3A_793 : i32
    %and3A_795 = arith.andi %ne3A_791, %ne3A_794 : i1
    %sub3A_796 = arith.constant 1 : i32
    %sub3A_797 = arith.subi %div3A_776, %sub3A_796 : i32
    %select_n3A_798 = arith.select %and3A_795, %sub3A_797, %div3A_776 : i32
    %mul3A_799 = arith.constant 8 : i32
    %mul3A_800 = arith.muli %select_n3A_798, %mul3A_799 : i32
    %min3A_801 = arith.constant 2872 : i32
    %min3A_802 = arith.minsi %mul3A_800, %min3A_801 : i32
    %dma_wait3A_803 = arith.constant 0 : i32
    %dma_wait3A_804 = arith.constant 0 : i32
    %dma_wait3A_805 = arith.constant 0 : i32
    %dma_wait3A_806 = arith.constant 0 : i32
    %dma_wait3A_807 = tpu.memref_slice %arg8[%dma_wait3A_803, %dma_wait3A_805, %dma_wait3A_806] : memref<2x64x200xf32, #tpu.memory_space<vmem>> -> memref<1x64x200xf32, #tpu.memory_space<vmem>>
    %dma_wait3A_808 = tpu.memref_squeeze %dma_wait3A_807 : memref<1x64x200xf32, #tpu.memory_space<vmem>> -> memref<64x200xf32, #tpu.memory_space<vmem>>
    %dma_wait3A_809 = tpu.memref_slice %arg2[%select_n3A, %squeeze3A_772, %min3A_802] : memref<8x1024x3072xf32, #tpu.memory_space<hbm>> -> memref<1x64x200xf32, #tpu.memory_space<hbm>>
    %dma_wait3A_810 = tpu.memref_squeeze %dma_wait3A_809 : memref<1x64x200xf32, #tpu.memory_space<hbm>> -> memref<64x200xf32, #tpu.memory_space<hbm>>
    %dma_wait3A_811 = tpu.memref_slice %arg10[%dma_wait3A_804] : memref<2x!tpu.dma_semaphore, #tpu.memory_space<semaphore_mem>> -> memref<1x!tpu.dma_semaphore, #tpu.memory_space<semaphore_mem>>
    %dma_wait3A_812 = tpu.memref_squeeze %dma_wait3A_811 : memref<1x!tpu.dma_semaphore, #tpu.memory_space<semaphore_mem>> -> memref<!tpu.dma_semaphore, #tpu.memory_space<semaphore_mem>>
    %dma_wait3A_813 = arith.constant 0 : i32
    %dma_wait3A_814 = arith.constant 0 : i32
    %dma_wait3A_815 = tpu.memref_slice %arg8[%dma_wait3A_803, %dma_wait3A_813, %dma_wait3A_814] : memref<2x64x200xf32, #tpu.memory_space<vmem>> -> memref<1x64x200xf32, #tpu.memory_space<vmem>>
    %dma_wait3A_816 = tpu.memref_squeeze %dma_wait3A_815 : memref<1x64x200xf32, #tpu.memory_space<vmem>> -> memref<64x200xf32, #tpu.memory_space<vmem>>
    %dma_wait3A_817 = tpu.memref_slice %arg2[%select_n3A, %squeeze3A_772, %min3A_802] : memref<8x1024x3072xf32, #tpu.memory_space<hbm>> -> memref<1x64x200xf32, #tpu.memory_space<hbm>>
    %dma_wait3A_818 = tpu.memref_squeeze %dma_wait3A_817 : memref<1x64x200xf32, #tpu.memory_space<hbm>> -> memref<64x200xf32, #tpu.memory_space<hbm>>
    tpu.wait_dma2 semaphore(%dma_wait3A_812 : memref<!tpu.dma_semaphore, #tpu.memory_space<semaphore_mem>>) src(%dma_wait3A_818 : memref<64x200xf32, #tpu.memory_space<hbm>>) dst(%dma_wait3A_816 : memref<64x200xf32, #tpu.memory_space<vmem>>)
    %slice3A_819 = vector.extract_strided_slice %get3A_34 {offsets = [5], sizes = [1], strides = [1]} : vector<16xi32> to vector<1xi32>
    %squeeze3A_820 = vector.extract %slice3A_819[0] : i32 from vector<1xi32>
    %slice3A_821 = vector.extract_strided_slice %get3A_37 {offsets = [5], sizes = [1], strides = [1]} : vector<16xi32> to vector<1xi32>
    %squeeze3A_822 = vector.extract %slice3A_821[0] : i32 from vector<1xi32>
    %jit3A_823 = arith.constant 8 : i32
    %div3A_824 = arith.divsi %squeeze3A_822, %jit3A_823 : i32
    %sign3A_825 = arith.constant 0 : i32
    %sign3A_826 = arith.cmpi sgt, %squeeze3A_822, %sign3A_825 : i32
    %sign3A_827 = arith.extui %sign3A_826 : i1 to i32
    %sign3A_828 = arith.constant 0 : i32
    %sign3A_829 = arith.cmpi slt, %squeeze3A_822, %sign3A_828 : i32
    %sign3A_830 = arith.extui %sign3A_829 : i1 to i32
    %sign3A_831 = arith.subi %sign3A_827, %sign3A_830 : i32
    %sign3A_832 = arith.constant 0 : i32
    %sign3A_833 = arith.cmpi sgt, %jit3A_823, %sign3A_832 : i32
    %sign3A_834 = arith.extui %sign3A_833 : i1 to i32
    %sign3A_835 = arith.constant 0 : i32
    %sign3A_836 = arith.cmpi slt, %jit3A_823, %sign3A_835 : i32
    %sign3A_837 = arith.extui %sign3A_836 : i1 to i32
    %sign3A_838 = arith.subi %sign3A_834, %sign3A_837 : i32
    %ne3A_839 = arith.cmpi ne, %sign3A_831, %sign3A_838 : i32
    %rem3A_840 = arith.remsi %squeeze3A_822, %jit3A_823 : i32
    %ne3A_841 = arith.constant 0 : i32
    %ne3A_842 = arith.cmpi ne, %rem3A_840, %ne3A_841 : i32
    %and3A_843 = arith.andi %ne3A_839, %ne3A_842 : i1
    %sub3A_844 = arith.constant 1 : i32
    %sub3A_845 = arith.subi %div3A_824, %sub3A_844 : i32
    %select_n3A_846 = arith.select %and3A_843, %sub3A_845, %div3A_824 : i32
    %mul3A_847 = arith.constant 8 : i32
    %mul3A_848 = arith.muli %select_n3A_846, %mul3A_847 : i32
    %min3A_849 = arith.constant 2872 : i32
    %min3A_850 = arith.minsi %mul3A_848, %min3A_849 : i32
    %dma_start3A_851 = arith.constant 1 : i32
    %dma_start3A_852 = arith.constant 1 : i32
    %dma_start3A_853 = arith.constant 0 : i32
    %dma_start3A_854 = arith.constant 0 : i32
    %dma_start3A_855 = tpu.memref_slice %arg8[%dma_start3A_851, %dma_start3A_853, %dma_start3A_854] : memref<2x64x200xf32, #tpu.memory_space<vmem>> -> memref<1x64x200xf32, #tpu.memory_space<vmem>>
    %dma_start3A_856 = tpu.memref_squeeze %dma_start3A_855 : memref<1x64x200xf32, #tpu.memory_space<vmem>> -> memref<64x200xf32, #tpu.memory_space<vmem>>
    %dma_start3A_857 = tpu.memref_slice %arg2[%select_n3A, %squeeze3A_820, %min3A_850] : memref<8x1024x3072xf32, #tpu.memory_space<hbm>> -> memref<1x64x200xf32, #tpu.memory_space<hbm>>
    %dma_start3A_858 = tpu.memref_squeeze %dma_start3A_857 : memref<1x64x200xf32, #tpu.memory_space<hbm>> -> memref<64x200xf32, #tpu.memory_space<hbm>>
    %dma_start3A_859 = tpu.memref_slice %arg10[%dma_start3A_852] : memref<2x!tpu.dma_semaphore, #tpu.memory_space<semaphore_mem>> -> memref<1x!tpu.dma_semaphore, #tpu.memory_space<semaphore_mem>>
    %dma_start3A_860 = tpu.memref_squeeze %dma_start3A_859 : memref<1x!tpu.dma_semaphore, #tpu.memory_space<semaphore_mem>> -> memref<!tpu.dma_semaphore, #tpu.memory_space<semaphore_mem>>
    %dma_start3A_861 = arith.constant 0 : i32
    %dma_start3A_862 = arith.constant 0 : i32
    %dma_start3A_863 = tpu.memref_slice %arg8[%dma_start3A_851, %dma_start3A_861, %dma_start3A_862] : memref<2x64x200xf32, #tpu.memory_space<vmem>> -> memref<1x64x200xf32, #tpu.memory_space<vmem>>
    %dma_start3A_864 = tpu.memref_squeeze %dma_start3A_863 : memref<1x64x200xf32, #tpu.memory_space<vmem>> -> memref<64x200xf32, #tpu.memory_space<vmem>>
    %dma_start3A_865 = tpu.memref_slice %arg2[%select_n3A, %squeeze3A_820, %min3A_850] : memref<8x1024x3072xf32, #tpu.memory_space<hbm>> -> memref<1x64x200xf32, #tpu.memory_space<hbm>>
    %dma_start3A_866 = tpu.memref_squeeze %dma_start3A_865 : memref<1x64x200xf32, #tpu.memory_space<hbm>> -> memref<64x200xf32, #tpu.memory_space<hbm>>
    tpu.enqueue_dma source(%dma_start3A_866 : memref<64x200xf32, #tpu.memory_space<hbm>>) target(%dma_start3A_864 : memref<64x200xf32, #tpu.memory_space<vmem>>) target_semaphore(%dma_start3A_860 : memref<!tpu.dma_semaphore, #tpu.memory_space<semaphore_mem>>)
    %add3A_867 = arith.constant 2 : i32
    %add3A_868 = arith.addi %mul3A_32, %add3A_867 : i32
    %dma_wait3A_869 = arith.constant 0 : i32
    %dma_wait3A_870 = arith.constant 0 : i32
    %dma_wait3A_871 = arith.constant 0 : i32
    %dma_wait3A_872 = arith.constant 0 : i32
    %dma_wait3A_873 = tpu.memref_slice %arg9[%dma_wait3A_869, %dma_wait3A_871, %dma_wait3A_872] : memref<2x64x192xf32, #tpu.memory_space<vmem>> -> memref<1x64x192xf32, #tpu.memory_space<vmem>>
    %dma_wait3A_874 = tpu.memref_squeeze %dma_wait3A_873 : memref<1x64x192xf32, #tpu.memory_space<vmem>> -> memref<64x192xf32, #tpu.memory_space<vmem>>
    %dma_wait3A_875 = arith.constant 0 : i32
    %dma_wait3A_876 = arith.constant 0 : i32
    %dma_wait3A_877 = tpu.memref_slice %arg5[%select_n3A, %add3A_868, %dma_wait3A_875, %dma_wait3A_876] : memref<8x32x64x192xf32, #tpu.memory_space<hbm>> -> memref<1x1x64x192xf32, #tpu.memory_space<hbm>>
    %dma_wait3A_878 = tpu.memref_squeeze %dma_wait3A_877 : memref<1x1x64x192xf32, #tpu.memory_space<hbm>> -> memref<64x192xf32, #tpu.memory_space<hbm>>
    %dma_wait3A_879 = tpu.memref_slice %arg11[%dma_wait3A_870] : memref<2x!tpu.dma_semaphore, #tpu.memory_space<semaphore_mem>> -> memref<1x!tpu.dma_semaphore, #tpu.memory_space<semaphore_mem>>
    %dma_wait3A_880 = tpu.memref_squeeze %dma_wait3A_879 : memref<1x!tpu.dma_semaphore, #tpu.memory_space<semaphore_mem>> -> memref<!tpu.dma_semaphore, #tpu.memory_space<semaphore_mem>>
    %dma_wait3A_881 = arith.constant 0 : i32
    %dma_wait3A_882 = arith.constant 0 : i32
    %dma_wait3A_883 = tpu.memref_slice %arg5[%select_n3A, %add3A_868, %dma_wait3A_881, %dma_wait3A_882] : memref<8x32x64x192xf32, #tpu.memory_space<hbm>> -> memref<1x1x64x192xf32, #tpu.memory_space<hbm>>
    %dma_wait3A_884 = tpu.memref_squeeze %dma_wait3A_883 : memref<1x1x64x192xf32, #tpu.memory_space<hbm>> -> memref<64x192xf32, #tpu.memory_space<hbm>>
    %dma_wait3A_885 = arith.constant 0 : i32
    %dma_wait3A_886 = arith.constant 0 : i32
    %dma_wait3A_887 = tpu.memref_slice %arg9[%dma_wait3A_869, %dma_wait3A_885, %dma_wait3A_886] : memref<2x64x192xf32, #tpu.memory_space<vmem>> -> memref<1x64x192xf32, #tpu.memory_space<vmem>>
    %dma_wait3A_888 = tpu.memref_squeeze %dma_wait3A_887 : memref<1x64x192xf32, #tpu.memory_space<vmem>> -> memref<64x192xf32, #tpu.memory_space<vmem>>
    tpu.wait_dma2 semaphore(%dma_wait3A_880 : memref<!tpu.dma_semaphore, #tpu.memory_space<semaphore_mem>>) src(%dma_wait3A_888 : memref<64x192xf32, #tpu.memory_space<vmem>>) dst(%dma_wait3A_884 : memref<64x192xf32, #tpu.memory_space<hbm>>)
    %scan3A_889 = arith.constant 0 : i32
    %scan3A_890 = arith.constant 64 : i32
    %scan3A_891 = arith.addi %scan3A_889, %scan3A_890 : i32
    %scan3A_892 = arith.constant 1 : i32
    scf.for %scan3A_1440 = %scan3A_889 to %scan3A_891 step %scan3A_892  : i32 {
      %add3A_1441 = arith.constant 0 : i32
      %add3A_1442 = arith.addi %sub3A_770, %add3A_1441 : i32
      %get3A_1443 = arith.constant 0 : i32
      %get3A_1444 = arith.index_cast %get3A_1443 : i32 to index
      %get3A_1445 = arith.index_cast %scan3A_1440 : i32 to index
      %get3A_1446 = arith.index_cast %add3A_1442 : i32 to index
      %get3A_1447 = tpu.vector_load %arg8[%get3A_1444, %get3A_1445, %get3A_1446] {strides = array<i32>} : memref<2x64x200xf32, #tpu.memory_space<vmem>>, vector<1x1x16xf32>,
      %get3A_1448 = vector.shape_cast %get3A_1447 : vector<1x1x16xf32> to vector<16xf32>
      %swap3A = arith.constant 0 : i32
      %swap3A_1449 = arith.index_cast %swap3A : i32 to index
      %swap3A_1450 = arith.index_cast %scan3A_1440 : i32 to index
      %swap3A_1451 = arith.constant 0 : index
      %swap3A_1452 = tpu.vector_load %arg9[%swap3A_1449, %swap3A_1450, %swap3A_1451] {strides = array<i32>} : memref<2x64x192xf32, #tpu.memory_space<vmem>>, vector<1x1x16xf32>,
      %swap3A_1453 = vector.shape_cast %swap3A_1452 : vector<1x1x16xf32> to vector<16xf32>
      %swap3A_1454 = vector.shape_cast %get3A_1448 : vector<16xf32> to vector<1x1x16xf32>
      tpu.vector_store %arg9[%swap3A_1449, %swap3A_1450, %swap3A_1451], %swap3A_1454 {strides = array<i32>} : memref<2x64x192xf32, #tpu.memory_space<vmem>>, vector<1x1x16xf32>,
      %add3A_1455 = arith.constant 16 : i32
      %add3A_1456 = arith.addi %sub3A_770, %add3A_1455 : i32
      %get3A_1457 = arith.constant 0 : i32
      %get3A_1458 = arith.index_cast %get3A_1457 : i32 to index
      %get3A_1459 = arith.index_cast %scan3A_1440 : i32 to index
      %get3A_1460 = arith.index_cast %add3A_1456 : i32 to index
      %get3A_1461 = tpu.vector_load %arg8[%get3A_1458, %get3A_1459, %get3A_1460] {strides = array<i32>} : memref<2x64x200xf32, #tpu.memory_space<vmem>>, vector<1x1x16xf32>,
      %get3A_1462 = vector.shape_cast %get3A_1461 : vector<1x1x16xf32> to vector<16xf32>
      %swap3A_1463 = arith.constant 0 : i32
      %swap3A_1464 = arith.index_cast %swap3A_1463 : i32 to index
      %swap3A_1465 = arith.index_cast %scan3A_1440 : i32 to index
      %swap3A_1466 = arith.constant 16 : index
      %swap3A_1467 = tpu.vector_load %arg9[%swap3A_1464, %swap3A_1465, %swap3A_1466] {strides = array<i32>} : memref<2x64x192xf32, #tpu.memory_space<vmem>>, vector<1x1x16xf32>,
      %swap3A_1468 = vector.shape_cast %swap3A_1467 : vector<1x1x16xf32> to vector<16xf32>
      %swap3A_1469 = vector.shape_cast %get3A_1462 : vector<16xf32> to vector<1x1x16xf32>
      tpu.vector_store %arg9[%swap3A_1464, %swap3A_1465, %swap3A_1466], %swap3A_1469 {strides = array<i32>} : memref<2x64x192xf32, #tpu.memory_space<vmem>>, vector<1x1x16xf32>,
      %add3A_1470 = arith.constant 32 : i32
      %add3A_1471 = arith.addi %sub3A_770, %add3A_1470 : i32
      %get3A_1472 = arith.constant 0 : i32
      %get3A_1473 = arith.index_cast %get3A_1472 : i32 to index
      %get3A_1474 = arith.index_cast %scan3A_1440 : i32 to index
      %get3A_1475 = arith.index_cast %add3A_1471 : i32 to index
      %get3A_1476 = tpu.vector_load %arg8[%get3A_1473, %get3A_1474, %get3A_1475] {strides = array<i32>} : memref<2x64x200xf32, #tpu.memory_space<vmem>>, vector<1x1x16xf32>,
      %get3A_1477 = vector.shape_cast %get3A_1476 : vector<1x1x16xf32> to vector<16xf32>
      %swap3A_1478 = arith.constant 0 : i32
      %swap3A_1479 = arith.index_cast %swap3A_1478 : i32 to index
      %swap3A_1480 = arith.index_cast %scan3A_1440 : i32 to index
      %swap3A_1481 = arith.constant 32 : index
      %swap3A_1482 = tpu.vector_load %arg9[%swap3A_1479, %swap3A_1480, %swap3A_1481] {strides = array<i32>} : memref<2x64x192xf32, #tpu.memory_space<vmem>>, vector<1x1x16xf32>,
      %swap3A_1483 = vector.shape_cast %swap3A_1482 : vector<1x1x16xf32> to vector<16xf32>
      %swap3A_1484 = vector.shape_cast %get3A_1477 : vector<16xf32> to vector<1x1x16xf32>
      tpu.vector_store %arg9[%swap3A_1479, %swap3A_1480, %swap3A_1481], %swap3A_1484 {strides = array<i32>} : memref<2x64x192xf32, #tpu.memory_space<vmem>>, vector<1x1x16xf32>,
      %add3A_1485 = arith.constant 48 : i32
      %add3A_1486 = arith.addi %sub3A_770, %add3A_1485 : i32
      %get3A_1487 = arith.constant 0 : i32
      %get3A_1488 = arith.index_cast %get3A_1487 : i32 to index
      %get3A_1489 = arith.index_cast %scan3A_1440 : i32 to index
      %get3A_1490 = arith.index_cast %add3A_1486 : i32 to index
      %get3A_1491 = tpu.vector_load %arg8[%get3A_1488, %get3A_1489, %get3A_1490] {strides = array<i32>} : memref<2x64x200xf32, #tpu.memory_space<vmem>>, vector<1x1x16xf32>,
      %get3A_1492 = vector.shape_cast %get3A_1491 : vector<1x1x16xf32> to vector<16xf32>
      %swap3A_1493 = arith.constant 0 : i32
      %swap3A_1494 = arith.index_cast %swap3A_1493 : i32 to index
      %swap3A_1495 = arith.index_cast %scan3A_1440 : i32 to index
      %swap3A_1496 = arith.constant 48 : index
      %swap3A_1497 = tpu.vector_load %arg9[%swap3A_1494, %swap3A_1495, %swap3A_1496] {strides = array<i32>} : memref<2x64x192xf32, #tpu.memory_space<vmem>>, vector<1x1x16xf32>,
      %swap3A_1498 = vector.shape_cast %swap3A_1497 : vector<1x1x16xf32> to vector<16xf32>
      %swap3A_1499 = vector.shape_cast %get3A_1492 : vector<16xf32> to vector<1x1x16xf32>
      tpu.vector_store %arg9[%swap3A_1494, %swap3A_1495, %swap3A_1496], %swap3A_1499 {strides = array<i32>} : memref<2x64x192xf32, #tpu.memory_space<vmem>>, vector<1x1x16xf32>,
      %add3A_1500 = arith.constant 64 : i32
      %add3A_1501 = arith.addi %sub3A_770, %add3A_1500 : i32
      %get3A_1502 = arith.constant 0 : i32
      %get3A_1503 = arith.index_cast %get3A_1502 : i32 to index
      %get3A_1504 = arith.index_cast %scan3A_1440 : i32 to index
      %get3A_1505 = arith.index_cast %add3A_1501 : i32 to index
      %get3A_1506 = tpu.vector_load %arg8[%get3A_1503, %get3A_1504, %get3A_1505] {strides = array<i32>} : memref<2x64x200xf32, #tpu.memory_space<vmem>>, vector<1x1x16xf32>,
      %get3A_1507 = vector.shape_cast %get3A_1506 : vector<1x1x16xf32> to vector<16xf32>
      %swap3A_1508 = arith.constant 0 : i32
      %swap3A_1509 = arith.index_cast %swap3A_1508 : i32 to index
      %swap3A_1510 = arith.index_cast %scan3A_1440 : i32 to index
      %swap3A_1511 = arith.constant 64 : index
      %swap3A_1512 = tpu.vector_load %arg9[%swap3A_1509, %swap3A_1510, %swap3A_1511] {strides = array<i32>} : memref<2x64x192xf32, #tpu.memory_space<vmem>>, vector<1x1x16xf32>,
      %swap3A_1513 = vector.shape_cast %swap3A_1512 : vector<1x1x16xf32> to vector<16xf32>
      %swap3A_1514 = vector.shape_cast %get3A_1507 : vector<16xf32> to vector<1x1x16xf32>
      tpu.vector_store %arg9[%swap3A_1509, %swap3A_1510, %swap3A_1511], %swap3A_1514 {strides = array<i32>} : memref<2x64x192xf32, #tpu.memory_space<vmem>>, vector<1x1x16xf32>,
      %add3A_1515 = arith.constant 80 : i32
      %add3A_1516 = arith.addi %sub3A_770, %add3A_1515 : i32
      %get3A_1517 = arith.constant 0 : i32
      %get3A_1518 = arith.index_cast %get3A_1517 : i32 to index
      %get3A_1519 = arith.index_cast %scan3A_1440 : i32 to index
      %get3A_1520 = arith.index_cast %add3A_1516 : i32 to index
      %get3A_1521 = tpu.vector_load %arg8[%get3A_1518, %get3A_1519, %get3A_1520] {strides = array<i32>} : memref<2x64x200xf32, #tpu.memory_space<vmem>>, vector<1x1x16xf32>,
      %get3A_1522 = vector.shape_cast %get3A_1521 : vector<1x1x16xf32> to vector<16xf32>
      %swap3A_1523 = arith.constant 0 : i32
      %swap3A_1524 = arith.index_cast %swap3A_1523 : i32 to index
      %swap3A_1525 = arith.index_cast %scan3A_1440 : i32 to index
      %swap3A_1526 = arith.constant 80 : index
      %swap3A_1527 = tpu.vector_load %arg9[%swap3A_1524, %swap3A_1525, %swap3A_1526] {strides = array<i32>} : memref<2x64x192xf32, #tpu.memory_space<vmem>>, vector<1x1x16xf32>,
      %swap3A_1528 = vector.shape_cast %swap3A_1527 : vector<1x1x16xf32> to vector<16xf32>
      %swap3A_1529 = vector.shape_cast %get3A_1522 : vector<16xf32> to vector<1x1x16xf32>
      tpu.vector_store %arg9[%swap3A_1524, %swap3A_1525, %swap3A_1526], %swap3A_1529 {strides = array<i32>} : memref<2x64x192xf32, #tpu.memory_space<vmem>>, vector<1x1x16xf32>,
      %add3A_1530 = arith.constant 96 : i32
      %add3A_1531 = arith.addi %sub3A_770, %add3A_1530 : i32
      %get3A_1532 = arith.constant 0 : i32
      %get3A_1533 = arith.index_cast %get3A_1532 : i32 to index
      %get3A_1534 = arith.index_cast %scan3A_1440 : i32 to index
      %get3A_1535 = arith.index_cast %add3A_1531 : i32 to index
      %get3A_1536 = tpu.vector_load %arg8[%get3A_1533, %get3A_1534, %get3A_1535] {strides = array<i32>} : memref<2x64x200xf32, #tpu.memory_space<vmem>>, vector<1x1x16xf32>,
      %get3A_1537 = vector.shape_cast %get3A_1536 : vector<1x1x16xf32> to vector<16xf32>
      %swap3A_1538 = arith.constant 0 : i32
      %swap3A_1539 = arith.index_cast %swap3A_1538 : i32 to index
      %swap3A_1540 = arith.index_cast %scan3A_1440 : i32 to index
      %swap3A_1541 = arith.constant 96 : index
      %swap3A_1542 = tpu.vector_load %arg9[%swap3A_1539, %swap3A_1540, %swap3A_1541] {strides = array<i32>} : memref<2x64x192xf32, #tpu.memory_space<vmem>>, vector<1x1x16xf32>,
      %swap3A_1543 = vector.shape_cast %swap3A_1542 : vector<1x1x16xf32> to vector<16xf32>
      %swap3A_1544 = vector.shape_cast %get3A_1537 : vector<16xf32> to vector<1x1x16xf32>
      tpu.vector_store %arg9[%swap3A_1539, %swap3A_1540, %swap3A_1541], %swap3A_1544 {strides = array<i32>} : memref<2x64x192xf32, #tpu.memory_space<vmem>>, vector<1x1x16xf32>,
      %add3A_1545 = arith.constant 112 : i32
      %add3A_1546 = arith.addi %sub3A_770, %add3A_1545 : i32
      %get3A_1547 = arith.constant 0 : i32
      %get3A_1548 = arith.index_cast %get3A_1547 : i32 to index
      %get3A_1549 = arith.index_cast %scan3A_1440 : i32 to index
      %get3A_1550 = arith.index_cast %add3A_1546 : i32 to index
      %get3A_1551 = tpu.vector_load %arg8[%get3A_1548, %get3A_1549, %get3A_1550] {strides = array<i32>} : memref<2x64x200xf32, #tpu.memory_space<vmem>>, vector<1x1x16xf32>,
      %get3A_1552 = vector.shape_cast %get3A_1551 : vector<1x1x16xf32> to vector<16xf32>
      %swap3A_1553 = arith.constant 0 : i32
      %swap3A_1554 = arith.index_cast %swap3A_1553 : i32 to index
      %swap3A_1555 = arith.index_cast %scan3A_1440 : i32 to index
      %swap3A_1556 = arith.constant 112 : index
      %swap3A_1557 = tpu.vector_load %arg9[%swap3A_1554, %swap3A_1555, %swap3A_1556] {strides = array<i32>} : memref<2x64x192xf32, #tpu.memory_space<vmem>>, vector<1x1x16xf32>,
      %swap3A_1558 = vector.shape_cast %swap3A_1557 : vector<1x1x16xf32> to vector<16xf32>
      %swap3A_1559 = vector.shape_cast %get3A_1552 : vector<16xf32> to vector<1x1x16xf32>
      tpu.vector_store %arg9[%swap3A_1554, %swap3A_1555, %swap3A_1556], %swap3A_1559 {strides = array<i32>} : memref<2x64x192xf32, #tpu.memory_space<vmem>>, vector<1x1x16xf32>,
      %add3A_1560 = arith.constant 128 : i32
      %add3A_1561 = arith.addi %sub3A_770, %add3A_1560 : i32
      %get3A_1562 = arith.constant 0 : i32
      %get3A_1563 = arith.index_cast %get3A_1562 : i32 to index
      %get3A_1564 = arith.index_cast %scan3A_1440 : i32 to index
      %get3A_1565 = arith.index_cast %add3A_1561 : i32 to index
      %get3A_1566 = tpu.vector_load %arg8[%get3A_1563, %get3A_1564, %get3A_1565] {strides = array<i32>} : memref<2x64x200xf32, #tpu.memory_space<vmem>>, vector<1x1x16xf32>,
      %get3A_1567 = vector.shape_cast %get3A_1566 : vector<1x1x16xf32> to vector<16xf32>
      %swap3A_1568 = arith.constant 0 : i32
      %swap3A_1569 = arith.index_cast %swap3A_1568 : i32 to index
      %swap3A_1570 = arith.index_cast %scan3A_1440 : i32 to index
      %swap3A_1571 = arith.constant 128 : index
      %swap3A_1572 = tpu.vector_load %arg9[%swap3A_1569, %swap3A_1570, %swap3A_1571] {strides = array<i32>} : memref<2x64x192xf32, #tpu.memory_space<vmem>>, vector<1x1x16xf32>,
      %swap3A_1573 = vector.shape_cast %swap3A_1572 : vector<1x1x16xf32> to vector<16xf32>
      %swap3A_1574 = vector.shape_cast %get3A_1567 : vector<16xf32> to vector<1x1x16xf32>
      tpu.vector_store %arg9[%swap3A_1569, %swap3A_1570, %swap3A_1571], %swap3A_1574 {strides = array<i32>} : memref<2x64x192xf32, #tpu.memory_space<vmem>>, vector<1x1x16xf32>,
      %add3A_1575 = arith.constant 144 : i32
      %add3A_1576 = arith.addi %sub3A_770, %add3A_1575 : i32
      %get3A_1577 = arith.constant 0 : i32
      %get3A_1578 = arith.index_cast %get3A_1577 : i32 to index
      %get3A_1579 = arith.index_cast %scan3A_1440 : i32 to index
      %get3A_1580 = arith.index_cast %add3A_1576 : i32 to index
      %get3A_1581 = tpu.vector_load %arg8[%get3A_1578, %get3A_1579, %get3A_1580] {strides = array<i32>} : memref<2x64x200xf32, #tpu.memory_space<vmem>>, vector<1x1x16xf32>,
      %get3A_1582 = vector.shape_cast %get3A_1581 : vector<1x1x16xf32> to vector<16xf32>
      %swap3A_1583 = arith.constant 0 : i32
      %swap3A_1584 = arith.index_cast %swap3A_1583 : i32 to index
      %swap3A_1585 = arith.index_cast %scan3A_1440 : i32 to index
      %swap3A_1586 = arith.constant 144 : index
      %swap3A_1587 = tpu.vector_load %arg9[%swap3A_1584, %swap3A_1585, %swap3A_1586] {strides = array<i32>} : memref<2x64x192xf32, #tpu.memory_space<vmem>>, vector<1x1x16xf32>,
      %swap3A_1588 = vector.shape_cast %swap3A_1587 : vector<1x1x16xf32> to vector<16xf32>
      %swap3A_1589 = vector.shape_cast %get3A_1582 : vector<16xf32> to vector<1x1x16xf32>
      tpu.vector_store %arg9[%swap3A_1584, %swap3A_1585, %swap3A_1586], %swap3A_1589 {strides = array<i32>} : memref<2x64x192xf32, #tpu.memory_space<vmem>>, vector<1x1x16xf32>,
      %add3A_1590 = arith.constant 160 : i32
      %add3A_1591 = arith.addi %sub3A_770, %add3A_1590 : i32
      %get3A_1592 = arith.constant 0 : i32
      %get3A_1593 = arith.index_cast %get3A_1592 : i32 to index
      %get3A_1594 = arith.index_cast %scan3A_1440 : i32 to index
      %get3A_1595 = arith.index_cast %add3A_1591 : i32 to index
      %get3A_1596 = tpu.vector_load %arg8[%get3A_1593, %get3A_1594, %get3A_1595] {strides = array<i32>} : memref<2x64x200xf32, #tpu.memory_space<vmem>>, vector<1x1x16xf32>,
      %get3A_1597 = vector.shape_cast %get3A_1596 : vector<1x1x16xf32> to vector<16xf32>
      %swap3A_1598 = arith.constant 0 : i32
      %swap3A_1599 = arith.index_cast %swap3A_1598 : i32 to index
      %swap3A_1600 = arith.index_cast %scan3A_1440 : i32 to index
      %swap3A_1601 = arith.constant 160 : index
      %swap3A_1602 = tpu.vector_load %arg9[%swap3A_1599, %swap3A_1600, %swap3A_1601] {strides = array<i32>} : memref<2x64x192xf32, #tpu.memory_space<vmem>>, vector<1x1x16xf32>,
      %swap3A_1603 = vector.shape_cast %swap3A_1602 : vector<1x1x16xf32> to vector<16xf32>
      %swap3A_1604 = vector.shape_cast %get3A_1597 : vector<16xf32> to vector<1x1x16xf32>
      tpu.vector_store %arg9[%swap3A_1599, %swap3A_1600, %swap3A_1601], %swap3A_1604 {strides = array<i32>} : memref<2x64x192xf32, #tpu.memory_space<vmem>>, vector<1x1x16xf32>,
      %add3A_1605 = arith.constant 176 : i32
      %add3A_1606 = arith.addi %sub3A_770, %add3A_1605 : i32
      %get3A_1607 = arith.constant 0 : i32
      %get3A_1608 = arith.index_cast %get3A_1607 : i32 to index
      %get3A_1609 = arith.index_cast %scan3A_1440 : i32 to index
      %get3A_1610 = arith.index_cast %add3A_1606 : i32 to index
      %get3A_1611 = tpu.vector_load %arg8[%get3A_1608, %get3A_1609, %get3A_1610] {strides = array<i32>} : memref<2x64x200xf32, #tpu.memory_space<vmem>>, vector<1x1x16xf32>,
      %get3A_1612 = vector.shape_cast %get3A_1611 : vector<1x1x16xf32> to vector<16xf32>
      %swap3A_1613 = arith.constant 0 : i32
      %swap3A_1614 = arith.index_cast %swap3A_1613 : i32 to index
      %swap3A_1615 = arith.index_cast %scan3A_1440 : i32 to index
      %swap3A_1616 = arith.constant 176 : index
      %swap3A_1617 = tpu.vector_load %arg9[%swap3A_1614, %swap3A_1615, %swap3A_1616] {strides = array<i32>} : memref<2x64x192xf32, #tpu.memory_space<vmem>>, vector<1x1x16xf32>,
      %swap3A_1618 = vector.shape_cast %swap3A_1617 : vector<1x1x16xf32> to vector<16xf32>
      %swap3A_1619 = vector.shape_cast %get3A_1612 : vector<16xf32> to vector<1x1x16xf32>
      tpu.vector_store %arg9[%swap3A_1614, %swap3A_1615, %swap3A_1616], %swap3A_1619 {strides = array<i32>} : memref<2x64x192xf32, #tpu.memory_space<vmem>>, vector<1x1x16xf32>,
    }
    %scan3A_893 = arith.constant 64 : i32
    %add3A_894 = arith.constant 4 : i32
    %add3A_895 = arith.addi %mul3A_32, %add3A_894 : i32
    %dma_start3A_896 = arith.constant 0 : i32
    %dma_start3A_897 = arith.constant 0 : i32
    %dma_start3A_898 = arith.constant 0 : i32
    %dma_start3A_899 = arith.constant 0 : i32
    %dma_start3A_900 = tpu.memref_slice %arg9[%dma_start3A_896, %dma_start3A_898, %dma_start3A_899] : memref<2x64x192xf32, #tpu.memory_space<vmem>> -> memref<1x64x192xf32, #tpu.memory_space<vmem>>
    %dma_start3A_901 = tpu.memref_squeeze %dma_start3A_900 : memref<1x64x192xf32, #tpu.memory_space<vmem>> -> memref<64x192xf32, #tpu.memory_space<vmem>>
    %dma_start3A_902 = arith.constant 0 : i32
    %dma_start3A_903 = arith.constant 0 : i32
    %dma_start3A_904 = tpu.memref_slice %arg5[%select_n3A, %add3A_895, %dma_start3A_902, %dma_start3A_903] : memref<8x32x64x192xf32, #tpu.memory_space<hbm>> -> memref<1x1x64x192xf32, #tpu.memory_space<hbm>>
    %dma_start3A_905 = tpu.memref_squeeze %dma_start3A_904 : memref<1x1x64x192xf32, #tpu.memory_space<hbm>> -> memref<64x192xf32, #tpu.memory_space<hbm>>
    %dma_start3A_906 = tpu.memref_slice %arg11[%dma_start3A_897] : memref<2x!tpu.dma_semaphore, #tpu.memory_space<semaphore_mem>> -> memref<1x!tpu.dma_semaphore, #tpu.memory_space<semaphore_mem>>
    %dma_start3A_907 = tpu.memref_squeeze %dma_start3A_906 : memref<1x!tpu.dma_semaphore, #tpu.memory_space<semaphore_mem>> -> memref<!tpu.dma_semaphore, #tpu.memory_space<semaphore_mem>>
    %dma_start3A_908 = arith.constant 0 : i32
    %dma_start3A_909 = arith.constant 0 : i32
    %dma_start3A_910 = tpu.memref_slice %arg5[%select_n3A, %add3A_895, %dma_start3A_908, %dma_start3A_909] : memref<8x32x64x192xf32, #tpu.memory_space<hbm>> -> memref<1x1x64x192xf32, #tpu.memory_space<hbm>>
    %dma_start3A_911 = tpu.memref_squeeze %dma_start3A_910 : memref<1x1x64x192xf32, #tpu.memory_space<hbm>> -> memref<64x192xf32, #tpu.memory_space<hbm>>
    %dma_start3A_912 = arith.constant 0 : i32
    %dma_start3A_913 = arith.constant 0 : i32
    %dma_start3A_914 = tpu.memref_slice %arg9[%dma_start3A_896, %dma_start3A_912, %dma_start3A_913] : memref<2x64x192xf32, #tpu.memory_space<vmem>> -> memref<1x64x192xf32, #tpu.memory_space<vmem>>
    %dma_start3A_915 = tpu.memref_squeeze %dma_start3A_914 : memref<1x64x192xf32, #tpu.memory_space<vmem>> -> memref<64x192xf32, #tpu.memory_space<vmem>>
    tpu.enqueue_dma source(%dma_start3A_915 : memref<64x192xf32, #tpu.memory_space<vmem>>) target(%dma_start3A_911 : memref<64x192xf32, #tpu.memory_space<hbm>>) target_semaphore(%dma_start3A_907 : memref<!tpu.dma_semaphore, #tpu.memory_space<semaphore_mem>>)
    %slice3A_916 = vector.extract_strided_slice %get3A_37 {offsets = [5], sizes = [1], strides = [1]} : vector<16xi32> to vector<1xi32>
    %squeeze3A_917 = vector.extract %slice3A_916[0] : i32 from vector<1xi32>
    %jit3A_918 = arith.constant 8 : i32
    %div3A_919 = arith.divsi %squeeze3A_917, %jit3A_918 : i32
    %sign3A_920 = arith.constant 0 : i32
    %sign3A_921 = arith.cmpi sgt, %squeeze3A_917, %sign3A_920 : i32
    %sign3A_922 = arith.extui %sign3A_921 : i1 to i32
    %sign3A_923 = arith.constant 0 : i32
    %sign3A_924 = arith.cmpi slt, %squeeze3A_917, %sign3A_923 : i32
    %sign3A_925 = arith.extui %sign3A_924 : i1 to i32
    %sign3A_926 = arith.subi %sign3A_922, %sign3A_925 : i32
    %sign3A_927 = arith.constant 0 : i32
    %sign3A_928 = arith.cmpi sgt, %jit3A_918, %sign3A_927 : i32
    %sign3A_929 = arith.extui %sign3A_928 : i1 to i32
    %sign3A_930 = arith.constant 0 : i32
    %sign3A_931 = arith.cmpi slt, %jit3A_918, %sign3A_930 : i32
    %sign3A_932 = arith.extui %sign3A_931 : i1 to i32
    %sign3A_933 = arith.subi %sign3A_929, %sign3A_932 : i32
    %ne3A_934 = arith.cmpi ne, %sign3A_926, %sign3A_933 : i32
    %rem3A_935 = arith.remsi %squeeze3A_917, %jit3A_918 : i32
    %ne3A_936 = arith.constant 0 : i32
    %ne3A_937 = arith.cmpi ne, %rem3A_935, %ne3A_936 : i32
    %and3A_938 = arith.andi %ne3A_934, %ne3A_937 : i1
    %sub3A_939 = arith.constant 1 : i32
    %sub3A_940 = arith.subi %div3A_919, %sub3A_939 : i32
    %select_n3A_941 = arith.select %and3A_938, %sub3A_940, %div3A_919 : i32
    %mul3A_942 = arith.constant 8 : i32
    %mul3A_943 = arith.muli %select_n3A_941, %mul3A_942 : i32
    %min3A_944 = arith.constant 2872 : i32
    %min3A_945 = arith.minsi %mul3A_943, %min3A_944 : i32
    %sub3A_946 = arith.subi %squeeze3A_917, %min3A_945 : i32
    %slice3A_947 = vector.extract_strided_slice %get3A_34 {offsets = [5], sizes = [1], strides = [1]} : vector<16xi32> to vector<1xi32>
    %squeeze3A_948 = vector.extract %slice3A_947[0] : i32 from vector<1xi32>
    %slice3A_949 = vector.extract_strided_slice %get3A_37 {offsets = [5], sizes = [1], strides = [1]} : vector<16xi32> to vector<1xi32>
    %squeeze3A_950 = vector.extract %slice3A_949[0] : i32 from vector<1xi32>
    %jit3A_951 = arith.constant 8 : i32
    %div3A_952 = arith.divsi %squeeze3A_950, %jit3A_951 : i32
    %sign3A_953 = arith.constant 0 : i32
    %sign3A_954 = arith.cmpi sgt, %squeeze3A_950, %sign3A_953 : i32
    %sign3A_955 = arith.extui %sign3A_954 : i1 to i32
    %sign3A_956 = arith.constant 0 : i32
    %sign3A_957 = arith.cmpi slt, %squeeze3A_950, %sign3A_956 : i32
    %sign3A_958 = arith.extui %sign3A_957 : i1 to i32
    %sign3A_959 = arith.subi %sign3A_955, %sign3A_958 : i32
    %sign3A_960 = arith.constant 0 : i32
    %sign3A_961 = arith.cmpi sgt, %jit3A_951, %sign3A_960 : i32
    %sign3A_962 = arith.extui %sign3A_961 : i1 to i32
    %sign3A_963 = arith.constant 0 : i32
    %sign3A_964 = arith.cmpi slt, %jit3A_951, %sign3A_963 : i32
    %sign3A_965 = arith.extui %sign3A_964 : i1 to i32
    %sign3A_966 = arith.subi %sign3A_962, %sign3A_965 : i32
    %ne3A_967 = arith.cmpi ne, %sign3A_959, %sign3A_966 : i32
    %rem3A_968 = arith.remsi %squeeze3A_950, %jit3A_951 : i32
    %ne3A_969 = arith.constant 0 : i32
    %ne3A_970 = arith.cmpi ne, %rem3A_968, %ne3A_969 : i32
    %and3A_971 = arith.andi %ne3A_967, %ne3A_970 : i1
    %sub3A_972 = arith.constant 1 : i32
    %sub3A_973 = arith.subi %div3A_952, %sub3A_972 : i32
    %select_n3A_974 = arith.select %and3A_971, %sub3A_973, %div3A_952 : i32
    %mul3A_975 = arith.constant 8 : i32
    %mul3A_976 = arith.muli %select_n3A_974, %mul3A_975 : i32
    %min3A_977 = arith.constant 2872 : i32
    %min3A_978 = arith.minsi %mul3A_976, %min3A_977 : i32
    %dma_wait3A_979 = arith.constant 1 : i32
    %dma_wait3A_980 = arith.constant 1 : i32
    %dma_wait3A_981 = arith.constant 0 : i32
    %dma_wait3A_982 = arith.constant 0 : i32
    %dma_wait3A_983 = tpu.memref_slice %arg8[%dma_wait3A_979, %dma_wait3A_981, %dma_wait3A_982] : memref<2x64x200xf32, #tpu.memory_space<vmem>> -> memref<1x64x200xf32, #tpu.memory_space<vmem>>
    %dma_wait3A_984 = tpu.memref_squeeze %dma_wait3A_983 : memref<1x64x200xf32, #tpu.memory_space<vmem>> -> memref<64x200xf32, #tpu.memory_space<vmem>>
    %dma_wait3A_985 = tpu.memref_slice %arg2[%select_n3A, %squeeze3A_948, %min3A_978] : memref<8x1024x3072xf32, #tpu.memory_space<hbm>> -> memref<1x64x200xf32, #tpu.memory_space<hbm>>
    %dma_wait3A_986 = tpu.memref_squeeze %dma_wait3A_985 : memref<1x64x200xf32, #tpu.memory_space<hbm>> -> memref<64x200xf32, #tpu.memory_space<hbm>>
    %dma_wait3A_987 = tpu.memref_slice %arg10[%dma_wait3A_980] : memref<2x!tpu.dma_semaphore, #tpu.memory_space<semaphore_mem>> -> memref<1x!tpu.dma_semaphore, #tpu.memory_space<semaphore_mem>>
    %dma_wait3A_988 = tpu.memref_squeeze %dma_wait3A_987 : memref<1x!tpu.dma_semaphore, #tpu.memory_space<semaphore_mem>> -> memref<!tpu.dma_semaphore, #tpu.memory_space<semaphore_mem>>
    %dma_wait3A_989 = arith.constant 0 : i32
    %dma_wait3A_990 = arith.constant 0 : i32
    %dma_wait3A_991 = tpu.memref_slice %arg8[%dma_wait3A_979, %dma_wait3A_989, %dma_wait3A_990] : memref<2x64x200xf32, #tpu.memory_space<vmem>> -> memref<1x64x200xf32, #tpu.memory_space<vmem>>
    %dma_wait3A_992 = tpu.memref_squeeze %dma_wait3A_991 : memref<1x64x200xf32, #tpu.memory_space<vmem>> -> memref<64x200xf32, #tpu.memory_space<vmem>>
    %dma_wait3A_993 = tpu.memref_slice %arg2[%select_n3A, %squeeze3A_948, %min3A_978] : memref<8x1024x3072xf32, #tpu.memory_space<hbm>> -> memref<1x64x200xf32, #tpu.memory_space<hbm>>
    %dma_wait3A_994 = tpu.memref_squeeze %dma_wait3A_993 : memref<1x64x200xf32, #tpu.memory_space<hbm>> -> memref<64x200xf32, #tpu.memory_space<hbm>>
    tpu.wait_dma2 semaphore(%dma_wait3A_988 : memref<!tpu.dma_semaphore, #tpu.memory_space<semaphore_mem>>) src(%dma_wait3A_994 : memref<64x200xf32, #tpu.memory_space<hbm>>) dst(%dma_wait3A_992 : memref<64x200xf32, #tpu.memory_space<vmem>>)
    %slice3A_995 = vector.extract_strided_slice %get3A_34 {offsets = [6], sizes = [1], strides = [1]} : vector<16xi32> to vector<1xi32>
    %squeeze3A_996 = vector.extract %slice3A_995[0] : i32 from vector<1xi32>
    %slice3A_997 = vector.extract_strided_slice %get3A_37 {offsets = [6], sizes = [1], strides = [1]} : vector<16xi32> to vector<1xi32>
    %squeeze3A_998 = vector.extract %slice3A_997[0] : i32 from vector<1xi32>
    %jit3A_999 = arith.constant 8 : i32
    %div3A_1000 = arith.divsi %squeeze3A_998, %jit3A_999 : i32
    %sign3A_1001 = arith.constant 0 : i32
    %sign3A_1002 = arith.cmpi sgt, %squeeze3A_998, %sign3A_1001 : i32
    %sign3A_1003 = arith.extui %sign3A_1002 : i1 to i32
    %sign3A_1004 = arith.constant 0 : i32
    %sign3A_1005 = arith.cmpi slt, %squeeze3A_998, %sign3A_1004 : i32
    %sign3A_1006 = arith.extui %sign3A_1005 : i1 to i32
    %sign3A_1007 = arith.subi %sign3A_1003, %sign3A_1006 : i32
    %sign3A_1008 = arith.constant 0 : i32
    %sign3A_1009 = arith.cmpi sgt, %jit3A_999, %sign3A_1008 : i32
    %sign3A_1010 = arith.extui %sign3A_1009 : i1 to i32
    %sign3A_1011 = arith.constant 0 : i32
    %sign3A_1012 = arith.cmpi slt, %jit3A_999, %sign3A_1011 : i32
    %sign3A_1013 = arith.extui %sign3A_1012 : i1 to i32
    %sign3A_1014 = arith.subi %sign3A_1010, %sign3A_1013 : i32
    %ne3A_1015 = arith.cmpi ne, %sign3A_1007, %sign3A_1014 : i32
    %rem3A_1016 = arith.remsi %squeeze3A_998, %jit3A_999 : i32
    %ne3A_1017 = arith.constant 0 : i32
    %ne3A_1018 = arith.cmpi ne, %rem3A_1016, %ne3A_1017 : i32
    %and3A_1019 = arith.andi %ne3A_1015, %ne3A_1018 : i1
    %sub3A_1020 = arith.constant 1 : i32
    %sub3A_1021 = arith.subi %div3A_1000, %sub3A_1020 : i32
    %select_n3A_1022 = arith.select %and3A_1019, %sub3A_1021, %div3A_1000 : i32
    %mul3A_1023 = arith.constant 8 : i32
    %mul3A_1024 = arith.muli %select_n3A_1022, %mul3A_1023 : i32
    %min3A_1025 = arith.constant 2872 : i32
    %min3A_1026 = arith.minsi %mul3A_1024, %min3A_1025 : i32
    %dma_start3A_1027 = arith.constant 0 : i32
    %dma_start3A_1028 = arith.constant 0 : i32
    %dma_start3A_1029 = arith.constant 0 : i32
    %dma_start3A_1030 = arith.constant 0 : i32
    %dma_start3A_1031 = tpu.memref_slice %arg8[%dma_start3A_1027, %dma_start3A_1029, %dma_start3A_1030] : memref<2x64x200xf32, #tpu.memory_space<vmem>> -> memref<1x64x200xf32, #tpu.memory_space<vmem>>
    %dma_start3A_1032 = tpu.memref_squeeze %dma_start3A_1031 : memref<1x64x200xf32, #tpu.memory_space<vmem>> -> memref<64x200xf32, #tpu.memory_space<vmem>>
    %dma_start3A_1033 = tpu.memref_slice %arg2[%select_n3A, %squeeze3A_996, %min3A_1026] : memref<8x1024x3072xf32, #tpu.memory_space<hbm>> -> memref<1x64x200xf32, #tpu.memory_space<hbm>>
    %dma_start3A_1034 = tpu.memref_squeeze %dma_start3A_1033 : memref<1x64x200xf32, #tpu.memory_space<hbm>> -> memref<64x200xf32, #tpu.memory_space<hbm>>
    %dma_start3A_1035 = tpu.memref_slice %arg10[%dma_start3A_1028] : memref<2x!tpu.dma_semaphore, #tpu.memory_space<semaphore_mem>> -> memref<1x!tpu.dma_semaphore, #tpu.memory_space<semaphore_mem>>
    %dma_start3A_1036 = tpu.memref_squeeze %dma_start3A_1035 : memref<1x!tpu.dma_semaphore, #tpu.memory_space<semaphore_mem>> -> memref<!tpu.dma_semaphore, #tpu.memory_space<semaphore_mem>>
    %dma_start3A_1037 = arith.constant 0 : i32
    %dma_start3A_1038 = arith.constant 0 : i32
    %dma_start3A_1039 = tpu.memref_slice %arg8[%dma_start3A_1027, %dma_start3A_1037, %dma_start3A_1038] : memref<2x64x200xf32, #tpu.memory_space<vmem>> -> memref<1x64x200xf32, #tpu.memory_space<vmem>>
    %dma_start3A_1040 = tpu.memref_squeeze %dma_start3A_1039 : memref<1x64x200xf32, #tpu.memory_space<vmem>> -> memref<64x200xf32, #tpu.memory_space<vmem>>
    %dma_start3A_1041 = tpu.memref_slice %arg2[%select_n3A, %squeeze3A_996, %min3A_1026] : memref<8x1024x3072xf32, #tpu.memory_space<hbm>> -> memref<1x64x200xf32, #tpu.memory_space<hbm>>
    %dma_start3A_1042 = tpu.memref_squeeze %dma_start3A_1041 : memref<1x64x200xf32, #tpu.memory_space<hbm>> -> memref<64x200xf32, #tpu.memory_space<hbm>>
    tpu.enqueue_dma source(%dma_start3A_1042 : memref<64x200xf32, #tpu.memory_space<hbm>>) target(%dma_start3A_1040 : memref<64x200xf32, #tpu.memory_space<vmem>>) target_semaphore(%dma_start3A_1036 : memref<!tpu.dma_semaphore, #tpu.memory_space<semaphore_mem>>)
    %add3A_1043 = arith.constant 3 : i32
    %add3A_1044 = arith.addi %mul3A_32, %add3A_1043 : i32
    %dma_wait3A_1045 = arith.constant 1 : i32
    %dma_wait3A_1046 = arith.constant 1 : i32
    %dma_wait3A_1047 = arith.constant 0 : i32
    %dma_wait3A_1048 = arith.constant 0 : i32
    %dma_wait3A_1049 = tpu.memref_slice %arg9[%dma_wait3A_1045, %dma_wait3A_1047, %dma_wait3A_1048] : memref<2x64x192xf32, #tpu.memory_space<vmem>> -> memref<1x64x192xf32, #tpu.memory_space<vmem>>
    %dma_wait3A_1050 = tpu.memref_squeeze %dma_wait3A_1049 : memref<1x64x192xf32, #tpu.memory_space<vmem>> -> memref<64x192xf32, #tpu.memory_space<vmem>>
    %dma_wait3A_1051 = arith.constant 0 : i32
    %dma_wait3A_1052 = arith.constant 0 : i32
    %dma_wait3A_1053 = tpu.memref_slice %arg5[%select_n3A, %add3A_1044, %dma_wait3A_1051, %dma_wait3A_1052] : memref<8x32x64x192xf32, #tpu.memory_space<hbm>> -> memref<1x1x64x192xf32, #tpu.memory_space<hbm>>
    %dma_wait3A_1054 = tpu.memref_squeeze %dma_wait3A_1053 : memref<1x1x64x192xf32, #tpu.memory_space<hbm>> -> memref<64x192xf32, #tpu.memory_space<hbm>>
    %dma_wait3A_1055 = tpu.memref_slice %arg11[%dma_wait3A_1046] : memref<2x!tpu.dma_semaphore, #tpu.memory_space<semaphore_mem>> -> memref<1x!tpu.dma_semaphore, #tpu.memory_space<semaphore_mem>>
    %dma_wait3A_1056 = tpu.memref_squeeze %dma_wait3A_1055 : memref<1x!tpu.dma_semaphore, #tpu.memory_space<semaphore_mem>> -> memref<!tpu.dma_semaphore, #tpu.memory_space<semaphore_mem>>
    %dma_wait3A_1057 = arith.constant 0 : i32
    %dma_wait3A_1058 = arith.constant 0 : i32
    %dma_wait3A_1059 = tpu.memref_slice %arg5[%select_n3A, %add3A_1044, %dma_wait3A_1057, %dma_wait3A_1058] : memref<8x32x64x192xf32, #tpu.memory_space<hbm>> -> memref<1x1x64x192xf32, #tpu.memory_space<hbm>>
    %dma_wait3A_1060 = tpu.memref_squeeze %dma_wait3A_1059 : memref<1x1x64x192xf32, #tpu.memory_space<hbm>> -> memref<64x192xf32, #tpu.memory_space<hbm>>
    %dma_wait3A_1061 = arith.constant 0 : i32
    %dma_wait3A_1062 = arith.constant 0 : i32
    %dma_wait3A_1063 = tpu.memref_slice %arg9[%dma_wait3A_1045, %dma_wait3A_1061, %dma_wait3A_1062] : memref<2x64x192xf32, #tpu.memory_space<vmem>> -> memref<1x64x192xf32, #tpu.memory_space<vmem>>
    %dma_wait3A_1064 = tpu.memref_squeeze %dma_wait3A_1063 : memref<1x64x192xf32, #tpu.memory_space<vmem>> -> memref<64x192xf32, #tpu.memory_space<vmem>>
    tpu.wait_dma2 semaphore(%dma_wait3A_1056 : memref<!tpu.dma_semaphore, #tpu.memory_space<semaphore_mem>>) src(%dma_wait3A_1064 : memref<64x192xf32, #tpu.memory_space<vmem>>) dst(%dma_wait3A_1060 : memref<64x192xf32, #tpu.memory_space<hbm>>)
    %scan3A_1065 = arith.constant 0 : i32
    %scan3A_1066 = arith.constant 64 : i32
    %scan3A_1067 = arith.addi %scan3A_1065, %scan3A_1066 : i32
    %scan3A_1068 = arith.constant 1 : i32
    scf.for %scan3A_1440 = %scan3A_1065 to %scan3A_1067 step %scan3A_1068  : i32 {
      %add3A_1441 = arith.constant 0 : i32
      %add3A_1442 = arith.addi %sub3A_946, %add3A_1441 : i32
      %get3A_1443 = arith.constant 1 : i32
      %get3A_1444 = arith.index_cast %get3A_1443 : i32 to index
      %get3A_1445 = arith.index_cast %scan3A_1440 : i32 to index
      %get3A_1446 = arith.index_cast %add3A_1442 : i32 to index
      %get3A_1447 = tpu.vector_load %arg8[%get3A_1444, %get3A_1445, %get3A_1446] {strides = array<i32>} : memref<2x64x200xf32, #tpu.memory_space<vmem>>, vector<1x1x16xf32>,
      %get3A_1448 = vector.shape_cast %get3A_1447 : vector<1x1x16xf32> to vector<16xf32>
      %swap3A = arith.constant 1 : i32
      %swap3A_1449 = arith.index_cast %swap3A : i32 to index
      %swap3A_1450 = arith.index_cast %scan3A_1440 : i32 to index
      %swap3A_1451 = arith.constant 0 : index
      %swap3A_1452 = tpu.vector_load %arg9[%swap3A_1449, %swap3A_1450, %swap3A_1451] {strides = array<i32>} : memref<2x64x192xf32, #tpu.memory_space<vmem>>, vector<1x1x16xf32>,
      %swap3A_1453 = vector.shape_cast %swap3A_1452 : vector<1x1x16xf32> to vector<16xf32>
      %swap3A_1454 = vector.shape_cast %get3A_1448 : vector<16xf32> to vector<1x1x16xf32>
      tpu.vector_store %arg9[%swap3A_1449, %swap3A_1450, %swap3A_1451], %swap3A_1454 {strides = array<i32>} : memref<2x64x192xf32, #tpu.memory_space<vmem>>, vector<1x1x16xf32>,
      %add3A_1455 = arith.constant 16 : i32
      %add3A_1456 = arith.addi %sub3A_946, %add3A_1455 : i32
      %get3A_1457 = arith.constant 1 : i32
      %get3A_1458 = arith.index_cast %get3A_1457 : i32 to index
      %get3A_1459 = arith.index_cast %scan3A_1440 : i32 to index
      %get3A_1460 = arith.index_cast %add3A_1456 : i32 to index
      %get3A_1461 = tpu.vector_load %arg8[%get3A_1458, %get3A_1459, %get3A_1460] {strides = array<i32>} : memref<2x64x200xf32, #tpu.memory_space<vmem>>, vector<1x1x16xf32>,
      %get3A_1462 = vector.shape_cast %get3A_1461 : vector<1x1x16xf32> to vector<16xf32>
      %swap3A_1463 = arith.constant 1 : i32
      %swap3A_1464 = arith.index_cast %swap3A_1463 : i32 to index
      %swap3A_1465 = arith.index_cast %scan3A_1440 : i32 to index
      %swap3A_1466 = arith.constant 16 : index
      %swap3A_1467 = tpu.vector_load %arg9[%swap3A_1464, %swap3A_1465, %swap3A_1466] {strides = array<i32>} : memref<2x64x192xf32, #tpu.memory_space<vmem>>, vector<1x1x16xf32>,
      %swap3A_1468 = vector.shape_cast %swap3A_1467 : vector<1x1x16xf32> to vector<16xf32>
      %swap3A_1469 = vector.shape_cast %get3A_1462 : vector<16xf32> to vector<1x1x16xf32>
      tpu.vector_store %arg9[%swap3A_1464, %swap3A_1465, %swap3A_1466], %swap3A_1469 {strides = array<i32>} : memref<2x64x192xf32, #tpu.memory_space<vmem>>, vector<1x1x16xf32>,
      %add3A_1470 = arith.constant 32 : i32
      %add3A_1471 = arith.addi %sub3A_946, %add3A_1470 : i32
      %get3A_1472 = arith.constant 1 : i32
      %get3A_1473 = arith.index_cast %get3A_1472 : i32 to index
      %get3A_1474 = arith.index_cast %scan3A_1440 : i32 to index
      %get3A_1475 = arith.index_cast %add3A_1471 : i32 to index
      %get3A_1476 = tpu.vector_load %arg8[%get3A_1473, %get3A_1474, %get3A_1475] {strides = array<i32>} : memref<2x64x200xf32, #tpu.memory_space<vmem>>, vector<1x1x16xf32>,
      %get3A_1477 = vector.shape_cast %get3A_1476 : vector<1x1x16xf32> to vector<16xf32>
      %swap3A_1478 = arith.constant 1 : i32
      %swap3A_1479 = arith.index_cast %swap3A_1478 : i32 to index
      %swap3A_1480 = arith.index_cast %scan3A_1440 : i32 to index
      %swap3A_1481 = arith.constant 32 : index
      %swap3A_1482 = tpu.vector_load %arg9[%swap3A_1479, %swap3A_1480, %swap3A_1481] {strides = array<i32>} : memref<2x64x192xf32, #tpu.memory_space<vmem>>, vector<1x1x16xf32>,
      %swap3A_1483 = vector.shape_cast %swap3A_1482 : vector<1x1x16xf32> to vector<16xf32>
      %swap3A_1484 = vector.shape_cast %get3A_1477 : vector<16xf32> to vector<1x1x16xf32>
      tpu.vector_store %arg9[%swap3A_1479, %swap3A_1480, %swap3A_1481], %swap3A_1484 {strides = array<i32>} : memref<2x64x192xf32, #tpu.memory_space<vmem>>, vector<1x1x16xf32>,
      %add3A_1485 = arith.constant 48 : i32
      %add3A_1486 = arith.addi %sub3A_946, %add3A_1485 : i32
      %get3A_1487 = arith.constant 1 : i32
      %get3A_1488 = arith.index_cast %get3A_1487 : i32 to index
      %get3A_1489 = arith.index_cast %scan3A_1440 : i32 to index
      %get3A_1490 = arith.index_cast %add3A_1486 : i32 to index
      %get3A_1491 = tpu.vector_load %arg8[%get3A_1488, %get3A_1489, %get3A_1490] {strides = array<i32>} : memref<2x64x200xf32, #tpu.memory_space<vmem>>, vector<1x1x16xf32>,
      %get3A_1492 = vector.shape_cast %get3A_1491 : vector<1x1x16xf32> to vector<16xf32>
      %swap3A_1493 = arith.constant 1 : i32
      %swap3A_1494 = arith.index_cast %swap3A_1493 : i32 to index
      %swap3A_1495 = arith.index_cast %scan3A_1440 : i32 to index
      %swap3A_1496 = arith.constant 48 : index
      %swap3A_1497 = tpu.vector_load %arg9[%swap3A_1494, %swap3A_1495, %swap3A_1496] {strides = array<i32>} : memref<2x64x192xf32, #tpu.memory_space<vmem>>, vector<1x1x16xf32>,
      %swap3A_1498 = vector.shape_cast %swap3A_1497 : vector<1x1x16xf32> to vector<16xf32>
      %swap3A_1499 = vector.shape_cast %get3A_1492 : vector<16xf32> to vector<1x1x16xf32>
      tpu.vector_store %arg9[%swap3A_1494, %swap3A_1495, %swap3A_1496], %swap3A_1499 {strides = array<i32>} : memref<2x64x192xf32, #tpu.memory_space<vmem>>, vector<1x1x16xf32>,
      %add3A_1500 = arith.constant 64 : i32
      %add3A_1501 = arith.addi %sub3A_946, %add3A_1500 : i32
      %get3A_1502 = arith.constant 1 : i32
      %get3A_1503 = arith.index_cast %get3A_1502 : i32 to index
      %get3A_1504 = arith.index_cast %scan3A_1440 : i32 to index
      %get3A_1505 = arith.index_cast %add3A_1501 : i32 to index
      %get3A_1506 = tpu.vector_load %arg8[%get3A_1503, %get3A_1504, %get3A_1505] {strides = array<i32>} : memref<2x64x200xf32, #tpu.memory_space<vmem>>, vector<1x1x16xf32>,
      %get3A_1507 = vector.shape_cast %get3A_1506 : vector<1x1x16xf32> to vector<16xf32>
      %swap3A_1508 = arith.constant 1 : i32
      %swap3A_1509 = arith.index_cast %swap3A_1508 : i32 to index
      %swap3A_1510 = arith.index_cast %scan3A_1440 : i32 to index
      %swap3A_1511 = arith.constant 64 : index
      %swap3A_1512 = tpu.vector_load %arg9[%swap3A_1509, %swap3A_1510, %swap3A_1511] {strides = array<i32>} : memref<2x64x192xf32, #tpu.memory_space<vmem>>, vector<1x1x16xf32>,
      %swap3A_1513 = vector.shape_cast %swap3A_1512 : vector<1x1x16xf32> to vector<16xf32>
      %swap3A_1514 = vector.shape_cast %get3A_1507 : vector<16xf32> to vector<1x1x16xf32>
      tpu.vector_store %arg9[%swap3A_1509, %swap3A_1510, %swap3A_1511], %swap3A_1514 {strides = array<i32>} : memref<2x64x192xf32, #tpu.memory_space<vmem>>, vector<1x1x16xf32>,
      %add3A_1515 = arith.constant 80 : i32
      %add3A_1516 = arith.addi %sub3A_946, %add3A_1515 : i32
      %get3A_1517 = arith.constant 1 : i32
      %get3A_1518 = arith.index_cast %get3A_1517 : i32 to index
      %get3A_1519 = arith.index_cast %scan3A_1440 : i32 to index
      %get3A_1520 = arith.index_cast %add3A_1516 : i32 to index
      %get3A_1521 = tpu.vector_load %arg8[%get3A_1518, %get3A_1519, %get3A_1520] {strides = array<i32>} : memref<2x64x200xf32, #tpu.memory_space<vmem>>, vector<1x1x16xf32>,
      %get3A_1522 = vector.shape_cast %get3A_1521 : vector<1x1x16xf32> to vector<16xf32>
      %swap3A_1523 = arith.constant 1 : i32
      %swap3A_1524 = arith.index_cast %swap3A_1523 : i32 to index
      %swap3A_1525 = arith.index_cast %scan3A_1440 : i32 to index
      %swap3A_1526 = arith.constant 80 : index
      %swap3A_1527 = tpu.vector_load %arg9[%swap3A_1524, %swap3A_1525, %swap3A_1526] {strides = array<i32>} : memref<2x64x192xf32, #tpu.memory_space<vmem>>, vector<1x1x16xf32>,
      %swap3A_1528 = vector.shape_cast %swap3A_1527 : vector<1x1x16xf32> to vector<16xf32>
      %swap3A_1529 = vector.shape_cast %get3A_1522 : vector<16xf32> to vector<1x1x16xf32>
      tpu.vector_store %arg9[%swap3A_1524, %swap3A_1525, %swap3A_1526], %swap3A_1529 {strides = array<i32>} : memref<2x64x192xf32, #tpu.memory_space<vmem>>, vector<1x1x16xf32>,
      %add3A_1530 = arith.constant 96 : i32
      %add3A_1531 = arith.addi %sub3A_946, %add3A_1530 : i32
      %get3A_1532 = arith.constant 1 : i32
      %get3A_1533 = arith.index_cast %get3A_1532 : i32 to index
      %get3A_1534 = arith.index_cast %scan3A_1440 : i32 to index
      %get3A_1535 = arith.index_cast %add3A_1531 : i32 to index
      %get3A_1536 = tpu.vector_load %arg8[%get3A_1533, %get3A_1534, %get3A_1535] {strides = array<i32>} : memref<2x64x200xf32, #tpu.memory_space<vmem>>, vector<1x1x16xf32>,
      %get3A_1537 = vector.shape_cast %get3A_1536 : vector<1x1x16xf32> to vector<16xf32>
      %swap3A_1538 = arith.constant 1 : i32
      %swap3A_1539 = arith.index_cast %swap3A_1538 : i32 to index
      %swap3A_1540 = arith.index_cast %scan3A_1440 : i32 to index
      %swap3A_1541 = arith.constant 96 : index
      %swap3A_1542 = tpu.vector_load %arg9[%swap3A_1539, %swap3A_1540, %swap3A_1541] {strides = array<i32>} : memref<2x64x192xf32, #tpu.memory_space<vmem>>, vector<1x1x16xf32>,
      %swap3A_1543 = vector.shape_cast %swap3A_1542 : vector<1x1x16xf32> to vector<16xf32>
      %swap3A_1544 = vector.shape_cast %get3A_1537 : vector<16xf32> to vector<1x1x16xf32>
      tpu.vector_store %arg9[%swap3A_1539, %swap3A_1540, %swap3A_1541], %swap3A_1544 {strides = array<i32>} : memref<2x64x192xf32, #tpu.memory_space<vmem>>, vector<1x1x16xf32>,
      %add3A_1545 = arith.constant 112 : i32
      %add3A_1546 = arith.addi %sub3A_946, %add3A_1545 : i32
      %get3A_1547 = arith.constant 1 : i32
      %get3A_1548 = arith.index_cast %get3A_1547 : i32 to index
      %get3A_1549 = arith.index_cast %scan3A_1440 : i32 to index
      %get3A_1550 = arith.index_cast %add3A_1546 : i32 to index
      %get3A_1551 = tpu.vector_load %arg8[%get3A_1548, %get3A_1549, %get3A_1550] {strides = array<i32>} : memref<2x64x200xf32, #tpu.memory_space<vmem>>, vector<1x1x16xf32>,
      %get3A_1552 = vector.shape_cast %get3A_1551 : vector<1x1x16xf32> to vector<16xf32>
      %swap3A_1553 = arith.constant 1 : i32
      %swap3A_1554 = arith.index_cast %swap3A_1553 : i32 to index
      %swap3A_1555 = arith.index_cast %scan3A_1440 : i32 to index
      %swap3A_1556 = arith.constant 112 : index
      %swap3A_1557 = tpu.vector_load %arg9[%swap3A_1554, %swap3A_1555, %swap3A_1556] {strides = array<i32>} : memref<2x64x192xf32, #tpu.memory_space<vmem>>, vector<1x1x16xf32>,
      %swap3A_1558 = vector.shape_cast %swap3A_1557 : vector<1x1x16xf32> to vector<16xf32>
      %swap3A_1559 = vector.shape_cast %get3A_1552 : vector<16xf32> to vector<1x1x16xf32>
      tpu.vector_store %arg9[%swap3A_1554, %swap3A_1555, %swap3A_1556], %swap3A_1559 {strides = array<i32>} : memref<2x64x192xf32, #tpu.memory_space<vmem>>, vector<1x1x16xf32>,
      %add3A_1560 = arith.constant 128 : i32
      %add3A_1561 = arith.addi %sub3A_946, %add3A_1560 : i32
      %get3A_1562 = arith.constant 1 : i32
      %get3A_1563 = arith.index_cast %get3A_1562 : i32 to index
      %get3A_1564 = arith.index_cast %scan3A_1440 : i32 to index
      %get3A_1565 = arith.index_cast %add3A_1561 : i32 to index
      %get3A_1566 = tpu.vector_load %arg8[%get3A_1563, %get3A_1564, %get3A_1565] {strides = array<i32>} : memref<2x64x200xf32, #tpu.memory_space<vmem>>, vector<1x1x16xf32>,
      %get3A_1567 = vector.shape_cast %get3A_1566 : vector<1x1x16xf32> to vector<16xf32>
      %swap3A_1568 = arith.constant 1 : i32
      %swap3A_1569 = arith.index_cast %swap3A_1568 : i32 to index
      %swap3A_1570 = arith.index_cast %scan3A_1440 : i32 to index
      %swap3A_1571 = arith.constant 128 : index
      %swap3A_1572 = tpu.vector_load %arg9[%swap3A_1569, %swap3A_1570, %swap3A_1571] {strides = array<i32>} : memref<2x64x192xf32, #tpu.memory_space<vmem>>, vector<1x1x16xf32>,
      %swap3A_1573 = vector.shape_cast %swap3A_1572 : vector<1x1x16xf32> to vector<16xf32>
      %swap3A_1574 = vector.shape_cast %get3A_1567 : vector<16xf32> to vector<1x1x16xf32>
      tpu.vector_store %arg9[%swap3A_1569, %swap3A_1570, %swap3A_1571], %swap3A_1574 {strides = array<i32>} : memref<2x64x192xf32, #tpu.memory_space<vmem>>, vector<1x1x16xf32>,
      %add3A_1575 = arith.constant 144 : i32
      %add3A_1576 = arith.addi %sub3A_946, %add3A_1575 : i32
      %get3A_1577 = arith.constant 1 : i32
      %get3A_1578 = arith.index_cast %get3A_1577 : i32 to index
      %get3A_1579 = arith.index_cast %scan3A_1440 : i32 to index
      %get3A_1580 = arith.index_cast %add3A_1576 : i32 to index
      %get3A_1581 = tpu.vector_load %arg8[%get3A_1578, %get3A_1579, %get3A_1580] {strides = array<i32>} : memref<2x64x200xf32, #tpu.memory_space<vmem>>, vector<1x1x16xf32>,
      %get3A_1582 = vector.shape_cast %get3A_1581 : vector<1x1x16xf32> to vector<16xf32>
      %swap3A_1583 = arith.constant 1 : i32
      %swap3A_1584 = arith.index_cast %swap3A_1583 : i32 to index
      %swap3A_1585 = arith.index_cast %scan3A_1440 : i32 to index
      %swap3A_1586 = arith.constant 144 : index
      %swap3A_1587 = tpu.vector_load %arg9[%swap3A_1584, %swap3A_1585, %swap3A_1586] {strides = array<i32>} : memref<2x64x192xf32, #tpu.memory_space<vmem>>, vector<1x1x16xf32>,
      %swap3A_1588 = vector.shape_cast %swap3A_1587 : vector<1x1x16xf32> to vector<16xf32>
      %swap3A_1589 = vector.shape_cast %get3A_1582 : vector<16xf32> to vector<1x1x16xf32>
      tpu.vector_store %arg9[%swap3A_1584, %swap3A_1585, %swap3A_1586], %swap3A_1589 {strides = array<i32>} : memref<2x64x192xf32, #tpu.memory_space<vmem>>, vector<1x1x16xf32>,
      %add3A_1590 = arith.constant 160 : i32
      %add3A_1591 = arith.addi %sub3A_946, %add3A_1590 : i32
      %get3A_1592 = arith.constant 1 : i32
      %get3A_1593 = arith.index_cast %get3A_1592 : i32 to index
      %get3A_1594 = arith.index_cast %scan3A_1440 : i32 to index
      %get3A_1595 = arith.index_cast %add3A_1591 : i32 to index
      %get3A_1596 = tpu.vector_load %arg8[%get3A_1593, %get3A_1594, %get3A_1595] {strides = array<i32>} : memref<2x64x200xf32, #tpu.memory_space<vmem>>, vector<1x1x16xf32>,
      %get3A_1597 = vector.shape_cast %get3A_1596 : vector<1x1x16xf32> to vector<16xf32>
      %swap3A_1598 = arith.constant 1 : i32
      %swap3A_1599 = arith.index_cast %swap3A_1598 : i32 to index
      %swap3A_1600 = arith.index_cast %scan3A_1440 : i32 to index
      %swap3A_1601 = arith.constant 160 : index
      %swap3A_1602 = tpu.vector_load %arg9[%swap3A_1599, %swap3A_1600, %swap3A_1601] {strides = array<i32>} : memref<2x64x192xf32, #tpu.memory_space<vmem>>, vector<1x1x16xf32>,
      %swap3A_1603 = vector.shape_cast %swap3A_1602 : vector<1x1x16xf32> to vector<16xf32>
      %swap3A_1604 = vector.shape_cast %get3A_1597 : vector<16xf32> to vector<1x1x16xf32>
      tpu.vector_store %arg9[%swap3A_1599, %swap3A_1600, %swap3A_1601], %swap3A_1604 {strides = array<i32>} : memref<2x64x192xf32, #tpu.memory_space<vmem>>, vector<1x1x16xf32>,
      %add3A_1605 = arith.constant 176 : i32
      %add3A_1606 = arith.addi %sub3A_946, %add3A_1605 : i32
      %get3A_1607 = arith.constant 1 : i32
      %get3A_1608 = arith.index_cast %get3A_1607 : i32 to index
      %get3A_1609 = arith.index_cast %scan3A_1440 : i32 to index
      %get3A_1610 = arith.index_cast %add3A_1606 : i32 to index
      %get3A_1611 = tpu.vector_load %arg8[%get3A_1608, %get3A_1609, %get3A_1610] {strides = array<i32>} : memref<2x64x200xf32, #tpu.memory_space<vmem>>, vector<1x1x16xf32>,
      %get3A_1612 = vector.shape_cast %get3A_1611 : vector<1x1x16xf32> to vector<16xf32>
      %swap3A_1613 = arith.constant 1 : i32
      %swap3A_1614 = arith.index_cast %swap3A_1613 : i32 to index
      %swap3A_1615 = arith.index_cast %scan3A_1440 : i32 to index
      %swap3A_1616 = arith.constant 176 : index
      %swap3A_1617 = tpu.vector_load %arg9[%swap3A_1614, %swap3A_1615, %swap3A_1616] {strides = array<i32>} : memref<2x64x192xf32, #tpu.memory_space<vmem>>, vector<1x1x16xf32>,
      %swap3A_1618 = vector.shape_cast %swap3A_1617 : vector<1x1x16xf32> to vector<16xf32>
      %swap3A_1619 = vector.shape_cast %get3A_1612 : vector<16xf32> to vector<1x1x16xf32>
      tpu.vector_store %arg9[%swap3A_1614, %swap3A_1615, %swap3A_1616], %swap3A_1619 {strides = array<i32>} : memref<2x64x192xf32, #tpu.memory_space<vmem>>, vector<1x1x16xf32>,
    }
    %scan3A_1069 = arith.constant 64 : i32
    %add3A_1070 = arith.constant 5 : i32
    %add3A_1071 = arith.addi %mul3A_32, %add3A_1070 : i32
    %dma_start3A_1072 = arith.constant 1 : i32
    %dma_start3A_1073 = arith.constant 1 : i32
    %dma_start3A_1074 = arith.constant 0 : i32
    %dma_start3A_1075 = arith.constant 0 : i32
    %dma_start3A_1076 = tpu.memref_slice %arg9[%dma_start3A_1072, %dma_start3A_1074, %dma_start3A_1075] : memref<2x64x192xf32, #tpu.memory_space<vmem>> -> memref<1x64x192xf32, #tpu.memory_space<vmem>>
    %dma_start3A_1077 = tpu.memref_squeeze %dma_start3A_1076 : memref<1x64x192xf32, #tpu.memory_space<vmem>> -> memref<64x192xf32, #tpu.memory_space<vmem>>
    %dma_start3A_1078 = arith.constant 0 : i32
    %dma_start3A_1079 = arith.constant 0 : i32
    %dma_start3A_1080 = tpu.memref_slice %arg5[%select_n3A, %add3A_1071, %dma_start3A_1078, %dma_start3A_1079] : memref<8x32x64x192xf32, #tpu.memory_space<hbm>> -> memref<1x1x64x192xf32, #tpu.memory_space<hbm>>
    %dma_start3A_1081 = tpu.memref_squeeze %dma_start3A_1080 : memref<1x1x64x192xf32, #tpu.memory_space<hbm>> -> memref<64x192xf32, #tpu.memory_space<hbm>>
    %dma_start3A_1082 = tpu.memref_slice %arg11[%dma_start3A_1073] : memref<2x!tpu.dma_semaphore, #tpu.memory_space<semaphore_mem>> -> memref<1x!tpu.dma_semaphore, #tpu.memory_space<semaphore_mem>>
    %dma_start3A_1083 = tpu.memref_squeeze %dma_start3A_1082 : memref<1x!tpu.dma_semaphore, #tpu.memory_space<semaphore_mem>> -> memref<!tpu.dma_semaphore, #tpu.memory_space<semaphore_mem>>
    %dma_start3A_1084 = arith.constant 0 : i32
    %dma_start3A_1085 = arith.constant 0 : i32
    %dma_start3A_1086 = tpu.memref_slice %arg5[%select_n3A, %add3A_1071, %dma_start3A_1084, %dma_start3A_1085] : memref<8x32x64x192xf32, #tpu.memory_space<hbm>> -> memref<1x1x64x192xf32, #tpu.memory_space<hbm>>
    %dma_start3A_1087 = tpu.memref_squeeze %dma_start3A_1086 : memref<1x1x64x192xf32, #tpu.memory_space<hbm>> -> memref<64x192xf32, #tpu.memory_space<hbm>>
    %dma_start3A_1088 = arith.constant 0 : i32
    %dma_start3A_1089 = arith.constant 0 : i32
    %dma_start3A_1090 = tpu.memref_slice %arg9[%dma_start3A_1072, %dma_start3A_1088, %dma_start3A_1089] : memref<2x64x192xf32, #tpu.memory_space<vmem>> -> memref<1x64x192xf32, #tpu.memory_space<vmem>>
    %dma_start3A_1091 = tpu.memref_squeeze %dma_start3A_1090 : memref<1x64x192xf32, #tpu.memory_space<vmem>> -> memref<64x192xf32, #tpu.memory_space<vmem>>
    tpu.enqueue_dma source(%dma_start3A_1091 : memref<64x192xf32, #tpu.memory_space<vmem>>) target(%dma_start3A_1087 : memref<64x192xf32, #tpu.memory_space<hbm>>) target_semaphore(%dma_start3A_1083 : memref<!tpu.dma_semaphore, #tpu.memory_space<semaphore_mem>>)
    %slice3A_1092 = vector.extract_strided_slice %get3A_37 {offsets = [6], sizes = [1], strides = [1]} : vector<16xi32> to vector<1xi32>
    %squeeze3A_1093 = vector.extract %slice3A_1092[0] : i32 from vector<1xi32>
    %jit3A_1094 = arith.constant 8 : i32
    %div3A_1095 = arith.divsi %squeeze3A_1093, %jit3A_1094 : i32
    %sign3A_1096 = arith.constant 0 : i32
    %sign3A_1097 = arith.cmpi sgt, %squeeze3A_1093, %sign3A_1096 : i32
    %sign3A_1098 = arith.extui %sign3A_1097 : i1 to i32
    %sign3A_1099 = arith.constant 0 : i32
    %sign3A_1100 = arith.cmpi slt, %squeeze3A_1093, %sign3A_1099 : i32
    %sign3A_1101 = arith.extui %sign3A_1100 : i1 to i32
    %sign3A_1102 = arith.subi %sign3A_1098, %sign3A_1101 : i32
    %sign3A_1103 = arith.constant 0 : i32
    %sign3A_1104 = arith.cmpi sgt, %jit3A_1094, %sign3A_1103 : i32
    %sign3A_1105 = arith.extui %sign3A_1104 : i1 to i32
    %sign3A_1106 = arith.constant 0 : i32
    %sign3A_1107 = arith.cmpi slt, %jit3A_1094, %sign3A_1106 : i32
    %sign3A_1108 = arith.extui %sign3A_1107 : i1 to i32
    %sign3A_1109 = arith.subi %sign3A_1105, %sign3A_1108 : i32
    %ne3A_1110 = arith.cmpi ne, %sign3A_1102, %sign3A_1109 : i32
    %rem3A_1111 = arith.remsi %squeeze3A_1093, %jit3A_1094 : i32
    %ne3A_1112 = arith.constant 0 : i32
    %ne3A_1113 = arith.cmpi ne, %rem3A_1111, %ne3A_1112 : i32
    %and3A_1114 = arith.andi %ne3A_1110, %ne3A_1113 : i1
    %sub3A_1115 = arith.constant 1 : i32
    %sub3A_1116 = arith.subi %div3A_1095, %sub3A_1115 : i32
    %select_n3A_1117 = arith.select %and3A_1114, %sub3A_1116, %div3A_1095 : i32
    %mul3A_1118 = arith.constant 8 : i32
    %mul3A_1119 = arith.muli %select_n3A_1117, %mul3A_1118 : i32
    %min3A_1120 = arith.constant 2872 : i32
    %min3A_1121 = arith.minsi %mul3A_1119, %min3A_1120 : i32
    %sub3A_1122 = arith.subi %squeeze3A_1093, %min3A_1121 : i32
    %slice3A_1123 = vector.extract_strided_slice %get3A_34 {offsets = [6], sizes = [1], strides = [1]} : vector<16xi32> to vector<1xi32>
    %squeeze3A_1124 = vector.extract %slice3A_1123[0] : i32 from vector<1xi32>
    %slice3A_1125 = vector.extract_strided_slice %get3A_37 {offsets = [6], sizes = [1], strides = [1]} : vector<16xi32> to vector<1xi32>
    %squeeze3A_1126 = vector.extract %slice3A_1125[0] : i32 from vector<1xi32>
    %jit3A_1127 = arith.constant 8 : i32
    %div3A_1128 = arith.divsi %squeeze3A_1126, %jit3A_1127 : i32
    %sign3A_1129 = arith.constant 0 : i32
    %sign3A_1130 = arith.cmpi sgt, %squeeze3A_1126, %sign3A_1129 : i32
    %sign3A_1131 = arith.extui %sign3A_1130 : i1 to i32
    %sign3A_1132 = arith.constant 0 : i32
    %sign3A_1133 = arith.cmpi slt, %squeeze3A_1126, %sign3A_1132 : i32
    %sign3A_1134 = arith.extui %sign3A_1133 : i1 to i32
    %sign3A_1135 = arith.subi %sign3A_1131, %sign3A_1134 : i32
    %sign3A_1136 = arith.constant 0 : i32
    %sign3A_1137 = arith.cmpi sgt, %jit3A_1127, %sign3A_1136 : i32
    %sign3A_1138 = arith.extui %sign3A_1137 : i1 to i32
    %sign3A_1139 = arith.constant 0 : i32
    %sign3A_1140 = arith.cmpi slt, %jit3A_1127, %sign3A_1139 : i32
    %sign3A_1141 = arith.extui %sign3A_1140 : i1 to i32
    %sign3A_1142 = arith.subi %sign3A_1138, %sign3A_1141 : i32
    %ne3A_1143 = arith.cmpi ne, %sign3A_1135, %sign3A_1142 : i32
    %rem3A_1144 = arith.remsi %squeeze3A_1126, %jit3A_1127 : i32
    %ne3A_1145 = arith.constant 0 : i32
    %ne3A_1146 = arith.cmpi ne, %rem3A_1144, %ne3A_1145 : i32
    %and3A_1147 = arith.andi %ne3A_1143, %ne3A_1146 : i1
    %sub3A_1148 = arith.constant 1 : i32
    %sub3A_1149 = arith.subi %div3A_1128, %sub3A_1148 : i32
    %select_n3A_1150 = arith.select %and3A_1147, %sub3A_1149, %div3A_1128 : i32
    %mul3A_1151 = arith.constant 8 : i32
    %mul3A_1152 = arith.muli %select_n3A_1150, %mul3A_1151 : i32
    %min3A_1153 = arith.constant 2872 : i32
    %min3A_1154 = arith.minsi %mul3A_1152, %min3A_1153 : i32
    %dma_wait3A_1155 = arith.constant 0 : i32
    %dma_wait3A_1156 = arith.constant 0 : i32
    %dma_wait3A_1157 = arith.constant 0 : i32
    %dma_wait3A_1158 = arith.constant 0 : i32
    %dma_wait3A_1159 = tpu.memref_slice %arg8[%dma_wait3A_1155, %dma_wait3A_1157, %dma_wait3A_1158] : memref<2x64x200xf32, #tpu.memory_space<vmem>> -> memref<1x64x200xf32, #tpu.memory_space<vmem>>
    %dma_wait3A_1160 = tpu.memref_squeeze %dma_wait3A_1159 : memref<1x64x200xf32, #tpu.memory_space<vmem>> -> memref<64x200xf32, #tpu.memory_space<vmem>>
    %dma_wait3A_1161 = tpu.memref_slice %arg2[%select_n3A, %squeeze3A_1124, %min3A_1154] : memref<8x1024x3072xf32, #tpu.memory_space<hbm>> -> memref<1x64x200xf32, #tpu.memory_space<hbm>>
    %dma_wait3A_1162 = tpu.memref_squeeze %dma_wait3A_1161 : memref<1x64x200xf32, #tpu.memory_space<hbm>> -> memref<64x200xf32, #tpu.memory_space<hbm>>
    %dma_wait3A_1163 = tpu.memref_slice %arg10[%dma_wait3A_1156] : memref<2x!tpu.dma_semaphore, #tpu.memory_space<semaphore_mem>> -> memref<1x!tpu.dma_semaphore, #tpu.memory_space<semaphore_mem>>
    %dma_wait3A_1164 = tpu.memref_squeeze %dma_wait3A_1163 : memref<1x!tpu.dma_semaphore, #tpu.memory_space<semaphore_mem>> -> memref<!tpu.dma_semaphore, #tpu.memory_space<semaphore_mem>>
    %dma_wait3A_1165 = arith.constant 0 : i32
    %dma_wait3A_1166 = arith.constant 0 : i32
    %dma_wait3A_1167 = tpu.memref_slice %arg8[%dma_wait3A_1155, %dma_wait3A_1165, %dma_wait3A_1166] : memref<2x64x200xf32, #tpu.memory_space<vmem>> -> memref<1x64x200xf32, #tpu.memory_space<vmem>>
    %dma_wait3A_1168 = tpu.memref_squeeze %dma_wait3A_1167 : memref<1x64x200xf32, #tpu.memory_space<vmem>> -> memref<64x200xf32, #tpu.memory_space<vmem>>
    %dma_wait3A_1169 = tpu.memref_slice %arg2[%select_n3A, %squeeze3A_1124, %min3A_1154] : memref<8x1024x3072xf32, #tpu.memory_space<hbm>> -> memref<1x64x200xf32, #tpu.memory_space<hbm>>
    %dma_wait3A_1170 = tpu.memref_squeeze %dma_wait3A_1169 : memref<1x64x200xf32, #tpu.memory_space<hbm>> -> memref<64x200xf32, #tpu.memory_space<hbm>>
    tpu.wait_dma2 semaphore(%dma_wait3A_1164 : memref<!tpu.dma_semaphore, #tpu.memory_space<semaphore_mem>>) src(%dma_wait3A_1170 : memref<64x200xf32, #tpu.memory_space<hbm>>) dst(%dma_wait3A_1168 : memref<64x200xf32, #tpu.memory_space<vmem>>)
    %slice3A_1171 = vector.extract_strided_slice %get3A_34 {offsets = [7], sizes = [1], strides = [1]} : vector<16xi32> to vector<1xi32>
    %squeeze3A_1172 = vector.extract %slice3A_1171[0] : i32 from vector<1xi32>
    %slice3A_1173 = vector.extract_strided_slice %get3A_37 {offsets = [7], sizes = [1], strides = [1]} : vector<16xi32> to vector<1xi32>
    %squeeze3A_1174 = vector.extract %slice3A_1173[0] : i32 from vector<1xi32>
    %jit3A_1175 = arith.constant 8 : i32
    %div3A_1176 = arith.divsi %squeeze3A_1174, %jit3A_1175 : i32
    %sign3A_1177 = arith.constant 0 : i32
    %sign3A_1178 = arith.cmpi sgt, %squeeze3A_1174, %sign3A_1177 : i32
    %sign3A_1179 = arith.extui %sign3A_1178 : i1 to i32
    %sign3A_1180 = arith.constant 0 : i32
    %sign3A_1181 = arith.cmpi slt, %squeeze3A_1174, %sign3A_1180 : i32
    %sign3A_1182 = arith.extui %sign3A_1181 : i1 to i32
    %sign3A_1183 = arith.subi %sign3A_1179, %sign3A_1182 : i32
    %sign3A_1184 = arith.constant 0 : i32
    %sign3A_1185 = arith.cmpi sgt, %jit3A_1175, %sign3A_1184 : i32
    %sign3A_1186 = arith.extui %sign3A_1185 : i1 to i32
    %sign3A_1187 = arith.constant 0 : i32
    %sign3A_1188 = arith.cmpi slt, %jit3A_1175, %sign3A_1187 : i32
    %sign3A_1189 = arith.extui %sign3A_1188 : i1 to i32
    %sign3A_1190 = arith.subi %sign3A_1186, %sign3A_1189 : i32
    %ne3A_1191 = arith.cmpi ne, %sign3A_1183, %sign3A_1190 : i32
    %rem3A_1192 = arith.remsi %squeeze3A_1174, %jit3A_1175 : i32
    %ne3A_1193 = arith.constant 0 : i32
    %ne3A_1194 = arith.cmpi ne, %rem3A_1192, %ne3A_1193 : i32
    %and3A_1195 = arith.andi %ne3A_1191, %ne3A_1194 : i1
    %sub3A_1196 = arith.constant 1 : i32
    %sub3A_1197 = arith.subi %div3A_1176, %sub3A_1196 : i32
    %select_n3A_1198 = arith.select %and3A_1195, %sub3A_1197, %div3A_1176 : i32
    %mul3A_1199 = arith.constant 8 : i32
    %mul3A_1200 = arith.muli %select_n3A_1198, %mul3A_1199 : i32
    %min3A_1201 = arith.constant 2872 : i32
    %min3A_1202 = arith.minsi %mul3A_1200, %min3A_1201 : i32
    %dma_start3A_1203 = arith.constant 1 : i32
    %dma_start3A_1204 = arith.constant 1 : i32
    %dma_start3A_1205 = arith.constant 0 : i32
    %dma_start3A_1206 = arith.constant 0 : i32
    %dma_start3A_1207 = tpu.memref_slice %arg8[%dma_start3A_1203, %dma_start3A_1205, %dma_start3A_1206] : memref<2x64x200xf32, #tpu.memory_space<vmem>> -> memref<1x64x200xf32, #tpu.memory_space<vmem>>
    %dma_start3A_1208 = tpu.memref_squeeze %dma_start3A_1207 : memref<1x64x200xf32, #tpu.memory_space<vmem>> -> memref<64x200xf32, #tpu.memory_space<vmem>>
    %dma_start3A_1209 = tpu.memref_slice %arg2[%select_n3A, %squeeze3A_1172, %min3A_1202] : memref<8x1024x3072xf32, #tpu.memory_space<hbm>> -> memref<1x64x200xf32, #tpu.memory_space<hbm>>
    %dma_start3A_1210 = tpu.memref_squeeze %dma_start3A_1209 : memref<1x64x200xf32, #tpu.memory_space<hbm>> -> memref<64x200xf32, #tpu.memory_space<hbm>>
    %dma_start3A_1211 = tpu.memref_slice %arg10[%dma_start3A_1204] : memref<2x!tpu.dma_semaphore, #tpu.memory_space<semaphore_mem>> -> memref<1x!tpu.dma_semaphore, #tpu.memory_space<semaphore_mem>>
    %dma_start3A_1212 = tpu.memref_squeeze %dma_start3A_1211 : memref<1x!tpu.dma_semaphore, #tpu.memory_space<semaphore_mem>> -> memref<!tpu.dma_semaphore, #tpu.memory_space<semaphore_mem>>
    %dma_start3A_1213 = arith.constant 0 : i32
    %dma_start3A_1214 = arith.constant 0 : i32
    %dma_start3A_1215 = tpu.memref_slice %arg8[%dma_start3A_1203, %dma_start3A_1213, %dma_start3A_1214] : memref<2x64x200xf32, #tpu.memory_space<vmem>> -> memref<1x64x200xf32, #tpu.memory_space<vmem>>
    %dma_start3A_1216 = tpu.memref_squeeze %dma_start3A_1215 : memref<1x64x200xf32, #tpu.memory_space<vmem>> -> memref<64x200xf32, #tpu.memory_space<vmem>>
    %dma_start3A_1217 = tpu.memref_slice %arg2[%select_n3A, %squeeze3A_1172, %min3A_1202] : memref<8x1024x3072xf32, #tpu.memory_space<hbm>> -> memref<1x64x200xf32, #tpu.memory_space<hbm>>
    %dma_start3A_1218 = tpu.memref_squeeze %dma_start3A_1217 : memref<1x64x200xf32, #tpu.memory_space<hbm>> -> memref<64x200xf32, #tpu.memory_space<hbm>>
    tpu.enqueue_dma source(%dma_start3A_1218 : memref<64x200xf32, #tpu.memory_space<hbm>>) target(%dma_start3A_1216 : memref<64x200xf32, #tpu.memory_space<vmem>>) target_semaphore(%dma_start3A_1212 : memref<!tpu.dma_semaphore, #tpu.memory_space<semaphore_mem>>)
    %add3A_1219 = arith.constant 4 : i32
    %add3A_1220 = arith.addi %mul3A_32, %add3A_1219 : i32
    %dma_wait3A_1221 = arith.constant 0 : i32
    %dma_wait3A_1222 = arith.constant 0 : i32
    %dma_wait3A_1223 = arith.constant 0 : i32
    %dma_wait3A_1224 = arith.constant 0 : i32
    %dma_wait3A_1225 = tpu.memref_slice %arg9[%dma_wait3A_1221, %dma_wait3A_1223, %dma_wait3A_1224] : memref<2x64x192xf32, #tpu.memory_space<vmem>> -> memref<1x64x192xf32, #tpu.memory_space<vmem>>
    %dma_wait3A_1226 = tpu.memref_squeeze %dma_wait3A_1225 : memref<1x64x192xf32, #tpu.memory_space<vmem>> -> memref<64x192xf32, #tpu.memory_space<vmem>>
    %dma_wait3A_1227 = arith.constant 0 : i32
    %dma_wait3A_1228 = arith.constant 0 : i32
    %dma_wait3A_1229 = tpu.memref_slice %arg5[%select_n3A, %add3A_1220, %dma_wait3A_1227, %dma_wait3A_1228] : memref<8x32x64x192xf32, #tpu.memory_space<hbm>> -> memref<1x1x64x192xf32, #tpu.memory_space<hbm>>
    %dma_wait3A_1230 = tpu.memref_squeeze %dma_wait3A_1229 : memref<1x1x64x192xf32, #tpu.memory_space<hbm>> -> memref<64x192xf32, #tpu.memory_space<hbm>>
    %dma_wait3A_1231 = tpu.memref_slice %arg11[%dma_wait3A_1222] : memref<2x!tpu.dma_semaphore, #tpu.memory_space<semaphore_mem>> -> memref<1x!tpu.dma_semaphore, #tpu.memory_space<semaphore_mem>>
    %dma_wait3A_1232 = tpu.memref_squeeze %dma_wait3A_1231 : memref<1x!tpu.dma_semaphore, #tpu.memory_space<semaphore_mem>> -> memref<!tpu.dma_semaphore, #tpu.memory_space<semaphore_mem>>
    %dma_wait3A_1233 = arith.constant 0 : i32
    %dma_wait3A_1234 = arith.constant 0 : i32
    %dma_wait3A_1235 = tpu.memref_slice %arg5[%select_n3A, %add3A_1220, %dma_wait3A_1233, %dma_wait3A_1234] : memref<8x32x64x192xf32, #tpu.memory_space<hbm>> -> memref<1x1x64x192xf32, #tpu.memory_space<hbm>>
    %dma_wait3A_1236 = tpu.memref_squeeze %dma_wait3A_1235 : memref<1x1x64x192xf32, #tpu.memory_space<hbm>> -> memref<64x192xf32, #tpu.memory_space<hbm>>
    %dma_wait3A_1237 = arith.constant 0 : i32
    %dma_wait3A_1238 = arith.constant 0 : i32
    %dma_wait3A_1239 = tpu.memref_slice %arg9[%dma_wait3A_1221, %dma_wait3A_1237, %dma_wait3A_1238] : memref<2x64x192xf32, #tpu.memory_space<vmem>> -> memref<1x64x192xf32, #tpu.memory_space<vmem>>
    %dma_wait3A_1240 = tpu.memref_squeeze %dma_wait3A_1239 : memref<1x64x192xf32, #tpu.memory_space<vmem>> -> memref<64x192xf32, #tpu.memory_space<vmem>>
    tpu.wait_dma2 semaphore(%dma_wait3A_1232 : memref<!tpu.dma_semaphore, #tpu.memory_space<semaphore_mem>>) src(%dma_wait3A_1240 : memref<64x192xf32, #tpu.memory_space<vmem>>) dst(%dma_wait3A_1236 : memref<64x192xf32, #tpu.memory_space<hbm>>)
    %scan3A_1241 = arith.constant 0 : i32
    %scan3A_1242 = arith.constant 64 : i32
    %scan3A_1243 = arith.addi %scan3A_1241, %scan3A_1242 : i32
    %scan3A_1244 = arith.constant 1 : i32
    scf.for %scan3A_1440 = %scan3A_1241 to %scan3A_1243 step %scan3A_1244  : i32 {
      %add3A_1441 = arith.constant 0 : i32
      %add3A_1442 = arith.addi %sub3A_1122, %add3A_1441 : i32
      %get3A_1443 = arith.constant 0 : i32
      %get3A_1444 = arith.index_cast %get3A_1443 : i32 to index
      %get3A_1445 = arith.index_cast %scan3A_1440 : i32 to index
      %get3A_1446 = arith.index_cast %add3A_1442 : i32 to index
      %get3A_1447 = tpu.vector_load %arg8[%get3A_1444, %get3A_1445, %get3A_1446] {strides = array<i32>} : memref<2x64x200xf32, #tpu.memory_space<vmem>>, vector<1x1x16xf32>,
      %get3A_1448 = vector.shape_cast %get3A_1447 : vector<1x1x16xf32> to vector<16xf32>
      %swap3A = arith.constant 0 : i32
      %swap3A_1449 = arith.index_cast %swap3A : i32 to index
      %swap3A_1450 = arith.index_cast %scan3A_1440 : i32 to index
      %swap3A_1451 = arith.constant 0 : index
      %swap3A_1452 = tpu.vector_load %arg9[%swap3A_1449, %swap3A_1450, %swap3A_1451] {strides = array<i32>} : memref<2x64x192xf32, #tpu.memory_space<vmem>>, vector<1x1x16xf32>,
      %swap3A_1453 = vector.shape_cast %swap3A_1452 : vector<1x1x16xf32> to vector<16xf32>
      %swap3A_1454 = vector.shape_cast %get3A_1448 : vector<16xf32> to vector<1x1x16xf32>
      tpu.vector_store %arg9[%swap3A_1449, %swap3A_1450, %swap3A_1451], %swap3A_1454 {strides = array<i32>} : memref<2x64x192xf32, #tpu.memory_space<vmem>>, vector<1x1x16xf32>,
      %add3A_1455 = arith.constant 16 : i32
      %add3A_1456 = arith.addi %sub3A_1122, %add3A_1455 : i32
      %get3A_1457 = arith.constant 0 : i32
      %get3A_1458 = arith.index_cast %get3A_1457 : i32 to index
      %get3A_1459 = arith.index_cast %scan3A_1440 : i32 to index
      %get3A_1460 = arith.index_cast %add3A_1456 : i32 to index
      %get3A_1461 = tpu.vector_load %arg8[%get3A_1458, %get3A_1459, %get3A_1460] {strides = array<i32>} : memref<2x64x200xf32, #tpu.memory_space<vmem>>, vector<1x1x16xf32>,
      %get3A_1462 = vector.shape_cast %get3A_1461 : vector<1x1x16xf32> to vector<16xf32>
      %swap3A_1463 = arith.constant 0 : i32
      %swap3A_1464 = arith.index_cast %swap3A_1463 : i32 to index
      %swap3A_1465 = arith.index_cast %scan3A_1440 : i32 to index
      %swap3A_1466 = arith.constant 16 : index
      %swap3A_1467 = tpu.vector_load %arg9[%swap3A_1464, %swap3A_1465, %swap3A_1466] {strides = array<i32>} : memref<2x64x192xf32, #tpu.memory_space<vmem>>, vector<1x1x16xf32>,
      %swap3A_1468 = vector.shape_cast %swap3A_1467 : vector<1x1x16xf32> to vector<16xf32>
      %swap3A_1469 = vector.shape_cast %get3A_1462 : vector<16xf32> to vector<1x1x16xf32>
      tpu.vector_store %arg9[%swap3A_1464, %swap3A_1465, %swap3A_1466], %swap3A_1469 {strides = array<i32>} : memref<2x64x192xf32, #tpu.memory_space<vmem>>, vector<1x1x16xf32>,
      %add3A_1470 = arith.constant 32 : i32
      %add3A_1471 = arith.addi %sub3A_1122, %add3A_1470 : i32
      %get3A_1472 = arith.constant 0 : i32
      %get3A_1473 = arith.index_cast %get3A_1472 : i32 to index
      %get3A_1474 = arith.index_cast %scan3A_1440 : i32 to index
      %get3A_1475 = arith.index_cast %add3A_1471 : i32 to index
      %get3A_1476 = tpu.vector_load %arg8[%get3A_1473, %get3A_1474, %get3A_1475] {strides = array<i32>} : memref<2x64x200xf32, #tpu.memory_space<vmem>>, vector<1x1x16xf32>,
      %get3A_1477 = vector.shape_cast %get3A_1476 : vector<1x1x16xf32> to vector<16xf32>
      %swap3A_1478 = arith.constant 0 : i32
      %swap3A_1479 = arith.index_cast %swap3A_1478 : i32 to index
      %swap3A_1480 = arith.index_cast %scan3A_1440 : i32 to index
      %swap3A_1481 = arith.constant 32 : index
      %swap3A_1482 = tpu.vector_load %arg9[%swap3A_1479, %swap3A_1480, %swap3A_1481] {strides = array<i32>} : memref<2x64x192xf32, #tpu.memory_space<vmem>>, vector<1x1x16xf32>,
      %swap3A_1483 = vector.shape_cast %swap3A_1482 : vector<1x1x16xf32> to vector<16xf32>
      %swap3A_1484 = vector.shape_cast %get3A_1477 : vector<16xf32> to vector<1x1x16xf32>
      tpu.vector_store %arg9[%swap3A_1479, %swap3A_1480, %swap3A_1481], %swap3A_1484 {strides = array<i32>} : memref<2x64x192xf32, #tpu.memory_space<vmem>>, vector<1x1x16xf32>,
      %add3A_1485 = arith.constant 48 : i32
      %add3A_1486 = arith.addi %sub3A_1122, %add3A_1485 : i32
      %get3A_1487 = arith.constant 0 : i32
      %get3A_1488 = arith.index_cast %get3A_1487 : i32 to index
      %get3A_1489 = arith.index_cast %scan3A_1440 : i32 to index
      %get3A_1490 = arith.index_cast %add3A_1486 : i32 to index
      %get3A_1491 = tpu.vector_load %arg8[%get3A_1488, %get3A_1489, %get3A_1490] {strides = array<i32>} : memref<2x64x200xf32, #tpu.memory_space<vmem>>, vector<1x1x16xf32>,
      %get3A_1492 = vector.shape_cast %get3A_1491 : vector<1x1x16xf32> to vector<16xf32>
      %swap3A_1493 = arith.constant 0 : i32
      %swap3A_1494 = arith.index_cast %swap3A_1493 : i32 to index
      %swap3A_1495 = arith.index_cast %scan3A_1440 : i32 to index
      %swap3A_1496 = arith.constant 48 : index
      %swap3A_1497 = tpu.vector_load %arg9[%swap3A_1494, %swap3A_1495, %swap3A_1496] {strides = array<i32>} : memref<2x64x192xf32, #tpu.memory_space<vmem>>, vector<1x1x16xf32>,
      %swap3A_1498 = vector.shape_cast %swap3A_1497 : vector<1x1x16xf32> to vector<16xf32>
      %swap3A_1499 = vector.shape_cast %get3A_1492 : vector<16xf32> to vector<1x1x16xf32>
      tpu.vector_store %arg9[%swap3A_1494, %swap3A_1495, %swap3A_1496], %swap3A_1499 {strides = array<i32>} : memref<2x64x192xf32, #tpu.memory_space<vmem>>, vector<1x1x16xf32>,
      %add3A_1500 = arith.constant 64 : i32
      %add3A_1501 = arith.addi %sub3A_1122, %add3A_1500 : i32
      %get3A_1502 = arith.constant 0 : i32
      %get3A_1503 = arith.index_cast %get3A_1502 : i32 to index
      %get3A_1504 = arith.index_cast %scan3A_1440 : i32 to index
      %get3A_1505 = arith.index_cast %add3A_1501 : i32 to index
      %get3A_1506 = tpu.vector_load %arg8[%get3A_1503, %get3A_1504, %get3A_1505] {strides = array<i32>} : memref<2x64x200xf32, #tpu.memory_space<vmem>>, vector<1x1x16xf32>,
      %get3A_1507 = vector.shape_cast %get3A_1506 : vector<1x1x16xf32> to vector<16xf32>
      %swap3A_1508 = arith.constant 0 : i32
      %swap3A_1509 = arith.index_cast %swap3A_1508 : i32 to index
      %swap3A_1510 = arith.index_cast %scan3A_1440 : i32 to index
      %swap3A_1511 = arith.constant 64 : index
      %swap3A_1512 = tpu.vector_load %arg9[%swap3A_1509, %swap3A_1510, %swap3A_1511] {strides = array<i32>} : memref<2x64x192xf32, #tpu.memory_space<vmem>>, vector<1x1x16xf32>,
      %swap3A_1513 = vector.shape_cast %swap3A_1512 : vector<1x1x16xf32> to vector<16xf32>
      %swap3A_1514 = vector.shape_cast %get3A_1507 : vector<16xf32> to vector<1x1x16xf32>
      tpu.vector_store %arg9[%swap3A_1509, %swap3A_1510, %swap3A_1511], %swap3A_1514 {strides = array<i32>} : memref<2x64x192xf32, #tpu.memory_space<vmem>>, vector<1x1x16xf32>,
      %add3A_1515 = arith.constant 80 : i32
      %add3A_1516 = arith.addi %sub3A_1122, %add3A_1515 : i32
      %get3A_1517 = arith.constant 0 : i32
      %get3A_1518 = arith.index_cast %get3A_1517 : i32 to index
      %get3A_1519 = arith.index_cast %scan3A_1440 : i32 to index
      %get3A_1520 = arith.index_cast %add3A_1516 : i32 to index
      %get3A_1521 = tpu.vector_load %arg8[%get3A_1518, %get3A_1519, %get3A_1520] {strides = array<i32>} : memref<2x64x200xf32, #tpu.memory_space<vmem>>, vector<1x1x16xf32>,
      %get3A_1522 = vector.shape_cast %get3A_1521 : vector<1x1x16xf32> to vector<16xf32>
      %swap3A_1523 = arith.constant 0 : i32
      %swap3A_1524 = arith.index_cast %swap3A_1523 : i32 to index
      %swap3A_1525 = arith.index_cast %scan3A_1440 : i32 to index
      %swap3A_1526 = arith.constant 80 : index
      %swap3A_1527 = tpu.vector_load %arg9[%swap3A_1524, %swap3A_1525, %swap3A_1526] {strides = array<i32>} : memref<2x64x192xf32, #tpu.memory_space<vmem>>, vector<1x1x16xf32>,
      %swap3A_1528 = vector.shape_cast %swap3A_1527 : vector<1x1x16xf32> to vector<16xf32>
      %swap3A_1529 = vector.shape_cast %get3A_1522 : vector<16xf32> to vector<1x1x16xf32>
      tpu.vector_store %arg9[%swap3A_1524, %swap3A_1525, %swap3A_1526], %swap3A_1529 {strides = array<i32>} : memref<2x64x192xf32, #tpu.memory_space<vmem>>, vector<1x1x16xf32>,
      %add3A_1530 = arith.constant 96 : i32
      %add3A_1531 = arith.addi %sub3A_1122, %add3A_1530 : i32
      %get3A_1532 = arith.constant 0 : i32
      %get3A_1533 = arith.index_cast %get3A_1532 : i32 to index
      %get3A_1534 = arith.index_cast %scan3A_1440 : i32 to index
      %get3A_1535 = arith.index_cast %add3A_1531 : i32 to index
      %get3A_1536 = tpu.vector_load %arg8[%get3A_1533, %get3A_1534, %get3A_1535] {strides = array<i32>} : memref<2x64x200xf32, #tpu.memory_space<vmem>>, vector<1x1x16xf32>,
      %get3A_1537 = vector.shape_cast %get3A_1536 : vector<1x1x16xf32> to vector<16xf32>
      %swap3A_1538 = arith.constant 0 : i32
      %swap3A_1539 = arith.index_cast %swap3A_1538 : i32 to index
      %swap3A_1540 = arith.index_cast %scan3A_1440 : i32 to index
      %swap3A_1541 = arith.constant 96 : index
      %swap3A_1542 = tpu.vector_load %arg9[%swap3A_1539, %swap3A_1540, %swap3A_1541] {strides = array<i32>} : memref<2x64x192xf32, #tpu.memory_space<vmem>>, vector<1x1x16xf32>,
      %swap3A_1543 = vector.shape_cast %swap3A_1542 : vector<1x1x16xf32> to vector<16xf32>
      %swap3A_1544 = vector.shape_cast %get3A_1537 : vector<16xf32> to vector<1x1x16xf32>
      tpu.vector_store %arg9[%swap3A_1539, %swap3A_1540, %swap3A_1541], %swap3A_1544 {strides = array<i32>} : memref<2x64x192xf32, #tpu.memory_space<vmem>>, vector<1x1x16xf32>,
      %add3A_1545 = arith.constant 112 : i32
      %add3A_1546 = arith.addi %sub3A_1122, %add3A_1545 : i32
      %get3A_1547 = arith.constant 0 : i32
      %get3A_1548 = arith.index_cast %get3A_1547 : i32 to index
      %get3A_1549 = arith.index_cast %scan3A_1440 : i32 to index
      %get3A_1550 = arith.index_cast %add3A_1546 : i32 to index
      %get3A_1551 = tpu.vector_load %arg8[%get3A_1548, %get3A_1549, %get3A_1550] {strides = array<i32>} : memref<2x64x200xf32, #tpu.memory_space<vmem>>, vector<1x1x16xf32>,
      %get3A_1552 = vector.shape_cast %get3A_1551 : vector<1x1x16xf32> to vector<16xf32>
      %swap3A_1553 = arith.constant 0 : i32
      %swap3A_1554 = arith.index_cast %swap3A_1553 : i32 to index
      %swap3A_1555 = arith.index_cast %scan3A_1440 : i32 to index
      %swap3A_1556 = arith.constant 112 : index
      %swap3A_1557 = tpu.vector_load %arg9[%swap3A_1554, %swap3A_1555, %swap3A_1556] {strides = array<i32>} : memref<2x64x192xf32, #tpu.memory_space<vmem>>, vector<1x1x16xf32>,
      %swap3A_1558 = vector.shape_cast %swap3A_1557 : vector<1x1x16xf32> to vector<16xf32>
      %swap3A_1559 = vector.shape_cast %get3A_1552 : vector<16xf32> to vector<1x1x16xf32>
      tpu.vector_store %arg9[%swap3A_1554, %swap3A_1555, %swap3A_1556], %swap3A_1559 {strides = array<i32>} : memref<2x64x192xf32, #tpu.memory_space<vmem>>, vector<1x1x16xf32>,
      %add3A_1560 = arith.constant 128 : i32
      %add3A_1561 = arith.addi %sub3A_1122, %add3A_1560 : i32
      %get3A_1562 = arith.constant 0 : i32
      %get3A_1563 = arith.index_cast %get3A_1562 : i32 to index
      %get3A_1564 = arith.index_cast %scan3A_1440 : i32 to index
      %get3A_1565 = arith.index_cast %add3A_1561 : i32 to index
      %get3A_1566 = tpu.vector_load %arg8[%get3A_1563, %get3A_1564, %get3A_1565] {strides = array<i32>} : memref<2x64x200xf32, #tpu.memory_space<vmem>>, vector<1x1x16xf32>,
      %get3A_1567 = vector.shape_cast %get3A_1566 : vector<1x1x16xf32> to vector<16xf32>
      %swap3A_1568 = arith.constant 0 : i32
      %swap3A_1569 = arith.index_cast %swap3A_1568 : i32 to index
      %swap3A_1570 = arith.index_cast %scan3A_1440 : i32 to index
      %swap3A_1571 = arith.constant 128 : index
      %swap3A_1572 = tpu.vector_load %arg9[%swap3A_1569, %swap3A_1570, %swap3A_1571] {strides = array<i32>} : memref<2x64x192xf32, #tpu.memory_space<vmem>>, vector<1x1x16xf32>,
      %swap3A_1573 = vector.shape_cast %swap3A_1572 : vector<1x1x16xf32> to vector<16xf32>
      %swap3A_1574 = vector.shape_cast %get3A_1567 : vector<16xf32> to vector<1x1x16xf32>
      tpu.vector_store %arg9[%swap3A_1569, %swap3A_1570, %swap3A_1571], %swap3A_1574 {strides = array<i32>} : memref<2x64x192xf32, #tpu.memory_space<vmem>>, vector<1x1x16xf32>,
      %add3A_1575 = arith.constant 144 : i32
      %add3A_1576 = arith.addi %sub3A_1122, %add3A_1575 : i32
      %get3A_1577 = arith.constant 0 : i32
      %get3A_1578 = arith.index_cast %get3A_1577 : i32 to index
      %get3A_1579 = arith.index_cast %scan3A_1440 : i32 to index
      %get3A_1580 = arith.index_cast %add3A_1576 : i32 to index
      %get3A_1581 = tpu.vector_load %arg8[%get3A_1578, %get3A_1579, %get3A_1580] {strides = array<i32>} : memref<2x64x200xf32, #tpu.memory_space<vmem>>, vector<1x1x16xf32>,
      %get3A_1582 = vector.shape_cast %get3A_1581 : vector<1x1x16xf32> to vector<16xf32>
      %swap3A_1583 = arith.constant 0 : i32
      %swap3A_1584 = arith.index_cast %swap3A_1583 : i32 to index
      %swap3A_1585 = arith.index_cast %scan3A_1440 : i32 to index
      %swap3A_1586 = arith.constant 144 : index
      %swap3A_1587 = tpu.vector_load %arg9[%swap3A_1584, %swap3A_1585, %swap3A_1586] {strides = array<i32>} : memref<2x64x192xf32, #tpu.memory_space<vmem>>, vector<1x1x16xf32>,
      %swap3A_1588 = vector.shape_cast %swap3A_1587 : vector<1x1x16xf32> to vector<16xf32>
      %swap3A_1589 = vector.shape_cast %get3A_1582 : vector<16xf32> to vector<1x1x16xf32>
      tpu.vector_store %arg9[%swap3A_1584, %swap3A_1585, %swap3A_1586], %swap3A_1589 {strides = array<i32>} : memref<2x64x192xf32, #tpu.memory_space<vmem>>, vector<1x1x16xf32>,
      %add3A_1590 = arith.constant 160 : i32
      %add3A_1591 = arith.addi %sub3A_1122, %add3A_1590 : i32
      %get3A_1592 = arith.constant 0 : i32
      %get3A_1593 = arith.index_cast %get3A_1592 : i32 to index
      %get3A_1594 = arith.index_cast %scan3A_1440 : i32 to index
      %get3A_1595 = arith.index_cast %add3A_1591 : i32 to index
      %get3A_1596 = tpu.vector_load %arg8[%get3A_1593, %get3A_1594, %get3A_1595] {strides = array<i32>} : memref<2x64x200xf32, #tpu.memory_space<vmem>>, vector<1x1x16xf32>,
      %get3A_1597 = vector.shape_cast %get3A_1596 : vector<1x1x16xf32> to vector<16xf32>
      %swap3A_1598 = arith.constant 0 : i32
      %swap3A_1599 = arith.index_cast %swap3A_1598 : i32 to index
      %swap3A_1600 = arith.index_cast %scan3A_1440 : i32 to index
      %swap3A_1601 = arith.constant 160 : index
      %swap3A_1602 = tpu.vector_load %arg9[%swap3A_1599, %swap3A_1600, %swap3A_1601] {strides = array<i32>} : memref<2x64x192xf32, #tpu.memory_space<vmem>>, vector<1x1x16xf32>,
      %swap3A_1603 = vector.shape_cast %swap3A_1602 : vector<1x1x16xf32> to vector<16xf32>
      %swap3A_1604 = vector.shape_cast %get3A_1597 : vector<16xf32> to vector<1x1x16xf32>
      tpu.vector_store %arg9[%swap3A_1599, %swap3A_1600, %swap3A_1601], %swap3A_1604 {strides = array<i32>} : memref<2x64x192xf32, #tpu.memory_space<vmem>>, vector<1x1x16xf32>,
      %add3A_1605 = arith.constant 176 : i32
      %add3A_1606 = arith.addi %sub3A_1122, %add3A_1605 : i32
      %get3A_1607 = arith.constant 0 : i32
      %get3A_1608 = arith.index_cast %get3A_1607 : i32 to index
      %get3A_1609 = arith.index_cast %scan3A_1440 : i32 to index
      %get3A_1610 = arith.index_cast %add3A_1606 : i32 to index
      %get3A_1611 = tpu.vector_load %arg8[%get3A_1608, %get3A_1609, %get3A_1610] {strides = array<i32>} : memref<2x64x200xf32, #tpu.memory_space<vmem>>, vector<1x1x16xf32>,
      %get3A_1612 = vector.shape_cast %get3A_1611 : vector<1x1x16xf32> to vector<16xf32>
      %swap3A_1613 = arith.constant 0 : i32
      %swap3A_1614 = arith.index_cast %swap3A_1613 : i32 to index
      %swap3A_1615 = arith.index_cast %scan3A_1440 : i32 to index
      %swap3A_1616 = arith.constant 176 : index
      %swap3A_1617 = tpu.vector_load %arg9[%swap3A_1614, %swap3A_1615, %swap3A_1616] {strides = array<i32>} : memref<2x64x192xf32, #tpu.memory_space<vmem>>, vector<1x1x16xf32>,
      %swap3A_1618 = vector.shape_cast %swap3A_1617 : vector<1x1x16xf32> to vector<16xf32>
      %swap3A_1619 = vector.shape_cast %get3A_1612 : vector<16xf32> to vector<1x1x16xf32>
      tpu.vector_store %arg9[%swap3A_1614, %swap3A_1615, %swap3A_1616], %swap3A_1619 {strides = array<i32>} : memref<2x64x192xf32, #tpu.memory_space<vmem>>, vector<1x1x16xf32>,
    }
    %scan3A_1245 = arith.constant 64 : i32
    %add3A_1246 = arith.constant 6 : i32
    %add3A_1247 = arith.addi %mul3A_32, %add3A_1246 : i32
    %dma_start3A_1248 = arith.constant 0 : i32
    %dma_start3A_1249 = arith.constant 0 : i32
    %dma_start3A_1250 = arith.constant 0 : i32
    %dma_start3A_1251 = arith.constant 0 : i32
    %dma_start3A_1252 = tpu.memref_slice %arg9[%dma_start3A_1248, %dma_start3A_1250, %dma_start3A_1251] : memref<2x64x192xf32, #tpu.memory_space<vmem>> -> memref<1x64x192xf32, #tpu.memory_space<vmem>>
    %dma_start3A_1253 = tpu.memref_squeeze %dma_start3A_1252 : memref<1x64x192xf32, #tpu.memory_space<vmem>> -> memref<64x192xf32, #tpu.memory_space<vmem>>
    %dma_start3A_1254 = arith.constant 0 : i32
    %dma_start3A_1255 = arith.constant 0 : i32
    %dma_start3A_1256 = tpu.memref_slice %arg5[%select_n3A, %add3A_1247, %dma_start3A_1254, %dma_start3A_1255] : memref<8x32x64x192xf32, #tpu.memory_space<hbm>> -> memref<1x1x64x192xf32, #tpu.memory_space<hbm>>
    %dma_start3A_1257 = tpu.memref_squeeze %dma_start3A_1256 : memref<1x1x64x192xf32, #tpu.memory_space<hbm>> -> memref<64x192xf32, #tpu.memory_space<hbm>>
    %dma_start3A_1258 = tpu.memref_slice %arg11[%dma_start3A_1249] : memref<2x!tpu.dma_semaphore, #tpu.memory_space<semaphore_mem>> -> memref<1x!tpu.dma_semaphore, #tpu.memory_space<semaphore_mem>>
    %dma_start3A_1259 = tpu.memref_squeeze %dma_start3A_1258 : memref<1x!tpu.dma_semaphore, #tpu.memory_space<semaphore_mem>> -> memref<!tpu.dma_semaphore, #tpu.memory_space<semaphore_mem>>
    %dma_start3A_1260 = arith.constant 0 : i32
    %dma_start3A_1261 = arith.constant 0 : i32
    %dma_start3A_1262 = tpu.memref_slice %arg5[%select_n3A, %add3A_1247, %dma_start3A_1260, %dma_start3A_1261] : memref<8x32x64x192xf32, #tpu.memory_space<hbm>> -> memref<1x1x64x192xf32, #tpu.memory_space<hbm>>
    %dma_start3A_1263 = tpu.memref_squeeze %dma_start3A_1262 : memref<1x1x64x192xf32, #tpu.memory_space<hbm>> -> memref<64x192xf32, #tpu.memory_space<hbm>>
    %dma_start3A_1264 = arith.constant 0 : i32
    %dma_start3A_1265 = arith.constant 0 : i32
    %dma_start3A_1266 = tpu.memref_slice %arg9[%dma_start3A_1248, %dma_start3A_1264, %dma_start3A_1265] : memref<2x64x192xf32, #tpu.memory_space<vmem>> -> memref<1x64x192xf32, #tpu.memory_space<vmem>>
    %dma_start3A_1267 = tpu.memref_squeeze %dma_start3A_1266 : memref<1x64x192xf32, #tpu.memory_space<vmem>> -> memref<64x192xf32, #tpu.memory_space<vmem>>
    tpu.enqueue_dma source(%dma_start3A_1267 : memref<64x192xf32, #tpu.memory_space<vmem>>) target(%dma_start3A_1263 : memref<64x192xf32, #tpu.memory_space<hbm>>) target_semaphore(%dma_start3A_1259 : memref<!tpu.dma_semaphore, #tpu.memory_space<semaphore_mem>>)
    %slice3A_1268 = vector.extract_strided_slice %get3A_37 {offsets = [7], sizes = [1], strides = [1]} : vector<16xi32> to vector<1xi32>
    %squeeze3A_1269 = vector.extract %slice3A_1268[0] : i32 from vector<1xi32>
    %jit3A_1270 = arith.constant 8 : i32
    %div3A_1271 = arith.divsi %squeeze3A_1269, %jit3A_1270 : i32
    %sign3A_1272 = arith.constant 0 : i32
    %sign3A_1273 = arith.cmpi sgt, %squeeze3A_1269, %sign3A_1272 : i32
    %sign3A_1274 = arith.extui %sign3A_1273 : i1 to i32
    %sign3A_1275 = arith.constant 0 : i32
    %sign3A_1276 = arith.cmpi slt, %squeeze3A_1269, %sign3A_1275 : i32
    %sign3A_1277 = arith.extui %sign3A_1276 : i1 to i32
    %sign3A_1278 = arith.subi %sign3A_1274, %sign3A_1277 : i32
    %sign3A_1279 = arith.constant 0 : i32
    %sign3A_1280 = arith.cmpi sgt, %jit3A_1270, %sign3A_1279 : i32
    %sign3A_1281 = arith.extui %sign3A_1280 : i1 to i32
    %sign3A_1282 = arith.constant 0 : i32
    %sign3A_1283 = arith.cmpi slt, %jit3A_1270, %sign3A_1282 : i32
    %sign3A_1284 = arith.extui %sign3A_1283 : i1 to i32
    %sign3A_1285 = arith.subi %sign3A_1281, %sign3A_1284 : i32
    %ne3A_1286 = arith.cmpi ne, %sign3A_1278, %sign3A_1285 : i32
    %rem3A_1287 = arith.remsi %squeeze3A_1269, %jit3A_1270 : i32
    %ne3A_1288 = arith.constant 0 : i32
    %ne3A_1289 = arith.cmpi ne, %rem3A_1287, %ne3A_1288 : i32
    %and3A_1290 = arith.andi %ne3A_1286, %ne3A_1289 : i1
    %sub3A_1291 = arith.constant 1 : i32
    %sub3A_1292 = arith.subi %div3A_1271, %sub3A_1291 : i32
    %select_n3A_1293 = arith.select %and3A_1290, %sub3A_1292, %div3A_1271 : i32
    %mul3A_1294 = arith.constant 8 : i32
    %mul3A_1295 = arith.muli %select_n3A_1293, %mul3A_1294 : i32
    %min3A_1296 = arith.constant 2872 : i32
    %min3A_1297 = arith.minsi %mul3A_1295, %min3A_1296 : i32
    %sub3A_1298 = arith.subi %squeeze3A_1269, %min3A_1297 : i32
    %slice3A_1299 = vector.extract_strided_slice %get3A_34 {offsets = [7], sizes = [1], strides = [1]} : vector<16xi32> to vector<1xi32>
    %squeeze3A_1300 = vector.extract %slice3A_1299[0] : i32 from vector<1xi32>
    %slice3A_1301 = vector.extract_strided_slice %get3A_37 {offsets = [7], sizes = [1], strides = [1]} : vector<16xi32> to vector<1xi32>
    %squeeze3A_1302 = vector.extract %slice3A_1301[0] : i32 from vector<1xi32>
    %jit3A_1303 = arith.constant 8 : i32
    %div3A_1304 = arith.divsi %squeeze3A_1302, %jit3A_1303 : i32
    %sign3A_1305 = arith.constant 0 : i32
    %sign3A_1306 = arith.cmpi sgt, %squeeze3A_1302, %sign3A_1305 : i32
    %sign3A_1307 = arith.extui %sign3A_1306 : i1 to i32
    %sign3A_1308 = arith.constant 0 : i32
    %sign3A_1309 = arith.cmpi slt, %squeeze3A_1302, %sign3A_1308 : i32
    %sign3A_1310 = arith.extui %sign3A_1309 : i1 to i32
    %sign3A_1311 = arith.subi %sign3A_1307, %sign3A_1310 : i32
    %sign3A_1312 = arith.constant 0 : i32
    %sign3A_1313 = arith.cmpi sgt, %jit3A_1303, %sign3A_1312 : i32
    %sign3A_1314 = arith.extui %sign3A_1313 : i1 to i32
    %sign3A_1315 = arith.constant 0 : i32
    %sign3A_1316 = arith.cmpi slt, %jit3A_1303, %sign3A_1315 : i32
    %sign3A_1317 = arith.extui %sign3A_1316 : i1 to i32
    %sign3A_1318 = arith.subi %sign3A_1314, %sign3A_1317 : i32
    %ne3A_1319 = arith.cmpi ne, %sign3A_1311, %sign3A_1318 : i32
    %rem3A_1320 = arith.remsi %squeeze3A_1302, %jit3A_1303 : i32
    %ne3A_1321 = arith.constant 0 : i32
    %ne3A_1322 = arith.cmpi ne, %rem3A_1320, %ne3A_1321 : i32
    %and3A_1323 = arith.andi %ne3A_1319, %ne3A_1322 : i1
    %sub3A_1324 = arith.constant 1 : i32
    %sub3A_1325 = arith.subi %div3A_1304, %sub3A_1324 : i32
    %select_n3A_1326 = arith.select %and3A_1323, %sub3A_1325, %div3A_1304 : i32
    %mul3A_1327 = arith.constant 8 : i32
    %mul3A_1328 = arith.muli %select_n3A_1326, %mul3A_1327 : i32
    %min3A_1329 = arith.constant 2872 : i32
    %min3A_1330 = arith.minsi %mul3A_1328, %min3A_1329 : i32
    %dma_wait3A_1331 = arith.constant 1 : i32
    %dma_wait3A_1332 = arith.constant 1 : i32
    %dma_wait3A_1333 = arith.constant 0 : i32
    %dma_wait3A_1334 = arith.constant 0 : i32
    %dma_wait3A_1335 = tpu.memref_slice %arg8[%dma_wait3A_1331, %dma_wait3A_1333, %dma_wait3A_1334] : memref<2x64x200xf32, #tpu.memory_space<vmem>> -> memref<1x64x200xf32, #tpu.memory_space<vmem>>
    %dma_wait3A_1336 = tpu.memref_squeeze %dma_wait3A_1335 : memref<1x64x200xf32, #tpu.memory_space<vmem>> -> memref<64x200xf32, #tpu.memory_space<vmem>>
    %dma_wait3A_1337 = tpu.memref_slice %arg2[%select_n3A, %squeeze3A_1300, %min3A_1330] : memref<8x1024x3072xf32, #tpu.memory_space<hbm>> -> memref<1x64x200xf32, #tpu.memory_space<hbm>>
    %dma_wait3A_1338 = tpu.memref_squeeze %dma_wait3A_1337 : memref<1x64x200xf32, #tpu.memory_space<hbm>> -> memref<64x200xf32, #tpu.memory_space<hbm>>
    %dma_wait3A_1339 = tpu.memref_slice %arg10[%dma_wait3A_1332] : memref<2x!tpu.dma_semaphore, #tpu.memory_space<semaphore_mem>> -> memref<1x!tpu.dma_semaphore, #tpu.memory_space<semaphore_mem>>
    %dma_wait3A_1340 = tpu.memref_squeeze %dma_wait3A_1339 : memref<1x!tpu.dma_semaphore, #tpu.memory_space<semaphore_mem>> -> memref<!tpu.dma_semaphore, #tpu.memory_space<semaphore_mem>>
    %dma_wait3A_1341 = arith.constant 0 : i32
    %dma_wait3A_1342 = arith.constant 0 : i32
    %dma_wait3A_1343 = tpu.memref_slice %arg8[%dma_wait3A_1331, %dma_wait3A_1341, %dma_wait3A_1342] : memref<2x64x200xf32, #tpu.memory_space<vmem>> -> memref<1x64x200xf32, #tpu.memory_space<vmem>>
    %dma_wait3A_1344 = tpu.memref_squeeze %dma_wait3A_1343 : memref<1x64x200xf32, #tpu.memory_space<vmem>> -> memref<64x200xf32, #tpu.memory_space<vmem>>
    %dma_wait3A_1345 = tpu.memref_slice %arg2[%select_n3A, %squeeze3A_1300, %min3A_1330] : memref<8x1024x3072xf32, #tpu.memory_space<hbm>> -> memref<1x64x200xf32, #tpu.memory_space<hbm>>
    %dma_wait3A_1346 = tpu.memref_squeeze %dma_wait3A_1345 : memref<1x64x200xf32, #tpu.memory_space<hbm>> -> memref<64x200xf32, #tpu.memory_space<hbm>>
    tpu.wait_dma2 semaphore(%dma_wait3A_1340 : memref<!tpu.dma_semaphore, #tpu.memory_space<semaphore_mem>>) src(%dma_wait3A_1346 : memref<64x200xf32, #tpu.memory_space<hbm>>) dst(%dma_wait3A_1344 : memref<64x200xf32, #tpu.memory_space<vmem>>)
    %add3A_1347 = arith.constant 5 : i32
    %add3A_1348 = arith.addi %mul3A_32, %add3A_1347 : i32
    %dma_wait3A_1349 = arith.constant 1 : i32
    %dma_wait3A_1350 = arith.constant 1 : i32
    %dma_wait3A_1351 = arith.constant 0 : i32
    %dma_wait3A_1352 = arith.constant 0 : i32
    %dma_wait3A_1353 = tpu.memref_slice %arg9[%dma_wait3A_1349, %dma_wait3A_1351, %dma_wait3A_1352] : memref<2x64x192xf32, #tpu.memory_space<vmem>> -> memref<1x64x192xf32, #tpu.memory_space<vmem>>
    %dma_wait3A_1354 = tpu.memref_squeeze %dma_wait3A_1353 : memref<1x64x192xf32, #tpu.memory_space<vmem>> -> memref<64x192xf32, #tpu.memory_space<vmem>>
    %dma_wait3A_1355 = arith.constant 0 : i32
    %dma_wait3A_1356 = arith.constant 0 : i32
    %dma_wait3A_1357 = tpu.memref_slice %arg5[%select_n3A, %add3A_1348, %dma_wait3A_1355, %dma_wait3A_1356] : memref<8x32x64x192xf32, #tpu.memory_space<hbm>> -> memref<1x1x64x192xf32, #tpu.memory_space<hbm>>
    %dma_wait3A_1358 = tpu.memref_squeeze %dma_wait3A_1357 : memref<1x1x64x192xf32, #tpu.memory_space<hbm>> -> memref<64x192xf32, #tpu.memory_space<hbm>>
    %dma_wait3A_1359 = tpu.memref_slice %arg11[%dma_wait3A_1350] : memref<2x!tpu.dma_semaphore, #tpu.memory_space<semaphore_mem>> -> memref<1x!tpu.dma_semaphore, #tpu.memory_space<semaphore_mem>>
    %dma_wait3A_1360 = tpu.memref_squeeze %dma_wait3A_1359 : memref<1x!tpu.dma_semaphore, #tpu.memory_space<semaphore_mem>> -> memref<!tpu.dma_semaphore, #tpu.memory_space<semaphore_mem>>
    %dma_wait3A_1361 = arith.constant 0 : i32
    %dma_wait3A_1362 = arith.constant 0 : i32
    %dma_wait3A_1363 = tpu.memref_slice %arg5[%select_n3A, %add3A_1348, %dma_wait3A_1361, %dma_wait3A_1362] : memref<8x32x64x192xf32, #tpu.memory_space<hbm>> -> memref<1x1x64x192xf32, #tpu.memory_space<hbm>>
    %dma_wait3A_1364 = tpu.memref_squeeze %dma_wait3A_1363 : memref<1x1x64x192xf32, #tpu.memory_space<hbm>> -> memref<64x192xf32, #tpu.memory_space<hbm>>
    %dma_wait3A_1365 = arith.constant 0 : i32
    %dma_wait3A_1366 = arith.constant 0 : i32
    %dma_wait3A_1367 = tpu.memref_slice %arg9[%dma_wait3A_1349, %dma_wait3A_1365, %dma_wait3A_1366] : memref<2x64x192xf32, #tpu.memory_space<vmem>> -> memref<1x64x192xf32, #tpu.memory_space<vmem>>
    %dma_wait3A_1368 = tpu.memref_squeeze %dma_wait3A_1367 : memref<1x64x192xf32, #tpu.memory_space<vmem>> -> memref<64x192xf32, #tpu.memory_space<vmem>>
    tpu.wait_dma2 semaphore(%dma_wait3A_1360 : memref<!tpu.dma_semaphore, #tpu.memory_space<semaphore_mem>>) src(%dma_wait3A_1368 : memref<64x192xf32, #tpu.memory_space<vmem>>) dst(%dma_wait3A_1364 : memref<64x192xf32, #tpu.memory_space<hbm>>)
    %scan3A_1369 = arith.constant 0 : i32
    %scan3A_1370 = arith.constant 64 : i32
    %scan3A_1371 = arith.addi %scan3A_1369, %scan3A_1370 : i32
    %scan3A_1372 = arith.constant 1 : i32
    scf.for %scan3A_1440 = %scan3A_1369 to %scan3A_1371 step %scan3A_1372  : i32 {
      %add3A_1441 = arith.constant 0 : i32
      %add3A_1442 = arith.addi %sub3A_1298, %add3A_1441 : i32
      %get3A_1443 = arith.constant 1 : i32
      %get3A_1444 = arith.index_cast %get3A_1443 : i32 to index
      %get3A_1445 = arith.index_cast %scan3A_1440 : i32 to index
      %get3A_1446 = arith.index_cast %add3A_1442 : i32 to index
      %get3A_1447 = tpu.vector_load %arg8[%get3A_1444, %get3A_1445, %get3A_1446] {strides = array<i32>} : memref<2x64x200xf32, #tpu.memory_space<vmem>>, vector<1x1x16xf32>,
      %get3A_1448 = vector.shape_cast %get3A_1447 : vector<1x1x16xf32> to vector<16xf32>
      %swap3A = arith.constant 1 : i32
      %swap3A_1449 = arith.index_cast %swap3A : i32 to index
      %swap3A_1450 = arith.index_cast %scan3A_1440 : i32 to index
      %swap3A_1451 = arith.constant 0 : index
      %swap3A_1452 = tpu.vector_load %arg9[%swap3A_1449, %swap3A_1450, %swap3A_1451] {strides = array<i32>} : memref<2x64x192xf32, #tpu.memory_space<vmem>>, vector<1x1x16xf32>,
      %swap3A_1453 = vector.shape_cast %swap3A_1452 : vector<1x1x16xf32> to vector<16xf32>
      %swap3A_1454 = vector.shape_cast %get3A_1448 : vector<16xf32> to vector<1x1x16xf32>
      tpu.vector_store %arg9[%swap3A_1449, %swap3A_1450, %swap3A_1451], %swap3A_1454 {strides = array<i32>} : memref<2x64x192xf32, #tpu.memory_space<vmem>>, vector<1x1x16xf32>,
      %add3A_1455 = arith.constant 16 : i32
      %add3A_1456 = arith.addi %sub3A_1298, %add3A_1455 : i32
      %get3A_1457 = arith.constant 1 : i32
      %get3A_1458 = arith.index_cast %get3A_1457 : i32 to index
      %get3A_1459 = arith.index_cast %scan3A_1440 : i32 to index
      %get3A_1460 = arith.index_cast %add3A_1456 : i32 to index
      %get3A_1461 = tpu.vector_load %arg8[%get3A_1458, %get3A_1459, %get3A_1460] {strides = array<i32>} : memref<2x64x200xf32, #tpu.memory_space<vmem>>, vector<1x1x16xf32>,
      %get3A_1462 = vector.shape_cast %get3A_1461 : vector<1x1x16xf32> to vector<16xf32>
      %swap3A_1463 = arith.constant 1 : i32
      %swap3A_1464 = arith.index_cast %swap3A_1463 : i32 to index
      %swap3A_1465 = arith.index_cast %scan3A_1440 : i32 to index
      %swap3A_1466 = arith.constant 16 : index
      %swap3A_1467 = tpu.vector_load %arg9[%swap3A_1464, %swap3A_1465, %swap3A_1466] {strides = array<i32>} : memref<2x64x192xf32, #tpu.memory_space<vmem>>, vector<1x1x16xf32>,
      %swap3A_1468 = vector.shape_cast %swap3A_1467 : vector<1x1x16xf32> to vector<16xf32>
      %swap3A_1469 = vector.shape_cast %get3A_1462 : vector<16xf32> to vector<1x1x16xf32>
      tpu.vector_store %arg9[%swap3A_1464, %swap3A_1465, %swap3A_1466], %swap3A_1469 {strides = array<i32>} : memref<2x64x192xf32, #tpu.memory_space<vmem>>, vector<1x1x16xf32>,
      %add3A_1470 = arith.constant 32 : i32
      %add3A_1471 = arith.addi %sub3A_1298, %add3A_1470 : i32
      %get3A_1472 = arith.constant 1 : i32
      %get3A_1473 = arith.index_cast %get3A_1472 : i32 to index
      %get3A_1474 = arith.index_cast %scan3A_1440 : i32 to index
      %get3A_1475 = arith.index_cast %add3A_1471 : i32 to index
      %get3A_1476 = tpu.vector_load %arg8[%get3A_1473, %get3A_1474, %get3A_1475] {strides = array<i32>} : memref<2x64x200xf32, #tpu.memory_space<vmem>>, vector<1x1x16xf32>,
      %get3A_1477 = vector.shape_cast %get3A_1476 : vector<1x1x16xf32> to vector<16xf32>
      %swap3A_1478 = arith.constant 1 : i32
      %swap3A_1479 = arith.index_cast %swap3A_1478 : i32 to index
      %swap3A_1480 = arith.index_cast %scan3A_1440 : i32 to index
      %swap3A_1481 = arith.constant 32 : index
      %swap3A_1482 = tpu.vector_load %arg9[%swap3A_1479, %swap3A_1480, %swap3A_1481] {strides = array<i32>} : memref<2x64x192xf32, #tpu.memory_space<vmem>>, vector<1x1x16xf32>,
      %swap3A_1483 = vector.shape_cast %swap3A_1482 : vector<1x1x16xf32> to vector<16xf32>
      %swap3A_1484 = vector.shape_cast %get3A_1477 : vector<16xf32> to vector<1x1x16xf32>
      tpu.vector_store %arg9[%swap3A_1479, %swap3A_1480, %swap3A_1481], %swap3A_1484 {strides = array<i32>} : memref<2x64x192xf32, #tpu.memory_space<vmem>>, vector<1x1x16xf32>,
      %add3A_1485 = arith.constant 48 : i32
      %add3A_1486 = arith.addi %sub3A_1298, %add3A_1485 : i32
      %get3A_1487 = arith.constant 1 : i32
      %get3A_1488 = arith.index_cast %get3A_1487 : i32 to index
      %get3A_1489 = arith.index_cast %scan3A_1440 : i32 to index
      %get3A_1490 = arith.index_cast %add3A_1486 : i32 to index
      %get3A_1491 = tpu.vector_load %arg8[%get3A_1488, %get3A_1489, %get3A_1490] {strides = array<i32>} : memref<2x64x200xf32, #tpu.memory_space<vmem>>, vector<1x1x16xf32>,
      %get3A_1492 = vector.shape_cast %get3A_1491 : vector<1x1x16xf32> to vector<16xf32>
      %swap3A_1493 = arith.constant 1 : i32
      %swap3A_1494 = arith.index_cast %swap3A_1493 : i32 to index
      %swap3A_1495 = arith.index_cast %scan3A_1440 : i32 to index
      %swap3A_1496 = arith.constant 48 : index
      %swap3A_1497 = tpu.vector_load %arg9[%swap3A_1494, %swap3A_1495, %swap3A_1496] {strides = array<i32>} : memref<2x64x192xf32, #tpu.memory_space<vmem>>, vector<1x1x16xf32>,
      %swap3A_1498 = vector.shape_cast %swap3A_1497 : vector<1x1x16xf32> to vector<16xf32>
      %swap3A_1499 = vector.shape_cast %get3A_1492 : vector<16xf32> to vector<1x1x16xf32>
      tpu.vector_store %arg9[%swap3A_1494, %swap3A_1495, %swap3A_1496], %swap3A_1499 {strides = array<i32>} : memref<2x64x192xf32, #tpu.memory_space<vmem>>, vector<1x1x16xf32>,
      %add3A_1500 = arith.constant 64 : i32
      %add3A_1501 = arith.addi %sub3A_1298, %add3A_1500 : i32
      %get3A_1502 = arith.constant 1 : i32
      %get3A_1503 = arith.index_cast %get3A_1502 : i32 to index
      %get3A_1504 = arith.index_cast %scan3A_1440 : i32 to index
      %get3A_1505 = arith.index_cast %add3A_1501 : i32 to index
      %get3A_1506 = tpu.vector_load %arg8[%get3A_1503, %get3A_1504, %get3A_1505] {strides = array<i32>} : memref<2x64x200xf32, #tpu.memory_space<vmem>>, vector<1x1x16xf32>,
      %get3A_1507 = vector.shape_cast %get3A_1506 : vector<1x1x16xf32> to vector<16xf32>
      %swap3A_1508 = arith.constant 1 : i32
      %swap3A_1509 = arith.index_cast %swap3A_1508 : i32 to index
      %swap3A_1510 = arith.index_cast %scan3A_1440 : i32 to index
      %swap3A_1511 = arith.constant 64 : index
      %swap3A_1512 = tpu.vector_load %arg9[%swap3A_1509, %swap3A_1510, %swap3A_1511] {strides = array<i32>} : memref<2x64x192xf32, #tpu.memory_space<vmem>>, vector<1x1x16xf32>,
      %swap3A_1513 = vector.shape_cast %swap3A_1512 : vector<1x1x16xf32> to vector<16xf32>
      %swap3A_1514 = vector.shape_cast %get3A_1507 : vector<16xf32> to vector<1x1x16xf32>
      tpu.vector_store %arg9[%swap3A_1509, %swap3A_1510, %swap3A_1511], %swap3A_1514 {strides = array<i32>} : memref<2x64x192xf32, #tpu.memory_space<vmem>>, vector<1x1x16xf32>,
      %add3A_1515 = arith.constant 80 : i32
      %add3A_1516 = arith.addi %sub3A_1298, %add3A_1515 : i32
      %get3A_1517 = arith.constant 1 : i32
      %get3A_1518 = arith.index_cast %get3A_1517 : i32 to index
      %get3A_1519 = arith.index_cast %scan3A_1440 : i32 to index
      %get3A_1520 = arith.index_cast %add3A_1516 : i32 to index
      %get3A_1521 = tpu.vector_load %arg8[%get3A_1518, %get3A_1519, %get3A_1520] {strides = array<i32>} : memref<2x64x200xf32, #tpu.memory_space<vmem>>, vector<1x1x16xf32>,
      %get3A_1522 = vector.shape_cast %get3A_1521 : vector<1x1x16xf32> to vector<16xf32>
      %swap3A_1523 = arith.constant 1 : i32
      %swap3A_1524 = arith.index_cast %swap3A_1523 : i32 to index
      %swap3A_1525 = arith.index_cast %scan3A_1440 : i32 to index
      %swap3A_1526 = arith.constant 80 : index
      %swap3A_1527 = tpu.vector_load %arg9[%swap3A_1524, %swap3A_1525, %swap3A_1526] {strides = array<i32>} : memref<2x64x192xf32, #tpu.memory_space<vmem>>, vector<1x1x16xf32>,
      %swap3A_1528 = vector.shape_cast %swap3A_1527 : vector<1x1x16xf32> to vector<16xf32>
      %swap3A_1529 = vector.shape_cast %get3A_1522 : vector<16xf32> to vector<1x1x16xf32>
      tpu.vector_store %arg9[%swap3A_1524, %swap3A_1525, %swap3A_1526], %swap3A_1529 {strides = array<i32>} : memref<2x64x192xf32, #tpu.memory_space<vmem>>, vector<1x1x16xf32>,
      %add3A_1530 = arith.constant 96 : i32
      %add3A_1531 = arith.addi %sub3A_1298, %add3A_1530 : i32
      %get3A_1532 = arith.constant 1 : i32
      %get3A_1533 = arith.index_cast %get3A_1532 : i32 to index
      %get3A_1534 = arith.index_cast %scan3A_1440 : i32 to index
      %get3A_1535 = arith.index_cast %add3A_1531 : i32 to index
      %get3A_1536 = tpu.vector_load %arg8[%get3A_1533, %get3A_1534, %get3A_1535] {strides = array<i32>} : memref<2x64x200xf32, #tpu.memory_space<vmem>>, vector<1x1x16xf32>,
      %get3A_1537 = vector.shape_cast %get3A_1536 : vector<1x1x16xf32> to vector<16xf32>
      %swap3A_1538 = arith.constant 1 : i32
      %swap3A_1539 = arith.index_cast %swap3A_1538 : i32 to index
      %swap3A_1540 = arith.index_cast %scan3A_1440 : i32 to index
      %swap3A_1541 = arith.constant 96 : index
      %swap3A_1542 = tpu.vector_load %arg9[%swap3A_1539, %swap3A_1540, %swap3A_1541] {strides = array<i32>} : memref<2x64x192xf32, #tpu.memory_space<vmem>>, vector<1x1x16xf32>,
      %swap3A_1543 = vector.shape_cast %swap3A_1542 : vector<1x1x16xf32> to vector<16xf32>
      %swap3A_1544 = vector.shape_cast %get3A_1537 : vector<16xf32> to vector<1x1x16xf32>
      tpu.vector_store %arg9[%swap3A_1539, %swap3A_1540, %swap3A_1541], %swap3A_1544 {strides = array<i32>} : memref<2x64x192xf32, #tpu.memory_space<vmem>>, vector<1x1x16xf32>,
      %add3A_1545 = arith.constant 112 : i32
      %add3A_1546 = arith.addi %sub3A_1298, %add3A_1545 : i32
      %get3A_1547 = arith.constant 1 : i32
      %get3A_1548 = arith.index_cast %get3A_1547 : i32 to index
      %get3A_1549 = arith.index_cast %scan3A_1440 : i32 to index
      %get3A_1550 = arith.index_cast %add3A_1546 : i32 to index
      %get3A_1551 = tpu.vector_load %arg8[%get3A_1548, %get3A_1549, %get3A_1550] {strides = array<i32>} : memref<2x64x200xf32, #tpu.memory_space<vmem>>, vector<1x1x16xf32>,
      %get3A_1552 = vector.shape_cast %get3A_1551 : vector<1x1x16xf32> to vector<16xf32>
      %swap3A_1553 = arith.constant 1 : i32
      %swap3A_1554 = arith.index_cast %swap3A_1553 : i32 to index
      %swap3A_1555 = arith.index_cast %scan3A_1440 : i32 to index
      %swap3A_1556 = arith.constant 112 : index
      %swap3A_1557 = tpu.vector_load %arg9[%swap3A_1554, %swap3A_1555, %swap3A_1556] {strides = array<i32>} : memref<2x64x192xf32, #tpu.memory_space<vmem>>, vector<1x1x16xf32>,
      %swap3A_1558 = vector.shape_cast %swap3A_1557 : vector<1x1x16xf32> to vector<16xf32>
      %swap3A_1559 = vector.shape_cast %get3A_1552 : vector<16xf32> to vector<1x1x16xf32>
      tpu.vector_store %arg9[%swap3A_1554, %swap3A_1555, %swap3A_1556], %swap3A_1559 {strides = array<i32>} : memref<2x64x192xf32, #tpu.memory_space<vmem>>, vector<1x1x16xf32>,
      %add3A_1560 = arith.constant 128 : i32
      %add3A_1561 = arith.addi %sub3A_1298, %add3A_1560 : i32
      %get3A_1562 = arith.constant 1 : i32
      %get3A_1563 = arith.index_cast %get3A_1562 : i32 to index
      %get3A_1564 = arith.index_cast %scan3A_1440 : i32 to index
      %get3A_1565 = arith.index_cast %add3A_1561 : i32 to index
      %get3A_1566 = tpu.vector_load %arg8[%get3A_1563, %get3A_1564, %get3A_1565] {strides = array<i32>} : memref<2x64x200xf32, #tpu.memory_space<vmem>>, vector<1x1x16xf32>,
      %get3A_1567 = vector.shape_cast %get3A_1566 : vector<1x1x16xf32> to vector<16xf32>
      %swap3A_1568 = arith.constant 1 : i32
      %swap3A_1569 = arith.index_cast %swap3A_1568 : i32 to index
      %swap3A_1570 = arith.index_cast %scan3A_1440 : i32 to index
      %swap3A_1571 = arith.constant 128 : index
      %swap3A_1572 = tpu.vector_load %arg9[%swap3A_1569, %swap3A_1570, %swap3A_1571] {strides = array<i32>} : memref<2x64x192xf32, #tpu.memory_space<vmem>>, vector<1x1x16xf32>,
      %swap3A_1573 = vector.shape_cast %swap3A_1572 : vector<1x1x16xf32> to vector<16xf32>
      %swap3A_1574 = vector.shape_cast %get3A_1567 : vector<16xf32> to vector<1x1x16xf32>
      tpu.vector_store %arg9[%swap3A_1569, %swap3A_1570, %swap3A_1571], %swap3A_1574 {strides = array<i32>} : memref<2x64x192xf32, #tpu.memory_space<vmem>>, vector<1x1x16xf32>,
      %add3A_1575 = arith.constant 144 : i32
      %add3A_1576 = arith.addi %sub3A_1298, %add3A_1575 : i32
      %get3A_1577 = arith.constant 1 : i32
      %get3A_1578 = arith.index_cast %get3A_1577 : i32 to index
      %get3A_1579 = arith.index_cast %scan3A_1440 : i32 to index
      %get3A_1580 = arith.index_cast %add3A_1576 : i32 to index
      %get3A_1581 = tpu.vector_load %arg8[%get3A_1578, %get3A_1579, %get3A_1580] {strides = array<i32>} : memref<2x64x200xf32, #tpu.memory_space<vmem>>, vector<1x1x16xf32>,
      %get3A_1582 = vector.shape_cast %get3A_1581 : vector<1x1x16xf32> to vector<16xf32>
      %swap3A_1583 = arith.constant 1 : i32
      %swap3A_1584 = arith.index_cast %swap3A_1583 : i32 to index
      %swap3A_1585 = arith.index_cast %scan3A_1440 : i32 to index
      %swap3A_1586 = arith.constant 144 : index
      %swap3A_1587 = tpu.vector_load %arg9[%swap3A_1584, %swap3A_1585, %swap3A_1586] {strides = array<i32>} : memref<2x64x192xf32, #tpu.memory_space<vmem>>, vector<1x1x16xf32>,
      %swap3A_1588 = vector.shape_cast %swap3A_1587 : vector<1x1x16xf32> to vector<16xf32>
      %swap3A_1589 = vector.shape_cast %get3A_1582 : vector<16xf32> to vector<1x1x16xf32>
      tpu.vector_store %arg9[%swap3A_1584, %swap3A_1585, %swap3A_1586], %swap3A_1589 {strides = array<i32>} : memref<2x64x192xf32, #tpu.memory_space<vmem>>, vector<1x1x16xf32>,
      %add3A_1590 = arith.constant 160 : i32
      %add3A_1591 = arith.addi %sub3A_1298, %add3A_1590 : i32
      %get3A_1592 = arith.constant 1 : i32
      %get3A_1593 = arith.index_cast %get3A_1592 : i32 to index
      %get3A_1594 = arith.index_cast %scan3A_1440 : i32 to index
      %get3A_1595 = arith.index_cast %add3A_1591 : i32 to index
      %get3A_1596 = tpu.vector_load %arg8[%get3A_1593, %get3A_1594, %get3A_1595] {strides = array<i32>} : memref<2x64x200xf32, #tpu.memory_space<vmem>>, vector<1x1x16xf32>,
      %get3A_1597 = vector.shape_cast %get3A_1596 : vector<1x1x16xf32> to vector<16xf32>
      %swap3A_1598 = arith.constant 1 : i32
      %swap3A_1599 = arith.index_cast %swap3A_1598 : i32 to index
      %swap3A_1600 = arith.index_cast %scan3A_1440 : i32 to index
      %swap3A_1601 = arith.constant 160 : index
      %swap3A_1602 = tpu.vector_load %arg9[%swap3A_1599, %swap3A_1600, %swap3A_1601] {strides = array<i32>} : memref<2x64x192xf32, #tpu.memory_space<vmem>>, vector<1x1x16xf32>,
      %swap3A_1603 = vector.shape_cast %swap3A_1602 : vector<1x1x16xf32> to vector<16xf32>
      %swap3A_1604 = vector.shape_cast %get3A_1597 : vector<16xf32> to vector<1x1x16xf32>
      tpu.vector_store %arg9[%swap3A_1599, %swap3A_1600, %swap3A_1601], %swap3A_1604 {strides = array<i32>} : memref<2x64x192xf32, #tpu.memory_space<vmem>>, vector<1x1x16xf32>,
      %add3A_1605 = arith.constant 176 : i32
      %add3A_1606 = arith.addi %sub3A_1298, %add3A_1605 : i32
      %get3A_1607 = arith.constant 1 : i32
      %get3A_1608 = arith.index_cast %get3A_1607 : i32 to index
      %get3A_1609 = arith.index_cast %scan3A_1440 : i32 to index
      %get3A_1610 = arith.index_cast %add3A_1606 : i32 to index
      %get3A_1611 = tpu.vector_load %arg8[%get3A_1608, %get3A_1609, %get3A_1610] {strides = array<i32>} : memref<2x64x200xf32, #tpu.memory_space<vmem>>, vector<1x1x16xf32>,
      %get3A_1612 = vector.shape_cast %get3A_1611 : vector<1x1x16xf32> to vector<16xf32>
      %swap3A_1613 = arith.constant 1 : i32
      %swap3A_1614 = arith.index_cast %swap3A_1613 : i32 to index
      %swap3A_1615 = arith.index_cast %scan3A_1440 : i32 to index
      %swap3A_1616 = arith.constant 176 : index
      %swap3A_1617 = tpu.vector_load %arg9[%swap3A_1614, %swap3A_1615, %swap3A_1616] {strides = array<i32>} : memref<2x64x192xf32, #tpu.memory_space<vmem>>, vector<1x1x16xf32>,
      %swap3A_1618 = vector.shape_cast %swap3A_1617 : vector<1x1x16xf32> to vector<16xf32>
      %swap3A_1619 = vector.shape_cast %get3A_1612 : vector<16xf32> to vector<1x1x16xf32>
      tpu.vector_store %arg9[%swap3A_1614, %swap3A_1615, %swap3A_1616], %swap3A_1619 {strides = array<i32>} : memref<2x64x192xf32, #tpu.memory_space<vmem>>, vector<1x1x16xf32>,
    }
    %scan3A_1373 = arith.constant 64 : i32
    %add3A_1374 = arith.constant 7 : i32
    %add3A_1375 = arith.addi %mul3A_32, %add3A_1374 : i32
    %dma_start3A_1376 = arith.constant 1 : i32
    %dma_start3A_1377 = arith.constant 1 : i32
    %dma_start3A_1378 = arith.constant 0 : i32
    %dma_start3A_1379 = arith.constant 0 : i32
    %dma_start3A_1380 = tpu.memref_slice %arg9[%dma_start3A_1376, %dma_start3A_1378, %dma_start3A_1379] : memref<2x64x192xf32, #tpu.memory_space<vmem>> -> memref<1x64x192xf32, #tpu.memory_space<vmem>>
    %dma_start3A_1381 = tpu.memref_squeeze %dma_start3A_1380 : memref<1x64x192xf32, #tpu.memory_space<vmem>> -> memref<64x192xf32, #tpu.memory_space<vmem>>
    %dma_start3A_1382 = arith.constant 0 : i32
    %dma_start3A_1383 = arith.constant 0 : i32
    %dma_start3A_1384 = tpu.memref_slice %arg5[%select_n3A, %add3A_1375, %dma_start3A_1382, %dma_start3A_1383] : memref<8x32x64x192xf32, #tpu.memory_space<hbm>> -> memref<1x1x64x192xf32, #tpu.memory_space<hbm>>
    %dma_start3A_1385 = tpu.memref_squeeze %dma_start3A_1384 : memref<1x1x64x192xf32, #tpu.memory_space<hbm>> -> memref<64x192xf32, #tpu.memory_space<hbm>>
    %dma_start3A_1386 = tpu.memref_slice %arg11[%dma_start3A_1377] : memref<2x!tpu.dma_semaphore, #tpu.memory_space<semaphore_mem>> -> memref<1x!tpu.dma_semaphore, #tpu.memory_space<semaphore_mem>>
    %dma_start3A_1387 = tpu.memref_squeeze %dma_start3A_1386 : memref<1x!tpu.dma_semaphore, #tpu.memory_space<semaphore_mem>> -> memref<!tpu.dma_semaphore, #tpu.memory_space<semaphore_mem>>
    %dma_start3A_1388 = arith.constant 0 : i32
    %dma_start3A_1389 = arith.constant 0 : i32
    %dma_start3A_1390 = tpu.memref_slice %arg5[%select_n3A, %add3A_1375, %dma_start3A_1388, %dma_start3A_1389] : memref<8x32x64x192xf32, #tpu.memory_space<hbm>> -> memref<1x1x64x192xf32, #tpu.memory_space<hbm>>
    %dma_start3A_1391 = tpu.memref_squeeze %dma_start3A_1390 : memref<1x1x64x192xf32, #tpu.memory_space<hbm>> -> memref<64x192xf32, #tpu.memory_space<hbm>>
    %dma_start3A_1392 = arith.constant 0 : i32
    %dma_start3A_1393 = arith.constant 0 : i32
    %dma_start3A_1394 = tpu.memref_slice %arg9[%dma_start3A_1376, %dma_start3A_1392, %dma_start3A_1393] : memref<2x64x192xf32, #tpu.memory_space<vmem>> -> memref<1x64x192xf32, #tpu.memory_space<vmem>>
    %dma_start3A_1395 = tpu.memref_squeeze %dma_start3A_1394 : memref<1x64x192xf32, #tpu.memory_space<vmem>> -> memref<64x192xf32, #tpu.memory_space<vmem>>
    tpu.enqueue_dma source(%dma_start3A_1395 : memref<64x192xf32, #tpu.memory_space<vmem>>) target(%dma_start3A_1391 : memref<64x192xf32, #tpu.memory_space<hbm>>) target_semaphore(%dma_start3A_1387 : memref<!tpu.dma_semaphore, #tpu.memory_space<semaphore_mem>>)
    %add3A_1396 = arith.constant 6 : i32
    %add3A_1397 = arith.addi %mul3A_32, %add3A_1396 : i32
    %dma_wait3A_1398 = arith.constant 0 : i32
    %dma_wait3A_1399 = arith.constant 0 : i32
    %dma_wait3A_1400 = arith.constant 0 : i32
    %dma_wait3A_1401 = arith.constant 0 : i32
    %dma_wait3A_1402 = tpu.memref_slice %arg9[%dma_wait3A_1398, %dma_wait3A_1400, %dma_wait3A_1401] : memref<2x64x192xf32, #tpu.memory_space<vmem>> -> memref<1x64x192xf32, #tpu.memory_space<vmem>>
    %dma_wait3A_1403 = tpu.memref_squeeze %dma_wait3A_1402 : memref<1x64x192xf32, #tpu.memory_space<vmem>> -> memref<64x192xf32, #tpu.memory_space<vmem>>
    %dma_wait3A_1404 = arith.constant 0 : i32
    %dma_wait3A_1405 = arith.constant 0 : i32
    %dma_wait3A_1406 = tpu.memref_slice %arg5[%select_n3A, %add3A_1397, %dma_wait3A_1404, %dma_wait3A_1405] : memref<8x32x64x192xf32, #tpu.memory_space<hbm>> -> memref<1x1x64x192xf32, #tpu.memory_space<hbm>>
    %dma_wait3A_1407 = tpu.memref_squeeze %dma_wait3A_1406 : memref<1x1x64x192xf32, #tpu.memory_space<hbm>> -> memref<64x192xf32, #tpu.memory_space<hbm>>
    %dma_wait3A_1408 = tpu.memref_slice %arg11[%dma_wait3A_1399] : memref<2x!tpu.dma_semaphore, #tpu.memory_space<semaphore_mem>> -> memref<1x!tpu.dma_semaphore, #tpu.memory_space<semaphore_mem>>
    %dma_wait3A_1409 = tpu.memref_squeeze %dma_wait3A_1408 : memref<1x!tpu.dma_semaphore, #tpu.memory_space<semaphore_mem>> -> memref<!tpu.dma_semaphore, #tpu.memory_space<semaphore_mem>>
    %dma_wait3A_1410 = arith.constant 0 : i32
    %dma_wait3A_1411 = arith.constant 0 : i32
    %dma_wait3A_1412 = tpu.memref_slice %arg5[%select_n3A, %add3A_1397, %dma_wait3A_1410, %dma_wait3A_1411] : memref<8x32x64x192xf32, #tpu.memory_space<hbm>> -> memref<1x1x64x192xf32, #tpu.memory_space<hbm>>
    %dma_wait3A_1413 = tpu.memref_squeeze %dma_wait3A_1412 : memref<1x1x64x192xf32, #tpu.memory_space<hbm>> -> memref<64x192xf32, #tpu.memory_space<hbm>>
    %dma_wait3A_1414 = arith.constant 0 : i32
    %dma_wait3A_1415 = arith.constant 0 : i32
    %dma_wait3A_1416 = tpu.memref_slice %arg9[%dma_wait3A_1398, %dma_wait3A_1414, %dma_wait3A_1415] : memref<2x64x192xf32, #tpu.memory_space<vmem>> -> memref<1x64x192xf32, #tpu.memory_space<vmem>>
    %dma_wait3A_1417 = tpu.memref_squeeze %dma_wait3A_1416 : memref<1x64x192xf32, #tpu.memory_space<vmem>> -> memref<64x192xf32, #tpu.memory_space<vmem>>
    tpu.wait_dma2 semaphore(%dma_wait3A_1409 : memref<!tpu.dma_semaphore, #tpu.memory_space<semaphore_mem>>) src(%dma_wait3A_1417 : memref<64x192xf32, #tpu.memory_space<vmem>>) dst(%dma_wait3A_1413 : memref<64x192xf32, #tpu.memory_space<hbm>>)
    %add3A_1418 = arith.constant 7 : i32
    %add3A_1419 = arith.addi %mul3A_32, %add3A_1418 : i32
    %dma_wait3A_1420 = arith.constant 1 : i32
    %dma_wait3A_1421 = arith.constant 1 : i32
    %dma_wait3A_1422 = arith.constant 0 : i32
    %dma_wait3A_1423 = arith.constant 0 : i32
    %dma_wait3A_1424 = tpu.memref_slice %arg9[%dma_wait3A_1420, %dma_wait3A_1422, %dma_wait3A_1423] : memref<2x64x192xf32, #tpu.memory_space<vmem>> -> memref<1x64x192xf32, #tpu.memory_space<vmem>>
    %dma_wait3A_1425 = tpu.memref_squeeze %dma_wait3A_1424 : memref<1x64x192xf32, #tpu.memory_space<vmem>> -> memref<64x192xf32, #tpu.memory_space<vmem>>
    %dma_wait3A_1426 = arith.constant 0 : i32
    %dma_wait3A_1427 = arith.constant 0 : i32
    %dma_wait3A_1428 = tpu.memref_slice %arg5[%select_n3A, %add3A_1419, %dma_wait3A_1426, %dma_wait3A_1427] : memref<8x32x64x192xf32, #tpu.memory_space<hbm>> -> memref<1x1x64x192xf32, #tpu.memory_space<hbm>>
    %dma_wait3A_1429 = tpu.memref_squeeze %dma_wait3A_1428 : memref<1x1x64x192xf32, #tpu.memory_space<hbm>> -> memref<64x192xf32, #tpu.memory_space<hbm>>
    %dma_wait3A_1430 = tpu.memref_slice %arg11[%dma_wait3A_1421] : memref<2x!tpu.dma_semaphore, #tpu.memory_space<semaphore_mem>> -> memref<1x!tpu.dma_semaphore, #tpu.memory_space<semaphore_mem>>
    %dma_wait3A_1431 = tpu.memref_squeeze %dma_wait3A_1430 : memref<1x!tpu.dma_semaphore, #tpu.memory_space<semaphore_mem>> -> memref<!tpu.dma_semaphore, #tpu.memory_space<semaphore_mem>>
    %dma_wait3A_1432 = arith.constant 0 : i32
    %dma_wait3A_1433 = arith.constant 0 : i32
    %dma_wait3A_1434 = tpu.memref_slice %arg5[%select_n3A, %add3A_1419, %dma_wait3A_1432, %dma_wait3A_1433] : memref<8x32x64x192xf32, #tpu.memory_space<hbm>> -> memref<1x1x64x192xf32, #tpu.memory_space<hbm>>
    %dma_wait3A_1435 = tpu.memref_squeeze %dma_wait3A_1434 : memref<1x1x64x192xf32, #tpu.memory_space<hbm>> -> memref<64x192xf32, #tpu.memory_space<hbm>>
    %dma_wait3A_1436 = arith.constant 0 : i32
    %dma_wait3A_1437 = arith.constant 0 : i32
    %dma_wait3A_1438 = tpu.memref_slice %arg9[%dma_wait3A_1420, %dma_wait3A_1436, %dma_wait3A_1437] : memref<2x64x192xf32, #tpu.memory_space<vmem>> -> memref<1x64x192xf32, #tpu.memory_space<vmem>>
    %dma_wait3A_1439 = tpu.memref_squeeze %dma_wait3A_1438 : memref<1x64x192xf32, #tpu.memory_space<vmem>> -> memref<64x192xf32, #tpu.memory_space<vmem>>
    tpu.wait_dma2 semaphore(%dma_wait3A_1431 : memref<!tpu.dma_semaphore, #tpu.memory_space<semaphore_mem>>) src(%dma_wait3A_1439 : memref<64x192xf32, #tpu.memory_space<vmem>>) dst(%dma_wait3A_1435 : memref<64x192xf32, #tpu.memory_space<hbm>>)
    return
  }
}

module attributes {stable_mosaic.version = 14 : i64} {
  func.func @_topk_coords_body(%arg0: memref<8x4096xf32, #tpu.memory_space<vmem>>, %arg1: memref<8x4096xf32, #tpu.memory_space<vmem>>, %arg2: memref<8x32xf32, #tpu.memory_space<vmem>>, %arg3: memref<8x32xi32, #tpu.memory_space<vmem>>, %arg4: memref<8x32xi32, #tpu.memory_space<vmem>>) attributes {dimension_semantics = [], scalar_prefetch = 0 : i64, scratch_operands = 0 : i64, tpu.core_type = #tpu.core_type<tc>} {
    %get3A = arith.constant 0 : index
    %get3A_0 = arith.constant 0 : index
    %get3A_1 = vector.load %arg0[%get3A, %get3A_0] : memref<8x4096xf32, #tpu.memory_space<vmem>>, vector<8x4096xf32>
    %get3A_2 = arith.constant 0 : index
    %get3A_3 = arith.constant 0 : index
    %get3A_4 = vector.load %arg1[%get3A_2, %get3A_3] : memref<8x4096xf32, #tpu.memory_space<vmem>>, vector<8x4096xf32>
    %iota3A = tpu.iota {dimensions = array<i32: 1>} : vector<8x4096xi32>
    %reduce_max3A = arith.constant dense<0xFF800000> : vector<8xf32>
    %reduce_max3A_5 = vector.multi_reduction <maximumf>, %get3A_1, %reduce_max3A [1] : vector<8x4096xf32> to vector<8xf32>
    %broadcast_in_dim3A = vector.shape_cast %reduce_max3A_5 : vector<8xf32> to vector<8x1xf32>
    %eq3A = vector.broadcast %broadcast_in_dim3A : vector<8x1xf32> to vector<8x4096xf32>
    %eq3A_6 = arith.cmpf oeq, %get3A_1, %eq3A : vector<8x4096xf32>
    %jit3A = arith.constant 4096 : i32
    %broadcast_in_dim3A_7 = vector.broadcast %jit3A : i32 to vector<8x4096xi32>
    %select_n3A = arith.select %eq3A_6, %iota3A, %broadcast_in_dim3A_7 : vector<8x4096xi1>, vector<8x4096xi32>
    %reduce_min3A = arith.constant dense<2147483647> : vector<8xi32>
    %reduce_min3A_8 = vector.multi_reduction <minsi>, %select_n3A, %reduce_min3A [1] : vector<8x4096xi32> to vector<8xi32>
    %broadcast_in_dim3A_9 = vector.shape_cast %reduce_min3A_8 : vector<8xi32> to vector<8x1xi32>
    %eq3A_10 = vector.broadcast %broadcast_in_dim3A_9 : vector<8x1xi32> to vector<8x4096xi32>
    %eq3A_11 = arith.cmpi eq, %iota3A, %eq3A_10 : vector<8x4096xi32>
    %jit3A_12 = arith.constant 0.000000e+00 : f32
    %broadcast_in_dim3A_13 = vector.broadcast %jit3A_12 : f32 to vector<8x4096xf32>
    %select_n3A_14 = arith.select %eq3A_11, %get3A_4, %broadcast_in_dim3A_13 : vector<8x4096xi1>, vector<8x4096xf32>
    %reduce_sum3A = arith.constant dense<0.000000e+00> : vector<8xf32>
    %reduce_sum3A_15 = vector.multi_reduction <add>, %select_n3A_14, %reduce_sum3A [1] : vector<8x4096xf32> to vector<8xf32>
    %jit3A_16 = arith.constant 0xFF800000 : f32
    %broadcast_in_dim3A_17 = vector.broadcast %jit3A_16 : f32 to vector<8x4096xf32>
    %select_n3A_18 = arith.select %eq3A_11, %broadcast_in_dim3A_17, %get3A_1 : vector<8x4096xi1>, vector<8x4096xf32>
    %reduce_max3A_19 = arith.constant dense<0xFF800000> : vector<8xf32>
    %reduce_max3A_20 = vector.multi_reduction <maximumf>, %select_n3A_18, %reduce_max3A_19 [1] : vector<8x4096xf32> to vector<8xf32>
    %broadcast_in_dim3A_21 = vector.shape_cast %reduce_max3A_20 : vector<8xf32> to vector<8x1xf32>
    %eq3A_22 = vector.broadcast %broadcast_in_dim3A_21 : vector<8x1xf32> to vector<8x4096xf32>
    %eq3A_23 = arith.cmpf oeq, %select_n3A_18, %eq3A_22 : vector<8x4096xf32>
    %jit3A_24 = arith.constant 4096 : i32
    %broadcast_in_dim3A_25 = vector.broadcast %jit3A_24 : i32 to vector<8x4096xi32>
    %select_n3A_26 = arith.select %eq3A_23, %iota3A, %broadcast_in_dim3A_25 : vector<8x4096xi1>, vector<8x4096xi32>
    %reduce_min3A_27 = arith.constant dense<2147483647> : vector<8xi32>
    %reduce_min3A_28 = vector.multi_reduction <minsi>, %select_n3A_26, %reduce_min3A_27 [1] : vector<8x4096xi32> to vector<8xi32>
    %broadcast_in_dim3A_29 = vector.shape_cast %reduce_min3A_28 : vector<8xi32> to vector<8x1xi32>
    %eq3A_30 = vector.broadcast %broadcast_in_dim3A_29 : vector<8x1xi32> to vector<8x4096xi32>
    %eq3A_31 = arith.cmpi eq, %iota3A, %eq3A_30 : vector<8x4096xi32>
    %jit3A_32 = arith.constant 0.000000e+00 : f32
    %broadcast_in_dim3A_33 = vector.broadcast %jit3A_32 : f32 to vector<8x4096xf32>
    %select_n3A_34 = arith.select %eq3A_31, %get3A_4, %broadcast_in_dim3A_33 : vector<8x4096xi1>, vector<8x4096xf32>
    %reduce_sum3A_35 = arith.constant dense<0.000000e+00> : vector<8xf32>
    %reduce_sum3A_36 = vector.multi_reduction <add>, %select_n3A_34, %reduce_sum3A_35 [1] : vector<8x4096xf32> to vector<8xf32>
    %jit3A_37 = arith.constant 0xFF800000 : f32
    %broadcast_in_dim3A_38 = vector.broadcast %jit3A_37 : f32 to vector<8x4096xf32>
    %select_n3A_39 = arith.select %eq3A_31, %broadcast_in_dim3A_38, %select_n3A_18 : vector<8x4096xi1>, vector<8x4096xf32>
    %reduce_max3A_40 = arith.constant dense<0xFF800000> : vector<8xf32>
    %reduce_max3A_41 = vector.multi_reduction <maximumf>, %select_n3A_39, %reduce_max3A_40 [1] : vector<8x4096xf32> to vector<8xf32>
    %broadcast_in_dim3A_42 = vector.shape_cast %reduce_max3A_41 : vector<8xf32> to vector<8x1xf32>
    %eq3A_43 = vector.broadcast %broadcast_in_dim3A_42 : vector<8x1xf32> to vector<8x4096xf32>
    %eq3A_44 = arith.cmpf oeq, %select_n3A_39, %eq3A_43 : vector<8x4096xf32>
    %jit3A_45 = arith.constant 4096 : i32
    %broadcast_in_dim3A_46 = vector.broadcast %jit3A_45 : i32 to vector<8x4096xi32>
    %select_n3A_47 = arith.select %eq3A_44, %iota3A, %broadcast_in_dim3A_46 : vector<8x4096xi1>, vector<8x4096xi32>
    %reduce_min3A_48 = arith.constant dense<2147483647> : vector<8xi32>
    %reduce_min3A_49 = vector.multi_reduction <minsi>, %select_n3A_47, %reduce_min3A_48 [1] : vector<8x4096xi32> to vector<8xi32>
    %broadcast_in_dim3A_50 = vector.shape_cast %reduce_min3A_49 : vector<8xi32> to vector<8x1xi32>
    %eq3A_51 = vector.broadcast %broadcast_in_dim3A_50 : vector<8x1xi32> to vector<8x4096xi32>
    %eq3A_52 = arith.cmpi eq, %iota3A, %eq3A_51 : vector<8x4096xi32>
    %jit3A_53 = arith.constant 0.000000e+00 : f32
    %broadcast_in_dim3A_54 = vector.broadcast %jit3A_53 : f32 to vector<8x4096xf32>
    %select_n3A_55 = arith.select %eq3A_52, %get3A_4, %broadcast_in_dim3A_54 : vector<8x4096xi1>, vector<8x4096xf32>
    %reduce_sum3A_56 = arith.constant dense<0.000000e+00> : vector<8xf32>
    %reduce_sum3A_57 = vector.multi_reduction <add>, %select_n3A_55, %reduce_sum3A_56 [1] : vector<8x4096xf32> to vector<8xf32>
    %jit3A_58 = arith.constant 0xFF800000 : f32
    %broadcast_in_dim3A_59 = vector.broadcast %jit3A_58 : f32 to vector<8x4096xf32>
    %select_n3A_60 = arith.select %eq3A_52, %broadcast_in_dim3A_59, %select_n3A_39 : vector<8x4096xi1>, vector<8x4096xf32>
    %reduce_max3A_61 = arith.constant dense<0xFF800000> : vector<8xf32>
    %reduce_max3A_62 = vector.multi_reduction <maximumf>, %select_n3A_60, %reduce_max3A_61 [1] : vector<8x4096xf32> to vector<8xf32>
    %broadcast_in_dim3A_63 = vector.shape_cast %reduce_max3A_62 : vector<8xf32> to vector<8x1xf32>
    %eq3A_64 = vector.broadcast %broadcast_in_dim3A_63 : vector<8x1xf32> to vector<8x4096xf32>
    %eq3A_65 = arith.cmpf oeq, %select_n3A_60, %eq3A_64 : vector<8x4096xf32>
    %jit3A_66 = arith.constant 4096 : i32
    %broadcast_in_dim3A_67 = vector.broadcast %jit3A_66 : i32 to vector<8x4096xi32>
    %select_n3A_68 = arith.select %eq3A_65, %iota3A, %broadcast_in_dim3A_67 : vector<8x4096xi1>, vector<8x4096xi32>
    %reduce_min3A_69 = arith.constant dense<2147483647> : vector<8xi32>
    %reduce_min3A_70 = vector.multi_reduction <minsi>, %select_n3A_68, %reduce_min3A_69 [1] : vector<8x4096xi32> to vector<8xi32>
    %broadcast_in_dim3A_71 = vector.shape_cast %reduce_min3A_70 : vector<8xi32> to vector<8x1xi32>
    %eq3A_72 = vector.broadcast %broadcast_in_dim3A_71 : vector<8x1xi32> to vector<8x4096xi32>
    %eq3A_73 = arith.cmpi eq, %iota3A, %eq3A_72 : vector<8x4096xi32>
    %jit3A_74 = arith.constant 0.000000e+00 : f32
    %broadcast_in_dim3A_75 = vector.broadcast %jit3A_74 : f32 to vector<8x4096xf32>
    %select_n3A_76 = arith.select %eq3A_73, %get3A_4, %broadcast_in_dim3A_75 : vector<8x4096xi1>, vector<8x4096xf32>
    %reduce_sum3A_77 = arith.constant dense<0.000000e+00> : vector<8xf32>
    %reduce_sum3A_78 = vector.multi_reduction <add>, %select_n3A_76, %reduce_sum3A_77 [1] : vector<8x4096xf32> to vector<8xf32>
    %jit3A_79 = arith.constant 0xFF800000 : f32
    %broadcast_in_dim3A_80 = vector.broadcast %jit3A_79 : f32 to vector<8x4096xf32>
    %select_n3A_81 = arith.select %eq3A_73, %broadcast_in_dim3A_80, %select_n3A_60 : vector<8x4096xi1>, vector<8x4096xf32>
    %reduce_max3A_82 = arith.constant dense<0xFF800000> : vector<8xf32>
    %reduce_max3A_83 = vector.multi_reduction <maximumf>, %select_n3A_81, %reduce_max3A_82 [1] : vector<8x4096xf32> to vector<8xf32>
    %broadcast_in_dim3A_84 = vector.shape_cast %reduce_max3A_83 : vector<8xf32> to vector<8x1xf32>
    %eq3A_85 = vector.broadcast %broadcast_in_dim3A_84 : vector<8x1xf32> to vector<8x4096xf32>
    %eq3A_86 = arith.cmpf oeq, %select_n3A_81, %eq3A_85 : vector<8x4096xf32>
    %jit3A_87 = arith.constant 4096 : i32
    %broadcast_in_dim3A_88 = vector.broadcast %jit3A_87 : i32 to vector<8x4096xi32>
    %select_n3A_89 = arith.select %eq3A_86, %iota3A, %broadcast_in_dim3A_88 : vector<8x4096xi1>, vector<8x4096xi32>
    %reduce_min3A_90 = arith.constant dense<2147483647> : vector<8xi32>
    %reduce_min3A_91 = vector.multi_reduction <minsi>, %select_n3A_89, %reduce_min3A_90 [1] : vector<8x4096xi32> to vector<8xi32>
    %broadcast_in_dim3A_92 = vector.shape_cast %reduce_min3A_91 : vector<8xi32> to vector<8x1xi32>
    %eq3A_93 = vector.broadcast %broadcast_in_dim3A_92 : vector<8x1xi32> to vector<8x4096xi32>
    %eq3A_94 = arith.cmpi eq, %iota3A, %eq3A_93 : vector<8x4096xi32>
    %jit3A_95 = arith.constant 0.000000e+00 : f32
    %broadcast_in_dim3A_96 = vector.broadcast %jit3A_95 : f32 to vector<8x4096xf32>
    %select_n3A_97 = arith.select %eq3A_94, %get3A_4, %broadcast_in_dim3A_96 : vector<8x4096xi1>, vector<8x4096xf32>
    %reduce_sum3A_98 = arith.constant dense<0.000000e+00> : vector<8xf32>
    %reduce_sum3A_99 = vector.multi_reduction <add>, %select_n3A_97, %reduce_sum3A_98 [1] : vector<8x4096xf32> to vector<8xf32>
    %jit3A_100 = arith.constant 0xFF800000 : f32
    %broadcast_in_dim3A_101 = vector.broadcast %jit3A_100 : f32 to vector<8x4096xf32>
    %select_n3A_102 = arith.select %eq3A_94, %broadcast_in_dim3A_101, %select_n3A_81 : vector<8x4096xi1>, vector<8x4096xf32>
    %reduce_max3A_103 = arith.constant dense<0xFF800000> : vector<8xf32>
    %reduce_max3A_104 = vector.multi_reduction <maximumf>, %select_n3A_102, %reduce_max3A_103 [1] : vector<8x4096xf32> to vector<8xf32>
    %broadcast_in_dim3A_105 = vector.shape_cast %reduce_max3A_104 : vector<8xf32> to vector<8x1xf32>
    %eq3A_106 = vector.broadcast %broadcast_in_dim3A_105 : vector<8x1xf32> to vector<8x4096xf32>
    %eq3A_107 = arith.cmpf oeq, %select_n3A_102, %eq3A_106 : vector<8x4096xf32>
    %jit3A_108 = arith.constant 4096 : i32
    %broadcast_in_dim3A_109 = vector.broadcast %jit3A_108 : i32 to vector<8x4096xi32>
    %select_n3A_110 = arith.select %eq3A_107, %iota3A, %broadcast_in_dim3A_109 : vector<8x4096xi1>, vector<8x4096xi32>
    %reduce_min3A_111 = arith.constant dense<2147483647> : vector<8xi32>
    %reduce_min3A_112 = vector.multi_reduction <minsi>, %select_n3A_110, %reduce_min3A_111 [1] : vector<8x4096xi32> to vector<8xi32>
    %broadcast_in_dim3A_113 = vector.shape_cast %reduce_min3A_112 : vector<8xi32> to vector<8x1xi32>
    %eq3A_114 = vector.broadcast %broadcast_in_dim3A_113 : vector<8x1xi32> to vector<8x4096xi32>
    %eq3A_115 = arith.cmpi eq, %iota3A, %eq3A_114 : vector<8x4096xi32>
    %jit3A_116 = arith.constant 0.000000e+00 : f32
    %broadcast_in_dim3A_117 = vector.broadcast %jit3A_116 : f32 to vector<8x4096xf32>
    %select_n3A_118 = arith.select %eq3A_115, %get3A_4, %broadcast_in_dim3A_117 : vector<8x4096xi1>, vector<8x4096xf32>
    %reduce_sum3A_119 = arith.constant dense<0.000000e+00> : vector<8xf32>
    %reduce_sum3A_120 = vector.multi_reduction <add>, %select_n3A_118, %reduce_sum3A_119 [1] : vector<8x4096xf32> to vector<8xf32>
    %jit3A_121 = arith.constant 0xFF800000 : f32
    %broadcast_in_dim3A_122 = vector.broadcast %jit3A_121 : f32 to vector<8x4096xf32>
    %select_n3A_123 = arith.select %eq3A_115, %broadcast_in_dim3A_122, %select_n3A_102 : vector<8x4096xi1>, vector<8x4096xf32>
    %reduce_max3A_124 = arith.constant dense<0xFF800000> : vector<8xf32>
    %reduce_max3A_125 = vector.multi_reduction <maximumf>, %select_n3A_123, %reduce_max3A_124 [1] : vector<8x4096xf32> to vector<8xf32>
    %broadcast_in_dim3A_126 = vector.shape_cast %reduce_max3A_125 : vector<8xf32> to vector<8x1xf32>
    %eq3A_127 = vector.broadcast %broadcast_in_dim3A_126 : vector<8x1xf32> to vector<8x4096xf32>
    %eq3A_128 = arith.cmpf oeq, %select_n3A_123, %eq3A_127 : vector<8x4096xf32>
    %jit3A_129 = arith.constant 4096 : i32
    %broadcast_in_dim3A_130 = vector.broadcast %jit3A_129 : i32 to vector<8x4096xi32>
    %select_n3A_131 = arith.select %eq3A_128, %iota3A, %broadcast_in_dim3A_130 : vector<8x4096xi1>, vector<8x4096xi32>
    %reduce_min3A_132 = arith.constant dense<2147483647> : vector<8xi32>
    %reduce_min3A_133 = vector.multi_reduction <minsi>, %select_n3A_131, %reduce_min3A_132 [1] : vector<8x4096xi32> to vector<8xi32>
    %broadcast_in_dim3A_134 = vector.shape_cast %reduce_min3A_133 : vector<8xi32> to vector<8x1xi32>
    %eq3A_135 = vector.broadcast %broadcast_in_dim3A_134 : vector<8x1xi32> to vector<8x4096xi32>
    %eq3A_136 = arith.cmpi eq, %iota3A, %eq3A_135 : vector<8x4096xi32>
    %jit3A_137 = arith.constant 0.000000e+00 : f32
    %broadcast_in_dim3A_138 = vector.broadcast %jit3A_137 : f32 to vector<8x4096xf32>
    %select_n3A_139 = arith.select %eq3A_136, %get3A_4, %broadcast_in_dim3A_138 : vector<8x4096xi1>, vector<8x4096xf32>
    %reduce_sum3A_140 = arith.constant dense<0.000000e+00> : vector<8xf32>
    %reduce_sum3A_141 = vector.multi_reduction <add>, %select_n3A_139, %reduce_sum3A_140 [1] : vector<8x4096xf32> to vector<8xf32>
    %jit3A_142 = arith.constant 0xFF800000 : f32
    %broadcast_in_dim3A_143 = vector.broadcast %jit3A_142 : f32 to vector<8x4096xf32>
    %select_n3A_144 = arith.select %eq3A_136, %broadcast_in_dim3A_143, %select_n3A_123 : vector<8x4096xi1>, vector<8x4096xf32>
    %reduce_max3A_145 = arith.constant dense<0xFF800000> : vector<8xf32>
    %reduce_max3A_146 = vector.multi_reduction <maximumf>, %select_n3A_144, %reduce_max3A_145 [1] : vector<8x4096xf32> to vector<8xf32>
    %broadcast_in_dim3A_147 = vector.shape_cast %reduce_max3A_146 : vector<8xf32> to vector<8x1xf32>
    %eq3A_148 = vector.broadcast %broadcast_in_dim3A_147 : vector<8x1xf32> to vector<8x4096xf32>
    %eq3A_149 = arith.cmpf oeq, %select_n3A_144, %eq3A_148 : vector<8x4096xf32>
    %jit3A_150 = arith.constant 4096 : i32
    %broadcast_in_dim3A_151 = vector.broadcast %jit3A_150 : i32 to vector<8x4096xi32>
    %select_n3A_152 = arith.select %eq3A_149, %iota3A, %broadcast_in_dim3A_151 : vector<8x4096xi1>, vector<8x4096xi32>
    %reduce_min3A_153 = arith.constant dense<2147483647> : vector<8xi32>
    %reduce_min3A_154 = vector.multi_reduction <minsi>, %select_n3A_152, %reduce_min3A_153 [1] : vector<8x4096xi32> to vector<8xi32>
    %broadcast_in_dim3A_155 = vector.shape_cast %reduce_min3A_154 : vector<8xi32> to vector<8x1xi32>
    %eq3A_156 = vector.broadcast %broadcast_in_dim3A_155 : vector<8x1xi32> to vector<8x4096xi32>
    %eq3A_157 = arith.cmpi eq, %iota3A, %eq3A_156 : vector<8x4096xi32>
    %jit3A_158 = arith.constant 0.000000e+00 : f32
    %broadcast_in_dim3A_159 = vector.broadcast %jit3A_158 : f32 to vector<8x4096xf32>
    %select_n3A_160 = arith.select %eq3A_157, %get3A_4, %broadcast_in_dim3A_159 : vector<8x4096xi1>, vector<8x4096xf32>
    %reduce_sum3A_161 = arith.constant dense<0.000000e+00> : vector<8xf32>
    %reduce_sum3A_162 = vector.multi_reduction <add>, %select_n3A_160, %reduce_sum3A_161 [1] : vector<8x4096xf32> to vector<8xf32>
    %jit3A_163 = arith.constant 0xFF800000 : f32
    %broadcast_in_dim3A_164 = vector.broadcast %jit3A_163 : f32 to vector<8x4096xf32>
    %select_n3A_165 = arith.select %eq3A_157, %broadcast_in_dim3A_164, %select_n3A_144 : vector<8x4096xi1>, vector<8x4096xf32>
    %reduce_max3A_166 = arith.constant dense<0xFF800000> : vector<8xf32>
    %reduce_max3A_167 = vector.multi_reduction <maximumf>, %select_n3A_165, %reduce_max3A_166 [1] : vector<8x4096xf32> to vector<8xf32>
    %broadcast_in_dim3A_168 = vector.shape_cast %reduce_max3A_167 : vector<8xf32> to vector<8x1xf32>
    %eq3A_169 = vector.broadcast %broadcast_in_dim3A_168 : vector<8x1xf32> to vector<8x4096xf32>
    %eq3A_170 = arith.cmpf oeq, %select_n3A_165, %eq3A_169 : vector<8x4096xf32>
    %jit3A_171 = arith.constant 4096 : i32
    %broadcast_in_dim3A_172 = vector.broadcast %jit3A_171 : i32 to vector<8x4096xi32>
    %select_n3A_173 = arith.select %eq3A_170, %iota3A, %broadcast_in_dim3A_172 : vector<8x4096xi1>, vector<8x4096xi32>
    %reduce_min3A_174 = arith.constant dense<2147483647> : vector<8xi32>
    %reduce_min3A_175 = vector.multi_reduction <minsi>, %select_n3A_173, %reduce_min3A_174 [1] : vector<8x4096xi32> to vector<8xi32>
    %broadcast_in_dim3A_176 = vector.shape_cast %reduce_min3A_175 : vector<8xi32> to vector<8x1xi32>
    %eq3A_177 = vector.broadcast %broadcast_in_dim3A_176 : vector<8x1xi32> to vector<8x4096xi32>
    %eq3A_178 = arith.cmpi eq, %iota3A, %eq3A_177 : vector<8x4096xi32>
    %jit3A_179 = arith.constant 0.000000e+00 : f32
    %broadcast_in_dim3A_180 = vector.broadcast %jit3A_179 : f32 to vector<8x4096xf32>
    %select_n3A_181 = arith.select %eq3A_178, %get3A_4, %broadcast_in_dim3A_180 : vector<8x4096xi1>, vector<8x4096xf32>
    %reduce_sum3A_182 = arith.constant dense<0.000000e+00> : vector<8xf32>
    %reduce_sum3A_183 = vector.multi_reduction <add>, %select_n3A_181, %reduce_sum3A_182 [1] : vector<8x4096xf32> to vector<8xf32>
    %jit3A_184 = arith.constant 0xFF800000 : f32
    %broadcast_in_dim3A_185 = vector.broadcast %jit3A_184 : f32 to vector<8x4096xf32>
    %select_n3A_186 = arith.select %eq3A_178, %broadcast_in_dim3A_185, %select_n3A_165 : vector<8x4096xi1>, vector<8x4096xf32>
    %reduce_max3A_187 = arith.constant dense<0xFF800000> : vector<8xf32>
    %reduce_max3A_188 = vector.multi_reduction <maximumf>, %select_n3A_186, %reduce_max3A_187 [1] : vector<8x4096xf32> to vector<8xf32>
    %broadcast_in_dim3A_189 = vector.shape_cast %reduce_max3A_188 : vector<8xf32> to vector<8x1xf32>
    %eq3A_190 = vector.broadcast %broadcast_in_dim3A_189 : vector<8x1xf32> to vector<8x4096xf32>
    %eq3A_191 = arith.cmpf oeq, %select_n3A_186, %eq3A_190 : vector<8x4096xf32>
    %jit3A_192 = arith.constant 4096 : i32
    %broadcast_in_dim3A_193 = vector.broadcast %jit3A_192 : i32 to vector<8x4096xi32>
    %select_n3A_194 = arith.select %eq3A_191, %iota3A, %broadcast_in_dim3A_193 : vector<8x4096xi1>, vector<8x4096xi32>
    %reduce_min3A_195 = arith.constant dense<2147483647> : vector<8xi32>
    %reduce_min3A_196 = vector.multi_reduction <minsi>, %select_n3A_194, %reduce_min3A_195 [1] : vector<8x4096xi32> to vector<8xi32>
    %broadcast_in_dim3A_197 = vector.shape_cast %reduce_min3A_196 : vector<8xi32> to vector<8x1xi32>
    %eq3A_198 = vector.broadcast %broadcast_in_dim3A_197 : vector<8x1xi32> to vector<8x4096xi32>
    %eq3A_199 = arith.cmpi eq, %iota3A, %eq3A_198 : vector<8x4096xi32>
    %jit3A_200 = arith.constant 0.000000e+00 : f32
    %broadcast_in_dim3A_201 = vector.broadcast %jit3A_200 : f32 to vector<8x4096xf32>
    %select_n3A_202 = arith.select %eq3A_199, %get3A_4, %broadcast_in_dim3A_201 : vector<8x4096xi1>, vector<8x4096xf32>
    %reduce_sum3A_203 = arith.constant dense<0.000000e+00> : vector<8xf32>
    %reduce_sum3A_204 = vector.multi_reduction <add>, %select_n3A_202, %reduce_sum3A_203 [1] : vector<8x4096xf32> to vector<8xf32>
    %jit3A_205 = arith.constant 0xFF800000 : f32
    %broadcast_in_dim3A_206 = vector.broadcast %jit3A_205 : f32 to vector<8x4096xf32>
    %select_n3A_207 = arith.select %eq3A_199, %broadcast_in_dim3A_206, %select_n3A_186 : vector<8x4096xi1>, vector<8x4096xf32>
    %reduce_max3A_208 = arith.constant dense<0xFF800000> : vector<8xf32>
    %reduce_max3A_209 = vector.multi_reduction <maximumf>, %select_n3A_207, %reduce_max3A_208 [1] : vector<8x4096xf32> to vector<8xf32>
    %broadcast_in_dim3A_210 = vector.shape_cast %reduce_max3A_209 : vector<8xf32> to vector<8x1xf32>
    %eq3A_211 = vector.broadcast %broadcast_in_dim3A_210 : vector<8x1xf32> to vector<8x4096xf32>
    %eq3A_212 = arith.cmpf oeq, %select_n3A_207, %eq3A_211 : vector<8x4096xf32>
    %jit3A_213 = arith.constant 4096 : i32
    %broadcast_in_dim3A_214 = vector.broadcast %jit3A_213 : i32 to vector<8x4096xi32>
    %select_n3A_215 = arith.select %eq3A_212, %iota3A, %broadcast_in_dim3A_214 : vector<8x4096xi1>, vector<8x4096xi32>
    %reduce_min3A_216 = arith.constant dense<2147483647> : vector<8xi32>
    %reduce_min3A_217 = vector.multi_reduction <minsi>, %select_n3A_215, %reduce_min3A_216 [1] : vector<8x4096xi32> to vector<8xi32>
    %broadcast_in_dim3A_218 = vector.shape_cast %reduce_min3A_217 : vector<8xi32> to vector<8x1xi32>
    %eq3A_219 = vector.broadcast %broadcast_in_dim3A_218 : vector<8x1xi32> to vector<8x4096xi32>
    %eq3A_220 = arith.cmpi eq, %iota3A, %eq3A_219 : vector<8x4096xi32>
    %jit3A_221 = arith.constant 0.000000e+00 : f32
    %broadcast_in_dim3A_222 = vector.broadcast %jit3A_221 : f32 to vector<8x4096xf32>
    %select_n3A_223 = arith.select %eq3A_220, %get3A_4, %broadcast_in_dim3A_222 : vector<8x4096xi1>, vector<8x4096xf32>
    %reduce_sum3A_224 = arith.constant dense<0.000000e+00> : vector<8xf32>
    %reduce_sum3A_225 = vector.multi_reduction <add>, %select_n3A_223, %reduce_sum3A_224 [1] : vector<8x4096xf32> to vector<8xf32>
    %jit3A_226 = arith.constant 0xFF800000 : f32
    %broadcast_in_dim3A_227 = vector.broadcast %jit3A_226 : f32 to vector<8x4096xf32>
    %select_n3A_228 = arith.select %eq3A_220, %broadcast_in_dim3A_227, %select_n3A_207 : vector<8x4096xi1>, vector<8x4096xf32>
    %reduce_max3A_229 = arith.constant dense<0xFF800000> : vector<8xf32>
    %reduce_max3A_230 = vector.multi_reduction <maximumf>, %select_n3A_228, %reduce_max3A_229 [1] : vector<8x4096xf32> to vector<8xf32>
    %broadcast_in_dim3A_231 = vector.shape_cast %reduce_max3A_230 : vector<8xf32> to vector<8x1xf32>
    %eq3A_232 = vector.broadcast %broadcast_in_dim3A_231 : vector<8x1xf32> to vector<8x4096xf32>
    %eq3A_233 = arith.cmpf oeq, %select_n3A_228, %eq3A_232 : vector<8x4096xf32>
    %jit3A_234 = arith.constant 4096 : i32
    %broadcast_in_dim3A_235 = vector.broadcast %jit3A_234 : i32 to vector<8x4096xi32>
    %select_n3A_236 = arith.select %eq3A_233, %iota3A, %broadcast_in_dim3A_235 : vector<8x4096xi1>, vector<8x4096xi32>
    %reduce_min3A_237 = arith.constant dense<2147483647> : vector<8xi32>
    %reduce_min3A_238 = vector.multi_reduction <minsi>, %select_n3A_236, %reduce_min3A_237 [1] : vector<8x4096xi32> to vector<8xi32>
    %broadcast_in_dim3A_239 = vector.shape_cast %reduce_min3A_238 : vector<8xi32> to vector<8x1xi32>
    %eq3A_240 = vector.broadcast %broadcast_in_dim3A_239 : vector<8x1xi32> to vector<8x4096xi32>
    %eq3A_241 = arith.cmpi eq, %iota3A, %eq3A_240 : vector<8x4096xi32>
    %jit3A_242 = arith.constant 0.000000e+00 : f32
    %broadcast_in_dim3A_243 = vector.broadcast %jit3A_242 : f32 to vector<8x4096xf32>
    %select_n3A_244 = arith.select %eq3A_241, %get3A_4, %broadcast_in_dim3A_243 : vector<8x4096xi1>, vector<8x4096xf32>
    %reduce_sum3A_245 = arith.constant dense<0.000000e+00> : vector<8xf32>
    %reduce_sum3A_246 = vector.multi_reduction <add>, %select_n3A_244, %reduce_sum3A_245 [1] : vector<8x4096xf32> to vector<8xf32>
    %jit3A_247 = arith.constant 0xFF800000 : f32
    %broadcast_in_dim3A_248 = vector.broadcast %jit3A_247 : f32 to vector<8x4096xf32>
    %select_n3A_249 = arith.select %eq3A_241, %broadcast_in_dim3A_248, %select_n3A_228 : vector<8x4096xi1>, vector<8x4096xf32>
    %reduce_max3A_250 = arith.constant dense<0xFF800000> : vector<8xf32>
    %reduce_max3A_251 = vector.multi_reduction <maximumf>, %select_n3A_249, %reduce_max3A_250 [1] : vector<8x4096xf32> to vector<8xf32>
    %broadcast_in_dim3A_252 = vector.shape_cast %reduce_max3A_251 : vector<8xf32> to vector<8x1xf32>
    %eq3A_253 = vector.broadcast %broadcast_in_dim3A_252 : vector<8x1xf32> to vector<8x4096xf32>
    %eq3A_254 = arith.cmpf oeq, %select_n3A_249, %eq3A_253 : vector<8x4096xf32>
    %jit3A_255 = arith.constant 4096 : i32
    %broadcast_in_dim3A_256 = vector.broadcast %jit3A_255 : i32 to vector<8x4096xi32>
    %select_n3A_257 = arith.select %eq3A_254, %iota3A, %broadcast_in_dim3A_256 : vector<8x4096xi1>, vector<8x4096xi32>
    %reduce_min3A_258 = arith.constant dense<2147483647> : vector<8xi32>
    %reduce_min3A_259 = vector.multi_reduction <minsi>, %select_n3A_257, %reduce_min3A_258 [1] : vector<8x4096xi32> to vector<8xi32>
    %broadcast_in_dim3A_260 = vector.shape_cast %reduce_min3A_259 : vector<8xi32> to vector<8x1xi32>
    %eq3A_261 = vector.broadcast %broadcast_in_dim3A_260 : vector<8x1xi32> to vector<8x4096xi32>
    %eq3A_262 = arith.cmpi eq, %iota3A, %eq3A_261 : vector<8x4096xi32>
    %jit3A_263 = arith.constant 0.000000e+00 : f32
    %broadcast_in_dim3A_264 = vector.broadcast %jit3A_263 : f32 to vector<8x4096xf32>
    %select_n3A_265 = arith.select %eq3A_262, %get3A_4, %broadcast_in_dim3A_264 : vector<8x4096xi1>, vector<8x4096xf32>
    %reduce_sum3A_266 = arith.constant dense<0.000000e+00> : vector<8xf32>
    %reduce_sum3A_267 = vector.multi_reduction <add>, %select_n3A_265, %reduce_sum3A_266 [1] : vector<8x4096xf32> to vector<8xf32>
    %jit3A_268 = arith.constant 0xFF800000 : f32
    %broadcast_in_dim3A_269 = vector.broadcast %jit3A_268 : f32 to vector<8x4096xf32>
    %select_n3A_270 = arith.select %eq3A_262, %broadcast_in_dim3A_269, %select_n3A_249 : vector<8x4096xi1>, vector<8x4096xf32>
    %reduce_max3A_271 = arith.constant dense<0xFF800000> : vector<8xf32>
    %reduce_max3A_272 = vector.multi_reduction <maximumf>, %select_n3A_270, %reduce_max3A_271 [1] : vector<8x4096xf32> to vector<8xf32>
    %broadcast_in_dim3A_273 = vector.shape_cast %reduce_max3A_272 : vector<8xf32> to vector<8x1xf32>
    %eq3A_274 = vector.broadcast %broadcast_in_dim3A_273 : vector<8x1xf32> to vector<8x4096xf32>
    %eq3A_275 = arith.cmpf oeq, %select_n3A_270, %eq3A_274 : vector<8x4096xf32>
    %jit3A_276 = arith.constant 4096 : i32
    %broadcast_in_dim3A_277 = vector.broadcast %jit3A_276 : i32 to vector<8x4096xi32>
    %select_n3A_278 = arith.select %eq3A_275, %iota3A, %broadcast_in_dim3A_277 : vector<8x4096xi1>, vector<8x4096xi32>
    %reduce_min3A_279 = arith.constant dense<2147483647> : vector<8xi32>
    %reduce_min3A_280 = vector.multi_reduction <minsi>, %select_n3A_278, %reduce_min3A_279 [1] : vector<8x4096xi32> to vector<8xi32>
    %broadcast_in_dim3A_281 = vector.shape_cast %reduce_min3A_280 : vector<8xi32> to vector<8x1xi32>
    %eq3A_282 = vector.broadcast %broadcast_in_dim3A_281 : vector<8x1xi32> to vector<8x4096xi32>
    %eq3A_283 = arith.cmpi eq, %iota3A, %eq3A_282 : vector<8x4096xi32>
    %jit3A_284 = arith.constant 0.000000e+00 : f32
    %broadcast_in_dim3A_285 = vector.broadcast %jit3A_284 : f32 to vector<8x4096xf32>
    %select_n3A_286 = arith.select %eq3A_283, %get3A_4, %broadcast_in_dim3A_285 : vector<8x4096xi1>, vector<8x4096xf32>
    %reduce_sum3A_287 = arith.constant dense<0.000000e+00> : vector<8xf32>
    %reduce_sum3A_288 = vector.multi_reduction <add>, %select_n3A_286, %reduce_sum3A_287 [1] : vector<8x4096xf32> to vector<8xf32>
    %jit3A_289 = arith.constant 0xFF800000 : f32
    %broadcast_in_dim3A_290 = vector.broadcast %jit3A_289 : f32 to vector<8x4096xf32>
    %select_n3A_291 = arith.select %eq3A_283, %broadcast_in_dim3A_290, %select_n3A_270 : vector<8x4096xi1>, vector<8x4096xf32>
    %reduce_max3A_292 = arith.constant dense<0xFF800000> : vector<8xf32>
    %reduce_max3A_293 = vector.multi_reduction <maximumf>, %select_n3A_291, %reduce_max3A_292 [1] : vector<8x4096xf32> to vector<8xf32>
    %broadcast_in_dim3A_294 = vector.shape_cast %reduce_max3A_293 : vector<8xf32> to vector<8x1xf32>
    %eq3A_295 = vector.broadcast %broadcast_in_dim3A_294 : vector<8x1xf32> to vector<8x4096xf32>
    %eq3A_296 = arith.cmpf oeq, %select_n3A_291, %eq3A_295 : vector<8x4096xf32>
    %jit3A_297 = arith.constant 4096 : i32
    %broadcast_in_dim3A_298 = vector.broadcast %jit3A_297 : i32 to vector<8x4096xi32>
    %select_n3A_299 = arith.select %eq3A_296, %iota3A, %broadcast_in_dim3A_298 : vector<8x4096xi1>, vector<8x4096xi32>
    %reduce_min3A_300 = arith.constant dense<2147483647> : vector<8xi32>
    %reduce_min3A_301 = vector.multi_reduction <minsi>, %select_n3A_299, %reduce_min3A_300 [1] : vector<8x4096xi32> to vector<8xi32>
    %broadcast_in_dim3A_302 = vector.shape_cast %reduce_min3A_301 : vector<8xi32> to vector<8x1xi32>
    %eq3A_303 = vector.broadcast %broadcast_in_dim3A_302 : vector<8x1xi32> to vector<8x4096xi32>
    %eq3A_304 = arith.cmpi eq, %iota3A, %eq3A_303 : vector<8x4096xi32>
    %jit3A_305 = arith.constant 0.000000e+00 : f32
    %broadcast_in_dim3A_306 = vector.broadcast %jit3A_305 : f32 to vector<8x4096xf32>
    %select_n3A_307 = arith.select %eq3A_304, %get3A_4, %broadcast_in_dim3A_306 : vector<8x4096xi1>, vector<8x4096xf32>
    %reduce_sum3A_308 = arith.constant dense<0.000000e+00> : vector<8xf32>
    %reduce_sum3A_309 = vector.multi_reduction <add>, %select_n3A_307, %reduce_sum3A_308 [1] : vector<8x4096xf32> to vector<8xf32>
    %jit3A_310 = arith.constant 0xFF800000 : f32
    %broadcast_in_dim3A_311 = vector.broadcast %jit3A_310 : f32 to vector<8x4096xf32>
    %select_n3A_312 = arith.select %eq3A_304, %broadcast_in_dim3A_311, %select_n3A_291 : vector<8x4096xi1>, vector<8x4096xf32>
    %reduce_max3A_313 = arith.constant dense<0xFF800000> : vector<8xf32>
    %reduce_max3A_314 = vector.multi_reduction <maximumf>, %select_n3A_312, %reduce_max3A_313 [1] : vector<8x4096xf32> to vector<8xf32>
    %broadcast_in_dim3A_315 = vector.shape_cast %reduce_max3A_314 : vector<8xf32> to vector<8x1xf32>
    %eq3A_316 = vector.broadcast %broadcast_in_dim3A_315 : vector<8x1xf32> to vector<8x4096xf32>
    %eq3A_317 = arith.cmpf oeq, %select_n3A_312, %eq3A_316 : vector<8x4096xf32>
    %jit3A_318 = arith.constant 4096 : i32
    %broadcast_in_dim3A_319 = vector.broadcast %jit3A_318 : i32 to vector<8x4096xi32>
    %select_n3A_320 = arith.select %eq3A_317, %iota3A, %broadcast_in_dim3A_319 : vector<8x4096xi1>, vector<8x4096xi32>
    %reduce_min3A_321 = arith.constant dense<2147483647> : vector<8xi32>
    %reduce_min3A_322 = vector.multi_reduction <minsi>, %select_n3A_320, %reduce_min3A_321 [1] : vector<8x4096xi32> to vector<8xi32>
    %broadcast_in_dim3A_323 = vector.shape_cast %reduce_min3A_322 : vector<8xi32> to vector<8x1xi32>
    %eq3A_324 = vector.broadcast %broadcast_in_dim3A_323 : vector<8x1xi32> to vector<8x4096xi32>
    %eq3A_325 = arith.cmpi eq, %iota3A, %eq3A_324 : vector<8x4096xi32>
    %jit3A_326 = arith.constant 0.000000e+00 : f32
    %broadcast_in_dim3A_327 = vector.broadcast %jit3A_326 : f32 to vector<8x4096xf32>
    %select_n3A_328 = arith.select %eq3A_325, %get3A_4, %broadcast_in_dim3A_327 : vector<8x4096xi1>, vector<8x4096xf32>
    %reduce_sum3A_329 = arith.constant dense<0.000000e+00> : vector<8xf32>
    %reduce_sum3A_330 = vector.multi_reduction <add>, %select_n3A_328, %reduce_sum3A_329 [1] : vector<8x4096xf32> to vector<8xf32>
    %jit3A_331 = arith.constant 0xFF800000 : f32
    %broadcast_in_dim3A_332 = vector.broadcast %jit3A_331 : f32 to vector<8x4096xf32>
    %select_n3A_333 = arith.select %eq3A_325, %broadcast_in_dim3A_332, %select_n3A_312 : vector<8x4096xi1>, vector<8x4096xf32>
    %reduce_max3A_334 = arith.constant dense<0xFF800000> : vector<8xf32>
    %reduce_max3A_335 = vector.multi_reduction <maximumf>, %select_n3A_333, %reduce_max3A_334 [1] : vector<8x4096xf32> to vector<8xf32>
    %broadcast_in_dim3A_336 = vector.shape_cast %reduce_max3A_335 : vector<8xf32> to vector<8x1xf32>
    %eq3A_337 = vector.broadcast %broadcast_in_dim3A_336 : vector<8x1xf32> to vector<8x4096xf32>
    %eq3A_338 = arith.cmpf oeq, %select_n3A_333, %eq3A_337 : vector<8x4096xf32>
    %jit3A_339 = arith.constant 4096 : i32
    %broadcast_in_dim3A_340 = vector.broadcast %jit3A_339 : i32 to vector<8x4096xi32>
    %select_n3A_341 = arith.select %eq3A_338, %iota3A, %broadcast_in_dim3A_340 : vector<8x4096xi1>, vector<8x4096xi32>
    %reduce_min3A_342 = arith.constant dense<2147483647> : vector<8xi32>
    %reduce_min3A_343 = vector.multi_reduction <minsi>, %select_n3A_341, %reduce_min3A_342 [1] : vector<8x4096xi32> to vector<8xi32>
    %broadcast_in_dim3A_344 = vector.shape_cast %reduce_min3A_343 : vector<8xi32> to vector<8x1xi32>
    %eq3A_345 = vector.broadcast %broadcast_in_dim3A_344 : vector<8x1xi32> to vector<8x4096xi32>
    %eq3A_346 = arith.cmpi eq, %iota3A, %eq3A_345 : vector<8x4096xi32>
    %jit3A_347 = arith.constant 0.000000e+00 : f32
    %broadcast_in_dim3A_348 = vector.broadcast %jit3A_347 : f32 to vector<8x4096xf32>
    %select_n3A_349 = arith.select %eq3A_346, %get3A_4, %broadcast_in_dim3A_348 : vector<8x4096xi1>, vector<8x4096xf32>
    %reduce_sum3A_350 = arith.constant dense<0.000000e+00> : vector<8xf32>
    %reduce_sum3A_351 = vector.multi_reduction <add>, %select_n3A_349, %reduce_sum3A_350 [1] : vector<8x4096xf32> to vector<8xf32>
    %jit3A_352 = arith.constant 0xFF800000 : f32
    %broadcast_in_dim3A_353 = vector.broadcast %jit3A_352 : f32 to vector<8x4096xf32>
    %select_n3A_354 = arith.select %eq3A_346, %broadcast_in_dim3A_353, %select_n3A_333 : vector<8x4096xi1>, vector<8x4096xf32>
    %reduce_max3A_355 = arith.constant dense<0xFF800000> : vector<8xf32>
    %reduce_max3A_356 = vector.multi_reduction <maximumf>, %select_n3A_354, %reduce_max3A_355 [1] : vector<8x4096xf32> to vector<8xf32>
    %broadcast_in_dim3A_357 = vector.shape_cast %reduce_max3A_356 : vector<8xf32> to vector<8x1xf32>
    %eq3A_358 = vector.broadcast %broadcast_in_dim3A_357 : vector<8x1xf32> to vector<8x4096xf32>
    %eq3A_359 = arith.cmpf oeq, %select_n3A_354, %eq3A_358 : vector<8x4096xf32>
    %jit3A_360 = arith.constant 4096 : i32
    %broadcast_in_dim3A_361 = vector.broadcast %jit3A_360 : i32 to vector<8x4096xi32>
    %select_n3A_362 = arith.select %eq3A_359, %iota3A, %broadcast_in_dim3A_361 : vector<8x4096xi1>, vector<8x4096xi32>
    %reduce_min3A_363 = arith.constant dense<2147483647> : vector<8xi32>
    %reduce_min3A_364 = vector.multi_reduction <minsi>, %select_n3A_362, %reduce_min3A_363 [1] : vector<8x4096xi32> to vector<8xi32>
    %broadcast_in_dim3A_365 = vector.shape_cast %reduce_min3A_364 : vector<8xi32> to vector<8x1xi32>
    %eq3A_366 = vector.broadcast %broadcast_in_dim3A_365 : vector<8x1xi32> to vector<8x4096xi32>
    %eq3A_367 = arith.cmpi eq, %iota3A, %eq3A_366 : vector<8x4096xi32>
    %jit3A_368 = arith.constant 0.000000e+00 : f32
    %broadcast_in_dim3A_369 = vector.broadcast %jit3A_368 : f32 to vector<8x4096xf32>
    %select_n3A_370 = arith.select %eq3A_367, %get3A_4, %broadcast_in_dim3A_369 : vector<8x4096xi1>, vector<8x4096xf32>
    %reduce_sum3A_371 = arith.constant dense<0.000000e+00> : vector<8xf32>
    %reduce_sum3A_372 = vector.multi_reduction <add>, %select_n3A_370, %reduce_sum3A_371 [1] : vector<8x4096xf32> to vector<8xf32>
    %jit3A_373 = arith.constant 0xFF800000 : f32
    %broadcast_in_dim3A_374 = vector.broadcast %jit3A_373 : f32 to vector<8x4096xf32>
    %select_n3A_375 = arith.select %eq3A_367, %broadcast_in_dim3A_374, %select_n3A_354 : vector<8x4096xi1>, vector<8x4096xf32>
    %reduce_max3A_376 = arith.constant dense<0xFF800000> : vector<8xf32>
    %reduce_max3A_377 = vector.multi_reduction <maximumf>, %select_n3A_375, %reduce_max3A_376 [1] : vector<8x4096xf32> to vector<8xf32>
    %broadcast_in_dim3A_378 = vector.shape_cast %reduce_max3A_377 : vector<8xf32> to vector<8x1xf32>
    %eq3A_379 = vector.broadcast %broadcast_in_dim3A_378 : vector<8x1xf32> to vector<8x4096xf32>
    %eq3A_380 = arith.cmpf oeq, %select_n3A_375, %eq3A_379 : vector<8x4096xf32>
    %jit3A_381 = arith.constant 4096 : i32
    %broadcast_in_dim3A_382 = vector.broadcast %jit3A_381 : i32 to vector<8x4096xi32>
    %select_n3A_383 = arith.select %eq3A_380, %iota3A, %broadcast_in_dim3A_382 : vector<8x4096xi1>, vector<8x4096xi32>
    %reduce_min3A_384 = arith.constant dense<2147483647> : vector<8xi32>
    %reduce_min3A_385 = vector.multi_reduction <minsi>, %select_n3A_383, %reduce_min3A_384 [1] : vector<8x4096xi32> to vector<8xi32>
    %broadcast_in_dim3A_386 = vector.shape_cast %reduce_min3A_385 : vector<8xi32> to vector<8x1xi32>
    %eq3A_387 = vector.broadcast %broadcast_in_dim3A_386 : vector<8x1xi32> to vector<8x4096xi32>
    %eq3A_388 = arith.cmpi eq, %iota3A, %eq3A_387 : vector<8x4096xi32>
    %jit3A_389 = arith.constant 0.000000e+00 : f32
    %broadcast_in_dim3A_390 = vector.broadcast %jit3A_389 : f32 to vector<8x4096xf32>
    %select_n3A_391 = arith.select %eq3A_388, %get3A_4, %broadcast_in_dim3A_390 : vector<8x4096xi1>, vector<8x4096xf32>
    %reduce_sum3A_392 = arith.constant dense<0.000000e+00> : vector<8xf32>
    %reduce_sum3A_393 = vector.multi_reduction <add>, %select_n3A_391, %reduce_sum3A_392 [1] : vector<8x4096xf32> to vector<8xf32>
    %jit3A_394 = arith.constant 0xFF800000 : f32
    %broadcast_in_dim3A_395 = vector.broadcast %jit3A_394 : f32 to vector<8x4096xf32>
    %select_n3A_396 = arith.select %eq3A_388, %broadcast_in_dim3A_395, %select_n3A_375 : vector<8x4096xi1>, vector<8x4096xf32>
    %reduce_max3A_397 = arith.constant dense<0xFF800000> : vector<8xf32>
    %reduce_max3A_398 = vector.multi_reduction <maximumf>, %select_n3A_396, %reduce_max3A_397 [1] : vector<8x4096xf32> to vector<8xf32>
    %broadcast_in_dim3A_399 = vector.shape_cast %reduce_max3A_398 : vector<8xf32> to vector<8x1xf32>
    %eq3A_400 = vector.broadcast %broadcast_in_dim3A_399 : vector<8x1xf32> to vector<8x4096xf32>
    %eq3A_401 = arith.cmpf oeq, %select_n3A_396, %eq3A_400 : vector<8x4096xf32>
    %jit3A_402 = arith.constant 4096 : i32
    %broadcast_in_dim3A_403 = vector.broadcast %jit3A_402 : i32 to vector<8x4096xi32>
    %select_n3A_404 = arith.select %eq3A_401, %iota3A, %broadcast_in_dim3A_403 : vector<8x4096xi1>, vector<8x4096xi32>
    %reduce_min3A_405 = arith.constant dense<2147483647> : vector<8xi32>
    %reduce_min3A_406 = vector.multi_reduction <minsi>, %select_n3A_404, %reduce_min3A_405 [1] : vector<8x4096xi32> to vector<8xi32>
    %broadcast_in_dim3A_407 = vector.shape_cast %reduce_min3A_406 : vector<8xi32> to vector<8x1xi32>
    %eq3A_408 = vector.broadcast %broadcast_in_dim3A_407 : vector<8x1xi32> to vector<8x4096xi32>
    %eq3A_409 = arith.cmpi eq, %iota3A, %eq3A_408 : vector<8x4096xi32>
    %jit3A_410 = arith.constant 0.000000e+00 : f32
    %broadcast_in_dim3A_411 = vector.broadcast %jit3A_410 : f32 to vector<8x4096xf32>
    %select_n3A_412 = arith.select %eq3A_409, %get3A_4, %broadcast_in_dim3A_411 : vector<8x4096xi1>, vector<8x4096xf32>
    %reduce_sum3A_413 = arith.constant dense<0.000000e+00> : vector<8xf32>
    %reduce_sum3A_414 = vector.multi_reduction <add>, %select_n3A_412, %reduce_sum3A_413 [1] : vector<8x4096xf32> to vector<8xf32>
    %jit3A_415 = arith.constant 0xFF800000 : f32
    %broadcast_in_dim3A_416 = vector.broadcast %jit3A_415 : f32 to vector<8x4096xf32>
    %select_n3A_417 = arith.select %eq3A_409, %broadcast_in_dim3A_416, %select_n3A_396 : vector<8x4096xi1>, vector<8x4096xf32>
    %reduce_max3A_418 = arith.constant dense<0xFF800000> : vector<8xf32>
    %reduce_max3A_419 = vector.multi_reduction <maximumf>, %select_n3A_417, %reduce_max3A_418 [1] : vector<8x4096xf32> to vector<8xf32>
    %broadcast_in_dim3A_420 = vector.shape_cast %reduce_max3A_419 : vector<8xf32> to vector<8x1xf32>
    %eq3A_421 = vector.broadcast %broadcast_in_dim3A_420 : vector<8x1xf32> to vector<8x4096xf32>
    %eq3A_422 = arith.cmpf oeq, %select_n3A_417, %eq3A_421 : vector<8x4096xf32>
    %jit3A_423 = arith.constant 4096 : i32
    %broadcast_in_dim3A_424 = vector.broadcast %jit3A_423 : i32 to vector<8x4096xi32>
    %select_n3A_425 = arith.select %eq3A_422, %iota3A, %broadcast_in_dim3A_424 : vector<8x4096xi1>, vector<8x4096xi32>
    %reduce_min3A_426 = arith.constant dense<2147483647> : vector<8xi32>
    %reduce_min3A_427 = vector.multi_reduction <minsi>, %select_n3A_425, %reduce_min3A_426 [1] : vector<8x4096xi32> to vector<8xi32>
    %broadcast_in_dim3A_428 = vector.shape_cast %reduce_min3A_427 : vector<8xi32> to vector<8x1xi32>
    %eq3A_429 = vector.broadcast %broadcast_in_dim3A_428 : vector<8x1xi32> to vector<8x4096xi32>
    %eq3A_430 = arith.cmpi eq, %iota3A, %eq3A_429 : vector<8x4096xi32>
    %jit3A_431 = arith.constant 0.000000e+00 : f32
    %broadcast_in_dim3A_432 = vector.broadcast %jit3A_431 : f32 to vector<8x4096xf32>
    %select_n3A_433 = arith.select %eq3A_430, %get3A_4, %broadcast_in_dim3A_432 : vector<8x4096xi1>, vector<8x4096xf32>
    %reduce_sum3A_434 = arith.constant dense<0.000000e+00> : vector<8xf32>
    %reduce_sum3A_435 = vector.multi_reduction <add>, %select_n3A_433, %reduce_sum3A_434 [1] : vector<8x4096xf32> to vector<8xf32>
    %jit3A_436 = arith.constant 0xFF800000 : f32
    %broadcast_in_dim3A_437 = vector.broadcast %jit3A_436 : f32 to vector<8x4096xf32>
    %select_n3A_438 = arith.select %eq3A_430, %broadcast_in_dim3A_437, %select_n3A_417 : vector<8x4096xi1>, vector<8x4096xf32>
    %reduce_max3A_439 = arith.constant dense<0xFF800000> : vector<8xf32>
    %reduce_max3A_440 = vector.multi_reduction <maximumf>, %select_n3A_438, %reduce_max3A_439 [1] : vector<8x4096xf32> to vector<8xf32>
    %broadcast_in_dim3A_441 = vector.shape_cast %reduce_max3A_440 : vector<8xf32> to vector<8x1xf32>
    %eq3A_442 = vector.broadcast %broadcast_in_dim3A_441 : vector<8x1xf32> to vector<8x4096xf32>
    %eq3A_443 = arith.cmpf oeq, %select_n3A_438, %eq3A_442 : vector<8x4096xf32>
    %jit3A_444 = arith.constant 4096 : i32
    %broadcast_in_dim3A_445 = vector.broadcast %jit3A_444 : i32 to vector<8x4096xi32>
    %select_n3A_446 = arith.select %eq3A_443, %iota3A, %broadcast_in_dim3A_445 : vector<8x4096xi1>, vector<8x4096xi32>
    %reduce_min3A_447 = arith.constant dense<2147483647> : vector<8xi32>
    %reduce_min3A_448 = vector.multi_reduction <minsi>, %select_n3A_446, %reduce_min3A_447 [1] : vector<8x4096xi32> to vector<8xi32>
    %broadcast_in_dim3A_449 = vector.shape_cast %reduce_min3A_448 : vector<8xi32> to vector<8x1xi32>
    %eq3A_450 = vector.broadcast %broadcast_in_dim3A_449 : vector<8x1xi32> to vector<8x4096xi32>
    %eq3A_451 = arith.cmpi eq, %iota3A, %eq3A_450 : vector<8x4096xi32>
    %jit3A_452 = arith.constant 0.000000e+00 : f32
    %broadcast_in_dim3A_453 = vector.broadcast %jit3A_452 : f32 to vector<8x4096xf32>
    %select_n3A_454 = arith.select %eq3A_451, %get3A_4, %broadcast_in_dim3A_453 : vector<8x4096xi1>, vector<8x4096xf32>
    %reduce_sum3A_455 = arith.constant dense<0.000000e+00> : vector<8xf32>
    %reduce_sum3A_456 = vector.multi_reduction <add>, %select_n3A_454, %reduce_sum3A_455 [1] : vector<8x4096xf32> to vector<8xf32>
    %jit3A_457 = arith.constant 0xFF800000 : f32
    %broadcast_in_dim3A_458 = vector.broadcast %jit3A_457 : f32 to vector<8x4096xf32>
    %select_n3A_459 = arith.select %eq3A_451, %broadcast_in_dim3A_458, %select_n3A_438 : vector<8x4096xi1>, vector<8x4096xf32>
    %reduce_max3A_460 = arith.constant dense<0xFF800000> : vector<8xf32>
    %reduce_max3A_461 = vector.multi_reduction <maximumf>, %select_n3A_459, %reduce_max3A_460 [1] : vector<8x4096xf32> to vector<8xf32>
    %broadcast_in_dim3A_462 = vector.shape_cast %reduce_max3A_461 : vector<8xf32> to vector<8x1xf32>
    %eq3A_463 = vector.broadcast %broadcast_in_dim3A_462 : vector<8x1xf32> to vector<8x4096xf32>
    %eq3A_464 = arith.cmpf oeq, %select_n3A_459, %eq3A_463 : vector<8x4096xf32>
    %jit3A_465 = arith.constant 4096 : i32
    %broadcast_in_dim3A_466 = vector.broadcast %jit3A_465 : i32 to vector<8x4096xi32>
    %select_n3A_467 = arith.select %eq3A_464, %iota3A, %broadcast_in_dim3A_466 : vector<8x4096xi1>, vector<8x4096xi32>
    %reduce_min3A_468 = arith.constant dense<2147483647> : vector<8xi32>
    %reduce_min3A_469 = vector.multi_reduction <minsi>, %select_n3A_467, %reduce_min3A_468 [1] : vector<8x4096xi32> to vector<8xi32>
    %broadcast_in_dim3A_470 = vector.shape_cast %reduce_min3A_469 : vector<8xi32> to vector<8x1xi32>
    %eq3A_471 = vector.broadcast %broadcast_in_dim3A_470 : vector<8x1xi32> to vector<8x4096xi32>
    %eq3A_472 = arith.cmpi eq, %iota3A, %eq3A_471 : vector<8x4096xi32>
    %jit3A_473 = arith.constant 0.000000e+00 : f32
    %broadcast_in_dim3A_474 = vector.broadcast %jit3A_473 : f32 to vector<8x4096xf32>
    %select_n3A_475 = arith.select %eq3A_472, %get3A_4, %broadcast_in_dim3A_474 : vector<8x4096xi1>, vector<8x4096xf32>
    %reduce_sum3A_476 = arith.constant dense<0.000000e+00> : vector<8xf32>
    %reduce_sum3A_477 = vector.multi_reduction <add>, %select_n3A_475, %reduce_sum3A_476 [1] : vector<8x4096xf32> to vector<8xf32>
    %jit3A_478 = arith.constant 0xFF800000 : f32
    %broadcast_in_dim3A_479 = vector.broadcast %jit3A_478 : f32 to vector<8x4096xf32>
    %select_n3A_480 = arith.select %eq3A_472, %broadcast_in_dim3A_479, %select_n3A_459 : vector<8x4096xi1>, vector<8x4096xf32>
    %reduce_max3A_481 = arith.constant dense<0xFF800000> : vector<8xf32>
    %reduce_max3A_482 = vector.multi_reduction <maximumf>, %select_n3A_480, %reduce_max3A_481 [1] : vector<8x4096xf32> to vector<8xf32>
    %broadcast_in_dim3A_483 = vector.shape_cast %reduce_max3A_482 : vector<8xf32> to vector<8x1xf32>
    %eq3A_484 = vector.broadcast %broadcast_in_dim3A_483 : vector<8x1xf32> to vector<8x4096xf32>
    %eq3A_485 = arith.cmpf oeq, %select_n3A_480, %eq3A_484 : vector<8x4096xf32>
    %jit3A_486 = arith.constant 4096 : i32
    %broadcast_in_dim3A_487 = vector.broadcast %jit3A_486 : i32 to vector<8x4096xi32>
    %select_n3A_488 = arith.select %eq3A_485, %iota3A, %broadcast_in_dim3A_487 : vector<8x4096xi1>, vector<8x4096xi32>
    %reduce_min3A_489 = arith.constant dense<2147483647> : vector<8xi32>
    %reduce_min3A_490 = vector.multi_reduction <minsi>, %select_n3A_488, %reduce_min3A_489 [1] : vector<8x4096xi32> to vector<8xi32>
    %broadcast_in_dim3A_491 = vector.shape_cast %reduce_min3A_490 : vector<8xi32> to vector<8x1xi32>
    %eq3A_492 = vector.broadcast %broadcast_in_dim3A_491 : vector<8x1xi32> to vector<8x4096xi32>
    %eq3A_493 = arith.cmpi eq, %iota3A, %eq3A_492 : vector<8x4096xi32>
    %jit3A_494 = arith.constant 0.000000e+00 : f32
    %broadcast_in_dim3A_495 = vector.broadcast %jit3A_494 : f32 to vector<8x4096xf32>
    %select_n3A_496 = arith.select %eq3A_493, %get3A_4, %broadcast_in_dim3A_495 : vector<8x4096xi1>, vector<8x4096xf32>
    %reduce_sum3A_497 = arith.constant dense<0.000000e+00> : vector<8xf32>
    %reduce_sum3A_498 = vector.multi_reduction <add>, %select_n3A_496, %reduce_sum3A_497 [1] : vector<8x4096xf32> to vector<8xf32>
    %jit3A_499 = arith.constant 0xFF800000 : f32
    %broadcast_in_dim3A_500 = vector.broadcast %jit3A_499 : f32 to vector<8x4096xf32>
    %select_n3A_501 = arith.select %eq3A_493, %broadcast_in_dim3A_500, %select_n3A_480 : vector<8x4096xi1>, vector<8x4096xf32>
    %reduce_max3A_502 = arith.constant dense<0xFF800000> : vector<8xf32>
    %reduce_max3A_503 = vector.multi_reduction <maximumf>, %select_n3A_501, %reduce_max3A_502 [1] : vector<8x4096xf32> to vector<8xf32>
    %broadcast_in_dim3A_504 = vector.shape_cast %reduce_max3A_503 : vector<8xf32> to vector<8x1xf32>
    %eq3A_505 = vector.broadcast %broadcast_in_dim3A_504 : vector<8x1xf32> to vector<8x4096xf32>
    %eq3A_506 = arith.cmpf oeq, %select_n3A_501, %eq3A_505 : vector<8x4096xf32>
    %jit3A_507 = arith.constant 4096 : i32
    %broadcast_in_dim3A_508 = vector.broadcast %jit3A_507 : i32 to vector<8x4096xi32>
    %select_n3A_509 = arith.select %eq3A_506, %iota3A, %broadcast_in_dim3A_508 : vector<8x4096xi1>, vector<8x4096xi32>
    %reduce_min3A_510 = arith.constant dense<2147483647> : vector<8xi32>
    %reduce_min3A_511 = vector.multi_reduction <minsi>, %select_n3A_509, %reduce_min3A_510 [1] : vector<8x4096xi32> to vector<8xi32>
    %broadcast_in_dim3A_512 = vector.shape_cast %reduce_min3A_511 : vector<8xi32> to vector<8x1xi32>
    %eq3A_513 = vector.broadcast %broadcast_in_dim3A_512 : vector<8x1xi32> to vector<8x4096xi32>
    %eq3A_514 = arith.cmpi eq, %iota3A, %eq3A_513 : vector<8x4096xi32>
    %jit3A_515 = arith.constant 0.000000e+00 : f32
    %broadcast_in_dim3A_516 = vector.broadcast %jit3A_515 : f32 to vector<8x4096xf32>
    %select_n3A_517 = arith.select %eq3A_514, %get3A_4, %broadcast_in_dim3A_516 : vector<8x4096xi1>, vector<8x4096xf32>
    %reduce_sum3A_518 = arith.constant dense<0.000000e+00> : vector<8xf32>
    %reduce_sum3A_519 = vector.multi_reduction <add>, %select_n3A_517, %reduce_sum3A_518 [1] : vector<8x4096xf32> to vector<8xf32>
    %jit3A_520 = arith.constant 0xFF800000 : f32
    %broadcast_in_dim3A_521 = vector.broadcast %jit3A_520 : f32 to vector<8x4096xf32>
    %select_n3A_522 = arith.select %eq3A_514, %broadcast_in_dim3A_521, %select_n3A_501 : vector<8x4096xi1>, vector<8x4096xf32>
    %reduce_max3A_523 = arith.constant dense<0xFF800000> : vector<8xf32>
    %reduce_max3A_524 = vector.multi_reduction <maximumf>, %select_n3A_522, %reduce_max3A_523 [1] : vector<8x4096xf32> to vector<8xf32>
    %broadcast_in_dim3A_525 = vector.shape_cast %reduce_max3A_524 : vector<8xf32> to vector<8x1xf32>
    %eq3A_526 = vector.broadcast %broadcast_in_dim3A_525 : vector<8x1xf32> to vector<8x4096xf32>
    %eq3A_527 = arith.cmpf oeq, %select_n3A_522, %eq3A_526 : vector<8x4096xf32>
    %jit3A_528 = arith.constant 4096 : i32
    %broadcast_in_dim3A_529 = vector.broadcast %jit3A_528 : i32 to vector<8x4096xi32>
    %select_n3A_530 = arith.select %eq3A_527, %iota3A, %broadcast_in_dim3A_529 : vector<8x4096xi1>, vector<8x4096xi32>
    %reduce_min3A_531 = arith.constant dense<2147483647> : vector<8xi32>
    %reduce_min3A_532 = vector.multi_reduction <minsi>, %select_n3A_530, %reduce_min3A_531 [1] : vector<8x4096xi32> to vector<8xi32>
    %broadcast_in_dim3A_533 = vector.shape_cast %reduce_min3A_532 : vector<8xi32> to vector<8x1xi32>
    %eq3A_534 = vector.broadcast %broadcast_in_dim3A_533 : vector<8x1xi32> to vector<8x4096xi32>
    %eq3A_535 = arith.cmpi eq, %iota3A, %eq3A_534 : vector<8x4096xi32>
    %jit3A_536 = arith.constant 0.000000e+00 : f32
    %broadcast_in_dim3A_537 = vector.broadcast %jit3A_536 : f32 to vector<8x4096xf32>
    %select_n3A_538 = arith.select %eq3A_535, %get3A_4, %broadcast_in_dim3A_537 : vector<8x4096xi1>, vector<8x4096xf32>
    %reduce_sum3A_539 = arith.constant dense<0.000000e+00> : vector<8xf32>
    %reduce_sum3A_540 = vector.multi_reduction <add>, %select_n3A_538, %reduce_sum3A_539 [1] : vector<8x4096xf32> to vector<8xf32>
    %jit3A_541 = arith.constant 0xFF800000 : f32
    %broadcast_in_dim3A_542 = vector.broadcast %jit3A_541 : f32 to vector<8x4096xf32>
    %select_n3A_543 = arith.select %eq3A_535, %broadcast_in_dim3A_542, %select_n3A_522 : vector<8x4096xi1>, vector<8x4096xf32>
    %reduce_max3A_544 = arith.constant dense<0xFF800000> : vector<8xf32>
    %reduce_max3A_545 = vector.multi_reduction <maximumf>, %select_n3A_543, %reduce_max3A_544 [1] : vector<8x4096xf32> to vector<8xf32>
    %broadcast_in_dim3A_546 = vector.shape_cast %reduce_max3A_545 : vector<8xf32> to vector<8x1xf32>
    %eq3A_547 = vector.broadcast %broadcast_in_dim3A_546 : vector<8x1xf32> to vector<8x4096xf32>
    %eq3A_548 = arith.cmpf oeq, %select_n3A_543, %eq3A_547 : vector<8x4096xf32>
    %jit3A_549 = arith.constant 4096 : i32
    %broadcast_in_dim3A_550 = vector.broadcast %jit3A_549 : i32 to vector<8x4096xi32>
    %select_n3A_551 = arith.select %eq3A_548, %iota3A, %broadcast_in_dim3A_550 : vector<8x4096xi1>, vector<8x4096xi32>
    %reduce_min3A_552 = arith.constant dense<2147483647> : vector<8xi32>
    %reduce_min3A_553 = vector.multi_reduction <minsi>, %select_n3A_551, %reduce_min3A_552 [1] : vector<8x4096xi32> to vector<8xi32>
    %broadcast_in_dim3A_554 = vector.shape_cast %reduce_min3A_553 : vector<8xi32> to vector<8x1xi32>
    %eq3A_555 = vector.broadcast %broadcast_in_dim3A_554 : vector<8x1xi32> to vector<8x4096xi32>
    %eq3A_556 = arith.cmpi eq, %iota3A, %eq3A_555 : vector<8x4096xi32>
    %jit3A_557 = arith.constant 0.000000e+00 : f32
    %broadcast_in_dim3A_558 = vector.broadcast %jit3A_557 : f32 to vector<8x4096xf32>
    %select_n3A_559 = arith.select %eq3A_556, %get3A_4, %broadcast_in_dim3A_558 : vector<8x4096xi1>, vector<8x4096xf32>
    %reduce_sum3A_560 = arith.constant dense<0.000000e+00> : vector<8xf32>
    %reduce_sum3A_561 = vector.multi_reduction <add>, %select_n3A_559, %reduce_sum3A_560 [1] : vector<8x4096xf32> to vector<8xf32>
    %jit3A_562 = arith.constant 0xFF800000 : f32
    %broadcast_in_dim3A_563 = vector.broadcast %jit3A_562 : f32 to vector<8x4096xf32>
    %select_n3A_564 = arith.select %eq3A_556, %broadcast_in_dim3A_563, %select_n3A_543 : vector<8x4096xi1>, vector<8x4096xf32>
    %reduce_max3A_565 = arith.constant dense<0xFF800000> : vector<8xf32>
    %reduce_max3A_566 = vector.multi_reduction <maximumf>, %select_n3A_564, %reduce_max3A_565 [1] : vector<8x4096xf32> to vector<8xf32>
    %broadcast_in_dim3A_567 = vector.shape_cast %reduce_max3A_566 : vector<8xf32> to vector<8x1xf32>
    %eq3A_568 = vector.broadcast %broadcast_in_dim3A_567 : vector<8x1xf32> to vector<8x4096xf32>
    %eq3A_569 = arith.cmpf oeq, %select_n3A_564, %eq3A_568 : vector<8x4096xf32>
    %jit3A_570 = arith.constant 4096 : i32
    %broadcast_in_dim3A_571 = vector.broadcast %jit3A_570 : i32 to vector<8x4096xi32>
    %select_n3A_572 = arith.select %eq3A_569, %iota3A, %broadcast_in_dim3A_571 : vector<8x4096xi1>, vector<8x4096xi32>
    %reduce_min3A_573 = arith.constant dense<2147483647> : vector<8xi32>
    %reduce_min3A_574 = vector.multi_reduction <minsi>, %select_n3A_572, %reduce_min3A_573 [1] : vector<8x4096xi32> to vector<8xi32>
    %broadcast_in_dim3A_575 = vector.shape_cast %reduce_min3A_574 : vector<8xi32> to vector<8x1xi32>
    %eq3A_576 = vector.broadcast %broadcast_in_dim3A_575 : vector<8x1xi32> to vector<8x4096xi32>
    %eq3A_577 = arith.cmpi eq, %iota3A, %eq3A_576 : vector<8x4096xi32>
    %jit3A_578 = arith.constant 0.000000e+00 : f32
    %broadcast_in_dim3A_579 = vector.broadcast %jit3A_578 : f32 to vector<8x4096xf32>
    %select_n3A_580 = arith.select %eq3A_577, %get3A_4, %broadcast_in_dim3A_579 : vector<8x4096xi1>, vector<8x4096xf32>
    %reduce_sum3A_581 = arith.constant dense<0.000000e+00> : vector<8xf32>
    %reduce_sum3A_582 = vector.multi_reduction <add>, %select_n3A_580, %reduce_sum3A_581 [1] : vector<8x4096xf32> to vector<8xf32>
    %jit3A_583 = arith.constant 0xFF800000 : f32
    %broadcast_in_dim3A_584 = vector.broadcast %jit3A_583 : f32 to vector<8x4096xf32>
    %select_n3A_585 = arith.select %eq3A_577, %broadcast_in_dim3A_584, %select_n3A_564 : vector<8x4096xi1>, vector<8x4096xf32>
    %reduce_max3A_586 = arith.constant dense<0xFF800000> : vector<8xf32>
    %reduce_max3A_587 = vector.multi_reduction <maximumf>, %select_n3A_585, %reduce_max3A_586 [1] : vector<8x4096xf32> to vector<8xf32>
    %broadcast_in_dim3A_588 = vector.shape_cast %reduce_max3A_587 : vector<8xf32> to vector<8x1xf32>
    %eq3A_589 = vector.broadcast %broadcast_in_dim3A_588 : vector<8x1xf32> to vector<8x4096xf32>
    %eq3A_590 = arith.cmpf oeq, %select_n3A_585, %eq3A_589 : vector<8x4096xf32>
    %jit3A_591 = arith.constant 4096 : i32
    %broadcast_in_dim3A_592 = vector.broadcast %jit3A_591 : i32 to vector<8x4096xi32>
    %select_n3A_593 = arith.select %eq3A_590, %iota3A, %broadcast_in_dim3A_592 : vector<8x4096xi1>, vector<8x4096xi32>
    %reduce_min3A_594 = arith.constant dense<2147483647> : vector<8xi32>
    %reduce_min3A_595 = vector.multi_reduction <minsi>, %select_n3A_593, %reduce_min3A_594 [1] : vector<8x4096xi32> to vector<8xi32>
    %broadcast_in_dim3A_596 = vector.shape_cast %reduce_min3A_595 : vector<8xi32> to vector<8x1xi32>
    %eq3A_597 = vector.broadcast %broadcast_in_dim3A_596 : vector<8x1xi32> to vector<8x4096xi32>
    %eq3A_598 = arith.cmpi eq, %iota3A, %eq3A_597 : vector<8x4096xi32>
    %jit3A_599 = arith.constant 0.000000e+00 : f32
    %broadcast_in_dim3A_600 = vector.broadcast %jit3A_599 : f32 to vector<8x4096xf32>
    %select_n3A_601 = arith.select %eq3A_598, %get3A_4, %broadcast_in_dim3A_600 : vector<8x4096xi1>, vector<8x4096xf32>
    %reduce_sum3A_602 = arith.constant dense<0.000000e+00> : vector<8xf32>
    %reduce_sum3A_603 = vector.multi_reduction <add>, %select_n3A_601, %reduce_sum3A_602 [1] : vector<8x4096xf32> to vector<8xf32>
    %jit3A_604 = arith.constant 0xFF800000 : f32
    %broadcast_in_dim3A_605 = vector.broadcast %jit3A_604 : f32 to vector<8x4096xf32>
    %select_n3A_606 = arith.select %eq3A_598, %broadcast_in_dim3A_605, %select_n3A_585 : vector<8x4096xi1>, vector<8x4096xf32>
    %reduce_max3A_607 = arith.constant dense<0xFF800000> : vector<8xf32>
    %reduce_max3A_608 = vector.multi_reduction <maximumf>, %select_n3A_606, %reduce_max3A_607 [1] : vector<8x4096xf32> to vector<8xf32>
    %broadcast_in_dim3A_609 = vector.shape_cast %reduce_max3A_608 : vector<8xf32> to vector<8x1xf32>
    %eq3A_610 = vector.broadcast %broadcast_in_dim3A_609 : vector<8x1xf32> to vector<8x4096xf32>
    %eq3A_611 = arith.cmpf oeq, %select_n3A_606, %eq3A_610 : vector<8x4096xf32>
    %jit3A_612 = arith.constant 4096 : i32
    %broadcast_in_dim3A_613 = vector.broadcast %jit3A_612 : i32 to vector<8x4096xi32>
    %select_n3A_614 = arith.select %eq3A_611, %iota3A, %broadcast_in_dim3A_613 : vector<8x4096xi1>, vector<8x4096xi32>
    %reduce_min3A_615 = arith.constant dense<2147483647> : vector<8xi32>
    %reduce_min3A_616 = vector.multi_reduction <minsi>, %select_n3A_614, %reduce_min3A_615 [1] : vector<8x4096xi32> to vector<8xi32>
    %broadcast_in_dim3A_617 = vector.shape_cast %reduce_min3A_616 : vector<8xi32> to vector<8x1xi32>
    %eq3A_618 = vector.broadcast %broadcast_in_dim3A_617 : vector<8x1xi32> to vector<8x4096xi32>
    %eq3A_619 = arith.cmpi eq, %iota3A, %eq3A_618 : vector<8x4096xi32>
    %jit3A_620 = arith.constant 0.000000e+00 : f32
    %broadcast_in_dim3A_621 = vector.broadcast %jit3A_620 : f32 to vector<8x4096xf32>
    %select_n3A_622 = arith.select %eq3A_619, %get3A_4, %broadcast_in_dim3A_621 : vector<8x4096xi1>, vector<8x4096xf32>
    %reduce_sum3A_623 = arith.constant dense<0.000000e+00> : vector<8xf32>
    %reduce_sum3A_624 = vector.multi_reduction <add>, %select_n3A_622, %reduce_sum3A_623 [1] : vector<8x4096xf32> to vector<8xf32>
    %jit3A_625 = arith.constant 0xFF800000 : f32
    %broadcast_in_dim3A_626 = vector.broadcast %jit3A_625 : f32 to vector<8x4096xf32>
    %select_n3A_627 = arith.select %eq3A_619, %broadcast_in_dim3A_626, %select_n3A_606 : vector<8x4096xi1>, vector<8x4096xf32>
    %reduce_max3A_628 = arith.constant dense<0xFF800000> : vector<8xf32>
    %reduce_max3A_629 = vector.multi_reduction <maximumf>, %select_n3A_627, %reduce_max3A_628 [1] : vector<8x4096xf32> to vector<8xf32>
    %broadcast_in_dim3A_630 = vector.shape_cast %reduce_max3A_629 : vector<8xf32> to vector<8x1xf32>
    %eq3A_631 = vector.broadcast %broadcast_in_dim3A_630 : vector<8x1xf32> to vector<8x4096xf32>
    %eq3A_632 = arith.cmpf oeq, %select_n3A_627, %eq3A_631 : vector<8x4096xf32>
    %jit3A_633 = arith.constant 4096 : i32
    %broadcast_in_dim3A_634 = vector.broadcast %jit3A_633 : i32 to vector<8x4096xi32>
    %select_n3A_635 = arith.select %eq3A_632, %iota3A, %broadcast_in_dim3A_634 : vector<8x4096xi1>, vector<8x4096xi32>
    %reduce_min3A_636 = arith.constant dense<2147483647> : vector<8xi32>
    %reduce_min3A_637 = vector.multi_reduction <minsi>, %select_n3A_635, %reduce_min3A_636 [1] : vector<8x4096xi32> to vector<8xi32>
    %broadcast_in_dim3A_638 = vector.shape_cast %reduce_min3A_637 : vector<8xi32> to vector<8x1xi32>
    %eq3A_639 = vector.broadcast %broadcast_in_dim3A_638 : vector<8x1xi32> to vector<8x4096xi32>
    %eq3A_640 = arith.cmpi eq, %iota3A, %eq3A_639 : vector<8x4096xi32>
    %jit3A_641 = arith.constant 0.000000e+00 : f32
    %broadcast_in_dim3A_642 = vector.broadcast %jit3A_641 : f32 to vector<8x4096xf32>
    %select_n3A_643 = arith.select %eq3A_640, %get3A_4, %broadcast_in_dim3A_642 : vector<8x4096xi1>, vector<8x4096xf32>
    %reduce_sum3A_644 = arith.constant dense<0.000000e+00> : vector<8xf32>
    %reduce_sum3A_645 = vector.multi_reduction <add>, %select_n3A_643, %reduce_sum3A_644 [1] : vector<8x4096xf32> to vector<8xf32>
    %jit3A_646 = arith.constant 0xFF800000 : f32
    %broadcast_in_dim3A_647 = vector.broadcast %jit3A_646 : f32 to vector<8x4096xf32>
    %select_n3A_648 = arith.select %eq3A_640, %broadcast_in_dim3A_647, %select_n3A_627 : vector<8x4096xi1>, vector<8x4096xf32>
    %reduce_max3A_649 = arith.constant dense<0xFF800000> : vector<8xf32>
    %reduce_max3A_650 = vector.multi_reduction <maximumf>, %select_n3A_648, %reduce_max3A_649 [1] : vector<8x4096xf32> to vector<8xf32>
    %broadcast_in_dim3A_651 = vector.shape_cast %reduce_max3A_650 : vector<8xf32> to vector<8x1xf32>
    %eq3A_652 = vector.broadcast %broadcast_in_dim3A_651 : vector<8x1xf32> to vector<8x4096xf32>
    %eq3A_653 = arith.cmpf oeq, %select_n3A_648, %eq3A_652 : vector<8x4096xf32>
    %jit3A_654 = arith.constant 4096 : i32
    %broadcast_in_dim3A_655 = vector.broadcast %jit3A_654 : i32 to vector<8x4096xi32>
    %select_n3A_656 = arith.select %eq3A_653, %iota3A, %broadcast_in_dim3A_655 : vector<8x4096xi1>, vector<8x4096xi32>
    %reduce_min3A_657 = arith.constant dense<2147483647> : vector<8xi32>
    %reduce_min3A_658 = vector.multi_reduction <minsi>, %select_n3A_656, %reduce_min3A_657 [1] : vector<8x4096xi32> to vector<8xi32>
    %broadcast_in_dim3A_659 = vector.shape_cast %reduce_min3A_658 : vector<8xi32> to vector<8x1xi32>
    %eq3A_660 = vector.broadcast %broadcast_in_dim3A_659 : vector<8x1xi32> to vector<8x4096xi32>
    %eq3A_661 = arith.cmpi eq, %iota3A, %eq3A_660 : vector<8x4096xi32>
    %jit3A_662 = arith.constant 0.000000e+00 : f32
    %broadcast_in_dim3A_663 = vector.broadcast %jit3A_662 : f32 to vector<8x4096xf32>
    %select_n3A_664 = arith.select %eq3A_661, %get3A_4, %broadcast_in_dim3A_663 : vector<8x4096xi1>, vector<8x4096xf32>
    %reduce_sum3A_665 = arith.constant dense<0.000000e+00> : vector<8xf32>
    %reduce_sum3A_666 = vector.multi_reduction <add>, %select_n3A_664, %reduce_sum3A_665 [1] : vector<8x4096xf32> to vector<8xf32>
    %stack3A = vector.shape_cast %reduce_min3A_8 : vector<8xi32> to vector<8x1xi32>
    %stack3A_667 = vector.shape_cast %reduce_min3A_28 : vector<8xi32> to vector<8x1xi32>
    %stack3A_668 = vector.shape_cast %reduce_min3A_49 : vector<8xi32> to vector<8x1xi32>
    %stack3A_669 = vector.shape_cast %reduce_min3A_70 : vector<8xi32> to vector<8x1xi32>
    %stack3A_670 = vector.shape_cast %reduce_min3A_91 : vector<8xi32> to vector<8x1xi32>
    %stack3A_671 = vector.shape_cast %reduce_min3A_112 : vector<8xi32> to vector<8x1xi32>
    %stack3A_672 = vector.shape_cast %reduce_min3A_133 : vector<8xi32> to vector<8x1xi32>
    %stack3A_673 = vector.shape_cast %reduce_min3A_154 : vector<8xi32> to vector<8x1xi32>
    %stack3A_674 = vector.shape_cast %reduce_min3A_175 : vector<8xi32> to vector<8x1xi32>
    %stack3A_675 = vector.shape_cast %reduce_min3A_196 : vector<8xi32> to vector<8x1xi32>
    %stack3A_676 = vector.shape_cast %reduce_min3A_217 : vector<8xi32> to vector<8x1xi32>
    %stack3A_677 = vector.shape_cast %reduce_min3A_238 : vector<8xi32> to vector<8x1xi32>
    %stack3A_678 = vector.shape_cast %reduce_min3A_259 : vector<8xi32> to vector<8x1xi32>
    %stack3A_679 = vector.shape_cast %reduce_min3A_280 : vector<8xi32> to vector<8x1xi32>
    %stack3A_680 = vector.shape_cast %reduce_min3A_301 : vector<8xi32> to vector<8x1xi32>
    %stack3A_681 = vector.shape_cast %reduce_min3A_322 : vector<8xi32> to vector<8x1xi32>
    %stack3A_682 = vector.shape_cast %reduce_min3A_343 : vector<8xi32> to vector<8x1xi32>
    %stack3A_683 = vector.shape_cast %reduce_min3A_364 : vector<8xi32> to vector<8x1xi32>
    %stack3A_684 = vector.shape_cast %reduce_min3A_385 : vector<8xi32> to vector<8x1xi32>
    %stack3A_685 = vector.shape_cast %reduce_min3A_406 : vector<8xi32> to vector<8x1xi32>
    %stack3A_686 = vector.shape_cast %reduce_min3A_427 : vector<8xi32> to vector<8x1xi32>
    %stack3A_687 = vector.shape_cast %reduce_min3A_448 : vector<8xi32> to vector<8x1xi32>
    %stack3A_688 = vector.shape_cast %reduce_min3A_469 : vector<8xi32> to vector<8x1xi32>
    %stack3A_689 = vector.shape_cast %reduce_min3A_490 : vector<8xi32> to vector<8x1xi32>
    %stack3A_690 = vector.shape_cast %reduce_min3A_511 : vector<8xi32> to vector<8x1xi32>
    %stack3A_691 = vector.shape_cast %reduce_min3A_532 : vector<8xi32> to vector<8x1xi32>
    %stack3A_692 = vector.shape_cast %reduce_min3A_553 : vector<8xi32> to vector<8x1xi32>
    %stack3A_693 = vector.shape_cast %reduce_min3A_574 : vector<8xi32> to vector<8x1xi32>
    %stack3A_694 = vector.shape_cast %reduce_min3A_595 : vector<8xi32> to vector<8x1xi32>
    %stack3A_695 = vector.shape_cast %reduce_min3A_616 : vector<8xi32> to vector<8x1xi32>
    %stack3A_696 = vector.shape_cast %reduce_min3A_637 : vector<8xi32> to vector<8x1xi32>
    %stack3A_697 = vector.shape_cast %reduce_min3A_658 : vector<8xi32> to vector<8x1xi32>
    %stack3A_698 = tpu.concatenate %stack3A, %stack3A_667, %stack3A_668, %stack3A_669, %stack3A_670, %stack3A_671, %stack3A_672, %stack3A_673, %stack3A_674, %stack3A_675, %stack3A_676, %stack3A_677, %stack3A_678, %stack3A_679, %stack3A_680, %stack3A_681, %stack3A_682, %stack3A_683, %stack3A_684, %stack3A_685, %stack3A_686, %stack3A_687, %stack3A_688, %stack3A_689, %stack3A_690, %stack3A_691, %stack3A_692, %stack3A_693, %stack3A_694, %stack3A_695, %stack3A_696, %stack3A_697 in 1 : vector<8x1xi32>, vector<8x1xi32>, vector<8x1xi32>, vector<8x1xi32>, vector<8x1xi32>, vector<8x1xi32>, vector<8x1xi32>, vector<8x1xi32>, vector<8x1xi32>, vector<8x1xi32>, vector<8x1xi32>, vector<8x1xi32>, vector<8x1xi32>, vector<8x1xi32>, vector<8x1xi32>, vector<8x1xi32>, vector<8x1xi32>, vector<8x1xi32>, vector<8x1xi32>, vector<8x1xi32>, vector<8x1xi32>, vector<8x1xi32>, vector<8x1xi32>, vector<8x1xi32>, vector<8x1xi32>, vector<8x1xi32>, vector<8x1xi32>, vector<8x1xi32>, vector<8x1xi32>, vector<8x1xi32>, vector<8x1xi32>, vector<8x1xi32> -> vector<8x32xi32>
    %stack3A_699 = vector.shape_cast %reduce_sum3A_15 : vector<8xf32> to vector<8x1xf32>
    %stack3A_700 = vector.shape_cast %reduce_sum3A_36 : vector<8xf32> to vector<8x1xf32>
    %stack3A_701 = vector.shape_cast %reduce_sum3A_57 : vector<8xf32> to vector<8x1xf32>
    %stack3A_702 = vector.shape_cast %reduce_sum3A_78 : vector<8xf32> to vector<8x1xf32>
    %stack3A_703 = vector.shape_cast %reduce_sum3A_99 : vector<8xf32> to vector<8x1xf32>
    %stack3A_704 = vector.shape_cast %reduce_sum3A_120 : vector<8xf32> to vector<8x1xf32>
    %stack3A_705 = vector.shape_cast %reduce_sum3A_141 : vector<8xf32> to vector<8x1xf32>
    %stack3A_706 = vector.shape_cast %reduce_sum3A_162 : vector<8xf32> to vector<8x1xf32>
    %stack3A_707 = vector.shape_cast %reduce_sum3A_183 : vector<8xf32> to vector<8x1xf32>
    %stack3A_708 = vector.shape_cast %reduce_sum3A_204 : vector<8xf32> to vector<8x1xf32>
    %stack3A_709 = vector.shape_cast %reduce_sum3A_225 : vector<8xf32> to vector<8x1xf32>
    %stack3A_710 = vector.shape_cast %reduce_sum3A_246 : vector<8xf32> to vector<8x1xf32>
    %stack3A_711 = vector.shape_cast %reduce_sum3A_267 : vector<8xf32> to vector<8x1xf32>
    %stack3A_712 = vector.shape_cast %reduce_sum3A_288 : vector<8xf32> to vector<8x1xf32>
    %stack3A_713 = vector.shape_cast %reduce_sum3A_309 : vector<8xf32> to vector<8x1xf32>
    %stack3A_714 = vector.shape_cast %reduce_sum3A_330 : vector<8xf32> to vector<8x1xf32>
    %stack3A_715 = vector.shape_cast %reduce_sum3A_351 : vector<8xf32> to vector<8x1xf32>
    %stack3A_716 = vector.shape_cast %reduce_sum3A_372 : vector<8xf32> to vector<8x1xf32>
    %stack3A_717 = vector.shape_cast %reduce_sum3A_393 : vector<8xf32> to vector<8x1xf32>
    %stack3A_718 = vector.shape_cast %reduce_sum3A_414 : vector<8xf32> to vector<8x1xf32>
    %stack3A_719 = vector.shape_cast %reduce_sum3A_435 : vector<8xf32> to vector<8x1xf32>
    %stack3A_720 = vector.shape_cast %reduce_sum3A_456 : vector<8xf32> to vector<8x1xf32>
    %stack3A_721 = vector.shape_cast %reduce_sum3A_477 : vector<8xf32> to vector<8x1xf32>
    %stack3A_722 = vector.shape_cast %reduce_sum3A_498 : vector<8xf32> to vector<8x1xf32>
    %stack3A_723 = vector.shape_cast %reduce_sum3A_519 : vector<8xf32> to vector<8x1xf32>
    %stack3A_724 = vector.shape_cast %reduce_sum3A_540 : vector<8xf32> to vector<8x1xf32>
    %stack3A_725 = vector.shape_cast %reduce_sum3A_561 : vector<8xf32> to vector<8x1xf32>
    %stack3A_726 = vector.shape_cast %reduce_sum3A_582 : vector<8xf32> to vector<8x1xf32>
    %stack3A_727 = vector.shape_cast %reduce_sum3A_603 : vector<8xf32> to vector<8x1xf32>
    %stack3A_728 = vector.shape_cast %reduce_sum3A_624 : vector<8xf32> to vector<8x1xf32>
    %stack3A_729 = vector.shape_cast %reduce_sum3A_645 : vector<8xf32> to vector<8x1xf32>
    %stack3A_730 = vector.shape_cast %reduce_sum3A_666 : vector<8xf32> to vector<8x1xf32>
    %stack3A_731 = tpu.concatenate %stack3A_699, %stack3A_700, %stack3A_701, %stack3A_702, %stack3A_703, %stack3A_704, %stack3A_705, %stack3A_706, %stack3A_707, %stack3A_708, %stack3A_709, %stack3A_710, %stack3A_711, %stack3A_712, %stack3A_713, %stack3A_714, %stack3A_715, %stack3A_716, %stack3A_717, %stack3A_718, %stack3A_719, %stack3A_720, %stack3A_721, %stack3A_722, %stack3A_723, %stack3A_724, %stack3A_725, %stack3A_726, %stack3A_727, %stack3A_728, %stack3A_729, %stack3A_730 in 1 : vector<8x1xf32>, vector<8x1xf32>, vector<8x1xf32>, vector<8x1xf32>, vector<8x1xf32>, vector<8x1xf32>, vector<8x1xf32>, vector<8x1xf32>, vector<8x1xf32>, vector<8x1xf32>, vector<8x1xf32>, vector<8x1xf32>, vector<8x1xf32>, vector<8x1xf32>, vector<8x1xf32>, vector<8x1xf32>, vector<8x1xf32>, vector<8x1xf32>, vector<8x1xf32>, vector<8x1xf32>, vector<8x1xf32>, vector<8x1xf32>, vector<8x1xf32>, vector<8x1xf32>, vector<8x1xf32>, vector<8x1xf32>, vector<8x1xf32>, vector<8x1xf32>, vector<8x1xf32>, vector<8x1xf32>, vector<8x1xf32>, vector<8x1xf32> -> vector<8x32xf32>
    %swap3A = arith.constant 0 : index
    %swap3A_732 = arith.constant 0 : index
    %swap3A_733 = vector.load %arg2[%swap3A, %swap3A_732] : memref<8x32xf32, #tpu.memory_space<vmem>>, vector<8x32xf32>
    tpu.vector_store %arg2[%swap3A, %swap3A_732], %stack3A_731 {strides = array<i32>} : memref<8x32xf32, #tpu.memory_space<vmem>>, vector<8x32xf32>,
    %jit3A_734 = arith.constant 64 : i32
    %div3A = vector.broadcast %jit3A_734 : i32 to vector<8x32xi32>
    %div3A_735 = arith.divsi %stack3A_698, %div3A : vector<8x32xi32>
    %sign3A = arith.constant 0 : i32
    %sign3A_736 = vector.broadcast %sign3A : i32 to vector<8x32xi32>
    %sign3A_737 = arith.cmpi sgt, %stack3A_698, %sign3A_736 : vector<8x32xi32>
    %sign3A_738 = arith.extui %sign3A_737 : vector<8x32xi1> to vector<8x32xi32>
    %sign3A_739 = arith.constant 0 : i32
    %sign3A_740 = vector.broadcast %sign3A_739 : i32 to vector<8x32xi32>
    %sign3A_741 = arith.cmpi slt, %stack3A_698, %sign3A_740 : vector<8x32xi32>
    %sign3A_742 = arith.extui %sign3A_741 : vector<8x32xi1> to vector<8x32xi32>
    %sign3A_743 = arith.subi %sign3A_738, %sign3A_742 : vector<8x32xi32>
    %sign3A_744 = arith.constant 0 : i32
    %sign3A_745 = arith.cmpi sgt, %jit3A_734, %sign3A_744 : i32
    %sign3A_746 = arith.extui %sign3A_745 : i1 to i32
    %sign3A_747 = arith.constant 0 : i32
    %sign3A_748 = arith.cmpi slt, %jit3A_734, %sign3A_747 : i32
    %sign3A_749 = arith.extui %sign3A_748 : i1 to i32
    %sign3A_750 = arith.subi %sign3A_746, %sign3A_749 : i32
    %ne3A = vector.broadcast %sign3A_750 : i32 to vector<8x32xi32>
    %ne3A_751 = arith.cmpi ne, %sign3A_743, %ne3A : vector<8x32xi32>
    %rem3A = vector.broadcast %jit3A_734 : i32 to vector<8x32xi32>
    %rem3A_752 = arith.remsi %stack3A_698, %rem3A : vector<8x32xi32>
    %ne3A_753 = arith.constant 0 : i32
    %ne3A_754 = vector.broadcast %ne3A_753 : i32 to vector<8x32xi32>
    %ne3A_755 = arith.cmpi ne, %rem3A_752, %ne3A_754 : vector<8x32xi32>
    %and3A = arith.andi %ne3A_751, %ne3A_755 : vector<8x32xi1>
    %sub3A = arith.constant 1 : i32
    %sub3A_756 = vector.broadcast %sub3A : i32 to vector<8x32xi32>
    %sub3A_757 = arith.subi %div3A_735, %sub3A_756 : vector<8x32xi32>
    %select_n3A_758 = arith.select %and3A, %sub3A_757, %div3A_735 : vector<8x32xi1>, vector<8x32xi32>
    %jit3A_759 = arith.constant 64 : i32
    %eq3A_760 = arith.constant 0 : i32
    %eq3A_761 = arith.cmpi eq, %jit3A_759, %eq3A_760 : i32
    %jit3A_762 = arith.constant 1 : i32
    %select_n3A_763 = arith.select %eq3A_761, %jit3A_762, %jit3A_759 : i32
    %rem3A_764 = vector.broadcast %select_n3A_763 : i32 to vector<8x32xi32>
    %rem3A_765 = arith.remsi %stack3A_698, %rem3A_764 : vector<8x32xi32>
    %ne3A_766 = arith.constant 0 : i32
    %ne3A_767 = vector.broadcast %ne3A_766 : i32 to vector<8x32xi32>
    %ne3A_768 = arith.cmpi ne, %rem3A_765, %ne3A_767 : vector<8x32xi32>
    %lt3A = arith.constant 0 : i32
    %lt3A_769 = vector.broadcast %lt3A : i32 to vector<8x32xi32>
    %lt3A_770 = arith.cmpi slt, %rem3A_765, %lt3A_769 : vector<8x32xi32>
    %lt3A_771 = arith.constant 0 : i32
    %lt3A_772 = arith.cmpi slt, %select_n3A_763, %lt3A_771 : i32
    %ne3A_773 = vector.broadcast %lt3A_772 : i1 to vector<8x32xi1>
    %ne3A_774 = vector.broadcast %ne3A_773 : vector<8x32xi1> to vector<8x32xi1>
    %ne3A_775 = arith.xori %lt3A_770, %ne3A_774 : vector<8x32xi1>
    %and3A_776 = arith.andi %ne3A_775, %ne3A_768 : vector<8x32xi1>
    %add3A = vector.broadcast %select_n3A_763 : i32 to vector<8x32xi32>
    %add3A_777 = arith.addi %rem3A_765, %add3A : vector<8x32xi32>
    %select_n3A_778 = arith.select %and3A_776, %add3A_777, %rem3A_765 : vector<8x32xi1>, vector<8x32xi32>
    %convert_element_type3A = arith.sitofp %select_n3A_758 : vector<8x32xi32> to vector<8x32xf32>
    %div3A_779 = arith.constant 6.300000e+01 : f32
    %div3A_780 = vector.broadcast %div3A_779 : f32 to vector<8x32xf32>
    %div3A_781 = arith.divf %convert_element_type3A, %div3A_780 : vector<8x32xf32>
    %mul3A = arith.constant 2.550000e+02 : f32
    %mul3A_782 = vector.broadcast %mul3A : f32 to vector<8x32xf32>
    %mul3A_783 = arith.mulf %div3A_781, %mul3A_782 : vector<8x32xf32>
    %mul3A_784 = arith.constant 4.000000e+00 : f32
    %mul3A_785 = vector.broadcast %mul3A_784 : f32 to vector<8x32xf32>
    %mul3A_786 = arith.mulf %mul3A_783, %mul3A_785 : vector<8x32xf32>
    %sub3A_787 = arith.constant 3.200000e+01 : f32
    %sub3A_788 = vector.broadcast %sub3A_787 : f32 to vector<8x32xf32>
    %sub3A_789 = arith.subf %mul3A_786, %sub3A_788 : vector<8x32xf32>
    %round3A = math.roundeven %sub3A_789 : vector<8x32xf32>
    %convert_element_type3A_790 = arith.fptosi %round3A : vector<8x32xf32> to vector<8x32xi32>
    %jit3A_791 = arith.constant 0 : i32
    %jit3A_792 = arith.constant 960 : i32
    %max3A = vector.broadcast %jit3A_791 : i32 to vector<8x32xi32>
    %max3A_793 = arith.maxsi %max3A, %convert_element_type3A_790 : vector<8x32xi32>
    %min3A = vector.broadcast %jit3A_792 : i32 to vector<8x32xi32>
    %min3A_794 = arith.minsi %min3A, %max3A_793 : vector<8x32xi32>
    %swap3A_795 = arith.constant 0 : index
    %swap3A_796 = arith.constant 0 : index
    %swap3A_797 = vector.load %arg3[%swap3A_795, %swap3A_796] : memref<8x32xi32, #tpu.memory_space<vmem>>, vector<8x32xi32>
    tpu.vector_store %arg3[%swap3A_795, %swap3A_796], %min3A_794 {strides = array<i32>} : memref<8x32xi32, #tpu.memory_space<vmem>>, vector<8x32xi32>,
    %convert_element_type3A_798 = arith.sitofp %select_n3A_778 : vector<8x32xi32> to vector<8x32xf32>
    %div3A_799 = arith.constant 6.300000e+01 : f32
    %div3A_800 = vector.broadcast %div3A_799 : f32 to vector<8x32xf32>
    %div3A_801 = arith.divf %convert_element_type3A_798, %div3A_800 : vector<8x32xf32>
    %mul3A_802 = arith.constant 2.550000e+02 : f32
    %mul3A_803 = vector.broadcast %mul3A_802 : f32 to vector<8x32xf32>
    %mul3A_804 = arith.mulf %div3A_801, %mul3A_803 : vector<8x32xf32>
    %mul3A_805 = arith.constant 4.000000e+00 : f32
    %mul3A_806 = vector.broadcast %mul3A_805 : f32 to vector<8x32xf32>
    %mul3A_807 = arith.mulf %mul3A_804, %mul3A_806 : vector<8x32xf32>
    %sub3A_808 = arith.constant 3.200000e+01 : f32
    %sub3A_809 = vector.broadcast %sub3A_808 : f32 to vector<8x32xf32>
    %sub3A_810 = arith.subf %mul3A_807, %sub3A_809 : vector<8x32xf32>
    %round3A_811 = math.roundeven %sub3A_810 : vector<8x32xf32>
    %convert_element_type3A_812 = arith.fptosi %round3A_811 : vector<8x32xf32> to vector<8x32xi32>
    %jit3A_813 = arith.constant 0 : i32
    %jit3A_814 = arith.constant 960 : i32
    %max3A_815 = vector.broadcast %jit3A_813 : i32 to vector<8x32xi32>
    %max3A_816 = arith.maxsi %max3A_815, %convert_element_type3A_812 : vector<8x32xi32>
    %min3A_817 = vector.broadcast %jit3A_814 : i32 to vector<8x32xi32>
    %min3A_818 = arith.minsi %min3A_817, %max3A_816 : vector<8x32xi32>
    %mul3A_819 = arith.constant 3 : i32
    %mul3A_820 = vector.broadcast %mul3A_819 : i32 to vector<8x32xi32>
    %mul3A_821 = arith.muli %min3A_818, %mul3A_820 : vector<8x32xi32>
    %swap3A_822 = arith.constant 0 : index
    %swap3A_823 = arith.constant 0 : index
    %swap3A_824 = vector.load %arg4[%swap3A_822, %swap3A_823] : memref<8x32xi32, #tpu.memory_space<vmem>>, vector<8x32xi32>
    tpu.vector_store %arg4[%swap3A_822, %swap3A_823], %mul3A_821 {strides = array<i32>} : memref<8x32xi32, #tpu.memory_space<vmem>>, vector<8x32xi32>,
    return
  }
}

</mosaic_0001>

<sc_bundles>
// kernel: kernel.4.cloned.1.call-start
scs
__scs_entry_jumppad:
0x0: {  	(pc) =	sbr.rel $0x88, $3  }
0x1: {  	(tag) =	ssettag $0x0;
	lr =	simm.s32 $0x1  }
0x2: {  	[smem:$0x3F9F] =	sst lr;
	_ =	strace $0xD0000000  }
0x3: {  	_ = 	snop  }
0x4: {  	_ = 	snop  }
0x5: {  	_ = 	snop  }
0x6: {  	_ = 	snop  }
0x7: {  	_ = 	snop  }
__scs_overlays_trampoline_lowered:
0x8: {  	[smem:$0x3FAE] =	sst s0  }
0x9: {  	[smem:$0x3FAF] =	sst s1  }
0xa: {  	[smem:$0x3FB0] =	sst s2  }
0xb: {  	[smem:$0x3FB1] =	sst s3  }
0xc: {  	[smem:$0x3FB2] =	sst s4  }
0xd: {  	[smem:$0x3FB3] =	sst s5  }
0xe: {  	[smem:$0x3FB4] =	sst s6  }
0xf: {  	[smem:$0x3FB5] =	sst s7  }
0x10: {  	[smem:$0x3FB6] =	sst s8  }
0x11: {  	[smem:$0x3FB7] =	sst s9;
	s0 =	simm.s32 @!p0 $0x0  }
0x12: {  	s1 =	sld [smem:$0x3F9D];
	s0 =	simm.s32 @p0 $0x1  }
0x13: {  	[smem:$0x3FB8] =	sst s0;
	s0 =	simm.s32 @!p1 $0x0  }
0x14: {  	s2 =	sld [smem:$0x3F9C];
	s0 =	simm.s32 @p1 $0x1  }
0x15: {  	[smem:$0x3FB9] =	sst s0;
	s0 =	simm.s32 @!p2 $0x0  }
0x16: {  	s3 =	sld [smem:$0x3FDB];
	s0 =	simm.s32 @p2 $0x1  }
0x17: {  	s4 =	simm.s32 $0x1BF5;
	[smem:$0x3FBB] =	sst s0  }
0x18: {  	s0 =	sld [smem:$0x3F9E];
	_ =	swait.ge [sflag:s4], $0x0  }
0x19: {  	s7 =	sld [smem:$0x3F9F]  }
0x1a: {  	s8 =	sadd.s32 $0xFFFFE003, lr  }
0x1b: {  	s9 =	sadd.s32 $0xFFFFFEF7, lr;
	s5 =	simm.s32 $0xFFFFFFFF;
	p2 =	slt.u32 s8, $0xFFFFF086  }
0x1c: {  	p1 =	slt.u32 s9, $0xF7A;
	s5 =	simm.s32 @!p2 $0x0  }
0x1d: {  	s5 =	simm.s32 @p1 $0x1;
	p0 =	seq.s32 s7, s2  }
0x1e: {  	s7 =	smul.u32 @!p0 $0xF7A, s2;
	p2 =	seq.s32 @!p0 s5, $0x0  }
0x1f: {  	s9 =	smul.u32 $0xF7A, s1;
	s8 =	simm.s32 @!p0 $0x1BF5;
	p2 =	por !p2, p0  }
0x20: {  	[sflag:s8] =	ssyncset.s32 @!p0 $0xFFFFF086;
	s6 =	sadd.s32 @!p0 s3, s7;
	s7 =	simm.s32 @!p0 $0x108  }
0x21: {  	s3 =	sadd.s32 s3, s9;
	s6 =	sadd.s32 @!p0 $0x88, s6;
	s7 =	simm.s32 @p2 $0x1082  }
0x22: {  	[simem:s7], [sflag:s8] =	dma.local @!p0 [hbm:s6], $0xF7A  }
0x23: {  	s9 =	sor.u32 $0xD0000000, s2;
	s6 =	simm.s32 $0x108;
	_ =	swait.ge @!p0 [sflag:s8], $0x0  }
0x24: {  	s3 =	sadd.s32 $0x88, s3;
	s6 =	simm.s32 @!p1 $0x1082;
	[sflag:s4] =	ssyncset.s32 $0xFFFFF086  }
0x25: {  	[simem:s6], [sflag:s4] =	dma.local [hbm:s3], $0xF7A  }
0x26: {  	[smem:$0x3F9F] =	sst s1;
	(tag) =	ssettag s2;
	_ =	strace s9  }
0x27: {  	s1 =	sld [smem:$0x3FAF]  }
0x28: {  	s2 =	sld [smem:$0x3FB0]  }
0x29: {  	s4 =	sld [smem:$0x3FB2]  }
0x2a: {  	p0 =	seq.s32 s5, $0x0;
	s5 =	sld [smem:$0x3FB3]  }
0x2b: {  	s6 =	sld [smem:$0x3FB4]  }
0x2c: {  	s7 =	sld [smem:$0x3FB5]  }
0x2d: {  	s3 =	simm.s32 $0x108;
	s8 =	sld [smem:$0x3FB6]  }
0x2e: {  	s3 =	simm.s32 @!p0 $0x1082;
	s9 =	sld [smem:$0x3FB7]  }
0x2f: {  	lr =	sadd.s32 s0, s3;
	s0 =	sld [smem:$0x3FAE]  }
0x30: {  	s3 =	sld [smem:$0x3FB1]  }
0x31: {  	[smem:$0x3FBA] =	sst s10  }
0x32: {  	s10 =	sld [smem:$0x3FB8];
	_ =	sdelay $0x3  }
0x33: {  	p0 =	seq.s32 s10, $0x1;
	s10 =	sld [smem:$0x3FBA];
	_ =	sdelay $0x3  }
0x34: {  	[smem:$0x3FBA] =	sst s10  }
0x35: {  	s10 =	sld [smem:$0x3FB9];
	_ =	sdelay $0x3  }
0x36: {  	p1 =	seq.s32 s10, $0x1;
	s10 =	sld [smem:$0x3FBA];
	_ =	sdelay $0x3  }
0x37: {  	[smem:$0x3FBA] =	sst s10  }
0x38: {  	s10 =	sld [smem:$0x3FBB]  }
0x39: {  	_ = 	snop;
	(pc) =	sbr.ind lr, $3  }
0x3a: {  	_ = 	snop  }
0x3b: {  	_ = 	snop  }
0x3c: {  	p2 =	seq.s32 s10, $0x1;
	s10 =	sld [smem:$0x3FBA]  }
0x3d: {  	_ =	shalt  }
0x3e: {  	_ =	shalt  }
0x3f: {  	_ =	shalt  }
0x40: {  	_ =	shalt  }
0x41: {  	_ =	shalt  }
0x42: {  	_ =	shalt  }
0x43: {  	_ =	shalt  }
0x44: {  	_ =	shalt  }
0x45: {  	_ =	shalt  }
0x46: {  	_ =	shalt  }
0x47: {  	_ =	shalt  }
0x48: {  	_ =	shalt  }
0x49: {  	_ =	shalt  }
0x4a: {  	_ =	shalt  }
0x4b: {  	_ =	shalt  }
0x4c: {  	_ =	shalt  }
0x4d: {  	_ =	shalt  }
0x4e: {  	_ =	shalt  }
0x4f: {  	_ =	shalt  }
0x50: {  	_ =	shalt  }
0x51: {  	_ =	shalt  }
0x52: {  	_ =	shalt  }
0x53: {  	_ =	shalt  }
0x54: {  	_ =	shalt  }
0x55: {  	_ =	shalt  }
0x56: {  	_ =	shalt  }
0x57: {  	_ =	shalt  }
0x58: {  	_ =	shalt  }
0x59: {  	_ =	shalt  }
0x5a: {  	_ =	shalt  }
0x5b: {  	_ =	shalt  }
0x5c: {  	_ =	shalt  }
0x5d: {  	_ =	shalt  }
0x5e: {  	_ =	shalt  }
0x5f: {  	_ =	shalt  }
0x60: {  	_ =	shalt  }
0x61: {  	_ =	shalt  }
0x62: {  	_ =	shalt  }
0x63: {  	_ =	shalt  }
0x64: {  	_ =	shalt  }
0x65: {  	_ =	shalt  }
0x66: {  	_ =	shalt  }
0x67: {  	_ =	shalt  }
0x68: {  	_ =	shalt  }
0x69: {  	_ =	shalt  }
0x6a: {  	_ =	shalt  }
0x6b: {  	_ =	shalt  }
0x6c: {  	_ =	shalt  }
0x6d: {  	_ =	shalt  }
0x6e: {  	_ =	shalt  }
0x6f: {  	_ =	shalt  }
0x70: {  	_ =	shalt  }
0x71: {  	_ =	shalt  }
0x72: {  	_ =	shalt  }
0x73: {  	_ =	shalt  }
0x74: {  	_ =	shalt  }
0x75: {  	_ =	shalt  }
0x76: {  	_ =	shalt  }
0x77: {  	_ =	shalt  }
0x78: {  	_ =	shalt  }
0x79: {  	_ =	shalt  }
0x7a: {  	_ =	shalt  }
0x7b: {  	_ =	shalt  }
0x7c: {  	_ =	shalt  }
0x7d: {  	_ =	shalt  }
0x7e: {  	_ =	shalt  }
0x7f: {  	_ =	shalt  }
0x80: {  	_ =	shalt  }
0x81: {  	_ =	shalt  }
0x82: {  	_ =	shalt  }
0x83: {  	_ =	shalt  }
0x84: {  	_ =	shalt  }
0x85: {  	_ =	shalt  }
0x86: {  	_ =	shalt  }
0x87: {  	_ =	shalt  }
.Lfunc_end0:
.L_simem_size_0:
called_computation.2_lowered:
.L_overlay_start_0:
0x88: {  	s2 =	sld [smem:$0x3FD9]  }
0x89: {  	s3 =	sld [smem:$0x3FFE];
	_ =	sdelay $0x1  }
0x8a: {  	s1 =	srdreg.scid  }
0x8b: {  	s0 =	sand.u32 $0x1, s1  }
0x8c: {  	s14 =	sshll.u32 s0, $0xA;
	s2 =	sadd.s32 s3, s2  }
0x8d: {  	s2 =	sadd.s32 s2, s14  }
0x8e: {  	[smem:$0x3FC6] =	sst s2  }
0x8f: {  	_ = 	snop  }
0x90: {  	s2 =	sld [smem:$0x3FD0];
	_ =	sdelay $0x2  }
0x91: {  	s15 =	simm.s32 $0xA;
	s4 =	simm.s32 $0x10  }
0x92: {  	[smem:s4], [sflag:s15] =	dma.local [hbm:s2], $0x1  }
0x93: {  	_ =	swait.eq [sflag:s15], $0x1  }
0x94: {  	[sflag:s15] =	ssyncset.done $0x0  }
0x95: {  	[sflag:s15] =	ssyncadd.s32 $0xFFFFFFFF  }
0x96: {  	s16 =	sld [smem:$0x10];
	(tm) =	ssettm $0x1  }
0x97: {  	s17 =	sld [smem:$0x3FFB];
	_ =	sdelay $0x3  }
0x98: {  	_ =	strace s17  }
0x99: {  	s3 =	sld [smem:$0x3FFC];
	_ =	sdelay $0x3  }
0x9a: {  	_ =	strace s3  }
0x9b: {  	s3 =	sld [smem:$0x3FFD];
	_ =	sdelay $0x3  }
0x9c: {  	_ =	strace s3  }
0x9d: {  	_ =	strace $0x8FFFFFFF  }
0x9e: {  	s18 =	sld [smem:$0x3FDB];
	_ =	sdelay $0x1  }
0x9f: {  	s19 =	simm.s32 $_scs_section_size  }
0xa0: {  	s5 =	simm.s32 $_size__tile_overlayer_lowered;
	s6 =	simm.s32 $_tile_overlayer_lowered  }
0xa1: {  	s22 =	simm.s32 $0x1BFF;
	s21 =	sshll.u32 s6, $0x1;
	s3 =	sadd.s32 s19, s18  }
0xa2: {  	s7 =	simm.s32 $0x0;
	s20 =	sshll.u32 s5, $0x1;
	s5 =	sadd.s32 s21, s3  }
0xa3: {  	[timem:s7], [sflag:s22] =	dma.local [hbm:s5], s20  }
0xa4: {  	_ =	swait.ge [sflag:s22], s20  }
0xa5: {  	s4 =	ssub.s32 $0x0, s20;
	[sflag:s22] =	ssyncset.done $0x0  }
0xa6: {  	[sflag:s22] =	ssyncadd.s32 s4;
	_ =	sdelay $0x1  }
0xa7: {  	s23 =	simm.s32 $0x1B8B  }
0xa8: {  	_ =	swait.ge [sflag:s23], $0x1  }
0xa9: {  	[sflag:s23] =	ssyncset.done $0x0  }
0xaa: {  	s25 =	simm.s32 $0x1B8E;
	s24 =	sld [smem:$0x3FFE];
	[sflag:s23] =	ssyncadd.s32 $0xFFFFFFFF  }
0xab: {  	s26 =	simm.s32 $execute0_lowered;
	[smem:$0x3FD2] =	sst s25  }
0xac: {  	s5 =	sshll.u32 s26, $0x1;
	_ =	strace $0x8000004C;
	[dreg:$0x1] =	wrdreg $0xFFFFFFFF  }
0xad: {  	s28 =	simm.s32 $_size_execute0_lowered;
	s3 =	sadd.s32 s3, s5;
	[dreg:$0x0] =	wrdreg $0x0  }
0xae: {  	s5 =	sshll.u32 s28, $0x1;
	[dreg:$0x2] =	wrdreg s3  }
0xaf: {  	[dreg:$0x3] =	wrdreg s5  }
0xb0: {  	[dreg:$0x4] =	wrdreg $0xC0  }
0xb1: {  	_ =	task [dreg:s7], $0x5FFFF  }
0xb2: {  	[dreg:$0x1] =	wrdreg $0xFFFFFFFF  }
0xb3: {  	[dreg:$0x0] =	wrdreg $0x60  }
0xb4: {  	[dreg:$0x2] =	wrdreg s24  }
0xb5: {  	[dreg:$0x3] =	wrdreg s16  }
0xb6: {  	[dreg:$0x4] =	wrdreg $0x9  }
0xb7: {  	_ =	task.clear_ibuf [dreg:s7], $0x5FFFF;
	_ =	strace $0x9000004C  }
0xb8: {  	s29 =	simm.s32 $0x9;
	_ =	strace $0x8000004E  }
0xb9: {  	_ =	swait.ge [sflag:s29], $0x1  }
0xba: {  	[sflag:s29] =	ssyncadd.s32 $0xFFFFFFFF  }
0xbb: {  	_ =	strace $0x9000004E  }
0xbc: {  	_ =	sfence  }
0xbd: {  	s30 =	sld [smem:$0x0];
	_ =	sdelay $0x2  }
0xbe: {  	s31 =	sshll.u32 s1, $0xD;
	s1 =	sshrl.u32 s1, $0x2  }
0xbf: {  	s3 =	sand.u32 $0x4000, s31;
	s1 =	sadd.s32 s1, s30  }
0xc0: {  	s0 =	sor.u32 s3, s0;
	s1 =	sshll.u32 s1, $0x11  }
0xc1: {  	s0 =	sor.u32 s1, s0  }
0xc2: {  	s0 =	sadd.s32 $0x8F2B, s0  }
0xc3: {  	[sflag:s0] =	ssyncadd.remote.s32 $0x1  }
0xc4: {  	_ =	sfence.sel $0xFFFF  }
0xc5: {  	[dreg:$0x0] =	wrdreg $0xFFFFFFFF;
	(pc) =	sbr.abs _section_cstart, $3  }
0xc6: {  	[dreg:$0x1] =	wrdreg $0xFFFFFFFF  }
0xc7: {  	_ =	task.clear_ibuf [dreg:s7], $0x2FFFF;
	_ =	strace $0x9FFFFFFF  }
0xc8: {  	(tm) =	ssettm $0x7FFFFFFF  }
0xc9: {  	_ =	shalt  }
tec
execute0_lowered:
.L_overlay_start_1:
0x0: {  	(tag) =	ssettag $0x1  }
0x1: {  	s3 =	stileid.u32  }
0x2: {  	s0 =	rddreg [dreg:$0x0];
	s1 =	srdreg.scid  }
0x3: {  	s5 =	rddreg [dreg:$0x1];
	s16 =	simm.s32 $0x5;
	s18 =	simm.s32 $0x1  }
0x4: {  	s19 =	simm.s32 $0xC8;
	s20 =	simm.s32 $0xC00;
	s21 =	simm.s32 $0x20  }
0x5: {  	s22 =	simm.s32 $0x3220;
	s23 =	simm.s32 $0x6420;
	s28 =	simm.s32 $0x4  }
0x6: {  	s29 =	simm.s32 $0x0;
	s2 =	sshll.u32 s3, $0x1;
	s4 =	sshrl.u32 s3, $0x1  }
0x7: {  	s1 =	sand.u32 $0x1, s1;
	s2 =	sand.u32 $0x2, s2;
	s3 =	smul.u32 $0x60000, s4  }
0x8: {  	s8 =	sshll.u32 s4, $0x2;
	s11 =	smul.u32 $0x300000, s4;
	s6 =	sor.u32 s1, s2  }
0x9: {  	s2 =	simm.s32 $0x0;
	s1 =	ssub.s32 $0x2, s1;
	s7 =	smul.u32 $0x18000, s6  }
0xa: {  	[smem:$0x7FF] =	sst s2;
	s8 =	sor.u32 s8, s6;
	s26 =	sshrl.u32 s1, $0x1  }
0xb: {  	_ =	strace $0x8000004D;
	s25 =	sadd.s32 s8, s0;
	s1 =	ssub.s32 s1, s26  }
0xc: {  	s8 =	sadd.s32 s5, s8;
	s26 =	simm.s32 $0x3;
	s7 =	sadd.s32 s3, s7  }
0xd: {  	s3 =	sadd.s32 $0x1200, s0;
	s15 =	smax.u32 s1, $0x1;
	s24 =	sshrl.u32 s7, $0x3  }
0xe: {  	s7 =	sadd.s32 $0x601200, s25;
	s25 =	simm.s32 $0x9420;
	s0 =	sadd.s32 s24, s0  }
0xf: {  	[dreg:$0x3] =	wrdreg s7;
	s30 =	sadd.s32 $0x301200, s0;
	s31 =	sadd.s32 $0x301800, s0  }
0x10: {  	s24 =	simm.s32 $0x2;
	s7 =	sadd.s32 $0x301E00, s0;
	s9 =	sadd.s32 $0x302400, s0  }
0x11: {  	s10 =	sadd.s32 $0x302A00, s0;
	s12 =	sadd.s32 $0x303000, s0;
	[dreg:$0x4] =	wrdreg s30  }
0x12: {  	s13 =	sadd.s32 $0x303600, s0;
	s14 =	sadd.s32 $0x303C00, s0;
	[dreg:$0x5] =	wrdreg s31  }
.LBB2_1:
0x13: {  	[tilespmem:s2], [sflag:$0x5] =	stream.linear.gather [hbm4b:s8+s2], $0x8, $0x38;
	[tilespmem:$0xC420] =	vst v63  }
0x14: {  	_ =	swait.ge [sflag:s16], $0x8  }
0x15: {  	[sflag:s16] =	ssyncset.done $0x0  }
0x16: {  	s1 =	simm.s32 $0x10;
	s0 =	rddreg [dreg:$0x3];
	[sflag:s16] =	ssyncadd.s32 $0xFFFFFFF8  }
0x17: {  	[tilespmem:s1], [sflag:$0x5] =	stream.linear.gather [hbm4b:s0+s2], $0x8, $0x38;
	[tilespmem:$0xC420] =	vst v63  }
0x18: {  	_ =	swait.ge [sflag:s16], $0x8  }
0x19: {  	[sflag:s16] =	ssyncset.done $0x0  }
0x1a: {  	[sflag:s16] =	ssyncadd.s32 $0xFFFFFFF8  }
0x1b: {  	v0 =	vld [tilespmem:$0x10];
	_ =	sdelay $0x4  }
0x1c: {  	(v2sf) =	vpush v0, $0x0  }
0x1d: {  	v1 =	vld [tilespmem:$0x0];
	_ =	sdelay $0x4  }
0x1e: {  	v2 =	vmul.u32 $0xC00, v1;
	_ =	sdelay $0x1  }
0x1f: {  	v2 =	vadd.s32 s11, v2  }
0x20: {  	(v2sf) =	vpush v2, $0x0;
	_ =	sdelay $0x5  }
0x21: {  	s0 =	spop (v2sf)  }
0x22: {  	s1 =	sand.u32 $0x7, s0  }
0x23: {  	s4 =	sshra.s32 s0, $0x1F;
	p0 =	slt.s32 s0, $0x1;
	p1 =	sne.s32 s1, $0x0  }
0x24: {  	s4 =	sshrl.u32 s4, $0x1D;
	p0 =	por !p0, !p1  }
0x25: {  	s5 =	simm.s32 $0x1;
	s4 =	sadd.s32 s4, s0;
	p0 =	por !p0, !p0  }
0x26: {  	s4 =	sshrl.u32 s4, $0x3;
	s5 =	simm.s32 @!p0 $0x0  }
0x27: {  	s4 =	ssub.s32 s4, s5  }
0x28: {  	s4 =	sshll.u32 s4, $0x3  }
0x29: {  	p0 =	slt.s32 s4, $0xB38  }
0x2a: {  	s6 =	spop (v2sf);
	s4 =	simm.s32 @!p0 $0xB38  }
0x2b: {  	s5 =	sadd.s32 s4, s6  }
0x2c: {  	s5 =	sshrl.u32 s5, $0x3  }
0x2d: {  	s5 =	sadd.s32 s3, s5  }
0x2e: {  	[tilespmem:s21], [sflag:$0x1] =	stream.strided.gather [hbm4b:s5+s19], $0x3200, s20, s19, $0x38;
	[tilespmem:$0xC420] =	vst v63  }
0x2f: {  	_ =	swait.ge [sflag:s18], $0x3200  }
0x30: {  	(v2sf) =	vpush v0, $0x1;
	_ =	sdelay $0x8  }
0x31: {  	(v2sf) =	vpush v2, $0x1;
	_ =	sdelay $0x5  }
0x32: {  	s0 =	ssub.s32 s0, s4;
	s31 =	spop (v2sf)  }
0x33: {  	s0 =	sshll.u32 s0, $0x2;
	s30 =	sand.u32 $0x7, s31  }
0x34: {  	s17 =	sshra.s32 s31, $0x1F;
	p5 =	slt.s32 s31, $0x1;
	p6 =	sne.s32 s30, $0x0  }
0x35: {  	s0 =	sand.u32 $0xFFFFFFE0, s0;
	s6 =	sshrl.u32 s17, $0x1D;
	p0 =	por !p5, !p6  }
0x36: {  	s5 =	simm.s32 $0x1;
	s4 =	sadd.s32 s6, s31;
	p0 =	por !p0, !p0  }
0x37: {  	s17 =	sshll.u32 s1, $0x2;
	s4 =	sshrl.u32 s4, $0x3;
	s5 =	simm.s32 @!p0 $0x0  }
0x38: {  	s0 =	sor.u32 s17, s0;
	s4 =	ssub.s32 s4, s5  }
0x39: {  	s0 =	sshra.s32 s0, $0x2;
	s1 =	sshll.u32 s4, $0x3  }
0x3a: {  	s0 =	sadd.s32 $0x80, s0;
	p0 =	slt.s32 s1, $0xB38  }
0x3b: {  	s5 =	spop (v2sf);
	v2 =	vmov s0;
	s1 =	simm.s32 @!p0 $0xB38  }
0x3c: {  	s4 =	sadd.s32 s1, s5  }
0x3d: {  	[sflag:s18] =	ssyncset.done $0x0;
	s6 =	sshrl.u32 s4, $0x3  }
0x3e: {  	[sflag:s18] =	ssyncadd.s32 $0xFFFFCE00;
	s17 =	simm.s32 $0x0;
	s0 =	sadd.s32 s3, s6  }
0x3f: {  	[tilespmem:s22], [sflag:$0x2] =	stream.strided.gather [hbm4b:s0+s19], $0x3200, s20, s19, $0x38;
	[tilespmem:$0xC420] =	vst v63  }
0x40: {  	v3 =	vld.idx.msk [tilespmem:v2+s17+$0xFFFFFFA0 ss:$0x1], $0xffff;
	_ =	sdelay $0x3  }
0x41: {  	s0 =	simm.s32 $0x6480  }
0x42: {  	[tilespmem:s0+$0xFFFFFFA0] =	vst v3  }
0x43: {  	v3 =	vld.idx.msk [tilespmem:v2+s17+$0xFFFFFFB0 ss:$0x1], $0xffff;
	_ =	sdelay $0x4  }
0x44: {  	[tilespmem:s0+$0xFFFFFFB0] =	vst v3  }
0x45: {  	v3 =	vld.idx.msk [tilespmem:v2+s17+$0xFFFFFFC0 ss:$0x1], $0xffff;
	_ =	sdelay $0x4  }
0x46: {  	[tilespmem:s0+$0xFFFFFFC0] =	vst v3  }
0x47: {  	v3 =	vld.idx.msk [tilespmem:v2+s17+$0xFFFFFFD0 ss:$0x1], $0xffff;
	_ =	sdelay $0x4  }
0x48: {  	[tilespmem:s0+$0xFFFFFFD0] =	vst v3  }
0x49: {  	v3 =	vld.idx.msk [tilespmem:v2+s17+$0xFFFFFFE0 ss:$0x1], $0xffff;
	_ =	sdelay $0x4  }
0x4a: {  	[tilespmem:s0+$0xFFFFFFE0] =	vst v3  }
0x4b: {  	v3 =	vld.idx.msk [tilespmem:v2+s17+$0xFFFFFFF0 ss:$0x1], $0xffff;
	_ =	sdelay $0x4  }
0x4c: {  	[tilespmem:s0+$0xFFFFFFF0] =	vst v3  }
0x4d: {  	v3 =	vld.idx.msk [tilespmem:v2+s17+$0x0 ss:$0x1], $0xffff;
	_ =	sdelay $0x4  }
0x4e: {  	[tilespmem:s0+$0x0] =	vst v3  }
0x4f: {  	v3 =	vld.idx.msk [tilespmem:v2+s17+$0x10 ss:$0x1], $0xffff;
	_ =	sdelay $0x4  }
0x50: {  	[tilespmem:s0+$0x10] =	vst v3  }
0x51: {  	v3 =	vld.idx.msk [tilespmem:v2+s17+$0x20 ss:$0x1], $0xffff;
	_ =	sdelay $0x4  }
0x52: {  	[tilespmem:s0+$0x20] =	vst v3  }
0x53: {  	v3 =	vld.idx.msk [tilespmem:v2+s17+$0x30 ss:$0x1], $0xffff;
	_ =	sdelay $0x4  }
0x54: {  	[tilespmem:s0+$0x30] =	vst v3  }
0x55: {  	v3 =	vld.idx.msk [tilespmem:v2+s17+$0x40 ss:$0x1], $0xffff;
	_ =	sdelay $0x4  }
0x56: {  	[tilespmem:s0+$0x40] =	vst v3  }
0x57: {  	v3 =	vld.idx.msk [tilespmem:v2+s17+$0x50 ss:$0x1], $0xffff;
	_ =	sdelay $0x4  }
0x58: {  	s5 =	simm.s32 $0x640;
	s4 =	simm.s32 $0xC8;
	[tilespmem:s0+$0x50] =	vst v3  }
.LBB2_2:
0x59: {  	p0 =	sne.s32 s5, $0xC4E0;
	v3 =	vld.idx.msk [tilespmem:v2+s4+$0xFFFFFFA0 ss:$0x1], $0xffff;
	_ =	sdelay $0x4  }
0x5a: {  	s0 =	sadd.s32 $0xC0, s0  }
0x5b: {  	[tilespmem:s0+$0xFFFFFFA0] =	vst v3  }
0x5c: {  	v3 =	vld.idx.msk [tilespmem:v2+s4+$0xFFFFFFB0 ss:$0x1], $0xffff;
	_ =	sdelay $0x5  }
0x5d: {  	[tilespmem:s0+$0xFFFFFFB0] =	vst v3  }
0x5e: {  	v3 =	vld.idx.msk [tilespmem:v2+s4+$0xFFFFFFC0 ss:$0x1], $0xffff;
	_ =	sdelay $0x5  }
0x5f: {  	[tilespmem:s0+$0xFFFFFFC0] =	vst v3  }
0x60: {  	v3 =	vld.idx.msk [tilespmem:v2+s4+$0xFFFFFFD0 ss:$0x1], $0xffff;
	_ =	sdelay $0x5  }
0x61: {  	[tilespmem:s0+$0xFFFFFFD0] =	vst v3  }
0x62: {  	v3 =	vld.idx.msk [tilespmem:v2+s4+$0xFFFFFFE0 ss:$0x1], $0xffff;
	_ =	sdelay $0x5  }
0x63: {  	[tilespmem:s0+$0xFFFFFFE0] =	vst v3  }
0x64: {  	v3 =	vld.idx.msk [tilespmem:v2+s4+$0xFFFFFFF0 ss:$0x1], $0xffff;
	_ =	sdelay $0x5  }
0x65: {  	[tilespmem:s0+$0xFFFFFFF0] =	vst v3  }
0x66: {  	v3 =	vld.idx.msk [tilespmem:v2+s4+$0x0 ss:$0x1], $0xffff;
	_ =	sdelay $0x5  }
0x67: {  	[tilespmem:s0+$0x0] =	vst v3  }
0x68: {  	v3 =	vld.idx.msk [tilespmem:v2+s4+$0x10 ss:$0x1], $0xffff;
	_ =	sdelay $0x5  }
0x69: {  	[tilespmem:s0+$0x10] =	vst v3  }
0x6a: {  	v3 =	vld.idx.msk [tilespmem:v2+s4+$0x20 ss:$0x1], $0xffff;
	_ =	sdelay $0x5  }
0x6b: {  	[tilespmem:s0+$0x20] =	vst v3  }
0x6c: {  	v3 =	vld.idx.msk [tilespmem:v2+s4+$0x30 ss:$0x1], $0xffff;
	_ =	sdelay $0x5  }
0x6d: {  	[tilespmem:s0+$0x30] =	vst v3  }
0x6e: {  	v3 =	vld.idx.msk [tilespmem:v2+s4+$0x40 ss:$0x1], $0xffff;
	_ =	sdelay $0x5  }
0x6f: {  	[tilespmem:s0+$0x40] =	vst v3  }
0x70: {  	v3 =	vld.idx.msk [tilespmem:v2+s4+$0x50 ss:$0x1], $0xffff;
	_ =	sdelay $0x1  }
.Ltmp0:
0x71: {  	(pc) =	sbr.rel @p0 .LBB2_2-.Ltmp0, $2  }
0x72: {  	_ =	sdelay $0x2  }
0x73: {  	s4 =	sshra.s32 s5, $0x2;
	s5 =	sadd.s32 $0x320, s5;
	[tilespmem:s0+$0x50] =	vst v3  }
0x74: {  	_ =	sdelay $0x3  }
0x75: {  	v3 =	vld.idx.msk [tilespmem:v2+s4+$0xFFFFFFA0 ss:$0x1], $0xffff;
	_ =	sdelay $0x3  }
0x76: {  	s0 =	sadd.s32 $0xC0, s0  }
0x77: {  	[tilespmem:s0+$0xFFFFFFA0] =	vst v3  }
0x78: {  	v3 =	vld.idx.msk [tilespmem:v2+s4+$0xFFFFFFB0 ss:$0x1], $0xffff;
	_ =	sdelay $0x4  }
0x79: {  	[tilespmem:s0+$0xFFFFFFB0] =	vst v3  }
0x7a: {  	v3 =	vld.idx.msk [tilespmem:v2+s4+$0xFFFFFFC0 ss:$0x1], $0xffff;
	_ =	sdelay $0x4  }
0x7b: {  	[tilespmem:s0+$0xFFFFFFC0] =	vst v3  }
0x7c: {  	v3 =	vld.idx.msk [tilespmem:v2+s4+$0xFFFFFFD0 ss:$0x1], $0xffff;
	_ =	sdelay $0x4  }
0x7d: {  	[tilespmem:s0+$0xFFFFFFD0] =	vst v3  }
0x7e: {  	v3 =	vld.idx.msk [tilespmem:v2+s4+$0xFFFFFFE0 ss:$0x1], $0xffff;
	_ =	sdelay $0x4  }
0x7f: {  	[tilespmem:s0+$0xFFFFFFE0] =	vst v3  }
0x80: {  	v3 =	vld.idx.msk [tilespmem:v2+s4+$0xFFFFFFF0 ss:$0x1], $0xffff;
	_ =	sdelay $0x4  }
0x81: {  	[tilespmem:s0+$0xFFFFFFF0] =	vst v3  }
0x82: {  	v3 =	vld.idx.msk [tilespmem:v2+s4+$0x0 ss:$0x1], $0xffff;
	_ =	sdelay $0x4  }
0x83: {  	[tilespmem:s0+$0x0] =	vst v3  }
0x84: {  	v3 =	vld.idx.msk [tilespmem:v2+s4+$0x10 ss:$0x1], $0xffff;
	_ =	sdelay $0x4  }
0x85: {  	[tilespmem:s0+$0x10] =	vst v3  }
0x86: {  	v3 =	vld.idx.msk [tilespmem:v2+s4+$0x20 ss:$0x1], $0xffff;
	_ =	sdelay $0x4  }
0x87: {  	[tilespmem:s0+$0x20] =	vst v3  }
0x88: {  	v3 =	vld.idx.msk [tilespmem:v2+s4+$0x30 ss:$0x1], $0xffff;
	_ =	sdelay $0x4  }
0x89: {  	[tilespmem:s0+$0x30] =	vst v3  }
0x8a: {  	v3 =	vld.idx.msk [tilespmem:v2+s4+$0x40 ss:$0x1], $0xffff;
	_ =	sdelay $0x4  }
0x8b: {  	[tilespmem:s0+$0x40] =	vst v3  }
0x8c: {  	v2 =	vld.idx.msk [tilespmem:v2+s4+$0x50 ss:$0x1], $0xffff;
	_ =	sdelay $0x4  }
0x8d: {  	s5 =	simm.s32 $0x0;
	s4 =	rddreg [dreg:$0x4];
	[tilespmem:s0+$0x50] =	vst v2  }
0x8e: {  	[hbm4b:s4+s5] =	stream.linear.scatter [tilespmem:s23], [sflag:$0x3], $0x3000, $0x38;
	[tilespmem:$0xC420] =	vst v63  }
0x8f: {  	_ =	swait.ge [sflag:s24], $0x3200  }
0x90: {  	(v2sf) =	vpush v0, $0x2;
	_ =	sdelay $0x5  }
0x91: {  	(v2sf) =	vpush v1, $0x2;
	_ =	sdelay $0x8  }
0x92: {  	s17 =	spop (v2sf)  }
0x93: {  	s0 =	sand.u32 $0x7, s17  }
0x94: {  	s6 =	sshra.s32 s17, $0x1F;
	p0 =	slt.s32 s17, $0x1;
	p1 =	sne.s32 s0, $0x0  }
0x95: {  	s4 =	sshrl.u32 s6, $0x1D;
	p0 =	por !p0, !p1  }
0x96: {  	s6 =	simm.s32 $0x1;
	s4 =	sadd.s32 s4, s17;
	p0 =	por !p0, !p0  }
0x97: {  	s4 =	sshrl.u32 s4, $0x3;
	s6 =	simm.s32 @!p0 $0x0  }
0x98: {  	s4 =	ssub.s32 s4, s6;
	s6 =	spop (v2sf)  }
0x99: {  	s1 =	ssub.s32 s31, s1;
	s4 =	sshll.u32 s4, $0x3;
	s6 =	smul.u32 $0xC00, s6  }
0x9a: {  	s31 =	sshll.u32 s30, $0x2;
	s1 =	sshll.u32 s1, $0x2;
	p0 =	slt.s32 s4, $0xB38  }
0x9b: {  	s1 =	sand.u32 $0xFFFFFFE0, s1;
	s4 =	simm.s32 @!p0 $0xB38;
	s6 =	sadd.s32 s11, s6  }
0x9c: {  	s1 =	sor.u32 s31, s1;
	s6 =	sadd.s32 s4, s6  }
0x9d: {  	s1 =	sshra.s32 s1, $0x2;
	[sflag:s24] =	ssyncset.done $0x0;
	s6 =	sshrl.u32 s6, $0x3  }
0x9e: {  	s1 =	sadd.s32 $0x32D0, s1;
	[sflag:s24] =	ssyncadd.s32 $0xFFFFCE00;
	s6 =	sadd.s32 s3, s6  }
0x9f: {  	[tilespmem:s21], [sflag:$0x1] =	stream.strided.gather [hbm4b:s6+s19], $0x3200, s20, s19, $0x38;
	[tilespmem:$0xC420] =	vst v63  }
0xa0: {  	s30 =	simm.s32 $0x300;
	v2 =	vld [tilespmem:s1+$0xFFFFFF50]  }
.LBB2_4:
0xa1: {  	p0 =	sne.s32 s30, $0xBD00;
	_ =	sdelay $0x2  }
0xa2: {  	s31 =	sshra.s32 s5, $0x2;
	s5 =	smov.u32 s30  }
0xa3: {  	[tilespmem:s31+$0x9420] =	vst v2  }
0xa4: {  	v2 =	vld [tilespmem:s1+$0xFFFFFF60];
	_ =	sdelay $0x4  }
0xa5: {  	[tilespmem:s31+$0x9430] =	vst v2  }
0xa6: {  	v2 =	vld [tilespmem:s1+$0xFFFFFF70];
	_ =	sdelay $0x4  }
0xa7: {  	[tilespmem:s31+$0x9440] =	vst v2  }
0xa8: {  	v2 =	vld [tilespmem:s1+$0xFFFFFF80];
	_ =	sdelay $0x4  }
0xa9: {  	[tilespmem:s31+$0x9450] =	vst v2  }
0xaa: {  	v2 =	vld [tilespmem:s1+$0xFFFFFF90];
	_ =	sdelay $0x4  }
0xab: {  	[tilespmem:s31+$0x9460] =	vst v2  }
0xac: {  	v2 =	vld [tilespmem:s1+$0xFFFFFFA0];
	_ =	sdelay $0x4  }
0xad: {  	[tilespmem:s31+$0x9470] =	vst v2  }
0xae: {  	v2 =	vld [tilespmem:s1+$0xFFFFFFB0];
	_ =	sdelay $0x4  }
0xaf: {  	[tilespmem:s31+$0x9480] =	vst v2  }
0xb0: {  	v2 =	vld [tilespmem:s1+$0xFFFFFFC0];
	_ =	sdelay $0x4  }
0xb1: {  	[tilespmem:s31+$0x9490] =	vst v2  }
0xb2: {  	v2 =	vld [tilespmem:s1+$0xFFFFFFD0];
	_ =	sdelay $0x4  }
0xb3: {  	[tilespmem:s31+$0x94A0] =	vst v2  }
0xb4: {  	v2 =	vld [tilespmem:s1+$0xFFFFFFE0];
	_ =	sdelay $0x4  }
0xb5: {  	[tilespmem:s31+$0x94B0] =	vst v2  }
0xb6: {  	v2 =	vld [tilespmem:s1+$0xFFFFFFF0];
	_ =	sdelay $0x4  }
0xb7: {  	[tilespmem:s31+$0x94C0] =	vst v2  }
0xb8: {  	v2 =	vld [tilespmem:s1+$0x0];
	_ =	sdelay $0x1  }
.Ltmp1:
0xb9: {  	(pc) =	sbr.rel @p0 .LBB2_4-.Ltmp1, $3  }
0xba: {  	_ =	sdelay $0x1  }
0xbb: {  	s1 =	sadd.s32 $0xC8, s1;
	[tilespmem:s31+$0x94D0] =	vst v2  }
0xbc: {  	s30 =	sadd.s32 $0x300, s30;
	v2 =	vld [tilespmem:s1+$0xFFFFFF50]  }
0xbd: {  	_ =	sdelay $0x2  }
0xbe: {  	s5 =	sshra.s32 s5, $0x2  }
0xbf: {  	[tilespmem:s5+$0x9420] =	vst v2  }
0xc0: {  	v2 =	vld [tilespmem:s1+$0xFFFFFF60];
	_ =	sdelay $0x4  }
0xc1: {  	[tilespmem:s5+$0x9430] =	vst v2  }
0xc2: {  	v2 =	vld [tilespmem:s1+$0xFFFFFF70];
	_ =	sdelay $0x4  }
0xc3: {  	[tilespmem:s5+$0x9440] =	vst v2  }
0xc4: {  	v2 =	vld [tilespmem:s1+$0xFFFFFF80];
	_ =	sdelay $0x4  }
0xc5: {  	[tilespmem:s5+$0x9450] =	vst v2  }
0xc6: {  	v2 =	vld [tilespmem:s1+$0xFFFFFF90];
	_ =	sdelay $0x4  }
0xc7: {  	[tilespmem:s5+$0x9460] =	vst v2  }
0xc8: {  	v2 =	vld [tilespmem:s1+$0xFFFFFFA0];
	_ =	sdelay $0x4  }
0xc9: {  	[tilespmem:s5+$0x9470] =	vst v2  }
0xca: {  	v2 =	vld [tilespmem:s1+$0xFFFFFFB0];
	_ =	sdelay $0x4  }
0xcb: {  	[tilespmem:s5+$0x9480] =	vst v2  }
0xcc: {  	v2 =	vld [tilespmem:s1+$0xFFFFFFC0];
	_ =	sdelay $0x4  }
0xcd: {  	[tilespmem:s5+$0x9490] =	vst v2  }
0xce: {  	v2 =	vld [tilespmem:s1+$0xFFFFFFD0];
	_ =	sdelay $0x4  }
0xcf: {  	[tilespmem:s5+$0x94A0] =	vst v2  }
0xd0: {  	v2 =	vld [tilespmem:s1+$0xFFFFFFE0];
	_ =	sdelay $0x4  }
0xd1: {  	[tilespmem:s5+$0x94B0] =	vst v2  }
0xd2: {  	v2 =	vld [tilespmem:s1+$0xFFFFFFF0];
	_ =	sdelay $0x4  }
0xd3: {  	[tilespmem:s5+$0x94C0] =	vst v2  }
0xd4: {  	v2 =	vld [tilespmem:s1+$0x0];
	_ =	sdelay $0x4  }
0xd5: {  	s6 =	rddreg [dreg:$0x5];
	[tilespmem:s5+$0x94D0] =	vst v2;
	s5 =	simm.s32 $0x0  }
0xd6: {  	[hbm4b:s6+s5] =	stream.linear.scatter [tilespmem:s25], [sflag:$0x4], $0x3000, $0x38;
	[tilespmem:$0xC420] =	vst v63  }
0xd7: {  	_ =	swait.ge [sflag:s18], $0x3200  }
0xd8: {  	(v2sf) =	vpush v0, $0x3;
	_ =	sdelay $0x5  }
0xd9: {  	(v2sf) =	vpush v1, $0x3;
	_ =	sdelay $0x8  }
0xda: {  	s31 =	spop (v2sf)  }
0xdb: {  	s30 =	sand.u32 $0x7, s31  }
0xdc: {  	s6 =	sshra.s32 s31, $0x1F;
	p0 =	slt.s32 s31, $0x1;
	p1 =	sne.s32 s30, $0x0  }
0xdd: {  	s1 =	sshrl.u32 s6, $0x1D;
	p0 =	por !p0, !p1  }
0xde: {  	s5 =	simm.s32 $0x1;
	s1 =	sadd.s32 s1, s31;
	p0 =	por !p0, !p0  }
0xdf: {  	s1 =	sshrl.u32 s1, $0x3;
	s5 =	simm.s32 @!p0 $0x0  }
0xe0: {  	s4 =	ssub.s32 s17, s4;
	s17 =	spop (v2sf);
	s1 =	ssub.s32 s1, s5  }
0xe1: {  	s4 =	sshll.u32 s4, $0x2;
	s5 =	smul.u32 $0xC00, s17;
	s1 =	sshll.u32 s1, $0x3  }
0xe2: {  	s0 =	sshll.u32 s0, $0x2;
	s4 =	sand.u32 $0xFFFFFFE0, s4;
	p0 =	slt.s32 s1, $0xB38  }
0xe3: {  	s0 =	sor.u32 s0, s4;
	s5 =	sadd.s32 s11, s5;
	s1 =	simm.s32 @!p0 $0xB38  }
0xe4: {  	s0 =	sshra.s32 s0, $0x2;
	s6 =	sadd.s32 s1, s5  }
0xe5: {  	s0 =	sadd.s32 $0x80, s0;
	[sflag:s18] =	ssyncset.done $0x0;
	s4 =	sshrl.u32 s6, $0x3  }
0xe6: {  	v2 =	vmov s0;
	[sflag:s18] =	ssyncadd.s32 $0xFFFFCE00;
	s4 =	sadd.s32 s3, s4  }
0xe7: {  	[tilespmem:s22], [sflag:$0x2] =	stream.strided.gather [hbm4b:s4+s19], $0x3200, s20, s19, $0x38;
	[tilespmem:$0xC420] =	vst v63  }
0xe8: {  	_ =	swait.ge [sflag:s26], $0x3000  }
0xe9: {  	[sflag:s26] =	ssyncset.done $0x0  }
0xea: {  	s17 =	simm.s32 $0x0;
	[sflag:s26] =	ssyncadd.s32 $0xFFFFD000  }
0xeb: {  	v3 =	vld.idx.msk [tilespmem:v2+s17+$0xFFFFFFA0 ss:$0x1], $0xffff;
	_ =	sdelay $0x3  }
0xec: {  	s0 =	simm.s32 $0x6480  }
0xed: {  	[tilespmem:s0+$0xFFFFFFA0] =	vst v3  }
0xee: {  	v3 =	vld.idx.msk [tilespmem:v2+s17+$0xFFFFFFB0 ss:$0x1], $0xffff;
	_ =	sdelay $0x4  }
0xef: {  	[tilespmem:s0+$0xFFFFFFB0] =	vst v3  }
0xf0: {  	v3 =	vld.idx.msk [tilespmem:v2+s17+$0xFFFFFFC0 ss:$0x1], $0xffff;
	_ =	sdelay $0x4  }
0xf1: {  	[tilespmem:s0+$0xFFFFFFC0] =	vst v3  }
0xf2: {  	v3 =	vld.idx.msk [tilespmem:v2+s17+$0xFFFFFFD0 ss:$0x1], $0xffff;
	_ =	sdelay $0x4  }
0xf3: {  	[tilespmem:s0+$0xFFFFFFD0] =	vst v3  }
0xf4: {  	v3 =	vld.idx.msk [tilespmem:v2+s17+$0xFFFFFFE0 ss:$0x1], $0xffff;
	_ =	sdelay $0x4  }
0xf5: {  	[tilespmem:s0+$0xFFFFFFE0] =	vst v3  }
0xf6: {  	v3 =	vld.idx.msk [tilespmem:v2+s17+$0xFFFFFFF0 ss:$0x1], $0xffff;
	_ =	sdelay $0x4  }
0xf7: {  	[tilespmem:s0+$0xFFFFFFF0] =	vst v3  }
0xf8: {  	v3 =	vld.idx.msk [tilespmem:v2+s17+$0x0 ss:$0x1], $0xffff;
	_ =	sdelay $0x4  }
0xf9: {  	[tilespmem:s0+$0x0] =	vst v3  }
0xfa: {  	v3 =	vld.idx.msk [tilespmem:v2+s17+$0x10 ss:$0x1], $0xffff;
	_ =	sdelay $0x4  }
0xfb: {  	[tilespmem:s0+$0x10] =	vst v3  }
0xfc: {  	v3 =	vld.idx.msk [tilespmem:v2+s17+$0x20 ss:$0x1], $0xffff;
	_ =	sdelay $0x4  }
0xfd: {  	[tilespmem:s0+$0x20] =	vst v3  }
0xfe: {  	v3 =	vld.idx.msk [tilespmem:v2+s17+$0x30 ss:$0x1], $0xffff;
	_ =	sdelay $0x4  }
0xff: {  	[tilespmem:s0+$0x30] =	vst v3  }
0x100: {  	v3 =	vld.idx.msk [tilespmem:v2+s17+$0x40 ss:$0x1], $0xffff;
	_ =	sdelay $0x4  }
0x101: {  	[tilespmem:s0+$0x40] =	vst v3  }
0x102: {  	v3 =	vld.idx.msk [tilespmem:v2+s17+$0x50 ss:$0x1], $0xffff;
	_ =	sdelay $0x4  }
0x103: {  	s5 =	simm.s32 $0x640;
	s4 =	simm.s32 $0xC8;
	[tilespmem:s0+$0x50] =	vst v3  }
.LBB2_6:
0x104: {  	p0 =	sne.s32 s5, $0xC4E0;
	v3 =	vld.idx.msk [tilespmem:v2+s4+$0xFFFFFFA0 ss:$0x1], $0xffff;
	_ =	sdelay $0x4  }
0x105: {  	s0 =	sadd.s32 $0xC0, s0  }
0x106: {  	[tilespmem:s0+$0xFFFFFFA0] =	vst v3  }
0x107: {  	v3 =	vld.idx.msk [tilespmem:v2+s4+$0xFFFFFFB0 ss:$0x1], $0xffff;
	_ =	sdelay $0x5  }
0x108: {  	[tilespmem:s0+$0xFFFFFFB0] =	vst v3  }
0x109: {  	v3 =	vld.idx.msk [tilespmem:v2+s4+$0xFFFFFFC0 ss:$0x1], $0xffff;
	_ =	sdelay $0x5  }
0x10a: {  	[tilespmem:s0+$0xFFFFFFC0] =	vst v3  }
0x10b: {  	v3 =	vld.idx.msk [tilespmem:v2+s4+$0xFFFFFFD0 ss:$0x1], $0xffff;
	_ =	sdelay $0x5  }
0x10c: {  	[tilespmem:s0+$0xFFFFFFD0] =	vst v3  }
0x10d: {  	v3 =	vld.idx.msk [tilespmem:v2+s4+$0xFFFFFFE0 ss:$0x1], $0xffff;
	_ =	sdelay $0x5  }
0x10e: {  	[tilespmem:s0+$0xFFFFFFE0] =	vst v3  }
0x10f: {  	v3 =	vld.idx.msk [tilespmem:v2+s4+$0xFFFFFFF0 ss:$0x1], $0xffff;
	_ =	sdelay $0x5  }
0x110: {  	[tilespmem:s0+$0xFFFFFFF0] =	vst v3  }
0x111: {  	v3 =	vld.idx.msk [tilespmem:v2+s4+$0x0 ss:$0x1], $0xffff;
	_ =	sdelay $0x5  }
0x112: {  	[tilespmem:s0+$0x0] =	vst v3  }
0x113: {  	v3 =	vld.idx.msk [tilespmem:v2+s4+$0x10 ss:$0x1], $0xffff;
	_ =	sdelay $0x5  }
0x114: {  	[tilespmem:s0+$0x10] =	vst v3  }
0x115: {  	v3 =	vld.idx.msk [tilespmem:v2+s4+$0x20 ss:$0x1], $0xffff;
	_ =	sdelay $0x5  }
0x116: {  	[tilespmem:s0+$0x20] =	vst v3  }
0x117: {  	v3 =	vld.idx.msk [tilespmem:v2+s4+$0x30 ss:$0x1], $0xffff;
	_ =	sdelay $0x5  }
0x118: {  	[tilespmem:s0+$0x30] =	vst v3  }
0x119: {  	v3 =	vld.idx.msk [tilespmem:v2+s4+$0x40 ss:$0x1], $0xffff;
	_ =	sdelay $0x5  }
0x11a: {  	[tilespmem:s0+$0x40] =	vst v3  }
0x11b: {  	v3 =	vld.idx.msk [tilespmem:v2+s4+$0x50 ss:$0x1], $0xffff;
	_ =	sdelay $0x1  }
.Ltmp2:
0x11c: {  	(pc) =	sbr.rel @p0 .LBB2_6-.Ltmp2, $2  }
0x11d: {  	_ =	sdelay $0x2  }
0x11e: {  	s4 =	sshra.s32 s5, $0x2;
	s5 =	sadd.s32 $0x320, s5;
	[tilespmem:s0+$0x50] =	vst v3  }
0x11f: {  	_ =	sdelay $0x3  }
0x120: {  	v3 =	vld.idx.msk [tilespmem:v2+s4+$0xFFFFFFA0 ss:$0x1], $0xffff;
	_ =	sdelay $0x3  }
0x121: {  	s0 =	sadd.s32 $0xC0, s0  }
0x122: {  	[tilespmem:s0+$0xFFFFFFA0] =	vst v3  }
0x123: {  	v3 =	vld.idx.msk [tilespmem:v2+s4+$0xFFFFFFB0 ss:$0x1], $0xffff;
	_ =	sdelay $0x4  }
0x124: {  	[tilespmem:s0+$0xFFFFFFB0] =	vst v3  }
0x125: {  	v3 =	vld.idx.msk [tilespmem:v2+s4+$0xFFFFFFC0 ss:$0x1], $0xffff;
	_ =	sdelay $0x4  }
0x126: {  	[tilespmem:s0+$0xFFFFFFC0] =	vst v3  }
0x127: {  	v3 =	vld.idx.msk [tilespmem:v2+s4+$0xFFFFFFD0 ss:$0x1], $0xffff;
	_ =	sdelay $0x4  }
0x128: {  	[tilespmem:s0+$0xFFFFFFD0] =	vst v3  }
0x129: {  	v3 =	vld.idx.msk [tilespmem:v2+s4+$0xFFFFFFE0 ss:$0x1], $0xffff;
	_ =	sdelay $0x4  }
0x12a: {  	[tilespmem:s0+$0xFFFFFFE0] =	vst v3  }
0x12b: {  	v3 =	vld.idx.msk [tilespmem:v2+s4+$0xFFFFFFF0 ss:$0x1], $0xffff;
	_ =	sdelay $0x4  }
0x12c: {  	[tilespmem:s0+$0xFFFFFFF0] =	vst v3  }
0x12d: {  	v3 =	vld.idx.msk [tilespmem:v2+s4+$0x0 ss:$0x1], $0xffff;
	_ =	sdelay $0x4  }
0x12e: {  	[tilespmem:s0+$0x0] =	vst v3  }
0x12f: {  	v3 =	vld.idx.msk [tilespmem:v2+s4+$0x10 ss:$0x1], $0xffff;
	_ =	sdelay $0x4  }
0x130: {  	[tilespmem:s0+$0x10] =	vst v3  }
0x131: {  	v3 =	vld.idx.msk [tilespmem:v2+s4+$0x20 ss:$0x1], $0xffff;
	_ =	sdelay $0x4  }
0x132: {  	[tilespmem:s0+$0x20] =	vst v3  }
0x133: {  	v3 =	vld.idx.msk [tilespmem:v2+s4+$0x30 ss:$0x1], $0xffff;
	_ =	sdelay $0x4  }
0x134: {  	[tilespmem:s0+$0x30] =	vst v3  }
0x135: {  	v3 =	vld.idx.msk [tilespmem:v2+s4+$0x40 ss:$0x1], $0xffff;
	_ =	sdelay $0x4  }
0x136: {  	[tilespmem:s0+$0x40] =	vst v3  }
0x137: {  	v2 =	vld.idx.msk [tilespmem:v2+s4+$0x50 ss:$0x1], $0xffff;
	_ =	sdelay $0x4  }
0x138: {  	s5 =	simm.s32 $0x0;
	[tilespmem:s0+$0x50] =	vst v2  }
0x139: {  	[hbm4b:s7+s5] =	stream.linear.scatter [tilespmem:s23], [sflag:$0x3], $0x3000, $0x38;
	[tilespmem:$0xC420] =	vst v63  }
0x13a: {  	_ =	swait.ge [sflag:s24], $0x3200  }
0x13b: {  	(v2sf) =	vpush v0, $0x4;
	_ =	sdelay $0x5  }
0x13c: {  	(v2sf) =	vpush v1, $0x4;
	_ =	sdelay $0x8  }
0x13d: {  	s17 =	spop (v2sf)  }
0x13e: {  	s0 =	sand.u32 $0x7, s17  }
0x13f: {  	s6 =	sshra.s32 s17, $0x1F;
	p0 =	slt.s32 s17, $0x1;
	p1 =	sne.s32 s0, $0x0  }
0x140: {  	s4 =	sshrl.u32 s6, $0x1D;
	p0 =	por !p0, !p1  }
0x141: {  	s6 =	simm.s32 $0x1;
	s4 =	sadd.s32 s4, s17;
	p0 =	por !p0, !p0  }
0x142: {  	s4 =	sshrl.u32 s4, $0x3;
	s6 =	simm.s32 @!p0 $0x0  }
0x143: {  	s4 =	ssub.s32 s4, s6;
	s6 =	spop (v2sf)  }
0x144: {  	s4 =	sshll.u32 s4, $0x3;
	s6 =	smul.u32 $0xC00, s6  }
0x145: {  	p0 =	slt.s32 s4, $0xB38  }
0x146: {  	s4 =	simm.s32 @!p0 $0xB38;
	s6 =	sadd.s32 s11, s6  }
0x147: {  	s1 =	ssub.s32 s31, s1;
	s31 =	sshll.u32 s30, $0x2;
	s6 =	sadd.s32 s4, s6  }
0x148: {  	s1 =	sshll.u32 s1, $0x2;
	[sflag:s24] =	ssyncset.done $0x0;
	s6 =	sshrl.u32 s6, $0x3  }
0x149: {  	s1 =	sand.u32 $0xFFFFFFE0, s1;
	[sflag:s24] =	ssyncadd.s32 $0xFFFFCE00;
	s6 =	sadd.s32 s3, s6  }
0x14a: {  	[tilespmem:s21], [sflag:$0x1] =	stream.strided.gather [hbm4b:s6+s19], $0x3200, s20, s19, $0x38;
	[tilespmem:$0xC420] =	vst v63  }
0x14b: {  	s1 =	sor.u32 s31, s1;
	_ =	swait.ge [sflag:s28], $0x3000  }
0x14c: {  	s1 =	sshra.s32 s1, $0x2;
	[sflag:s28] =	ssyncset.done $0x0  }
0x14d: {  	s1 =	sadd.s32 $0x32D0, s1;
	[sflag:s28] =	ssyncadd.s32 $0xFFFFD000  }
0x14e: {  	s30 =	simm.s32 $0x300;
	v2 =	vld [tilespmem:s1+$0xFFFFFF50]  }
.LBB2_8:
0x14f: {  	p0 =	sne.s32 s30, $0xBD00;
	_ =	sdelay $0x2  }
0x150: {  	s31 =	sshra.s32 s5, $0x2;
	s5 =	smov.u32 s30  }
0x151: {  	[tilespmem:s31+$0x9420] =	vst v2  }
0x152: {  	v2 =	vld [tilespmem:s1+$0xFFFFFF60];
	_ =	sdelay $0x4  }
0x153: {  	[tilespmem:s31+$0x9430] =	vst v2  }
0x154: {  	v2 =	vld [tilespmem:s1+$0xFFFFFF70];
	_ =	sdelay $0x4  }
0x155: {  	[tilespmem:s31+$0x9440] =	vst v2  }
0x156: {  	v2 =	vld [tilespmem:s1+$0xFFFFFF80];
	_ =	sdelay $0x4  }
0x157: {  	[tilespmem:s31+$0x9450] =	vst v2  }
0x158: {  	v2 =	vld [tilespmem:s1+$0xFFFFFF90];
	_ =	sdelay $0x4  }
0x159: {  	[tilespmem:s31+$0x9460] =	vst v2  }
0x15a: {  	v2 =	vld [tilespmem:s1+$0xFFFFFFA0];
	_ =	sdelay $0x4  }
0x15b: {  	[tilespmem:s31+$0x9470] =	vst v2  }
0x15c: {  	v2 =	vld [tilespmem:s1+$0xFFFFFFB0];
	_ =	sdelay $0x4  }
0x15d: {  	[tilespmem:s31+$0x9480] =	vst v2  }
0x15e: {  	v2 =	vld [tilespmem:s1+$0xFFFFFFC0];
	_ =	sdelay $0x4  }
0x15f: {  	[tilespmem:s31+$0x9490] =	vst v2  }
0x160: {  	v2 =	vld [tilespmem:s1+$0xFFFFFFD0];
	_ =	sdelay $0x4  }
0x161: {  	[tilespmem:s31+$0x94A0] =	vst v2  }
0x162: {  	v2 =	vld [tilespmem:s1+$0xFFFFFFE0];
	_ =	sdelay $0x4  }
0x163: {  	[tilespmem:s31+$0x94B0] =	vst v2  }
0x164: {  	v2 =	vld [tilespmem:s1+$0xFFFFFFF0];
	_ =	sdelay $0x4  }
0x165: {  	[tilespmem:s31+$0x94C0] =	vst v2  }
0x166: {  	v2 =	vld [tilespmem:s1+$0x0];
	_ =	sdelay $0x1  }
.Ltmp3:
0x167: {  	(pc) =	sbr.rel @p0 .LBB2_8-.Ltmp3, $3  }
0x168: {  	_ =	sdelay $0x1  }
0x169: {  	s1 =	sadd.s32 $0xC8, s1;
	[tilespmem:s31+$0x94D0] =	vst v2  }
0x16a: {  	s30 =	sadd.s32 $0x300, s30;
	v2 =	vld [tilespmem:s1+$0xFFFFFF50]  }
0x16b: {  	_ =	sdelay $0x2  }
0x16c: {  	s5 =	sshra.s32 s5, $0x2  }
0x16d: {  	[tilespmem:s5+$0x9420] =	vst v2  }
0x16e: {  	v2 =	vld [tilespmem:s1+$0xFFFFFF60];
	_ =	sdelay $0x4  }
0x16f: {  	[tilespmem:s5+$0x9430] =	vst v2  }
0x170: {  	v2 =	vld [tilespmem:s1+$0xFFFFFF70];
	_ =	sdelay $0x4  }
0x171: {  	[tilespmem:s5+$0x9440] =	vst v2  }
0x172: {  	v2 =	vld [tilespmem:s1+$0xFFFFFF80];
	_ =	sdelay $0x4  }
0x173: {  	[tilespmem:s5+$0x9450] =	vst v2  }
0x174: {  	v2 =	vld [tilespmem:s1+$0xFFFFFF90];
	_ =	sdelay $0x4  }
0x175: {  	[tilespmem:s5+$0x9460] =	vst v2  }
0x176: {  	v2 =	vld [tilespmem:s1+$0xFFFFFFA0];
	_ =	sdelay $0x4  }
0x177: {  	[tilespmem:s5+$0x9470] =	vst v2  }
0x178: {  	v2 =	vld [tilespmem:s1+$0xFFFFFFB0];
	_ =	sdelay $0x4  }
0x179: {  	[tilespmem:s5+$0x9480] =	vst v2  }
0x17a: {  	v2 =	vld [tilespmem:s1+$0xFFFFFFC0];
	_ =	sdelay $0x4  }
0x17b: {  	[tilespmem:s5+$0x9490] =	vst v2  }
0x17c: {  	v2 =	vld [tilespmem:s1+$0xFFFFFFD0];
	_ =	sdelay $0x4  }
0x17d: {  	[tilespmem:s5+$0x94A0] =	vst v2  }
0x17e: {  	v2 =	vld [tilespmem:s1+$0xFFFFFFE0];
	_ =	sdelay $0x4  }
0x17f: {  	[tilespmem:s5+$0x94B0] =	vst v2  }
0x180: {  	v2 =	vld [tilespmem:s1+$0xFFFFFFF0];
	_ =	sdelay $0x4  }
0x181: {  	[tilespmem:s5+$0x94C0] =	vst v2  }
0x182: {  	v2 =	vld [tilespmem:s1+$0x0];
	_ =	sdelay $0x4  }
0x183: {  	[tilespmem:s5+$0x94D0] =	vst v2;
	s5 =	simm.s32 $0x0  }
0x184: {  	[hbm4b:s9+s5] =	stream.linear.scatter [tilespmem:s25], [sflag:$0x4], $0x3000, $0x38;
	[tilespmem:$0xC420] =	vst v63  }
0x185: {  	_ =	swait.ge [sflag:s18], $0x3200  }
0x186: {  	(v2sf) =	vpush v0, $0x5;
	_ =	sdelay $0x5  }
0x187: {  	(v2sf) =	vpush v1, $0x5;
	_ =	sdelay $0x8  }
0x188: {  	s31 =	spop (v2sf)  }
0x189: {  	s30 =	sand.u32 $0x7, s31  }
0x18a: {  	s6 =	sshra.s32 s31, $0x1F;
	p0 =	slt.s32 s31, $0x1;
	p1 =	sne.s32 s30, $0x0  }
0x18b: {  	s1 =	sshrl.u32 s6, $0x1D;
	p0 =	por !p0, !p1  }
0x18c: {  	s5 =	simm.s32 $0x1;
	s1 =	sadd.s32 s1, s31;
	p0 =	por !p0, !p0  }
0x18d: {  	s1 =	sshrl.u32 s1, $0x3;
	s5 =	simm.s32 @!p0 $0x0  }
0x18e: {  	s4 =	ssub.s32 s17, s4;
	s17 =	spop (v2sf);
	s1 =	ssub.s32 s1, s5  }
0x18f: {  	s4 =	sshll.u32 s4, $0x2;
	s5 =	smul.u32 $0xC00, s17;
	s1 =	sshll.u32 s1, $0x3  }
0x190: {  	s0 =	sshll.u32 s0, $0x2;
	s4 =	sand.u32 $0xFFFFFFE0, s4;
	p0 =	slt.s32 s1, $0xB38  }
0x191: {  	s0 =	sor.u32 s0, s4;
	s5 =	sadd.s32 s11, s5;
	s1 =	simm.s32 @!p0 $0xB38  }
0x192: {  	s0 =	sshra.s32 s0, $0x2;
	s6 =	sadd.s32 s1, s5  }
0x193: {  	s0 =	sadd.s32 $0x80, s0;
	[sflag:s18] =	ssyncset.done $0x0;
	s4 =	sshrl.u32 s6, $0x3  }
0x194: {  	v2 =	vmov s0;
	[sflag:s18] =	ssyncadd.s32 $0xFFFFCE00;
	s4 =	sadd.s32 s3, s4  }
0x195: {  	[tilespmem:s22], [sflag:$0x2] =	stream.strided.gather [hbm4b:s4+s19], $0x3200, s20, s19, $0x38;
	[tilespmem:$0xC420] =	vst v63  }
0x196: {  	_ =	swait.ge [sflag:s26], $0x3000  }
0x197: {  	[sflag:s26] =	ssyncset.done $0x0  }
0x198: {  	s17 =	simm.s32 $0x0;
	[sflag:s26] =	ssyncadd.s32 $0xFFFFD000  }
0x199: {  	v3 =	vld.idx.msk [tilespmem:v2+s17+$0xFFFFFFA0 ss:$0x1], $0xffff;
	_ =	sdelay $0x3  }
0x19a: {  	s0 =	simm.s32 $0x6480  }
0x19b: {  	[tilespmem:s0+$0xFFFFFFA0] =	vst v3  }
0x19c: {  	v3 =	vld.idx.msk [tilespmem:v2+s17+$0xFFFFFFB0 ss:$0x1], $0xffff;
	_ =	sdelay $0x4  }
0x19d: {  	[tilespmem:s0+$0xFFFFFFB0] =	vst v3  }
0x19e: {  	v3 =	vld.idx.msk [tilespmem:v2+s17+$0xFFFFFFC0 ss:$0x1], $0xffff;
	_ =	sdelay $0x4  }
0x19f: {  	[tilespmem:s0+$0xFFFFFFC0] =	vst v3  }
0x1a0: {  	v3 =	vld.idx.msk [tilespmem:v2+s17+$0xFFFFFFD0 ss:$0x1], $0xffff;
	_ =	sdelay $0x4  }
0x1a1: {  	[tilespmem:s0+$0xFFFFFFD0] =	vst v3  }
0x1a2: {  	v3 =	vld.idx.msk [tilespmem:v2+s17+$0xFFFFFFE0 ss:$0x1], $0xffff;
	_ =	sdelay $0x4  }
0x1a3: {  	[tilespmem:s0+$0xFFFFFFE0] =	vst v3  }
0x1a4: {  	v3 =	vld.idx.msk [tilespmem:v2+s17+$0xFFFFFFF0 ss:$0x1], $0xffff;
	_ =	sdelay $0x4  }
0x1a5: {  	[tilespmem:s0+$0xFFFFFFF0] =	vst v3  }
0x1a6: {  	v3 =	vld.idx.msk [tilespmem:v2+s17+$0x0 ss:$0x1], $0xffff;
	_ =	sdelay $0x4  }
0x1a7: {  	[tilespmem:s0+$0x0] =	vst v3  }
0x1a8: {  	v3 =	vld.idx.msk [tilespmem:v2+s17+$0x10 ss:$0x1], $0xffff;
	_ =	sdelay $0x4  }
0x1a9: {  	[tilespmem:s0+$0x10] =	vst v3  }
0x1aa: {  	v3 =	vld.idx.msk [tilespmem:v2+s17+$0x20 ss:$0x1], $0xffff;
	_ =	sdelay $0x4  }
0x1ab: {  	[tilespmem:s0+$0x20] =	vst v3  }
0x1ac: {  	v3 =	vld.idx.msk [tilespmem:v2+s17+$0x30 ss:$0x1], $0xffff;
	_ =	sdelay $0x4  }
0x1ad: {  	[tilespmem:s0+$0x30] =	vst v3  }
0x1ae: {  	v3 =	vld.idx.msk [tilespmem:v2+s17+$0x40 ss:$0x1], $0xffff;
	_ =	sdelay $0x4  }
0x1af: {  	[tilespmem:s0+$0x40] =	vst v3  }
0x1b0: {  	v3 =	vld.idx.msk [tilespmem:v2+s17+$0x50 ss:$0x1], $0xffff;
	_ =	sdelay $0x4  }
0x1b1: {  	s5 =	simm.s32 $0x640;
	s4 =	simm.s32 $0xC8;
	[tilespmem:s0+$0x50] =	vst v3  }
.LBB2_10:
0x1b2: {  	p0 =	sne.s32 s5, $0xC4E0;
	v3 =	vld.idx.msk [tilespmem:v2+s4+$0xFFFFFFA0 ss:$0x1], $0xffff;
	_ =	sdelay $0x4  }
0x1b3: {  	s0 =	sadd.s32 $0xC0, s0  }
0x1b4: {  	[tilespmem:s0+$0xFFFFFFA0] =	vst v3  }
0x1b5: {  	v3 =	vld.idx.msk [tilespmem:v2+s4+$0xFFFFFFB0 ss:$0x1], $0xffff;
	_ =	sdelay $0x5  }
0x1b6: {  	[tilespmem:s0+$0xFFFFFFB0] =	vst v3  }
0x1b7: {  	v3 =	vld.idx.msk [tilespmem:v2+s4+$0xFFFFFFC0 ss:$0x1], $0xffff;
	_ =	sdelay $0x5  }
0x1b8: {  	[tilespmem:s0+$0xFFFFFFC0] =	vst v3  }
0x1b9: {  	v3 =	vld.idx.msk [tilespmem:v2+s4+$0xFFFFFFD0 ss:$0x1], $0xffff;
	_ =	sdelay $0x5  }
0x1ba: {  	[tilespmem:s0+$0xFFFFFFD0] =	vst v3  }
0x1bb: {  	v3 =	vld.idx.msk [tilespmem:v2+s4+$0xFFFFFFE0 ss:$0x1], $0xffff;
	_ =	sdelay $0x5  }
0x1bc: {  	[tilespmem:s0+$0xFFFFFFE0] =	vst v3  }
0x1bd: {  	v3 =	vld.idx.msk [tilespmem:v2+s4+$0xFFFFFFF0 ss:$0x1], $0xffff;
	_ =	sdelay $0x5  }
0x1be: {  	[tilespmem:s0+$0xFFFFFFF0] =	vst v3  }
0x1bf: {  	v3 =	vld.idx.msk [tilespmem:v2+s4+$0x0 ss:$0x1], $0xffff;
	_ =	sdelay $0x5  }
0x1c0: {  	[tilespmem:s0+$0x0] =	vst v3  }
0x1c1: {  	v3 =	vld.idx.msk [tilespmem:v2+s4+$0x10 ss:$0x1], $0xffff;
	_ =	sdelay $0x5  }
0x1c2: {  	[tilespmem:s0+$0x10] =	vst v3  }
0x1c3: {  	v3 =	vld.idx.msk [tilespmem:v2+s4+$0x20 ss:$0x1], $0xffff;
	_ =	sdelay $0x5  }
0x1c4: {  	[tilespmem:s0+$0x20] =	vst v3  }
0x1c5: {  	v3 =	vld.idx.msk [tilespmem:v2+s4+$0x30 ss:$0x1], $0xffff;
	_ =	sdelay $0x5  }
0x1c6: {  	[tilespmem:s0+$0x30] =	vst v3  }
0x1c7: {  	v3 =	vld.idx.msk [tilespmem:v2+s4+$0x40 ss:$0x1], $0xffff;
	_ =	sdelay $0x5  }
0x1c8: {  	[tilespmem:s0+$0x40] =	vst v3  }
0x1c9: {  	v3 =	vld.idx.msk [tilespmem:v2+s4+$0x50 ss:$0x1], $0xffff;
	_ =	sdelay $0x1  }
.Ltmp4:
0x1ca: {  	(pc) =	sbr.rel @p0 .LBB2_10-.Ltmp4, $2  }
0x1cb: {  	_ =	sdelay $0x2  }
0x1cc: {  	s4 =	sshra.s32 s5, $0x2;
	s5 =	sadd.s32 $0x320, s5;
	[tilespmem:s0+$0x50] =	vst v3  }
0x1cd: {  	_ =	sdelay $0x3  }
0x1ce: {  	v3 =	vld.idx.msk [tilespmem:v2+s4+$0xFFFFFFA0 ss:$0x1], $0xffff;
	_ =	sdelay $0x3  }
0x1cf: {  	s0 =	sadd.s32 $0xC0, s0  }
0x1d0: {  	[tilespmem:s0+$0xFFFFFFA0] =	vst v3  }
0x1d1: {  	v3 =	vld.idx.msk [tilespmem:v2+s4+$0xFFFFFFB0 ss:$0x1], $0xffff;
	_ =	sdelay $0x4  }
0x1d2: {  	[tilespmem:s0+$0xFFFFFFB0] =	vst v3  }
0x1d3: {  	v3 =	vld.idx.msk [tilespmem:v2+s4+$0xFFFFFFC0 ss:$0x1], $0xffff;
	_ =	sdelay $0x4  }
0x1d4: {  	[tilespmem:s0+$0xFFFFFFC0] =	vst v3  }
0x1d5: {  	v3 =	vld.idx.msk [tilespmem:v2+s4+$0xFFFFFFD0 ss:$0x1], $0xffff;
	_ =	sdelay $0x4  }
0x1d6: {  	[tilespmem:s0+$0xFFFFFFD0] =	vst v3  }
0x1d7: {  	v3 =	vld.idx.msk [tilespmem:v2+s4+$0xFFFFFFE0 ss:$0x1], $0xffff;
	_ =	sdelay $0x4  }
0x1d8: {  	[tilespmem:s0+$0xFFFFFFE0] =	vst v3  }
0x1d9: {  	v3 =	vld.idx.msk [tilespmem:v2+s4+$0xFFFFFFF0 ss:$0x1], $0xffff;
	_ =	sdelay $0x4  }
0x1da: {  	[tilespmem:s0+$0xFFFFFFF0] =	vst v3  }
0x1db: {  	v3 =	vld.idx.msk [tilespmem:v2+s4+$0x0 ss:$0x1], $0xffff;
	_ =	sdelay $0x4  }
0x1dc: {  	[tilespmem:s0+$0x0] =	vst v3  }
0x1dd: {  	v3 =	vld.idx.msk [tilespmem:v2+s4+$0x10 ss:$0x1], $0xffff;
	_ =	sdelay $0x4  }
0x1de: {  	[tilespmem:s0+$0x10] =	vst v3  }
0x1df: {  	v3 =	vld.idx.msk [tilespmem:v2+s4+$0x20 ss:$0x1], $0xffff;
	_ =	sdelay $0x4  }
0x1e0: {  	[tilespmem:s0+$0x20] =	vst v3  }
0x1e1: {  	v3 =	vld.idx.msk [tilespmem:v2+s4+$0x30 ss:$0x1], $0xffff;
	_ =	sdelay $0x4  }
0x1e2: {  	[tilespmem:s0+$0x30] =	vst v3  }
0x1e3: {  	v3 =	vld.idx.msk [tilespmem:v2+s4+$0x40 ss:$0x1], $0xffff;
	_ =	sdelay $0x4  }
0x1e4: {  	[tilespmem:s0+$0x40] =	vst v3  }
0x1e5: {  	v2 =	vld.idx.msk [tilespmem:v2+s4+$0x50 ss:$0x1], $0xffff;
	_ =	sdelay $0x4  }
0x1e6: {  	s5 =	simm.s32 $0x0;
	[tilespmem:s0+$0x50] =	vst v2  }
0x1e7: {  	[hbm4b:s10+s5] =	stream.linear.scatter [tilespmem:s23], [sflag:$0x3], $0x3000, $0x38;
	[tilespmem:$0xC420] =	vst v63  }
0x1e8: {  	_ =	swait.ge [sflag:s24], $0x3200  }
0x1e9: {  	(v2sf) =	vpush v0, $0x6;
	_ =	sdelay $0x5  }
0x1ea: {  	(v2sf) =	vpush v1, $0x6;
	_ =	sdelay $0x8  }
0x1eb: {  	s17 =	spop (v2sf)  }
0x1ec: {  	s0 =	sand.u32 $0x7, s17  }
0x1ed: {  	s6 =	sshra.s32 s17, $0x1F;
	p0 =	slt.s32 s17, $0x1;
	p1 =	sne.s32 s0, $0x0  }
0x1ee: {  	s4 =	sshrl.u32 s6, $0x1D;
	p0 =	por !p0, !p1  }
0x1ef: {  	s6 =	simm.s32 $0x1;
	s4 =	sadd.s32 s4, s17;
	p0 =	por !p0, !p0  }
0x1f0: {  	s4 =	sshrl.u32 s4, $0x3;
	s6 =	simm.s32 @!p0 $0x0  }
0x1f1: {  	s4 =	ssub.s32 s4, s6;
	s6 =	spop (v2sf)  }
0x1f2: {  	s4 =	sshll.u32 s4, $0x3;
	s6 =	smul.u32 $0xC00, s6  }
0x1f3: {  	p0 =	slt.s32 s4, $0xB38  }
0x1f4: {  	s4 =	simm.s32 @!p0 $0xB38;
	s6 =	sadd.s32 s11, s6  }
0x1f5: {  	s1 =	ssub.s32 s31, s1;
	s31 =	sshll.u32 s30, $0x2;
	s6 =	sadd.s32 s4, s6  }
0x1f6: {  	s1 =	sshll.u32 s1, $0x2;
	[sflag:s24] =	ssyncset.done $0x0;
	s6 =	sshrl.u32 s6, $0x3  }
0x1f7: {  	s1 =	sand.u32 $0xFFFFFFE0, s1;
	[sflag:s24] =	ssyncadd.s32 $0xFFFFCE00;
	s6 =	sadd.s32 s3, s6  }
0x1f8: {  	[tilespmem:s21], [sflag:$0x1] =	stream.strided.gather [hbm4b:s6+s19], $0x3200, s20, s19, $0x38;
	[tilespmem:$0xC420] =	vst v63  }
0x1f9: {  	s1 =	sor.u32 s31, s1;
	_ =	swait.ge [sflag:s28], $0x3000  }
0x1fa: {  	s1 =	sshra.s32 s1, $0x2;
	[sflag:s28] =	ssyncset.done $0x0  }
0x1fb: {  	s1 =	sadd.s32 $0x32D0, s1;
	[sflag:s28] =	ssyncadd.s32 $0xFFFFD000  }
0x1fc: {  	s30 =	simm.s32 $0x300;
	v2 =	vld [tilespmem:s1+$0xFFFFFF50]  }
.LBB2_12:
0x1fd: {  	p0 =	sne.s32 s30, $0xBD00;
	_ =	sdelay $0x2  }
0x1fe: {  	s31 =	sshra.s32 s5, $0x2;
	s5 =	smov.u32 s30  }
0x1ff: {  	[tilespmem:s31+$0x9420] =	vst v2  }
0x200: {  	v2 =	vld [tilespmem:s1+$0xFFFFFF60];
	_ =	sdelay $0x4  }
0x201: {  	[tilespmem:s31+$0x9430] =	vst v2  }
0x202: {  	v2 =	vld [tilespmem:s1+$0xFFFFFF70];
	_ =	sdelay $0x4  }
0x203: {  	[tilespmem:s31+$0x9440] =	vst v2  }
0x204: {  	v2 =	vld [tilespmem:s1+$0xFFFFFF80];
	_ =	sdelay $0x4  }
0x205: {  	[tilespmem:s31+$0x9450] =	vst v2  }
0x206: {  	v2 =	vld [tilespmem:s1+$0xFFFFFF90];
	_ =	sdelay $0x4  }
0x207: {  	[tilespmem:s31+$0x9460] =	vst v2  }
0x208: {  	v2 =	vld [tilespmem:s1+$0xFFFFFFA0];
	_ =	sdelay $0x4  }
0x209: {  	[tilespmem:s31+$0x9470] =	vst v2  }
0x20a: {  	v2 =	vld [tilespmem:s1+$0xFFFFFFB0];
	_ =	sdelay $0x4  }
0x20b: {  	[tilespmem:s31+$0x9480] =	vst v2  }
0x20c: {  	v2 =	vld [tilespmem:s1+$0xFFFFFFC0];
	_ =	sdelay $0x4  }
0x20d: {  	[tilespmem:s31+$0x9490] =	vst v2  }
0x20e: {  	v2 =	vld [tilespmem:s1+$0xFFFFFFD0];
	_ =	sdelay $0x4  }
0x20f: {  	[tilespmem:s31+$0x94A0] =	vst v2  }
0x210: {  	v2 =	vld [tilespmem:s1+$0xFFFFFFE0];
	_ =	sdelay $0x4  }
0x211: {  	[tilespmem:s31+$0x94B0] =	vst v2  }
0x212: {  	v2 =	vld [tilespmem:s1+$0xFFFFFFF0];
	_ =	sdelay $0x4  }
0x213: {  	[tilespmem:s31+$0x94C0] =	vst v2  }
0x214: {  	v2 =	vld [tilespmem:s1+$0x0];
	_ =	sdelay $0x1  }
.Ltmp5:
0x215: {  	(pc) =	sbr.rel @p0 .LBB2_12-.Ltmp5, $3  }
0x216: {  	_ =	sdelay $0x1  }
0x217: {  	s1 =	sadd.s32 $0xC8, s1;
	[tilespmem:s31+$0x94D0] =	vst v2  }
0x218: {  	s30 =	sadd.s32 $0x300, s30;
	v2 =	vld [tilespmem:s1+$0xFFFFFF50]  }
0x219: {  	_ =	sdelay $0x2  }
0x21a: {  	s5 =	sshra.s32 s5, $0x2  }
0x21b: {  	[tilespmem:s5+$0x9420] =	vst v2  }
0x21c: {  	v2 =	vld [tilespmem:s1+$0xFFFFFF60];
	_ =	sdelay $0x4  }
0x21d: {  	[tilespmem:s5+$0x9430] =	vst v2  }
0x21e: {  	v2 =	vld [tilespmem:s1+$0xFFFFFF70];
	_ =	sdelay $0x4  }
0x21f: {  	[tilespmem:s5+$0x9440] =	vst v2  }
0x220: {  	v2 =	vld [tilespmem:s1+$0xFFFFFF80];
	_ =	sdelay $0x4  }
0x221: {  	[tilespmem:s5+$0x9450] =	vst v2  }
0x222: {  	v2 =	vld [tilespmem:s1+$0xFFFFFF90];
	_ =	sdelay $0x4  }
0x223: {  	[tilespmem:s5+$0x9460] =	vst v2  }
0x224: {  	v2 =	vld [tilespmem:s1+$0xFFFFFFA0];
	_ =	sdelay $0x4  }
0x225: {  	[tilespmem:s5+$0x9470] =	vst v2  }
0x226: {  	v2 =	vld [tilespmem:s1+$0xFFFFFFB0];
	_ =	sdelay $0x4  }
0x227: {  	[tilespmem:s5+$0x9480] =	vst v2  }
0x228: {  	v2 =	vld [tilespmem:s1+$0xFFFFFFC0];
	_ =	sdelay $0x4  }
0x229: {  	[tilespmem:s5+$0x9490] =	vst v2  }
0x22a: {  	v2 =	vld [tilespmem:s1+$0xFFFFFFD0];
	_ =	sdelay $0x4  }
0x22b: {  	[tilespmem:s5+$0x94A0] =	vst v2  }
0x22c: {  	v2 =	vld [tilespmem:s1+$0xFFFFFFE0];
	_ =	sdelay $0x4  }
0x22d: {  	[tilespmem:s5+$0x94B0] =	vst v2  }
0x22e: {  	v2 =	vld [tilespmem:s1+$0xFFFFFFF0];
	_ =	sdelay $0x4  }
0x22f: {  	[tilespmem:s5+$0x94C0] =	vst v2  }
0x230: {  	v2 =	vld [tilespmem:s1+$0x0];
	_ =	sdelay $0x4  }
0x231: {  	[tilespmem:s5+$0x94D0] =	vst v2;
	s5 =	simm.s32 $0x0  }
0x232: {  	[hbm4b:s12+s5] =	stream.linear.scatter [tilespmem:s25], [sflag:$0x4], $0x3000, $0x38;
	[tilespmem:$0xC420] =	vst v63  }
0x233: {  	_ =	swait.ge [sflag:s18], $0x3200  }
0x234: {  	(v2sf) =	vpush v0, $0x7;
	_ =	sdelay $0x5  }
0x235: {  	(v2sf) =	vpush v1, $0x7;
	_ =	sdelay $0x8  }
0x236: {  	s30 =	spop (v2sf)  }
0x237: {  	s1 =	sand.u32 $0x7, s30  }
0x238: {  	s6 =	sshra.s32 s30, $0x1F;
	p0 =	slt.s32 s30, $0x1;
	p1 =	sne.s32 s1, $0x0  }
0x239: {  	s5 =	sshrl.u32 s6, $0x1D;
	p0 =	por !p0, !p1  }
0x23a: {  	s6 =	simm.s32 $0x1;
	s5 =	sadd.s32 s5, s30;
	p0 =	por !p0, !p0  }
0x23b: {  	s5 =	sshrl.u32 s5, $0x3;
	s6 =	simm.s32 @!p0 $0x0  }
0x23c: {  	s4 =	ssub.s32 s17, s4;
	s17 =	spop (v2sf);
	s5 =	ssub.s32 s5, s6  }
0x23d: {  	s4 =	sshll.u32 s4, $0x2;
	s17 =	smul.u32 $0xC00, s17;
	s31 =	sshll.u32 s5, $0x3  }
0x23e: {  	s0 =	sshll.u32 s0, $0x2;
	s4 =	sand.u32 $0xFFFFFFE0, s4;
	p0 =	slt.s32 s31, $0xB38  }
0x23f: {  	s0 =	sor.u32 s0, s4;
	s5 =	sadd.s32 s11, s17;
	s31 =	simm.s32 @!p0 $0xB38  }
0x240: {  	s0 =	sshra.s32 s0, $0x2;
	s6 =	sadd.s32 s31, s5  }
0x241: {  	s0 =	sadd.s32 $0x80, s0;
	[sflag:s18] =	ssyncset.done $0x0;
	s4 =	sshrl.u32 s6, $0x3  }
0x242: {  	v0 =	vmov s0;
	[sflag:s18] =	ssyncadd.s32 $0xFFFFCE00;
	s4 =	sadd.s32 s3, s4  }
0x243: {  	[tilespmem:s22], [sflag:$0x2] =	stream.strided.gather [hbm4b:s4+s19], $0x3200, s20, s19, $0x38;
	[tilespmem:$0xC420] =	vst v63  }
0x244: {  	_ =	swait.ge [sflag:s26], $0x3000  }
0x245: {  	[sflag:s26] =	ssyncset.done $0x0  }
0x246: {  	s17 =	simm.s32 $0x0;
	[sflag:s26] =	ssyncadd.s32 $0xFFFFD000  }
0x247: {  	v1 =	vld.idx.msk [tilespmem:v0+s17+$0xFFFFFFA0 ss:$0x1], $0xffff;
	_ =	sdelay $0x3  }
0x248: {  	s0 =	simm.s32 $0x6480  }
0x249: {  	[tilespmem:s0+$0xFFFFFFA0] =	vst v1  }
0x24a: {  	v1 =	vld.idx.msk [tilespmem:v0+s17+$0xFFFFFFB0 ss:$0x1], $0xffff;
	_ =	sdelay $0x4  }
0x24b: {  	[tilespmem:s0+$0xFFFFFFB0] =	vst v1  }
0x24c: {  	v1 =	vld.idx.msk [tilespmem:v0+s17+$0xFFFFFFC0 ss:$0x1], $0xffff;
	_ =	sdelay $0x4  }
0x24d: {  	[tilespmem:s0+$0xFFFFFFC0] =	vst v1  }
0x24e: {  	v1 =	vld.idx.msk [tilespmem:v0+s17+$0xFFFFFFD0 ss:$0x1], $0xffff;
	_ =	sdelay $0x4  }
0x24f: {  	[tilespmem:s0+$0xFFFFFFD0] =	vst v1  }
0x250: {  	v1 =	vld.idx.msk [tilespmem:v0+s17+$0xFFFFFFE0 ss:$0x1], $0xffff;
	_ =	sdelay $0x4  }
0x251: {  	[tilespmem:s0+$0xFFFFFFE0] =	vst v1  }
0x252: {  	v1 =	vld.idx.msk [tilespmem:v0+s17+$0xFFFFFFF0 ss:$0x1], $0xffff;
	_ =	sdelay $0x4  }
0x253: {  	[tilespmem:s0+$0xFFFFFFF0] =	vst v1  }
0x254: {  	v1 =	vld.idx.msk [tilespmem:v0+s17+$0x0 ss:$0x1], $0xffff;
	_ =	sdelay $0x4  }
0x255: {  	[tilespmem:s0+$0x0] =	vst v1  }
0x256: {  	v1 =	vld.idx.msk [tilespmem:v0+s17+$0x10 ss:$0x1], $0xffff;
	_ =	sdelay $0x4  }
0x257: {  	[tilespmem:s0+$0x10] =	vst v1  }
0x258: {  	v1 =	vld.idx.msk [tilespmem:v0+s17+$0x20 ss:$0x1], $0xffff;
	_ =	sdelay $0x4  }
0x259: {  	[tilespmem:s0+$0x20] =	vst v1  }
0x25a: {  	v1 =	vld.idx.msk [tilespmem:v0+s17+$0x30 ss:$0x1], $0xffff;
	_ =	sdelay $0x4  }
0x25b: {  	[tilespmem:s0+$0x30] =	vst v1  }
0x25c: {  	v1 =	vld.idx.msk [tilespmem:v0+s17+$0x40 ss:$0x1], $0xffff;
	_ =	sdelay $0x4  }
0x25d: {  	[tilespmem:s0+$0x40] =	vst v1  }
0x25e: {  	v1 =	vld.idx.msk [tilespmem:v0+s17+$0x50 ss:$0x1], $0xffff;
	_ =	sdelay $0x4  }
0x25f: {  	s5 =	simm.s32 $0x640;
	s4 =	simm.s32 $0xC8;
	[tilespmem:s0+$0x50] =	vst v1  }
.LBB2_14:
0x260: {  	p0 =	sne.s32 s5, $0xC4E0;
	v1 =	vld.idx.msk [tilespmem:v0+s4+$0xFFFFFFA0 ss:$0x1], $0xffff;
	_ =	sdelay $0x4  }
0x261: {  	s0 =	sadd.s32 $0xC0, s0  }
0x262: {  	[tilespmem:s0+$0xFFFFFFA0] =	vst v1  }
0x263: {  	v1 =	vld.idx.msk [tilespmem:v0+s4+$0xFFFFFFB0 ss:$0x1], $0xffff;
	_ =	sdelay $0x5  }
0x264: {  	[tilespmem:s0+$0xFFFFFFB0] =	vst v1  }
0x265: {  	v1 =	vld.idx.msk [tilespmem:v0+s4+$0xFFFFFFC0 ss:$0x1], $0xffff;
	_ =	sdelay $0x5  }
0x266: {  	[tilespmem:s0+$0xFFFFFFC0] =	vst v1  }
0x267: {  	v1 =	vld.idx.msk [tilespmem:v0+s4+$0xFFFFFFD0 ss:$0x1], $0xffff;
	_ =	sdelay $0x5  }
0x268: {  	[tilespmem:s0+$0xFFFFFFD0] =	vst v1  }
0x269: {  	v1 =	vld.idx.msk [tilespmem:v0+s4+$0xFFFFFFE0 ss:$0x1], $0xffff;
	_ =	sdelay $0x5  }
0x26a: {  	[tilespmem:s0+$0xFFFFFFE0] =	vst v1  }
0x26b: {  	v1 =	vld.idx.msk [tilespmem:v0+s4+$0xFFFFFFF0 ss:$0x1], $0xffff;
	_ =	sdelay $0x5  }
0x26c: {  	[tilespmem:s0+$0xFFFFFFF0] =	vst v1  }
0x26d: {  	v1 =	vld.idx.msk [tilespmem:v0+s4+$0x0 ss:$0x1], $0xffff;
	_ =	sdelay $0x5  }
0x26e: {  	[tilespmem:s0+$0x0] =	vst v1  }
0x26f: {  	v1 =	vld.idx.msk [tilespmem:v0+s4+$0x10 ss:$0x1], $0xffff;
	_ =	sdelay $0x5  }
0x270: {  	[tilespmem:s0+$0x10] =	vst v1  }
0x271: {  	v1 =	vld.idx.msk [tilespmem:v0+s4+$0x20 ss:$0x1], $0xffff;
	_ =	sdelay $0x5  }
0x272: {  	[tilespmem:s0+$0x20] =	vst v1  }
0x273: {  	v1 =	vld.idx.msk [tilespmem:v0+s4+$0x30 ss:$0x1], $0xffff;
	_ =	sdelay $0x5  }
0x274: {  	[tilespmem:s0+$0x30] =	vst v1  }
0x275: {  	v1 =	vld.idx.msk [tilespmem:v0+s4+$0x40 ss:$0x1], $0xffff;
	_ =	sdelay $0x5  }
0x276: {  	[tilespmem:s0+$0x40] =	vst v1  }
0x277: {  	v1 =	vld.idx.msk [tilespmem:v0+s4+$0x50 ss:$0x1], $0xffff;
	_ =	sdelay $0x1  }
.Ltmp6:
0x278: {  	(pc) =	sbr.rel @p0 .LBB2_14-.Ltmp6, $2  }
0x279: {  	_ =	sdelay $0x2  }
0x27a: {  	s4 =	sshra.s32 s5, $0x2;
	s5 =	sadd.s32 $0x320, s5;
	[tilespmem:s0+$0x50] =	vst v1  }
0x27b: {  	_ =	sdelay $0x3  }
0x27c: {  	v1 =	vld.idx.msk [tilespmem:v0+s4+$0xFFFFFFA0 ss:$0x1], $0xffff;
	_ =	sdelay $0x3  }
0x27d: {  	s0 =	sadd.s32 $0xC0, s0  }
0x27e: {  	[tilespmem:s0+$0xFFFFFFA0] =	vst v1  }
0x27f: {  	v1 =	vld.idx.msk [tilespmem:v0+s4+$0xFFFFFFB0 ss:$0x1], $0xffff;
	_ =	sdelay $0x4  }
0x280: {  	[tilespmem:s0+$0xFFFFFFB0] =	vst v1  }
0x281: {  	v1 =	vld.idx.msk [tilespmem:v0+s4+$0xFFFFFFC0 ss:$0x1], $0xffff;
	_ =	sdelay $0x4  }
0x282: {  	[tilespmem:s0+$0xFFFFFFC0] =	vst v1  }
0x283: {  	v1 =	vld.idx.msk [tilespmem:v0+s4+$0xFFFFFFD0 ss:$0x1], $0xffff;
	_ =	sdelay $0x4  }
0x284: {  	[tilespmem:s0+$0xFFFFFFD0] =	vst v1  }
0x285: {  	v1 =	vld.idx.msk [tilespmem:v0+s4+$0xFFFFFFE0 ss:$0x1], $0xffff;
	_ =	sdelay $0x4  }
0x286: {  	[tilespmem:s0+$0xFFFFFFE0] =	vst v1  }
0x287: {  	v1 =	vld.idx.msk [tilespmem:v0+s4+$0xFFFFFFF0 ss:$0x1], $0xffff;
	_ =	sdelay $0x4  }
0x288: {  	[tilespmem:s0+$0xFFFFFFF0] =	vst v1  }
0x289: {  	v1 =	vld.idx.msk [tilespmem:v0+s4+$0x0 ss:$0x1], $0xffff;
	_ =	sdelay $0x4  }
0x28a: {  	[tilespmem:s0+$0x0] =	vst v1  }
0x28b: {  	v1 =	vld.idx.msk [tilespmem:v0+s4+$0x10 ss:$0x1], $0xffff;
	_ =	sdelay $0x4  }
0x28c: {  	[tilespmem:s0+$0x10] =	vst v1  }
0x28d: {  	v1 =	vld.idx.msk [tilespmem:v0+s4+$0x20 ss:$0x1], $0xffff;
	_ =	sdelay $0x4  }
0x28e: {  	[tilespmem:s0+$0x20] =	vst v1  }
0x28f: {  	v1 =	vld.idx.msk [tilespmem:v0+s4+$0x30 ss:$0x1], $0xffff;
	_ =	sdelay $0x4  }
0x290: {  	[tilespmem:s0+$0x30] =	vst v1  }
0x291: {  	v1 =	vld.idx.msk [tilespmem:v0+s4+$0x40 ss:$0x1], $0xffff;
	_ =	sdelay $0x4  }
0x292: {  	[tilespmem:s0+$0x40] =	vst v1  }
0x293: {  	v0 =	vld.idx.msk [tilespmem:v0+s4+$0x50 ss:$0x1], $0xffff;
	_ =	sdelay $0x4  }
0x294: {  	s4 =	simm.s32 $0x0;
	[tilespmem:s0+$0x50] =	vst v0  }
0x295: {  	[hbm4b:s13+s4] =	stream.linear.scatter [tilespmem:s23], [sflag:$0x3], $0x3000, $0x38;
	[tilespmem:$0xC420] =	vst v63  }
0x296: {  	s31 =	ssub.s32 s30, s31;
	_ =	swait.ge [sflag:s24], $0x3200  }
0x297: {  	s0 =	sshll.u32 s31, $0x2;
	[sflag:s24] =	ssyncset.done $0x0  }
0x298: {  	s1 =	sshll.u32 s1, $0x2;
	s0 =	sand.u32 $0xFFFFFFE0, s0;
	[sflag:s24] =	ssyncadd.s32 $0xFFFFCE00  }
0x299: {  	s0 =	sor.u32 s1, s0;
	_ =	swait.ge [sflag:s28], $0x3000  }
0x29a: {  	s0 =	sshra.s32 s0, $0x2;
	[sflag:s28] =	ssyncset.done $0x0  }
0x29b: {  	s0 =	sadd.s32 $0x32D0, s0;
	[sflag:s28] =	ssyncadd.s32 $0xFFFFD000  }
0x29c: {  	s1 =	simm.s32 $0x300;
	v0 =	vld [tilespmem:s0+$0xFFFFFF50]  }
.LBB2_16:
0x29d: {  	p0 =	sne.s32 s1, $0xBD00;
	_ =	sdelay $0x2  }
0x29e: {  	s5 =	sshra.s32 s4, $0x2;
	s4 =	smov.u32 s1  }
0x29f: {  	[tilespmem:s5+$0x9420] =	vst v0  }
0x2a0: {  	v0 =	vld [tilespmem:s0+$0xFFFFFF60];
	_ =	sdelay $0x4  }
0x2a1: {  	[tilespmem:s5+$0x9430] =	vst v0  }
0x2a2: {  	v0 =	vld [tilespmem:s0+$0xFFFFFF70];
	_ =	sdelay $0x4  }
0x2a3: {  	[tilespmem:s5+$0x9440] =	vst v0  }
0x2a4: {  	v0 =	vld [tilespmem:s0+$0xFFFFFF80];
	_ =	sdelay $0x4  }
0x2a5: {  	[tilespmem:s5+$0x9450] =	vst v0  }
0x2a6: {  	v0 =	vld [tilespmem:s0+$0xFFFFFF90];
	_ =	sdelay $0x4  }
0x2a7: {  	[tilespmem:s5+$0x9460] =	vst v0  }
0x2a8: {  	v0 =	vld [tilespmem:s0+$0xFFFFFFA0];
	_ =	sdelay $0x4  }
0x2a9: {  	[tilespmem:s5+$0x9470] =	vst v0  }
0x2aa: {  	v0 =	vld [tilespmem:s0+$0xFFFFFFB0];
	_ =	sdelay $0x4  }
0x2ab: {  	[tilespmem:s5+$0x9480] =	vst v0  }
0x2ac: {  	v0 =	vld [tilespmem:s0+$0xFFFFFFC0];
	_ =	sdelay $0x4  }
0x2ad: {  	[tilespmem:s5+$0x9490] =	vst v0  }
0x2ae: {  	v0 =	vld [tilespmem:s0+$0xFFFFFFD0];
	_ =	sdelay $0x4  }
0x2af: {  	[tilespmem:s5+$0x94A0] =	vst v0  }
0x2b0: {  	v0 =	vld [tilespmem:s0+$0xFFFFFFE0];
	_ =	sdelay $0x4  }
0x2b1: {  	[tilespmem:s5+$0x94B0] =	vst v0  }
0x2b2: {  	v0 =	vld [tilespmem:s0+$0xFFFFFFF0];
	_ =	sdelay $0x4  }
0x2b3: {  	[tilespmem:s5+$0x94C0] =	vst v0  }
0x2b4: {  	v0 =	vld [tilespmem:s0+$0x0];
	_ =	sdelay $0x1  }
.Ltmp7:
0x2b5: {  	(pc) =	sbr.rel @p0 .LBB2_16-.Ltmp7, $3  }
0x2b6: {  	_ =	sdelay $0x1  }
0x2b7: {  	s0 =	sadd.s32 $0xC8, s0;
	[tilespmem:s5+$0x94D0] =	vst v0  }
0x2b8: {  	s1 =	sadd.s32 $0x300, s1;
	v0 =	vld [tilespmem:s0+$0xFFFFFF50]  }
0x2b9: {  	_ =	sdelay $0x2  }
0x2ba: {  	s1 =	sshra.s32 s4, $0x2  }
0x2bb: {  	[tilespmem:s1+$0x9420] =	vst v0  }
0x2bc: {  	v0 =	vld [tilespmem:s0+$0xFFFFFF60];
	_ =	sdelay $0x4  }
0x2bd: {  	[tilespmem:s1+$0x9430] =	vst v0  }
0x2be: {  	v0 =	vld [tilespmem:s0+$0xFFFFFF70];
	_ =	sdelay $0x4  }
0x2bf: {  	[tilespmem:s1+$0x9440] =	vst v0  }
0x2c0: {  	v0 =	vld [tilespmem:s0+$0xFFFFFF80];
	_ =	sdelay $0x4  }
0x2c1: {  	[tilespmem:s1+$0x9450] =	vst v0  }
0x2c2: {  	v0 =	vld [tilespmem:s0+$0xFFFFFF90];
	_ =	sdelay $0x4  }
0x2c3: {  	[tilespmem:s1+$0x9460] =	vst v0  }
0x2c4: {  	v0 =	vld [tilespmem:s0+$0xFFFFFFA0];
	_ =	sdelay $0x4  }
0x2c5: {  	[tilespmem:s1+$0x9470] =	vst v0  }
0x2c6: {  	v0 =	vld [tilespmem:s0+$0xFFFFFFB0];
	_ =	sdelay $0x4  }
0x2c7: {  	[tilespmem:s1+$0x9480] =	vst v0  }
0x2c8: {  	v0 =	vld [tilespmem:s0+$0xFFFFFFC0];
	_ =	sdelay $0x4  }
0x2c9: {  	[tilespmem:s1+$0x9490] =	vst v0  }
0x2ca: {  	v0 =	vld [tilespmem:s0+$0xFFFFFFD0];
	_ =	sdelay $0x4  }
0x2cb: {  	[tilespmem:s1+$0x94A0] =	vst v0  }
0x2cc: {  	v0 =	vld [tilespmem:s0+$0xFFFFFFE0];
	_ =	sdelay $0x4  }
0x2cd: {  	[tilespmem:s1+$0x94B0] =	vst v0  }
0x2ce: {  	v0 =	vld [tilespmem:s0+$0xFFFFFFF0];
	_ =	sdelay $0x4  }
0x2cf: {  	[tilespmem:s1+$0x94C0] =	vst v0  }
0x2d0: {  	v0 =	vld [tilespmem:s0+$0x0];
	_ =	sdelay $0x4  }
0x2d1: {  	s29 =	sadd.s32 $0x1, s29;
	[tilespmem:s1+$0x94D0] =	vst v0  }
0x2d2: {  	[hbm4b:s14+s2] =	stream.linear.scatter [tilespmem:s25], [sflag:$0x4], $0x3000, $0x38;
	[tilespmem:$0xC420] =	vst v63  }
0x2d3: {  	p0 =	sne.s32 s29, s15;
	_ =	swait.ge [sflag:s26], $0x3000  }
.Ltmp8:
0x2d4: {  	[sflag:s26] =	ssyncset.done $0x0;
	(pc) =	sbr.rel @p0 .LBB2_1-.Ltmp8, $4  }
0x2d5: {  	[sflag:s26] =	ssyncadd.s32 $0xFFFFD000  }
0x2d6: {  	_ =	swait.ge [sflag:s28], $0x3000  }
0x2d7: {  	[sflag:s28] =	ssyncset.done $0x0  }
0x2d8: {  	[sflag:s28] =	ssyncadd.s32 $0xFFFFD000  }
0x2d9: {  	_ =	sfence.sel $0x180000  }
0x2da: {  	[bflag:$0x0] =	sbarrier.arrive $0xFFFF  }
0x2db: {  	_ =	strace $0x9000004D  }
0x2dc: {  	s0 =	stileid.u32;
	[bflag:$0x2] =	sbarrier.arrive $0xFFFF  }
0x2dd: {  	p0 =	sne.s32 s0, $0x0;
	s0 =	rddreg [dreg:$0x2]  }
0x2de: {  	s0 =	sadd.s32 @!p0 $0x100000, s0  }
0x2df: {  	[sflag:s0] =	ssyncadd.tile.s32 @!p0 $0x1;
	_ =	shalt  }
.Lfunc_end2:
_tile_overlayer_lowered:
.L_overlay_start_2:
0x2e0: {  	(tag) =	ssettag $0x2  }
0x2e1: {  	s0 =	rddreg [dreg:$0x0];
	s2 =	stileid.u32  }
0x2e2: {  	s1 =	rddreg [dreg:$0x1];
	p0 =	sne.s32 s2, $0x0  }
0x2e3: {  	s3 =	rddreg [dreg:$0x2];
	[bflag:$0x3] =	sbarrier.arrive $0xFFFF;
	s2 =	simm.s32 @!p0 $0x1C05  }
0x2e4: {  	[timem:s3], [sflag:s2] =	dma.local @!p0 [hbm:s0], s1  }
0x2e5: {  	s0 =	simm.s32 @!p0 $0x5  }
0x2e6: {  	_ =	swait.ge @!p0 [sflag:s0], s1  }
0x2e7: {  	s1 =	ssub.s32 @!p0 $0x0, s1;
	[sflag:s0] =	ssyncset.done @!p0 $0x0  }
0x2e8: {  	[sflag:s0] =	ssyncadd.s32 @!p0 s1  }
0x2e9: {  	[bflag:$0x3] =	sbarrier.arrive $0xFFFF  }
0x2ea: {  	_ =	shalt  }

// kernel: sparse-core-data-format-call.1.cloned.1.call-start
scs
called_computation.1_lowered:
.L_overlay_start_0:
0x0: {  	s1 =	sld [smem:$0x3FD9]  }
0x1: {  	s2 =	sld [smem:$0x3FFE];
	_ =	sdelay $0x1  }
0x2: {  	s3 =	srdreg.scid  }
0x3: {  	s0 =	sand.u32 $0x1, s3  }
0x4: {  	s17 =	sshll.u32 s0, $0xA;
	s1 =	sadd.s32 s2, s1  }
0x5: {  	s1 =	sadd.s32 s1, s17  }
0x6: {  	[smem:$0x3FC6] =	sst s1  }
0x7: {  	_ = 	snop  }
0x8: {  	(tm) =	ssettm $0x1  }
0x9: {  	s18 =	sld [smem:$0x3FFB];
	_ =	sdelay $0x3  }
0xa: {  	_ =	strace s18  }
0xb: {  	s1 =	sld [smem:$0x3FFC];
	_ =	sdelay $0x3  }
0xc: {  	_ =	strace s1  }
0xd: {  	s1 =	sld [smem:$0x3FFD];
	_ =	sdelay $0x3  }
0xe: {  	_ =	strace s1  }
0xf: {  	_ =	strace $0x8FFFFFFF  }
0x10: {  	s19 =	sld [smem:$0x3FDB];
	_ =	sdelay $0x1  }
0x11: {  	s20 =	simm.s32 $_scs_section_size  }
0x12: {  	s4 =	simm.s32 $_size__tile_overlayer_lowered;
	s5 =	simm.s32 $_tile_overlayer_lowered  }
0x13: {  	s23 =	simm.s32 $0x1BFF;
	s22 =	sshll.u32 s5, $0x1;
	s1 =	sadd.s32 s20, s19  }
0x14: {  	s6 =	simm.s32 $0x0;
	s21 =	sshll.u32 s4, $0x1;
	s4 =	sadd.s32 s22, s1  }
0x15: {  	[timem:s6], [sflag:s23] =	dma.local [hbm:s4], s21  }
0x16: {  	_ =	swait.ge [sflag:s23], s21  }
0x17: {  	s2 =	ssub.s32 $0x0, s21;
	[sflag:s23] =	ssyncset.done $0x0  }
0x18: {  	[sflag:s23] =	ssyncadd.s32 s2;
	_ =	sdelay $0x1  }
0x19: {  	s24 =	simm.s32 $0x1B8B  }
0x1a: {  	_ =	swait.ge [sflag:s24], $0x1  }
0x1b: {  	[sflag:s24] =	ssyncset.done $0x0  }
0x1c: {  	s26 =	simm.s32 $0x1B8E;
	s25 =	sld [smem:$0x3FFE];
	[sflag:s24] =	ssyncadd.s32 $0xFFFFFFFF  }
0x1d: {  	s27 =	simm.s32 $execute0_lowered;
	[smem:$0x3FD2] =	sst s26  }
0x1e: {  	s4 =	sshll.u32 s27, $0x1;
	_ =	strace $0x80000046;
	[dreg:$0x1] =	wrdreg $0xFFFFFFFF  }
0x1f: {  	s28 =	simm.s32 $_size_execute0_lowered;
	s1 =	sadd.s32 s1, s4;
	[dreg:$0x0] =	wrdreg $0x0  }
0x20: {  	s4 =	sshll.u32 s28, $0x1;
	[dreg:$0x2] =	wrdreg s1  }
0x21: {  	[dreg:$0x3] =	wrdreg s4  }
0x22: {  	[dreg:$0x4] =	wrdreg $0xC0  }
0x23: {  	_ =	task [dreg:s6], $0x5FFFF  }
0x24: {  	[dreg:$0x1] =	wrdreg $0xFFFFFFFF  }
0x25: {  	[dreg:$0x0] =	wrdreg $0x60  }
0x26: {  	[dreg:$0x2] =	wrdreg s25  }
0x27: {  	[dreg:$0x3] =	wrdreg $0x9  }
0x28: {  	_ =	task.clear_ibuf [dreg:s6], $0x4FFFF;
	_ =	strace $0x90000046  }
0x29: {  	s29 =	simm.s32 $0x9;
	_ =	strace $0x80000048  }
0x2a: {  	_ =	swait.ge [sflag:s29], $0x1  }
0x2b: {  	[sflag:s29] =	ssyncadd.s32 $0xFFFFFFFF  }
0x2c: {  	_ =	strace $0x90000048  }
0x2d: {  	_ =	sfence  }
0x2e: {  	s30 =	sld [smem:$0x0];
	_ =	sdelay $0x2  }
0x2f: {  	s31 =	sshll.u32 s3, $0xD;
	s3 =	sshrl.u32 s3, $0x2  }
0x30: {  	s2 =	sand.u32 $0x4000, s31;
	s1 =	sadd.s32 s3, s30  }
0x31: {  	s0 =	sor.u32 s2, s0;
	s1 =	sshll.u32 s1, $0x11  }
0x32: {  	s0 =	sor.u32 s1, s0  }
0x33: {  	s0 =	sadd.s32 $0x8F2B, s0  }
0x34: {  	[sflag:s0] =	ssyncadd.remote.s32 $0x1  }
0x35: {  	_ =	sfence.sel $0xFFFF  }
0x36: {  	[dreg:$0x0] =	wrdreg $0xFFFFFFFF;
	(pc) =	sbr.abs _section_cstart, $3  }
0x37: {  	[dreg:$0x1] =	wrdreg $0xFFFFFFFF  }
0x38: {  	_ =	task.clear_ibuf [dreg:s6], $0x2FFFF;
	_ =	strace $0x9FFFFFFF  }
0x39: {  	(tm) =	ssettm $0x7FFFFFFF  }
tec
execute0_lowered:
.L_overlay_start_1:
0x0: {  	(tag) =	ssettag $0x1  }
0x1: {  	s0 =	stileid.u32;
	s1 =	srdreg.scid  }
0x2: {  	s4 =	rddreg [dreg:$0x0];
	s2 =	sshll.u32 s0, $0x4;
	s1 =	sshll.u32 s1, $0x8  }
0x3: {  	s5 =	simm.s32 $0x1;
	s8 =	simm.s32 $0x2;
	s1 =	sor.u32 s2, s1  }
0x4: {  	s15 =	simm.s32 $0x0;
	s9 =	simm.s32 $0x6000;
	s2 =	sand.u32 $0x180, s1  }
0x5: {  	s14 =	simm.s32 $0x0;
	s16 =	simm.s32 $0x0;
	s3 =	ssub.s32 $0x400, s2  }
0x6: {  	s12 =	simm.s32 $0x0;
	s7 =	sand.u32 $0x7, s0;
	s31 =	sand.u32 $0x180, s3  }
0x7: {  	s13 =	simm.s32 $0x0;
	s11 =	smov.u32 s7;
	p0 =	sne.s32 s31, $0x0  }
.Ltmp0:
0x8: {  	s6 =	sshrl.u32 s3, $0x9;
	s5 =	simm.s32 @!p0 $0x0;
	(pc) =	sbr.rel .LBB1_1-.Ltmp0, $4  }
0x9: {  	s1 =	rddreg [dreg:$0x1];
	_ =	strace $0x80000047;
	s6 =	sadd.s32 s5, s6  }
0xa: {  	s10 =	smov.u32 s2;
	s5 =	simm.s32 $0x1;
	s6 =	smul.u32 $0x18, s6  }
0xb: {  	s3 =	sadd.s32 $0x1200, s4;
	s4 =	sadd.s32 $0x301200, s4;
	[sflag:s5] =	ssyncpa.u1 $0x0  }
0xc: {  	p0 =	por $0x0, $0x0;
	[sflag:s8] =	ssyncpa.u1 $0x0;
	s8 =	sor.u32 $0x1, s6  }
.LBB1_4:
0xd: {  	s22 =	sshrl.u32 s15, $0x3  }
0xe: {  	s23 =	sshll.u32 s16, $0x3;
	s31 =	sshll.u32 s15, $0x7;
	s22 =	smul.u32 $0x6000, s22  }
0xf: {  	v5 =	vld [tilespmem:s20+$0xFFFFFFD0];
	[tilespmem:s19+$0x2040 ss:$0x81] =	vst.msk $0xffff, v4;
	s24 =	sand.u32 $0x7F, s16;
	s23 =	sand.u32 $0xFFFFFC00, s23;
	s15 =	sand.u32 $0x380, s31  }
0x10: {  	v58 =	vld [tilespmem:s20+$0xFFFFFFE0];
	[tilespmem:s19+$0x2850 ss:$0x81] =	vst.msk $0xffff, v2;
	s15 =	sor.u32 s24, s15;
	s22 =	sadd.s32 s23, s22  }
0x11: {  	s25 =	sshra.s32 s21, $0x2;
	v59 =	vld [tilespmem:s20+$0xFFFFFFF0];
	[tilespmem:s19+$0x3060 ss:$0x81] =	vst.msk $0xffff, v3;
	s15 =	sor.u32 s22, s15  }
0x12: {  	v60 =	vld [tilespmem:s20+$0x0];
	[tilespmem:s19+$0x0 ss:$0x81] =	vst.msk $0xffff, v0;
	s16 =	sadd.s32 s25, s18;
	s26 =	smulhi.u32 $0xAAAAAAAB, s15  }
0x13: {  	v61 =	vld [tilespmem:s20+$0x10];
	[tilespmem:s16+$0x3870 ss:$0x81] =	vst.msk $0xffff, v1;
	s27 =	smulhi.u32 $0xAAAAAAAB, s22  }
0x14: {  	v62 =	vld [tilespmem:s20+$0x20];
	[tilespmem:s16+$0x810 ss:$0x81] =	vst.msk $0xffff, v5;
	s18 =	sshrl.u32 s26, $0xB  }
0x15: {  	v63 =	vld [tilespmem:s20+$0xFFFFFFC0];
	[tilespmem:s16+$0x1020 ss:$0x81] =	vst.msk $0xffff, v58;
	s19 =	sshrl.u32 s27, $0xB;
	s18 =	smul.u32 $0xC00, s18  }
0x16: {  	s14 =	smul.u32 $0x60000, s14;
	[tilespmem:s16+$0x1830 ss:$0x81] =	vst.msk $0xffff, v59;
	s19 =	sand.u32 $0x3FF, s19  }
0x17: {  	[tilespmem:s16+$0x2040 ss:$0x81] =	vst.msk $0xffff, v60;
	s28 =	smul.u32 $0x180, s19;
	s15 =	ssub.s32 s15, s18  }
0x18: {  	s14 =	sadd.s32 s4, s14;
	[tilespmem:s16+$0x2850 ss:$0x81] =	vst.msk $0xffff, v61;
	s29 =	sand.u32 $0x7, s15  }
0x19: {  	[tilespmem:s16+$0x3060 ss:$0x81] =	vst.msk $0xffff, v62;
	s14 =	sadd.s32 s28, s14;
	s15 =	sshrl.u32 s15, $0x3;
	s30 =	sshll.u32 s29, $0x12  }
0x1a: {  	[tilespmem:s16+$0x0 ss:$0x81] =	vst.msk $0xffff, v63;
	s14 =	sadd.s32 s15, s14;
	s31 =	sor.u32 $0x400, s30  }
0x1b: {  	[hbm4b:s14+s31] =	stream.strided.scatter [tilespmem:s17], [sflag:$0x2], $0x4000, s9, s31, $0x20;
	[tilespmem:$0x10100] =	vst v63  }
.LBB1_5:
0x1c: {  	s17 =	sadd.s32 $0x200, s10  }
0x1d: {  	s14 =	sadd.s32 $0x8, s11;
	s18 =	smov.u32 s11;
	p2 =	sgt.s32 s17, $0x3FF  }
0x1e: {  	s18 =	smov.u32 @p2 s14  }
0x1f: {  	s20 =	smov.u32 s12;
	s14 =	sadd.s32 $0x80, s12;
	p3 =	sgt.s32 s18, $0x7  }
0x20: {  	s20 =	smov.u32 @p3 s14  }
0x21: {  	s17 =	smov.u32 @p2 s2;
	p2 =	sgt.s32 s20, $0xBFF  }
0x22: {  	p1 =	slt.u32 s13, $0x2;
	s20 =	simm.s32 @p2 $0x0;
	p2 =	sne.s32 s13, s8  }
.Ltmp1:
0x23: {  	s19 =	simm.s32 @!p1 $0x2;
	(pc) =	sbr.rel @!p2 .LBB1_6-.Ltmp1, $4  }
0x24: {  	s15 =	smov.u32 s10;
	s16 =	smov.u32 s12;
	_ =	swait.ge @!p1 [sflag:s19], $0x4000  }
0x25: {  	p0 =	por !p0, !p0;
	[sflag:s19] =	ssyncset.done @!p1 $0x0;
	s10 =	smov.u32 s17  }
0x26: {  	s18 =	smov.u32 @p3 s7;
	s14 =	smov.u32 s11;
	[sflag:s19] =	ssyncadd.s32 @!p1 $0xFFFFC000  }
0x27: {  	s11 =	smov.u32 s18;
	s13 =	sadd.s32 $0x1, s13;
	s12 =	smov.u32 s20  }
.LBB1_1:
0x28: {  	p1 =	sge.u32 s13, s6  }
0x29: {  	s31 =	sadd.s32 $0xFFFFFFFF, s13;
	s17 =	sxor.u32 @!p1 $0xFFFFFFFF, s13;
	s18 =	sshll.u32 @!p1 s11, $0x7  }
0x2a: {  	s19 =	sand.u32 @!p1 $0x78, s10;
	s20 =	sshll.u32 @!p1 s12, $0xA;
	s18 =	sand.u32 @!p1 $0x380, s18  }
0x2b: {  	s20 =	sadd.s32 @!p1 s3, s20;
	s18 =	sor.u32 @!p1 s19, s18;
	s19 =	sand.u32 @!p1 $0x380, s10  }
0x2c: {  	s17 =	sshll.u32 @!p1 s17, $0xE;
	s19 =	sadd.s32 @!p1 s19, s20;
	s20 =	sand.u32 @!p1 $0x7, s10  }
0x2d: {  	s17 =	sand.u32 @!p1 $0x4000, s17;
	s18 =	sshrl.u32 @!p1 s18, $0x3;
	s20 =	sshll.u32 @!p1 s20, $0x12  }
0x2e: {  	s18 =	sadd.s32 @!p1 s18, s19;
	s19 =	sor.u32 @!p1 $0x80, s20;
	s20 =	simm.s32 @!p1 $0x2000  }
0x2f: {  	[tilespmem:s17], [sflag:$0x1] =	stream.strided.gather @!p1 [hbm4b:s18+s19], $0x4000, s20, s19, $0x38;
	[tilespmem:$0x10100] =	vst v63  }
0x30: {  	p1 =	sge.u32 s31, s6  }
.Ltmp2:
0x31: {  	_ = 	snop;
	(pc) =	sbr.rel @p1 .LBB1_5-.Ltmp2, $1  }
0x32: {  	_ =	sdelay $0x3  }
0x33: {  	s17 =	simm.s32 $0x1  }
0x34: {  	_ =	swait.ge [sflag:s5], $0x4000;
	s17 =	simm.s32 @!p0 $0x0  }
0x35: {  	[sflag:s5] =	ssyncset.done $0x0;
	s18 =	sshll.u32 s17, $0xE  }
0x36: {  	[sflag:s5] =	ssyncadd.s32 $0xFFFFC000;
	s20 =	sor.u32 $0x40, s18  }
0x37: {  	s17 =	smul.u32 $0x10200, s17;
	v0 =	vld [tilespmem:s20+$0x30]  }
0x38: {  	v1 =	vld [tilespmem:s20+$0xFFFFFFD0]  }
0x39: {  	s17 =	sshrl.u32 s17, $0x2;
	v5 =	vld [tilespmem:s20+$0xFFFFFFE0]  }
0x3a: {  	v6 =	vld [tilespmem:s20+$0xFFFFFFF0];
	s18 =	sor.u32 $0x8000, s17  }
0x3b: {  	s31 =	sand.u32 $0x1, s13;
	v4 =	vld [tilespmem:s20+$0x0];
	s19 =	sadd.s32 $0x0, s18  }
0x3c: {  	v2 =	vld [tilespmem:s20+$0x10];
	s17 =	smul.u32 $0x10200, s31;
	[tilespmem:s19+$0x3870 ss:$0x81] =	vst.msk $0xffff, v0  }
0x3d: {  	v3 =	vld [tilespmem:s20+$0x20];
	[tilespmem:s19+$0x810 ss:$0x81] =	vst.msk $0xffff, v1  }
0x3e: {  	s17 =	sshrl.u32 s17, $0x2;
	v0 =	vld [tilespmem:s20+$0xFFFFFFC0];
	[tilespmem:s19+$0x1020 ss:$0x81] =	vst.msk $0xffff, v5;
	s20 =	sadd.s32 $0x80, s20  }
0x3f: {  	s21 =	simm.s32 $0x4;
	s22 =	simm.s32 $0x8;
	s17 =	sor.u32 $0x8000, s17;
	[tilespmem:s19+$0x1830 ss:$0x81] =	vst.msk $0xffff, v6;
	v1 =	vld [tilespmem:s20+$0x30]  }
.LBB1_3:
0x40: {  	p1 =	sne.s32 s22, $0x1FC;
	v5 =	vld [tilespmem:s20+$0xFFFFFFD0];
	[tilespmem:s19+$0x2040 ss:$0x81] =	vst.msk $0xffff, v4  }
0x41: {  	v6 =	vld [tilespmem:s20+$0xFFFFFFE0];
	[tilespmem:s19+$0x2850 ss:$0x81] =	vst.msk $0xffff, v2  }
0x42: {  	s23 =	sshra.s32 s21, $0x2;
	s21 =	smov.u32 s22;
	v7 =	vld [tilespmem:s20+$0xFFFFFFF0];
	[tilespmem:s19+$0x3060 ss:$0x81] =	vst.msk $0xffff, v3  }
.Ltmp3:
0x43: {  	v4 =	vld [tilespmem:s20+$0x0];
	[tilespmem:s19+$0x0 ss:$0x81] =	vst.msk $0xffff, v0;
	s19 =	sadd.s32 s23, s18;
	(pc) =	sbr.rel @p1 .LBB1_3-.Ltmp3, $4  }
0x44: {  	v2 =	vld [tilespmem:s20+$0x10];
	[tilespmem:s19+$0x3870 ss:$0x81] =	vst.msk $0xffff, v1  }
0x45: {  	[tilespmem:s19+$0x810 ss:$0x81] =	vst.msk $0xffff, v5;
	v3 =	vld [tilespmem:s20+$0x20]  }
0x46: {  	v0 =	vld [tilespmem:s20+$0xFFFFFFC0];
	[tilespmem:s19+$0x1020 ss:$0x81] =	vst.msk $0xffff, v6;
	s20 =	sadd.s32 $0x80, s20  }
0x47: {  	s22 =	sadd.s32 $0x4, s22;
	v1 =	vld [tilespmem:s20+$0x30];
	[tilespmem:s19+$0x1830 ss:$0x81] =	vst.msk $0xffff, v7  }
.Ltmp4:
0x48: {  	_ = 	snop;
	(pc) =	sbr.rel .LBB1_4-.Ltmp4, $1  }
0x49: {  	_ =	sdelay $0x3  }
.LBB1_6:
0x4a: {  	_ =	sfence.sel $0x180000  }
0x4b: {  	s2 =	simm.s32 $0x1;
	[bflag:$0x0] =	sbarrier.arrive $0xFFFF  }
0x4c: {  	s31 =	simm.s32 $0x2;
	[sflag:s2] =	ssyncpa.u1 $0x1  }
0x4d: {  	[sflag:s31] =	ssyncpa.u1 $0x1  }
0x4e: {  	p0 =	sne.s32 s0, $0x0;
	_ =	strace $0x90000047  }
0x4f: {  	s0 =	sadd.s32 @!p0 $0x100000, s1;
	[bflag:$0x2] =	sbarrier.arrive $0xFFFF  }
0x50: {  	[sflag:s0] =	ssyncadd.tile.s32 @!p0 $0x1;
	_ =	shalt  }
.Lfunc_end1:
_tile_overlayer_lowered:
.L_overlay_start_2:
0x51: {  	(tag) =	ssettag $0x2  }
0x52: {  	s0 =	rddreg [dreg:$0x0];
	s2 =	stileid.u32  }
0x53: {  	s1 =	rddreg [dreg:$0x1];
	p0 =	sne.s32 s2, $0x0  }
0x54: {  	s3 =	rddreg [dreg:$0x2];
	[bflag:$0x3] =	sbarrier.arrive $0xFFFF;
	s2 =	simm.s32 @!p0 $0x1C01  }
0x55: {  	[timem:s3], [sflag:s2] =	dma.local @!p0 [hbm:s0], s1  }
0x56: {  	s0 =	simm.s32 @!p0 $0x1  }
0x57: {  	_ =	swait.ge @!p0 [sflag:s0], s1  }
0x58: {  	s1 =	ssub.s32 @!p0 $0x0, s1;
	[sflag:s0] =	ssyncset.done @!p0 $0x0  }
0x59: {  	[sflag:s0] =	ssyncadd.s32 @!p0 s1  }
0x5a: {  	[bflag:$0x3] =	sbarrier.arrive $0xFFFF  }
0x5b: {  	_ =	shalt  }

// kernel: sparse-core-data-format-call.cloned.1.call-start
scs
called_computation_lowered:
.L_overlay_start_0:
0x0: {  	s1 =	sld [smem:$0x3FD9]  }
0x1: {  	s2 =	sld [smem:$0x3FFE];
	_ =	sdelay $0x1  }
0x2: {  	s3 =	srdreg.scid  }
0x3: {  	s0 =	sand.u32 $0x1, s3  }
0x4: {  	s17 =	sshll.u32 s0, $0xA;
	s1 =	sadd.s32 s2, s1  }
0x5: {  	s1 =	sadd.s32 s1, s17  }
0x6: {  	[smem:$0x3FC6] =	sst s1  }
0x7: {  	_ = 	snop  }
0x8: {  	(tm) =	ssettm $0x1  }
0x9: {  	s18 =	sld [smem:$0x3FFB];
	_ =	sdelay $0x3  }
0xa: {  	_ =	strace s18  }
0xb: {  	s1 =	sld [smem:$0x3FFC];
	_ =	sdelay $0x3  }
0xc: {  	_ =	strace s1  }
0xd: {  	s1 =	sld [smem:$0x3FFD];
	_ =	sdelay $0x3  }
0xe: {  	_ =	strace s1  }
0xf: {  	_ =	strace $0x8FFFFFFF  }
0x10: {  	s19 =	sld [smem:$0x3FDB];
	_ =	sdelay $0x1  }
0x11: {  	s20 =	simm.s32 $_scs_section_size  }
0x12: {  	s4 =	simm.s32 $_size__tile_overlayer_lowered;
	s5 =	simm.s32 $_tile_overlayer_lowered  }
0x13: {  	s23 =	simm.s32 $0x1BFF;
	s22 =	sshll.u32 s5, $0x1;
	s1 =	sadd.s32 s20, s19  }
0x14: {  	s6 =	simm.s32 $0x0;
	s21 =	sshll.u32 s4, $0x1;
	s4 =	sadd.s32 s22, s1  }
0x15: {  	[timem:s6], [sflag:s23] =	dma.local [hbm:s4], s21  }
0x16: {  	_ =	swait.ge [sflag:s23], s21  }
0x17: {  	s2 =	ssub.s32 $0x0, s21;
	[sflag:s23] =	ssyncset.done $0x0  }
0x18: {  	[sflag:s23] =	ssyncadd.s32 s2;
	_ =	sdelay $0x1  }
0x19: {  	s24 =	simm.s32 $0x1B8B  }
0x1a: {  	_ =	swait.ge [sflag:s24], $0x1  }
0x1b: {  	[sflag:s24] =	ssyncset.done $0x0  }
0x1c: {  	s26 =	simm.s32 $0x1B8E;
	s25 =	sld [smem:$0x3FFE];
	[sflag:s24] =	ssyncadd.s32 $0xFFFFFFFF  }
0x1d: {  	s27 =	simm.s32 $execute0_lowered;
	[smem:$0x3FD2] =	sst s26  }
0x1e: {  	s4 =	sshll.u32 s27, $0x1;
	_ =	strace $0x80000049;
	[dreg:$0x1] =	wrdreg $0xFFFFFFFF  }
0x1f: {  	s28 =	simm.s32 $_size_execute0_lowered;
	s1 =	sadd.s32 s1, s4;
	[dreg:$0x0] =	wrdreg $0x0  }
0x20: {  	s4 =	sshll.u32 s28, $0x1;
	[dreg:$0x2] =	wrdreg s1  }
0x21: {  	[dreg:$0x3] =	wrdreg s4  }
0x22: {  	[dreg:$0x4] =	wrdreg $0xC0  }
0x23: {  	_ =	task [dreg:s6], $0x5FFFF  }
0x24: {  	[dreg:$0x1] =	wrdreg $0xFFFFFFFF  }
0x25: {  	[dreg:$0x0] =	wrdreg $0x60  }
0x26: {  	[dreg:$0x2] =	wrdreg s25  }
0x27: {  	[dreg:$0x3] =	wrdreg $0x9  }
0x28: {  	_ =	task.clear_ibuf [dreg:s6], $0x4FFFF;
	_ =	strace $0x90000049  }
0x29: {  	s29 =	simm.s32 $0x9;
	_ =	strace $0x8000004B  }
0x2a: {  	_ =	swait.ge [sflag:s29], $0x1  }
0x2b: {  	[sflag:s29] =	ssyncadd.s32 $0xFFFFFFFF  }
0x2c: {  	_ =	strace $0x9000004B  }
0x2d: {  	_ =	sfence  }
0x2e: {  	s30 =	sld [smem:$0x0];
	_ =	sdelay $0x2  }
0x2f: {  	s31 =	sshll.u32 s3, $0xD;
	s3 =	sshrl.u32 s3, $0x2  }
0x30: {  	s2 =	sand.u32 $0x4000, s31;
	s1 =	sadd.s32 s3, s30  }
0x31: {  	s0 =	sor.u32 s2, s0;
	s1 =	sshll.u32 s1, $0x11  }
0x32: {  	s0 =	sor.u32 s1, s0  }
0x33: {  	s0 =	sadd.s32 $0x8F2B, s0  }
0x34: {  	[sflag:s0] =	ssyncadd.remote.s32 $0x1  }
0x35: {  	_ =	sfence.sel $0xFFFF  }
0x36: {  	[dreg:$0x0] =	wrdreg $0xFFFFFFFF;
	(pc) =	sbr.abs _section_cstart, $3  }
0x37: {  	[dreg:$0x1] =	wrdreg $0xFFFFFFFF  }
0x38: {  	_ =	task.clear_ibuf [dreg:s6], $0x2FFFF;
	_ =	strace $0x9FFFFFFF  }
0x39: {  	(tm) =	ssettm $0x7FFFFFFF  }
tec
execute0_lowered:
.L_overlay_start_1:
0x0: {  	(tag) =	ssettag $0x1  }
0x1: {  	s0 =	srdreg.scid  }
0x2: {  	s1 =	sshll.u32 s0, $0x4  }
0x3: {  	s0 =	stileid.u32;
	s1 =	sand.u32 $0x10, s1  }
0x4: {  	s6 =	rddreg [dreg:$0x0];
	s1 =	sor.u32 s0, s1  }
0x5: {  	s4 =	simm.s32 $0x1;
	s7 =	simm.s32 $0x2;
	s2 =	sshll.u32 s1, $0x1  }
0x6: {  	s14 =	simm.s32 $0x0;
	s8 =	simm.s32 $0x400;
	s3 =	ssub.s32 $0x400, s2  }
0x7: {  	s9 =	simm.s32 $0xC00;
	s10 =	simm.s32 $0x0;
	s31 =	sand.u32 $0x3E, s3  }
0x8: {  	s15 =	simm.s32 $0x0;
	s11 =	simm.s32 $0x0;
	p0 =	sne.s32 s31, $0x0  }
.Ltmp0:
0x9: {  	s3 =	sshrl.u32 s3, $0x6;
	s4 =	simm.s32 @!p0 $0x0;
	(pc) =	sbr.rel .LBB1_1-.Ltmp0, $4  }
0xa: {  	s13 =	simm.s32 $0x0;
	s1 =	rddreg [dreg:$0x1];
	s5 =	sadd.s32 s4, s3  }
0xb: {  	_ =	strace $0x8000004A;
	s4 =	simm.s32 $0x1;
	s5 =	smul.u32 $0x3, s5  }
0xc: {  	s12 =	smov.u32 s2;
	s3 =	sadd.s32 $0x301200, s6;
	[sflag:s4] =	ssyncpa.u1 $0x0  }
0xd: {  	s6 =	sadd.s32 $0x1200, s6;
	[sflag:s7] =	ssyncpa.u1 $0x0;
	s7 =	sadd.s32 $0x1, s5  }
.LBB1_9:
0xe: {  	s16 =	sadd.s32 $0x8, s11  }
0xf: {  	s14 =	sadd.s32 $0x40, s12;
	s18 =	smov.u32 s12;
	p1 =	sgt.s32 s16, $0x17  }
0x10: {  	s18 =	smov.u32 @p1 s14  }
0x11: {  	s16 =	simm.s32 @p1 $0x0;
	p1 =	sgt.s32 s18, $0x3FF  }
0x12: {  	s18 =	smov.u32 @p1 s2;
	p1 =	sne.s32 s13, s7  }
.Ltmp1:
0x13: {  	p0 =	slt.u32 s13, $0x2;
	(pc) =	sbr.rel @!p1 .LBB1_10-.Ltmp1, $4  }
0x14: {  	s17 =	simm.s32 @!p0 $0x2  }
0x15: {  	s15 =	smov.u32 s12;
	s10 =	sadd.s32 $0x4000, s10;
	_ =	swait.ge @!p0 [sflag:s17], $0x4000  }
0x16: {  	s14 =	smov.u32 s11;
	[sflag:s17] =	ssyncset.done @!p0 $0x0;
	s11 =	smov.u32 s16  }
0x17: {  	s13 =	sadd.s32 $0x1, s13;
	[sflag:s17] =	ssyncadd.s32 @!p0 $0xFFFFC000;
	s12 =	smov.u32 s18  }
.LBB1_1:
0x18: {  	p0 =	sge.u32 s13, s5  }
0x19: {  	s17 =	smul.u32 @!p0 $0xC00, s12  }
0x1a: {  	s31 =	sadd.s32 $0xFFFFFFFF, s13;
	s16 =	sxor.u32 @!p0 $0xFFFFFFFF, s13;
	s18 =	sshll.u32 @!p0 s11, $0x7  }
0x1b: {  	s19 =	simm.s32 @!p0 $0x6000;
	s16 =	sshll.u32 @!p0 s16, $0xE;
	s17 =	sadd.s32 @!p0 s3, s17  }
0x1c: {  	s16 =	sand.u32 @!p0 $0x4000, s16;
	s17 =	sadd.s32 @!p0 s18, s17;
	s18 =	simm.s32 @!p0 $0x2000  }
0x1d: {  	[tilespmem:s16], [sflag:$0x1] =	stream.strided.gather @!p0 [hbm4b:s17+s18], $0x4000, s19, s18, $0x38;
	[tilespmem:$0x10000] =	vst v63  }
0x1e: {  	p0 =	sge.u32 s31, s5  }
.Ltmp2:
0x1f: {  	_ = 	snop;
	(pc) =	sbr.rel @p0 .LBB1_9-.Ltmp2, $1  }
0x20: {  	_ =	sdelay $0x3  }
0x21: {  	s16 =	sshll.u32 s10, $0x2  }
0x22: {  	_ =	swait.ge [sflag:s4], $0x4000;
	s17 =	sshll.u32 s13, $0xE;
	s19 =	simm.s32 $0x0  }
0x23: {  	p1 =	por $0x1, $0x1;
	s16 =	sand.u32 $0x10000, s16;
	[sflag:s4] =	ssyncset.done $0x0  }
0x24: {  	s17 =	sand.u32 $0x4000, s17;
	s18 =	sshrl.u32 s16, $0x2;
	[sflag:s4] =	ssyncadd.s32 $0xFFFFC000  }
0x25: {  	s16 =	sor.u32 $0x8000, s17;
	s17 =	sadd.s32 $0x8040, s18;
	s18 =	sadd.s32 $0x40, s18  }
.LBB1_3:
0x26: {  	s19 =	sshll.u32 s19, $0x2  }
0x27: {  	p0 =	por p1, p1;
	s20 =	sshra.s32 s19, $0x2  }
0x28: {  	s21 =	simm.s32 $0x0;
	s19 =	sadd.s32 s20, s17;
	s20 =	sadd.s32 s20, s18  }
.LBB1_4:
0x29: {  	v0 =	vmov s20;
	_ =	sdelay $0x3  }
0x2a: {  	s23 =	simm.s32 $0x0  }
0x2b: {  	v6 =	vld.idx.msk [tilespmem:v0+s23+$0x30 ss:$0x1], $0xffff  }
0x2c: {  	v7 =	vld.idx.msk [tilespmem:v0+s23+$0xFFFFFFC0 ss:$0x1], $0xffff  }
0x2d: {  	v5 =	vld.idx.msk [tilespmem:v0+s23+$0xFFFFFFD0 ss:$0x1], $0xffff  }
0x2e: {  	v4 =	vld.idx.msk [tilespmem:v0+s23+$0xFFFFFFE0 ss:$0x1], $0xffff  }
0x2f: {  	v3 =	vld.idx.msk [tilespmem:v0+s23+$0xFFFFFFF0 ss:$0x1], $0xffff  }
0x30: {  	v1 =	vld.idx.msk [tilespmem:v0+s23+$0x0 ss:$0x1], $0xffff  }
0x31: {  	v2 =	vld.idx.msk [tilespmem:v0+s23+$0x10 ss:$0x1], $0xffff;
	[tilespmem:s19+$0x30] =	vst v6  }
0x32: {  	s22 =	simm.s32 $0x80;
	s24 =	simm.s32 $0x400;
	[tilespmem:s19+$0xFFFFFFC0] =	vst v7;
	v6 =	vld.idx.msk [tilespmem:v0+s23+$0x20 ss:$0x1], $0xffff;
	s23 =	smov.u32 s19  }
.LBB1_5:
0x33: {  	p1 =	sne.s32 s24, $0xE00;
	v7 =	vld.idx.msk [tilespmem:v0+s22+$0x30 ss:$0x1], $0xffff;
	[tilespmem:s23+$0xFFFFFFD0] =	vst v5  }
0x34: {  	v8 =	vld.idx.msk [tilespmem:v0+s22+$0xFFFFFFC0 ss:$0x1], $0xffff;
	[tilespmem:s23+$0xFFFFFFE0] =	vst v4  }
0x35: {  	v5 =	vld.idx.msk [tilespmem:v0+s22+$0xFFFFFFD0 ss:$0x1], $0xffff;
	[tilespmem:s23+$0xFFFFFFF0] =	vst v3  }
.Ltmp3:
0x36: {  	v4 =	vld.idx.msk [tilespmem:v0+s22+$0xFFFFFFE0 ss:$0x1], $0xffff;
	[tilespmem:s23+$0x0] =	vst v1;
	(pc) =	sbr.rel @p1 .LBB1_5-.Ltmp3, $4  }
0x37: {  	v3 =	vld.idx.msk [tilespmem:v0+s22+$0xFFFFFFF0 ss:$0x1], $0xffff;
	[tilespmem:s23+$0x10] =	vst v2  }
0x38: {  	v1 =	vld.idx.msk [tilespmem:v0+s22+$0x0 ss:$0x1], $0xffff;
	[tilespmem:s23+$0x20] =	vst v6;
	s23 =	sadd.s32 $0x400, s23  }
0x39: {  	v2 =	vld.idx.msk [tilespmem:v0+s22+$0x10 ss:$0x1], $0xffff;
	[tilespmem:s23+$0x30] =	vst v7  }
0x3a: {  	[tilespmem:s23+$0xFFFFFFC0] =	vst v8;
	v6 =	vld.idx.msk [tilespmem:v0+s22+$0x20 ss:$0x1], $0xffff;
	s22 =	sshra.s32 s24, $0x2;
	s24 =	sadd.s32 $0x200, s24  }
0x3b: {  	_ =	sdelay $0x2  }
0x3c: {  	[tilespmem:s23+$0xFFFFFFD0] =	vst v5  }
0x3d: {  	v56 =	vld.idx.msk [tilespmem:v0+s22+$0x30 ss:$0x1], $0xffff;
	[tilespmem:s23+$0xFFFFFFE0] =	vst v4  }
0x3e: {  	v57 =	vld.idx.msk [tilespmem:v0+s22+$0xFFFFFFC0 ss:$0x1], $0xffff;
	[tilespmem:s23+$0xFFFFFFF0] =	vst v3  }
0x3f: {  	v58 =	vld.idx.msk [tilespmem:v0+s22+$0xFFFFFFD0 ss:$0x1], $0xffff;
	[tilespmem:s23+$0x0] =	vst v1  }
0x40: {  	v59 =	vld.idx.msk [tilespmem:v0+s22+$0xFFFFFFE0 ss:$0x1], $0xffff;
	[tilespmem:s23+$0x10] =	vst v2  }
0x41: {  	v60 =	vld.idx.msk [tilespmem:v0+s22+$0xFFFFFFF0 ss:$0x1], $0xffff;
	s31 =	sadd.s32 $0x400, s23;
	[tilespmem:s23+$0x20] =	vst v6  }
0x42: {  	v61 =	vld.idx.msk [tilespmem:v0+s22+$0x0 ss:$0x1], $0xffff;
	[tilespmem:s31+$0x30] =	vst v56  }
0x43: {  	v62 =	vld.idx.msk [tilespmem:v0+s22+$0x10 ss:$0x1], $0xffff;
	s21 =	sadd.s32 $0x1, s21;
	[tilespmem:s31+$0xFFFFFFC0] =	vst v57  }
0x44: {  	v63 =	vld.idx.msk [tilespmem:v0+s22+$0x20 ss:$0x1], $0xffff;
	p1 =	sne.s32 s21, $0x8;
	[tilespmem:s31+$0xFFFFFFD0] =	vst v58  }
.Ltmp4:
0x45: {  	[tilespmem:s31+$0xFFFFFFE0] =	vst v59;
	(pc) =	sbr.rel @p1 .LBB1_4-.Ltmp4, $4  }
0x46: {  	[tilespmem:s31+$0xFFFFFFF0] =	vst v60  }
0x47: {  	[tilespmem:s31+$0x0] =	vst v61  }
0x48: {  	[tilespmem:s31+$0x10] =	vst v62  }
0x49: {  	s19 =	sadd.s32 $0x80, s19;
	s20 =	sadd.s32 $0x400, s20;
	[tilespmem:s31+$0x20] =	vst v63  }
.Ltmp5:
0x4a: {  	(pc) =	sbr.rel @p0 .LBB1_3-.Ltmp5, $2  }
0x4b: {  	_ =	sdelay $0x2  }
0x4c: {  	s19 =	simm.s32 $0x2000;
	p1 =	por $0x0, $0x0  }
0x4d: {  	s14 =	sand.u32 $0x1FFFFFF, s14  }
0x4e: {  	s17 =	smulhi.u32 $0xAAAAAAB, s14  }
0x4f: {  	s15 =	smul.u32 $0xC00, s15  }
0x50: {  	s17 =	smul.u32 $0x18, s17  }
.Ltmp6:
0x51: {  	_ = 	snop;
	(pc) =	sbr.rel .LBB1_9-.Ltmp6, $4  }
0x52: {  	s14 =	ssub.s32 s14, s17  }
0x53: {  	s15 =	sadd.s32 s6, s15;
	s14 =	sshll.u32 s14, $0x4  }
0x54: {  	s14 =	sadd.s32 s14, s15  }
0x55: {  	[hbm4b:s14+s8] =	stream.strided.scatter [tilespmem:s16], [sflag:$0x2], $0x4000, s9, s8, $0x38;
	[tilespmem:$0x10000] =	vst v63  }
.LBB1_10:
0x56: {  	_ =	sfence.sel $0x180000  }
0x57: {  	s2 =	simm.s32 $0x1;
	[bflag:$0x0] =	sbarrier.arrive $0xFFFF  }
0x58: {  	s31 =	simm.s32 $0x2;
	[sflag:s2] =	ssyncpa.u1 $0x1  }
0x59: {  	[sflag:s31] =	ssyncpa.u1 $0x1  }
0x5a: {  	p0 =	sne.s32 s0, $0x0;
	_ =	strace $0x9000004A  }
0x5b: {  	s0 =	sadd.s32 @!p0 $0x100000, s1;
	[bflag:$0x2] =	sbarrier.arrive $0xFFFF  }
0x5c: {  	[sflag:s0] =	ssyncadd.tile.s32 @!p0 $0x1;
	_ =	shalt  }
.Lfunc_end1:
_tile_overlayer_lowered:
.L_overlay_start_2:
0x5d: {  	(tag) =	ssettag $0x2  }
0x5e: {  	s0 =	rddreg [dreg:$0x0];
	s2 =	stileid.u32  }
0x5f: {  	s1 =	rddreg [dreg:$0x1];
	p0 =	sne.s32 s2, $0x0  }
0x60: {  	s3 =	rddreg [dreg:$0x2];
	[bflag:$0x3] =	sbarrier.arrive $0xFFFF;
	s2 =	simm.s32 @!p0 $0x1C01  }
0x61: {  	[timem:s3], [sflag:s2] =	dma.local @!p0 [hbm:s0], s1  }
0x62: {  	s0 =	simm.s32 @!p0 $0x1  }
0x63: {  	_ =	swait.ge @!p0 [sflag:s0], s1  }
0x64: {  	s1 =	ssub.s32 @!p0 $0x0, s1;
	[sflag:s0] =	ssyncset.done @!p0 $0x0  }
0x65: {  	[sflag:s0] =	ssyncadd.s32 @!p0 s1  }
0x66: {  	[bflag:$0x3] =	sbarrier.arrive $0xFFFF  }
0x67: {  	_ =	shalt  }

</sc_bundles>
